<compile_context>
chip_gen: v7x
topology: tpu7x:2x2x1
jax: 0.10.2.dev20260603
libtpu: 0.0.44.dev20260713+nightly
codegen_flags: <defaults>
</compile_context>

<pallas_src>
import functools

import jax
import jax.numpy as jnp
from jax import lax
from jax.experimental import pallas as pl
from jax.experimental.pallas import tpu as pltpu
from jax.experimental.pallas import tpu_sc as plsc

N = 10000
E = 320000
NG = 64
NCLS = 10

NSUB = 16
EPT = E // NSUB
W = 128
CW = 16
NCHUNK = -(-EPT // (W * CW))
NWIN = NCHUNK * CW
EPT_PAD = NWIN * W
NPAD = EPT_PAD - EPT
NTRASH = 512
NROWS = N + NTRASH


EPT1 = E // (2 * NSUB)
NCHUNK1 = -(-EPT1 // (W * CW))
NWIN1 = NCHUNK1 * CW
NPAD1 = NWIN1 * W - EPT1


def _edge_loop(nchunk, qsrc, qdst, h_hbm, src_hbm, dst_hbm,
               src_v, dst_v, b0, b1, acc_sh, sem0, sem1):
    def g_start(w, buf, sem):
        pltpu.async_copy(h_hbm.at[src_v.at[w]], buf, sem)

    def g_wait(w, buf, sem):
        pltpu.make_async_copy(h_hbm.at[src_v.at[w]], buf, sem).wait()

    def s_add(w, buf):
        pltpu.sync_copy(buf, acc_sh.at[dst_v.at[w]], add=True)

    @pl.loop(0, nchunk)
    def _(ch):
        pltpu.sync_copy(src_hbm.at[qsrc, pl.ds(ch * CW, CW)], src_v)
        pltpu.sync_copy(dst_hbm.at[qdst, pl.ds(ch * CW, CW)], dst_v)
        g_start(0, b0, sem0)

        @pl.loop(0, CW // 2)
        def _(i):
            w0 = 2 * i
            g_start(w0 + 1, b1, sem1)
            g_wait(w0, b0, sem0)
            s_add(w0, b0)

            @pl.when(i < CW // 2 - 1)
            def _():
                g_start(w0 + 2, b0, sem0)

            g_wait(w0 + 1, b1, sem1)
            s_add(w0 + 1, b1)


@functools.cache
def _make_agg1():
    mesh = plsc.VectorSubcoreMesh(core_axis_name="c", subcore_axis_name="s",
                                  num_cores=2, num_subcores=NSUB)
    rpt = N // NSUB

    @functools.partial(
        pl.kernel,
        mesh=mesh,
        out_type=jax.ShapeDtypeStruct((2 * NSUB, rpt, 128), jnp.float32),
        scratch_types=[
            pltpu.VMEM((CW, W), jnp.int32),
            pltpu.VMEM((CW, W), jnp.int32),
            pltpu.VMEM((W, 128), jnp.float32),
            pltpu.VMEM((W, 128), jnp.float32),
            pltpu.VMEM_SHARED((NROWS, 128), jnp.float32),
            pltpu.SemaphoreType.DMA,
            pltpu.SemaphoreType.DMA,
        ],
    )
    def agg(h_hbm, init_hbm, src_hbm, dst_hbm, out_hbm,
            src_v, dst_v, b0, b1, acc_sh, sem0, sem1):
        c = lax.axis_index("c")
        s = lax.axis_index("s")
        q = c * NSUB + s
        pltpu.sync_copy(init_hbm.at[q], acc_sh.at[pl.ds(s * rpt, rpt)])
        plsc.subcore_barrier()

        _edge_loop(NCHUNK1, q, q, h_hbm, src_hbm, dst_hbm,
                   src_v, dst_v, b0, b1, acc_sh, sem0, sem1)

        plsc.subcore_barrier()
        pltpu.sync_copy(acc_sh.at[pl.ds(s * rpt, rpt)], out_hbm.at[q])

    def call(x, src1, dst1):
        init = jnp.concatenate(
            [x.reshape(NSUB, rpt, 128),
             jnp.zeros((NSUB, rpt, 128), jnp.float32)], axis=0)
        out = agg(x, init, src1, dst1)
        return out.reshape(2 * N, 128)

    return call


@functools.cache
def _make_agg(dh):
    mesh = plsc.VectorSubcoreMesh(core_axis_name="c", subcore_axis_name="s",
                                  num_cores=2, num_subcores=NSUB)
    rpt = N // NSUB

    @functools.partial(
        pl.kernel,
        mesh=mesh,
        out_type=jax.ShapeDtypeStruct((2 * NSUB, rpt, dh), jnp.float32),
        scratch_types=[
            pltpu.VMEM((CW, W), jnp.int32),
            pltpu.VMEM((CW, W), jnp.int32),
            pltpu.VMEM((W, dh), jnp.float32),
            pltpu.VMEM((W, dh), jnp.float32),
            pltpu.VMEM_SHARED((NROWS, dh), jnp.float32),
            pltpu.SemaphoreType.DMA,
            pltpu.SemaphoreType.DMA,
        ],
    )
    def agg(h_hbm, hblk_hbm, src_hbm, dst_hbm, out_hbm,
            src_v, dst_v, b0, b1, acc_sh, sem0, sem1):
        c = lax.axis_index("c")
        s = lax.axis_index("s")
        q = c * NSUB + s
        pltpu.sync_copy(hblk_hbm.at[q], acc_sh.at[pl.ds(s * rpt, rpt)])
        plsc.subcore_barrier()

        _edge_loop(NCHUNK, q, s, h_hbm, src_hbm, dst_hbm,
                   src_v, dst_v, b0, b1, acc_sh, sem0, sem1)

        plsc.subcore_barrier()
        pltpu.sync_copy(acc_sh.at[pl.ds(s * rpt, rpt)], out_hbm.at[q])

    def call(h, src2, dst3):
        out = agg(h, h.reshape(2 * NSUB, rpt, dh), src2, dst3)
        return out.reshape(2 * N, dh)

    return call


def _dot_bf16(a, b):
    return jnp.dot(a.astype(jnp.bfloat16), b.astype(jnp.bfloat16),
                   preferred_element_type=jnp.float32)


def _combine(hpa_ref, add):
    if add:
        return hpa_ref[0:N, :] + hpa_ref[N:2 * N, :]
    return jnp.concatenate([hpa_ref[0:N, :], hpa_ref[N:2 * N, :]], axis=1)


def _mlp_body(add, hpa_ref, w1_ref, b1_ref, w2_ref, b2_ref, r_ref):
    t = _combine(hpa_ref, add)
    z = jnp.maximum(_dot_bf16(t, w1_ref[...]) + b1_ref[...], 0.0)
    y = _dot_bf16(z, w2_ref[...]) + b2_ref[...]
    r_ref[...] = jnp.maximum(y, 0.0)


def _mlp_tc(hpa, w1, b1, w2, b2, add=False):
    return pl.pallas_call(
        functools.partial(_mlp_body, add),
        out_shape=jax.ShapeDtypeStruct((N, 256), jnp.float32),
    )(hpa, w1, b1.reshape(1, -1), w2, b2.reshape(1, -1))


def _norm_body(r_ref, m_ref, v_ref, g_ref, be_ref, out_ref):
    o = ((r_ref[...] - m_ref[...]) / jnp.sqrt(v_ref[...] + 1e-5)
         * g_ref[...] + be_ref[...])
    out_ref[0:N, :] = o[:, 0:128]
    out_ref[N:2 * N, :] = o[:, 128:256]


def _norm_tc(r, m, v, gamma, beta):
    return pl.pallas_call(
        _norm_body,
        out_shape=jax.ShapeDtypeStruct((2 * N, 128), jnp.float32),
    )(r, m.reshape(1, -1), v.reshape(1, -1),
      gamma.reshape(1, -1), beta.reshape(1, -1))


def _final_body(r_ref, m_ref, v_ref, g_ref, be_ref,
                batch_ref, f1w_ref, f1b_ref, f2w_ref, f2b_ref, out_ref):
    o = ((r_ref[...] - m_ref[...]) / jnp.sqrt(v_ref[...] + 1e-5)
         * g_ref[...] + be_ref[...])
    sel = batch_ref[...] == lax.broadcasted_iota(jnp.int32, (NG, N), 0)
    p = sel.astype(jnp.float32)
    g = jnp.dot(p, o, preferred_element_type=jnp.float32,
                precision=lax.Precision.HIGHEST)
    gf = jnp.maximum(_dot_bf16(g, f1w_ref[...]) + f1b_ref[...], 0.0)
    logits = _dot_bf16(gf, f2w_ref[...]) + f2b_ref[...]
    m = jnp.max(logits, axis=1, keepdims=True)
    lse = jnp.log(jnp.sum(jnp.exp(logits - m), axis=1, keepdims=True))
    out_ref[...] = (logits - m) - lse


def _final_tc(r, m, v, gamma, beta, batch2d, f1w, f1b, f2w, f2b):
    return pl.pallas_call(
        _final_body,
        out_shape=jax.ShapeDtypeStruct((NG, NCLS), jnp.float32),
    )(r, m.reshape(1, -1), v.reshape(1, -1),
      gamma.reshape(1, -1), beta.reshape(1, -1),
      batch2d, f1w, f1b.reshape(1, -1), f2w, f2b.reshape(1, -1))


def kernel(x, edge_index, batch,
           conv1_w1, conv1_b1, conv1_w2, conv1_b2,
           convs_w1, convs_b1, convs_w2, convs_b2,
           bn_gamma, bn_beta,
           fc1_w, fc1_b, fc2_w, fc2_b):
    def pad_tables(src, dst, npad):
        nt = src.shape[0]
        src_p = jnp.pad(src, ((0, 0), (0, npad)))
        lanes = jnp.arange(npad, dtype=jnp.int32)
        tiles = jnp.arange(nt, dtype=jnp.int32)
        trash = N + ((tiles[:, None] * npad + lanes[None, :]) % NTRASH)
        dst_p = jnp.concatenate([dst, trash], axis=1)
        return src_p, dst_p

    src_p, dst_p = pad_tables(edge_index[0].reshape(NSUB, EPT),
                              edge_index[1].reshape(NSUB, EPT), NPAD)
    src2 = jnp.stack([src_p, src_p + N]).reshape(2 * NSUB, NWIN, W)
    dst3 = dst_p.reshape(NSUB, NWIN, W)
    s1, d1 = pad_tables(edge_index[0].reshape(2 * NSUB, EPT1),
                        edge_index[1].reshape(2 * NSUB, EPT1), NPAD1)
    src1 = s1.reshape(2 * NSUB, NWIN1, W)
    dst1 = d1.reshape(2 * NSUB, NWIN1, W)
    batch2d = batch.reshape(1, N)

    hpa = _make_agg1()(x, src1, dst1)
    r = _mlp_tc(hpa, conv1_w1, conv1_b1, conv1_w2, conv1_b2, add=True)
    h = _norm_tc(r, jnp.mean(r, axis=0), jnp.var(r, axis=0),
                 bn_gamma[0], bn_beta[0])

    for i in range(3):
        hpa = _make_agg(128)(h, src2, dst3)
        r = _mlp_tc(hpa, convs_w1[i], convs_b1[i], convs_w2[i], convs_b2[i])
        h = _norm_tc(r, jnp.mean(r, axis=0), jnp.var(r, axis=0),
                     bn_gamma[i + 1], bn_beta[i + 1])

    hpa = _make_agg(128)(h, src2, dst3)
    r = _mlp_tc(hpa, convs_w1[3], convs_b1[3], convs_w2[3], convs_b2[3])
    return _final_tc(r, jnp.mean(r, axis=0), jnp.var(r, axis=0),
                     bn_gamma[4], bn_beta[4], batch2d,
                     fc1_w, fc1_b, fc2_w, fc2_b)

# --- scband reference (transcript-rebuilt; emitter-appended) ---
"""Pipeline reference for scband-net-1357209666156 (READ-ONLY COPY).

The authoritative reference and input builder live on the scoring server;
editing this copy changes nothing except your own understanding.
"""

import jax, jax.numpy as jnp
import numpy as np

N_NODES = 10000
N_EDGES = 320000
D_FEAT = 128
DIM = 256
N_CLASSES = 10
N_GRAPHS = 64


def gin_conv(x, edge_index, w1, b1, w2, b2):
    # GINConv with eps=0 (default, train_eps=False): nn((1+eps)*x + sum_{j->i} x_j)
    src = edge_index[0]
    dst = edge_index[1]
    agg = jnp.zeros_like(x).at[dst].add(x[src])
    h = x + agg
    h = jax.nn.relu(h @ w1 + b1)
    h = h @ w2 + b2
    return h


def batch_norm(x, gamma, beta, eps=1e-5):
    mean = jnp.mean(x, axis=0)
    var = jnp.var(x, axis=0)
    return (x - mean) / jnp.sqrt(var + eps) * gamma + beta


def setup_inputs(seed: int = 0) -> dict:
    key = jax.random.key(seed)
    ks = jax.random.split(key, 20)
    x = jax.random.normal(ks[0], (N_NODES, D_FEAT), dtype=jnp.float32)
    edge_index = jax.random.randint(ks[1], (2, N_EDGES), 0, N_NODES, dtype=jnp.int64 if jax.config.jax_enable_x64 else jnp.int32).astype(jnp.int32)
    batch = jnp.sort(jax.random.randint(ks[2], (N_NODES,), 0, N_GRAPHS).astype(jnp.int32))
    s = 0.05
    conv1_w1 = jax.random.normal(ks[3], (D_FEAT, DIM), dtype=jnp.float32) * s
    conv1_b1 = jnp.zeros((DIM,), dtype=jnp.float32)
    conv1_w2 = jax.random.normal(ks[4], (DIM, DIM), dtype=jnp.float32) * s
    conv1_b2 = jnp.zeros((DIM,), dtype=jnp.float32)
    convs_w1 = jax.random.normal(ks[5], (4, DIM, DIM), dtype=jnp.float32) * s
    convs_b1 = jnp.zeros((4, DIM), dtype=jnp.float32)
    convs_w2 = jax.random.normal(ks[6], (4, DIM, DIM), dtype=jnp.float32) * s
    convs_b2 = jnp.zeros((4, DIM), dtype=jnp.float32)
    bn_gamma = jnp.ones((5, DIM), dtype=jnp.float32)
    bn_beta = jnp.zeros((5, DIM), dtype=jnp.float32)
    fc1_w = jax.random.normal(ks[7], (DIM, DIM), dtype=jnp.float32) * s
    fc1_b = jnp.zeros((DIM,), dtype=jnp.float32)
    fc2_w = jax.random.normal(ks[8], (DIM, N_CLASSES), dtype=jnp.float32) * s
    fc2_b = jnp.zeros((N_CLASSES,), dtype=jnp.float32)
    return {
        'x': x, 'edge_index': edge_index, 'batch': batch,
        'conv1_w1': conv1_w1, 'conv1_b1': conv1_b1, 'conv1_w2': conv1_w2, 'conv1_b2': conv1_b2,
        'convs_w1': convs_w1, 'convs_b1': convs_b1, 'convs_w2': convs_w2, 'convs_b2': convs_b2,
        'bn_gamma': bn_gamma, 'bn_beta': bn_beta,
        'fc1_w': fc1_w, 'fc1_b': fc1_b, 'fc2_w': fc2_w, 'fc2_b': fc2_b,
    }


def reference(x, edge_index, batch,
              conv1_w1, conv1_b1, conv1_w2, conv1_b2,
              convs_w1, convs_b1, convs_w2, convs_b2,
              bn_gamma, bn_beta,
              fc1_w, fc1_b, fc2_w, fc2_b):
    h = jax.nn.relu(gin_conv(x, edge_index, conv1_w1, conv1_b1, conv1_w2, conv1_b2))
    h = batch_norm(h, bn_gamma[0], bn_beta[0])
    for i in range(4):
        h = jax.nn.relu(gin_conv(h, edge_index, convs_w1[i], convs_b1[i], convs_w2[i], convs_b2[i]))
        h = batch_norm(h, bn_gamma[i + 1], bn_beta[i + 1])
    g = jax.ops.segment_sum(h, batch, num_segments=N_GRAPHS)
    g = jax.nn.relu(g @ fc1_w + fc1_b)
    # dropout p=0.5 in eval mode -> identity
    g = g @ fc2_w + fc2_b
    return jax.nn.log_softmax(g, axis=-1)

if __name__ == "__main__":
    import jax
    _d = setup_inputs()
    print(jax.jit(kernel)(*tuple(_d.values())))

</pallas_src>

<mosaic_0001>
#map = affine_map<(d0, d1) -> (0, 0)>
#map1 = affine_map<(d0, d1) -> (0, 0, 0)>
module attributes {stable_mosaic.version = 14 : i64} {
  func.func @agg(%arg0: i32, %arg1: i32, %arg2: memref<20000x128xf32, #tpu.memory_space<hbm>>, %arg3: memref<32x625x128xf32, #tpu.memory_space<hbm>>, %arg4: memref<32x160x128xi32, #tpu.memory_space<hbm>>, %arg5: memref<16x160x128xi32, #tpu.memory_space<hbm>>, %arg6: memref<32x625x128xf32, #tpu.memory_space<hbm>>, %arg7: memref<16x128xi32, #tpu.memory_space<vmem>>, %arg8: memref<16x128xi32, #tpu.memory_space<vmem>>, %arg9: memref<128x128xf32, #tpu.memory_space<vmem>>, %arg10: memref<128x128xf32, #tpu.memory_space<vmem>>, %arg11: memref<10512x128xf32, #tpu.memory_space<vmem_shared>>, %arg12: memref<!tpu.dma_semaphore, #tpu.memory_space<semaphore_mem>>, %arg13: memref<!tpu.dma_semaphore, #tpu.memory_space<semaphore_mem>>) attributes {dimension_semantics = [#tpu.dimension_semantics<core_parallel>, #tpu.dimension_semantics<subcore_parallel>], iteration_bounds = array<i64: 2, 16>, scalar_prefetch = 0 : i64, scratch_operands = 7 : i64, tpu.core_type = #tpu.core_type<sc_vector_subcore>, window_params = [{transform_indices = #map}, {transform_indices = #map1}, {transform_indices = #map1}, {transform_indices = #map1}, {transform_indices = #map1}]} {
    %mul3A = arith.constant 16 : i32
    %mul3A_0 = arith.muli %arg0, %mul3A : i32
    %add3A = arith.addi %mul3A_0, %arg1 : i32
    %mul3A_1 = arith.constant 625 : i32
    %mul3A_2 = arith.muli %arg1, %mul3A_1 : i32
    "tpu.region"() ({
      %run_scoped3A = tpu.sem_alloc : memref<!tpu.dma_semaphore, #tpu.memory_space<semaphore_mem>>
      %dma_start3A = arith.constant 0 : i32
      %dma_start3A_10 = tpu.memref_slice %arg11[%mul3A_2, %dma_start3A] : memref<10512x128xf32, #tpu.memory_space<vmem_shared>> -> memref<625x128xf32, #tpu.memory_space<vmem_shared>>
      %dma_start3A_11 = arith.constant 0 : i32
      %dma_start3A_12 = arith.constant 0 : i32
      %dma_start3A_13 = tpu.memref_slice %arg3[%add3A, %dma_start3A_11, %dma_start3A_12] : memref<32x625x128xf32, #tpu.memory_space<hbm>> -> memref<1x625x128xf32, #tpu.memory_space<hbm>>
      %dma_start3A_14 = tpu.memref_squeeze %dma_start3A_13 : memref<1x625x128xf32, #tpu.memory_space<hbm>> -> memref<625x128xf32, #tpu.memory_space<hbm>>
      tpu.enqueue_dma source(%dma_start3A_14 : memref<625x128xf32, #tpu.memory_space<hbm>>) target(%dma_start3A_10 : memref<625x128xf32, #tpu.memory_space<vmem_shared>>) target_semaphore(%run_scoped3A : memref<!tpu.dma_semaphore, #tpu.memory_space<semaphore_mem>>)
      %dma_wait3A = arith.constant 0 : i32
      %dma_wait3A_15 = tpu.memref_slice %arg11[%mul3A_2, %dma_wait3A] : memref<10512x128xf32, #tpu.memory_space<vmem_shared>> -> memref<625x128xf32, #tpu.memory_space<vmem_shared>>
      %dma_wait3A_16 = arith.constant 0 : i32
      %dma_wait3A_17 = arith.constant 0 : i32
      %dma_wait3A_18 = tpu.memref_slice %arg3[%add3A, %dma_wait3A_16, %dma_wait3A_17] : memref<32x625x128xf32, #tpu.memory_space<hbm>> -> memref<1x625x128xf32, #tpu.memory_space<hbm>>
      %dma_wait3A_19 = tpu.memref_squeeze %dma_wait3A_18 : memref<1x625x128xf32, #tpu.memory_space<hbm>> -> memref<625x128xf32, #tpu.memory_space<hbm>>
      tpu.wait_dma2 semaphore(%run_scoped3A : memref<!tpu.dma_semaphore, #tpu.memory_space<semaphore_mem>>) src(%dma_wait3A_19 : memref<625x128xf32, #tpu.memory_space<hbm>>) dst(%dma_wait3A_15 : memref<625x128xf32, #tpu.memory_space<vmem_shared>>)
      tpu.yield
    }) : () -> ()
    %barrier3A = arith.constant 0 : index
    tpu.barrier barrier_id(%barrier3A)
    %scan3A = arith.constant 0 : i32
    %scan3A_3 = arith.constant 10 : i32
    %scan3A_4 = arith.addi %scan3A, %scan3A_3 : i32
    %scan3A_5 = arith.constant 1 : i32
    scf.for %scan3A_10 = %scan3A to %scan3A_4 step %scan3A_5  : i32 {
      %mul3A_11 = arith.constant 1 : i32
      %mul3A_12 = arith.muli %scan3A_10, %mul3A_11 : i32
      %add3A_13 = arith.constant 0 : i32
      %add3A_14 = arith.addi %add3A_13, %mul3A_12 : i32
      %mul3A_15 = arith.constant 16 : i32
      %mul3A_16 = arith.muli %add3A_14, %mul3A_15 : i32
      "tpu.region"() ({
        %run_scoped3A = tpu.sem_alloc : memref<!tpu.dma_semaphore, #tpu.memory_space<semaphore_mem>>
        %dma_start3A_30 = arith.constant 0 : i32
        %dma_start3A_31 = tpu.memref_slice %arg4[%add3A, %mul3A_16, %dma_start3A_30] : memref<32x160x128xi32, #tpu.memory_space<hbm>> -> memref<1x16x128xi32, #tpu.memory_space<hbm>>
        %dma_start3A_32 = tpu.memref_squeeze %dma_start3A_31 : memref<1x16x128xi32, #tpu.memory_space<hbm>> -> memref<16x128xi32, #tpu.memory_space<hbm>>
        %dma_start3A_33 = arith.constant 0 : i32
        %dma_start3A_34 = tpu.memref_slice %arg4[%add3A, %mul3A_16, %dma_start3A_33] : memref<32x160x128xi32, #tpu.memory_space<hbm>> -> memref<1x16x128xi32, #tpu.memory_space<hbm>>
        %dma_start3A_35 = tpu.memref_squeeze %dma_start3A_34 : memref<1x16x128xi32, #tpu.memory_space<hbm>> -> memref<16x128xi32, #tpu.memory_space<hbm>>
        tpu.enqueue_dma source(%dma_start3A_35 : memref<16x128xi32, #tpu.memory_space<hbm>>) target(%arg7 : memref<16x128xi32, #tpu.memory_space<vmem>>) target_semaphore(%run_scoped3A : memref<!tpu.dma_semaphore, #tpu.memory_space<semaphore_mem>>)
        %dma_wait3A = arith.constant 0 : i32
        %dma_wait3A_36 = tpu.memref_slice %arg4[%add3A, %mul3A_16, %dma_wait3A] : memref<32x160x128xi32, #tpu.memory_space<hbm>> -> memref<1x16x128xi32, #tpu.memory_space<hbm>>
        %dma_wait3A_37 = tpu.memref_squeeze %dma_wait3A_36 : memref<1x16x128xi32, #tpu.memory_space<hbm>> -> memref<16x128xi32, #tpu.memory_space<hbm>>
        %dma_wait3A_38 = arith.constant 0 : i32
        %dma_wait3A_39 = tpu.memref_slice %arg4[%add3A, %mul3A_16, %dma_wait3A_38] : memref<32x160x128xi32, #tpu.memory_space<hbm>> -> memref<1x16x128xi32, #tpu.memory_space<hbm>>
        %dma_wait3A_40 = tpu.memref_squeeze %dma_wait3A_39 : memref<1x16x128xi32, #tpu.memory_space<hbm>> -> memref<16x128xi32, #tpu.memory_space<hbm>>
        tpu.wait_dma2 semaphore(%run_scoped3A : memref<!tpu.dma_semaphore, #tpu.memory_space<semaphore_mem>>) src(%dma_wait3A_40 : memref<16x128xi32, #tpu.memory_space<hbm>>) dst(%arg7 : memref<16x128xi32, #tpu.memory_space<vmem>>)
        tpu.yield
      }) : () -> ()
      %mul3A_17 = arith.constant 16 : i32
      %mul3A_18 = arith.muli %add3A_14, %mul3A_17 : i32
      "tpu.region"() ({
        %run_scoped3A = tpu.sem_alloc : memref<!tpu.dma_semaphore, #tpu.memory_space<semaphore_mem>>
        %dma_start3A_30 = arith.constant 0 : i32
        %dma_start3A_31 = tpu.memref_slice %arg5[%arg1, %mul3A_18, %dma_start3A_30] : memref<16x160x128xi32, #tpu.memory_space<hbm>> -> memref<1x16x128xi32, #tpu.memory_space<hbm>>
        %dma_start3A_32 = tpu.memref_squeeze %dma_start3A_31 : memref<1x16x128xi32, #tpu.memory_space<hbm>> -> memref<16x128xi32, #tpu.memory_space<hbm>>
        %dma_start3A_33 = arith.constant 0 : i32
        %dma_start3A_34 = tpu.memref_slice %arg5[%arg1, %mul3A_18, %dma_start3A_33] : memref<16x160x128xi32, #tpu.memory_space<hbm>> -> memref<1x16x128xi32, #tpu.memory_space<hbm>>
        %dma_start3A_35 = tpu.memref_squeeze %dma_start3A_34 : memref<1x16x128xi32, #tpu.memory_space<hbm>> -> memref<16x128xi32, #tpu.memory_space<hbm>>
        tpu.enqueue_dma source(%dma_start3A_35 : memref<16x128xi32, #tpu.memory_space<hbm>>) target(%arg8 : memref<16x128xi32, #tpu.memory_space<vmem>>) target_semaphore(%run_scoped3A : memref<!tpu.dma_semaphore, #tpu.memory_space<semaphore_mem>>)
        %dma_wait3A = arith.constant 0 : i32
        %dma_wait3A_36 = tpu.memref_slice %arg5[%arg1, %mul3A_18, %dma_wait3A] : memref<16x160x128xi32, #tpu.memory_space<hbm>> -> memref<1x16x128xi32, #tpu.memory_space<hbm>>
        %dma_wait3A_37 = tpu.memref_squeeze %dma_wait3A_36 : memref<1x16x128xi32, #tpu.memory_space<hbm>> -> memref<16x128xi32, #tpu.memory_space<hbm>>
        %dma_wait3A_38 = arith.constant 0 : i32
        %dma_wait3A_39 = tpu.memref_slice %arg5[%arg1, %mul3A_18, %dma_wait3A_38] : memref<16x160x128xi32, #tpu.memory_space<hbm>> -> memref<1x16x128xi32, #tpu.memory_space<hbm>>
        %dma_wait3A_40 = tpu.memref_squeeze %dma_wait3A_39 : memref<1x16x128xi32, #tpu.memory_space<hbm>> -> memref<16x128xi32, #tpu.memory_space<hbm>>
        tpu.wait_dma2 semaphore(%run_scoped3A : memref<!tpu.dma_semaphore, #tpu.memory_space<semaphore_mem>>) src(%dma_wait3A_40 : memref<16x128xi32, #tpu.memory_space<hbm>>) dst(%arg8 : memref<16x128xi32, #tpu.memory_space<vmem>>)
        tpu.yield
      }) : () -> ()
      %dma_start3A = arith.constant 0 : i32
      %dma_start3A_19 = arith.constant 0 : i32
      %dma_start3A_20 = tpu.memref_slice %arg7[%dma_start3A, %dma_start3A_19] : memref<16x128xi32, #tpu.memory_space<vmem>> -> memref<1x128xi32, #tpu.memory_space<vmem>>
      %dma_start3A_21 = tpu.memref_squeeze %dma_start3A_20 : memref<1x128xi32, #tpu.memory_space<vmem>> -> memref<128xi32, #tpu.memory_space<vmem>>
      %dma_start3A_22 = arith.constant 0 : i32
      %dma_start3A_23 = arith.constant 0 : i32
      %dma_start3A_24 = tpu.memref_slice %arg2[%dma_start3A_22, %dma_start3A_23] : memref<20000x128xf32, #tpu.memory_space<hbm>> -> memref<20000x128xf32, #tpu.memory_space<hbm>>
      tpu.enqueue_indirect_dma source(%dma_start3A_24 : memref<20000x128xf32, #tpu.memory_space<hbm>>) target(%arg9 : memref<128x128xf32, #tpu.memory_space<vmem>>) offsets(%dma_start3A_21 : memref<128xi32, #tpu.memory_space<vmem>>) semaphore(%arg12 : memref<!tpu.dma_semaphore, #tpu.memory_space<semaphore_mem>>)
      %scan3A_25 = arith.constant 0 : i32
      %scan3A_26 = arith.constant 8 : i32
      %scan3A_27 = arith.addi %scan3A_25, %scan3A_26 : i32
      %scan3A_28 = arith.constant 1 : i32
      scf.for %scan3A_30 = %scan3A_25 to %scan3A_27 step %scan3A_28  : i32 {
        %mul3A_31 = arith.constant 1 : i32
        %mul3A_32 = arith.muli %scan3A_30, %mul3A_31 : i32
        %add3A_33 = arith.constant 0 : i32
        %add3A_34 = arith.addi %add3A_33, %mul3A_32 : i32
        %mul3A_35 = arith.constant 2 : i32
        %mul3A_36 = arith.muli %mul3A_35, %add3A_34 : i32
        %add3A_37 = arith.constant 1 : i32
        %add3A_38 = arith.addi %mul3A_36, %add3A_37 : i32
        %dma_start3A_39 = arith.constant 0 : i32
        %dma_start3A_40 = tpu.memref_slice %arg7[%add3A_38, %dma_start3A_39] : memref<16x128xi32, #tpu.memory_space<vmem>> -> memref<1x128xi32, #tpu.memory_space<vmem>>
        %dma_start3A_41 = tpu.memref_squeeze %dma_start3A_40 : memref<1x128xi32, #tpu.memory_space<vmem>> -> memref<128xi32, #tpu.memory_space<vmem>>
        %dma_start3A_42 = arith.constant 0 : i32
        %dma_start3A_43 = arith.constant 0 : i32
        %dma_start3A_44 = tpu.memref_slice %arg2[%dma_start3A_42, %dma_start3A_43] : memref<20000x128xf32, #tpu.memory_space<hbm>> -> memref<20000x128xf32, #tpu.memory_space<hbm>>
        tpu.enqueue_indirect_dma source(%dma_start3A_44 : memref<20000x128xf32, #tpu.memory_space<hbm>>) target(%arg10 : memref<128x128xf32, #tpu.memory_space<vmem>>) offsets(%dma_start3A_41 : memref<128xi32, #tpu.memory_space<vmem>>) semaphore(%arg13 : memref<!tpu.dma_semaphore, #tpu.memory_space<semaphore_mem>>)
        %dma_wait3A = arith.constant 0 : i32
        %dma_wait3A_45 = tpu.memref_slice %arg7[%mul3A_36, %dma_wait3A] : memref<16x128xi32, #tpu.memory_space<vmem>> -> memref<1x128xi32, #tpu.memory_space<vmem>>
        %dma_wait3A_46 = tpu.memref_squeeze %dma_wait3A_45 : memref<1x128xi32, #tpu.memory_space<vmem>> -> memref<128xi32, #tpu.memory_space<vmem>>
        %dma_wait3A_47 = arith.constant 0 : i32
        %dma_wait3A_48 = arith.constant 0 : i32
        %dma_wait3A_49 = tpu.memref_slice %arg2[%dma_wait3A_47, %dma_wait3A_48] : memref<20000x128xf32, #tpu.memory_space<hbm>> -> memref<20000x128xf32, #tpu.memory_space<hbm>>
        tpu.wait_indirect_dma semaphore(%arg12 : memref<!tpu.dma_semaphore, #tpu.memory_space<semaphore_mem>>) src(%dma_wait3A_49 : memref<20000x128xf32, #tpu.memory_space<hbm>>) dst(%arg9 : memref<128x128xf32, #tpu.memory_space<vmem>>)
        "tpu.region"() ({
          %run_scoped3A = tpu.sem_alloc : memref<!tpu.dma_semaphore, #tpu.memory_space<semaphore_mem>>
          %dma_start3A_62 = arith.constant 0 : i32
          %dma_start3A_63 = tpu.memref_slice %arg8[%mul3A_36, %dma_start3A_62] : memref<16x128xi32, #tpu.memory_space<vmem>> -> memref<1x128xi32, #tpu.memory_space<vmem>>
          %dma_start3A_64 = tpu.memref_squeeze %dma_start3A_63 : memref<1x128xi32, #tpu.memory_space<vmem>> -> memref<128xi32, #tpu.memory_space<vmem>>
          %dma_start3A_65 = arith.constant 0 : i32
          %dma_start3A_66 = arith.constant 0 : i32
          %dma_start3A_67 = tpu.memref_slice %arg11[%dma_start3A_65, %dma_start3A_66] : memref<10512x128xf32, #tpu.memory_space<vmem_shared>> -> memref<10512x128xf32, #tpu.memory_space<vmem_shared>>
          tpu.enqueue_indirect_dma source(%arg9 : memref<128x128xf32, #tpu.memory_space<vmem>>) target(%dma_start3A_67 : memref<10512x128xf32, #tpu.memory_space<vmem_shared>>) offsets(%dma_start3A_64 : memref<128xi32, #tpu.memory_space<vmem>>) semaphore(%run_scoped3A : memref<!tpu.dma_semaphore, #tpu.memory_space<semaphore_mem>>) {add = true}
          %dma_wait3A_68 = arith.constant 0 : i32
          %dma_wait3A_69 = tpu.memref_slice %arg8[%mul3A_36, %dma_wait3A_68] : memref<16x128xi32, #tpu.memory_space<vmem>> -> memref<1x128xi32, #tpu.memory_space<vmem>>
          %dma_wait3A_70 = tpu.memref_squeeze %dma_wait3A_69 : memref<1x128xi32, #tpu.memory_space<vmem>> -> memref<128xi32, #tpu.memory_space<vmem>>
          %dma_wait3A_71 = arith.constant 0 : i32
          %dma_wait3A_72 = arith.constant 0 : i32
          %dma_wait3A_73 = tpu.memref_slice %arg11[%dma_wait3A_71, %dma_wait3A_72] : memref<10512x128xf32, #tpu.memory_space<vmem_shared>> -> memref<10512x128xf32, #tpu.memory_space<vmem_shared>>
          tpu.wait_indirect_dma semaphore(%run_scoped3A : memref<!tpu.dma_semaphore, #tpu.memory_space<semaphore_mem>>) src(%arg9 : memref<128x128xf32, #tpu.memory_space<vmem>>) dst(%dma_wait3A_73 : memref<10512x128xf32, #tpu.memory_space<vmem_shared>>)
          tpu.yield
        }) : () -> ()
        %lt3A = arith.constant 7 : i32
        %lt3A_50 = arith.cmpi slt, %add3A_34, %lt3A : i32
        %convert_element_type3A = arith.extui %lt3A_50 : i1 to i32
        %cond3A = arith.constant 0 : i32
        %cond3A_51 = arith.cmpi ne, %convert_element_type3A, %cond3A : i32
        scf.if %cond3A_51 {
          %add3A_62 = arith.constant 2 : i32
          %add3A_63 = arith.addi %mul3A_36, %add3A_62 : i32
          %dma_start3A_64 = arith.constant 0 : i32
          %dma_start3A_65 = tpu.memref_slice %arg7[%add3A_63, %dma_start3A_64] : memref<16x128xi32, #tpu.memory_space<vmem>> -> memref<1x128xi32, #tpu.memory_space<vmem>>
          %dma_start3A_66 = tpu.memref_squeeze %dma_start3A_65 : memref<1x128xi32, #tpu.memory_space<vmem>> -> memref<128xi32, #tpu.memory_space<vmem>>
          %dma_start3A_67 = arith.constant 0 : i32
          %dma_start3A_68 = arith.constant 0 : i32
          %dma_start3A_69 = tpu.memref_slice %arg2[%dma_start3A_67, %dma_start3A_68] : memref<20000x128xf32, #tpu.memory_space<hbm>> -> memref<20000x128xf32, #tpu.memory_space<hbm>>
          tpu.enqueue_indirect_dma source(%dma_start3A_69 : memref<20000x128xf32, #tpu.memory_space<hbm>>) target(%arg9 : memref<128x128xf32, #tpu.memory_space<vmem>>) offsets(%dma_start3A_66 : memref<128xi32, #tpu.memory_space<vmem>>) semaphore(%arg12 : memref<!tpu.dma_semaphore, #tpu.memory_space<semaphore_mem>>)
        } else {
        }
        %add3A_52 = arith.constant 1 : i32
        %add3A_53 = arith.addi %mul3A_36, %add3A_52 : i32
        %dma_wait3A_54 = arith.constant 0 : i32
        %dma_wait3A_55 = tpu.memref_slice %arg7[%add3A_53, %dma_wait3A_54] : memref<16x128xi32, #tpu.memory_space<vmem>> -> memref<1x128xi32, #tpu.memory_space<vmem>>
        %dma_wait3A_56 = tpu.memref_squeeze %dma_wait3A_55 : memref<1x128xi32, #tpu.memory_space<vmem>> -> memref<128xi32, #tpu.memory_space<vmem>>
        %dma_wait3A_57 = arith.constant 0 : i32
        %dma_wait3A_58 = arith.constant 0 : i32
        %dma_wait3A_59 = tpu.memref_slice %arg2[%dma_wait3A_57, %dma_wait3A_58] : memref<20000x128xf32, #tpu.memory_space<hbm>> -> memref<20000x128xf32, #tpu.memory_space<hbm>>
        tpu.wait_indirect_dma semaphore(%arg13 : memref<!tpu.dma_semaphore, #tpu.memory_space<semaphore_mem>>) src(%dma_wait3A_59 : memref<20000x128xf32, #tpu.memory_space<hbm>>) dst(%arg10 : memref<128x128xf32, #tpu.memory_space<vmem>>)
        %add3A_60 = arith.constant 1 : i32
        %add3A_61 = arith.addi %mul3A_36, %add3A_60 : i32
        "tpu.region"() ({
          %run_scoped3A = tpu.sem_alloc : memref<!tpu.dma_semaphore, #tpu.memory_space<semaphore_mem>>
          %dma_start3A_62 = arith.constant 0 : i32
          %dma_start3A_63 = tpu.memref_slice %arg8[%add3A_61, %dma_start3A_62] : memref<16x128xi32, #tpu.memory_space<vmem>> -> memref<1x128xi32, #tpu.memory_space<vmem>>
          %dma_start3A_64 = tpu.memref_squeeze %dma_start3A_63 : memref<1x128xi32, #tpu.memory_space<vmem>> -> memref<128xi32, #tpu.memory_space<vmem>>
          %dma_start3A_65 = arith.constant 0 : i32
          %dma_start3A_66 = arith.constant 0 : i32
          %dma_start3A_67 = tpu.memref_slice %arg11[%dma_start3A_65, %dma_start3A_66] : memref<10512x128xf32, #tpu.memory_space<vmem_shared>> -> memref<10512x128xf32, #tpu.memory_space<vmem_shared>>
          tpu.enqueue_indirect_dma source(%arg10 : memref<128x128xf32, #tpu.memory_space<vmem>>) target(%dma_start3A_67 : memref<10512x128xf32, #tpu.memory_space<vmem_shared>>) offsets(%dma_start3A_64 : memref<128xi32, #tpu.memory_space<vmem>>) semaphore(%run_scoped3A : memref<!tpu.dma_semaphore, #tpu.memory_space<semaphore_mem>>) {add = true}
          %dma_wait3A_68 = arith.constant 0 : i32
          %dma_wait3A_69 = tpu.memref_slice %arg8[%add3A_61, %dma_wait3A_68] : memref<16x128xi32, #tpu.memory_space<vmem>> -> memref<1x128xi32, #tpu.memory_space<vmem>>
          %dma_wait3A_70 = tpu.memref_squeeze %dma_wait3A_69 : memref<1x128xi32, #tpu.memory_space<vmem>> -> memref<128xi32, #tpu.memory_space<vmem>>
          %dma_wait3A_71 = arith.constant 0 : i32
          %dma_wait3A_72 = arith.constant 0 : i32
          %dma_wait3A_73 = tpu.memref_slice %arg11[%dma_wait3A_71, %dma_wait3A_72] : memref<10512x128xf32, #tpu.memory_space<vmem_shared>> -> memref<10512x128xf32, #tpu.memory_space<vmem_shared>>
          tpu.wait_indirect_dma semaphore(%run_scoped3A : memref<!tpu.dma_semaphore, #tpu.memory_space<semaphore_mem>>) src(%arg10 : memref<128x128xf32, #tpu.memory_space<vmem>>) dst(%dma_wait3A_73 : memref<10512x128xf32, #tpu.memory_space<vmem_shared>>)
          tpu.yield
        }) : () -> ()
      }
      %scan3A_29 = arith.constant 8 : i32
    }
    %scan3A_6 = arith.constant 10 : i32
    %barrier3A_7 = arith.constant 0 : index
    tpu.barrier barrier_id(%barrier3A_7)
    %mul3A_8 = arith.constant 625 : i32
    %mul3A_9 = arith.muli %arg1, %mul3A_8 : i32
    "tpu.region"() ({
      %run_scoped3A = tpu.sem_alloc : memref<!tpu.dma_semaphore, #tpu.memory_space<semaphore_mem>>
      %dma_start3A = arith.constant 0 : i32
      %dma_start3A_10 = arith.constant 0 : i32
      %dma_start3A_11 = tpu.memref_slice %arg6[%add3A, %dma_start3A, %dma_start3A_10] : memref<32x625x128xf32, #tpu.memory_space<hbm>> -> memref<1x625x128xf32, #tpu.memory_space<hbm>>
      %dma_start3A_12 = tpu.memref_squeeze %dma_start3A_11 : memref<1x625x128xf32, #tpu.memory_space<hbm>> -> memref<625x128xf32, #tpu.memory_space<hbm>>
      %dma_start3A_13 = arith.constant 0 : i32
      %dma_start3A_14 = tpu.memref_slice %arg11[%mul3A_9, %dma_start3A_13] : memref<10512x128xf32, #tpu.memory_space<vmem_shared>> -> memref<625x128xf32, #tpu.memory_space<vmem_shared>>
      tpu.enqueue_dma source(%dma_start3A_14 : memref<625x128xf32, #tpu.memory_space<vmem_shared>>) target(%dma_start3A_12 : memref<625x128xf32, #tpu.memory_space<hbm>>) target_semaphore(%run_scoped3A : memref<!tpu.dma_semaphore, #tpu.memory_space<semaphore_mem>>)
      %dma_wait3A = arith.constant 0 : i32
      %dma_wait3A_15 = arith.constant 0 : i32
      %dma_wait3A_16 = tpu.memref_slice %arg6[%add3A, %dma_wait3A, %dma_wait3A_15] : memref<32x625x128xf32, #tpu.memory_space<hbm>> -> memref<1x625x128xf32, #tpu.memory_space<hbm>>
      %dma_wait3A_17 = tpu.memref_squeeze %dma_wait3A_16 : memref<1x625x128xf32, #tpu.memory_space<hbm>> -> memref<625x128xf32, #tpu.memory_space<hbm>>
      %dma_wait3A_18 = arith.constant 0 : i32
      %dma_wait3A_19 = tpu.memref_slice %arg11[%mul3A_9, %dma_wait3A_18] : memref<10512x128xf32, #tpu.memory_space<vmem_shared>> -> memref<625x128xf32, #tpu.memory_space<vmem_shared>>
      tpu.wait_dma2 semaphore(%run_scoped3A : memref<!tpu.dma_semaphore, #tpu.memory_space<semaphore_mem>>) src(%dma_wait3A_19 : memref<625x128xf32, #tpu.memory_space<vmem_shared>>) dst(%dma_wait3A_17 : memref<625x128xf32, #tpu.memory_space<hbm>>)
      tpu.yield
    }) : () -> ()
    return
  }
}

#map = affine_map<(d0, d1) -> (0, 0)>
#map1 = affine_map<(d0, d1) -> (0, 0, 0)>
module attributes {stable_mosaic.version = 14 : i64} {
  func.func @agg(%arg0: i32, %arg1: i32, %arg2: memref<10000x128xf32, #tpu.memory_space<hbm>>, %arg3: memref<32x625x128xf32, #tpu.memory_space<hbm>>, %arg4: memref<32x80x128xi32, #tpu.memory_space<hbm>>, %arg5: memref<32x80x128xi32, #tpu.memory_space<hbm>>, %arg6: memref<32x625x128xf32, #tpu.memory_space<hbm>>, %arg7: memref<16x128xi32, #tpu.memory_space<vmem>>, %arg8: memref<16x128xi32, #tpu.memory_space<vmem>>, %arg9: memref<128x128xf32, #tpu.memory_space<vmem>>, %arg10: memref<128x128xf32, #tpu.memory_space<vmem>>, %arg11: memref<10512x128xf32, #tpu.memory_space<vmem_shared>>, %arg12: memref<!tpu.dma_semaphore, #tpu.memory_space<semaphore_mem>>, %arg13: memref<!tpu.dma_semaphore, #tpu.memory_space<semaphore_mem>>) attributes {dimension_semantics = [#tpu.dimension_semantics<core_parallel>, #tpu.dimension_semantics<subcore_parallel>], iteration_bounds = array<i64: 2, 16>, scalar_prefetch = 0 : i64, scratch_operands = 7 : i64, tpu.core_type = #tpu.core_type<sc_vector_subcore>, window_params = [{transform_indices = #map}, {transform_indices = #map1}, {transform_indices = #map1}, {transform_indices = #map1}, {transform_indices = #map1}]} {
    %mul3A = arith.constant 16 : i32
    %mul3A_0 = arith.muli %arg0, %mul3A : i32
    %add3A = arith.addi %mul3A_0, %arg1 : i32
    %mul3A_1 = arith.constant 625 : i32
    %mul3A_2 = arith.muli %arg1, %mul3A_1 : i32
    "tpu.region"() ({
      %run_scoped3A = tpu.sem_alloc : memref<!tpu.dma_semaphore, #tpu.memory_space<semaphore_mem>>
      %dma_start3A = arith.constant 0 : i32
      %dma_start3A_10 = tpu.memref_slice %arg11[%mul3A_2, %dma_start3A] : memref<10512x128xf32, #tpu.memory_space<vmem_shared>> -> memref<625x128xf32, #tpu.memory_space<vmem_shared>>
      %dma_start3A_11 = arith.constant 0 : i32
      %dma_start3A_12 = arith.constant 0 : i32
      %dma_start3A_13 = tpu.memref_slice %arg3[%add3A, %dma_start3A_11, %dma_start3A_12] : memref<32x625x128xf32, #tpu.memory_space<hbm>> -> memref<1x625x128xf32, #tpu.memory_space<hbm>>
      %dma_start3A_14 = tpu.memref_squeeze %dma_start3A_13 : memref<1x625x128xf32, #tpu.memory_space<hbm>> -> memref<625x128xf32, #tpu.memory_space<hbm>>
      tpu.enqueue_dma source(%dma_start3A_14 : memref<625x128xf32, #tpu.memory_space<hbm>>) target(%dma_start3A_10 : memref<625x128xf32, #tpu.memory_space<vmem_shared>>) target_semaphore(%run_scoped3A : memref<!tpu.dma_semaphore, #tpu.memory_space<semaphore_mem>>)
      %dma_wait3A = arith.constant 0 : i32
      %dma_wait3A_15 = tpu.memref_slice %arg11[%mul3A_2, %dma_wait3A] : memref<10512x128xf32, #tpu.memory_space<vmem_shared>> -> memref<625x128xf32, #tpu.memory_space<vmem_shared>>
      %dma_wait3A_16 = arith.constant 0 : i32
      %dma_wait3A_17 = arith.constant 0 : i32
      %dma_wait3A_18 = tpu.memref_slice %arg3[%add3A, %dma_wait3A_16, %dma_wait3A_17] : memref<32x625x128xf32, #tpu.memory_space<hbm>> -> memref<1x625x128xf32, #tpu.memory_space<hbm>>
      %dma_wait3A_19 = tpu.memref_squeeze %dma_wait3A_18 : memref<1x625x128xf32, #tpu.memory_space<hbm>> -> memref<625x128xf32, #tpu.memory_space<hbm>>
      tpu.wait_dma2 semaphore(%run_scoped3A : memref<!tpu.dma_semaphore, #tpu.memory_space<semaphore_mem>>) src(%dma_wait3A_19 : memref<625x128xf32, #tpu.memory_space<hbm>>) dst(%dma_wait3A_15 : memref<625x128xf32, #tpu.memory_space<vmem_shared>>)
      tpu.yield
    }) : () -> ()
    %barrier3A = arith.constant 0 : index
    tpu.barrier barrier_id(%barrier3A)
    %scan3A = arith.constant 0 : i32
    %scan3A_3 = arith.constant 5 : i32
    %scan3A_4 = arith.addi %scan3A, %scan3A_3 : i32
    %scan3A_5 = arith.constant 1 : i32
    scf.for %scan3A_10 = %scan3A to %scan3A_4 step %scan3A_5  : i32 {
      %mul3A_11 = arith.constant 1 : i32
      %mul3A_12 = arith.muli %scan3A_10, %mul3A_11 : i32
      %add3A_13 = arith.constant 0 : i32
      %add3A_14 = arith.addi %add3A_13, %mul3A_12 : i32
      %mul3A_15 = arith.constant 16 : i32
      %mul3A_16 = arith.muli %add3A_14, %mul3A_15 : i32
      "tpu.region"() ({
        %run_scoped3A = tpu.sem_alloc : memref<!tpu.dma_semaphore, #tpu.memory_space<semaphore_mem>>
        %dma_start3A_30 = arith.constant 0 : i32
        %dma_start3A_31 = tpu.memref_slice %arg4[%add3A, %mul3A_16, %dma_start3A_30] : memref<32x80x128xi32, #tpu.memory_space<hbm>> -> memref<1x16x128xi32, #tpu.memory_space<hbm>>
        %dma_start3A_32 = tpu.memref_squeeze %dma_start3A_31 : memref<1x16x128xi32, #tpu.memory_space<hbm>> -> memref<16x128xi32, #tpu.memory_space<hbm>>
        %dma_start3A_33 = arith.constant 0 : i32
        %dma_start3A_34 = tpu.memref_slice %arg4[%add3A, %mul3A_16, %dma_start3A_33] : memref<32x80x128xi32, #tpu.memory_space<hbm>> -> memref<1x16x128xi32, #tpu.memory_space<hbm>>
        %dma_start3A_35 = tpu.memref_squeeze %dma_start3A_34 : memref<1x16x128xi32, #tpu.memory_space<hbm>> -> memref<16x128xi32, #tpu.memory_space<hbm>>
        tpu.enqueue_dma source(%dma_start3A_35 : memref<16x128xi32, #tpu.memory_space<hbm>>) target(%arg7 : memref<16x128xi32, #tpu.memory_space<vmem>>) target_semaphore(%run_scoped3A : memref<!tpu.dma_semaphore, #tpu.memory_space<semaphore_mem>>)
        %dma_wait3A = arith.constant 0 : i32
        %dma_wait3A_36 = tpu.memref_slice %arg4[%add3A, %mul3A_16, %dma_wait3A] : memref<32x80x128xi32, #tpu.memory_space<hbm>> -> memref<1x16x128xi32, #tpu.memory_space<hbm>>
        %dma_wait3A_37 = tpu.memref_squeeze %dma_wait3A_36 : memref<1x16x128xi32, #tpu.memory_space<hbm>> -> memref<16x128xi32, #tpu.memory_space<hbm>>
        %dma_wait3A_38 = arith.constant 0 : i32
        %dma_wait3A_39 = tpu.memref_slice %arg4[%add3A, %mul3A_16, %dma_wait3A_38] : memref<32x80x128xi32, #tpu.memory_space<hbm>> -> memref<1x16x128xi32, #tpu.memory_space<hbm>>
        %dma_wait3A_40 = tpu.memref_squeeze %dma_wait3A_39 : memref<1x16x128xi32, #tpu.memory_space<hbm>> -> memref<16x128xi32, #tpu.memory_space<hbm>>
        tpu.wait_dma2 semaphore(%run_scoped3A : memref<!tpu.dma_semaphore, #tpu.memory_space<semaphore_mem>>) src(%dma_wait3A_40 : memref<16x128xi32, #tpu.memory_space<hbm>>) dst(%arg7 : memref<16x128xi32, #tpu.memory_space<vmem>>)
        tpu.yield
      }) : () -> ()
      %mul3A_17 = arith.constant 16 : i32
      %mul3A_18 = arith.muli %add3A_14, %mul3A_17 : i32
      "tpu.region"() ({
        %run_scoped3A = tpu.sem_alloc : memref<!tpu.dma_semaphore, #tpu.memory_space<semaphore_mem>>
        %dma_start3A_30 = arith.constant 0 : i32
        %dma_start3A_31 = tpu.memref_slice %arg5[%add3A, %mul3A_18, %dma_start3A_30] : memref<32x80x128xi32, #tpu.memory_space<hbm>> -> memref<1x16x128xi32, #tpu.memory_space<hbm>>
        %dma_start3A_32 = tpu.memref_squeeze %dma_start3A_31 : memref<1x16x128xi32, #tpu.memory_space<hbm>> -> memref<16x128xi32, #tpu.memory_space<hbm>>
        %dma_start3A_33 = arith.constant 0 : i32
        %dma_start3A_34 = tpu.memref_slice %arg5[%add3A, %mul3A_18, %dma_start3A_33] : memref<32x80x128xi32, #tpu.memory_space<hbm>> -> memref<1x16x128xi32, #tpu.memory_space<hbm>>
        %dma_start3A_35 = tpu.memref_squeeze %dma_start3A_34 : memref<1x16x128xi32, #tpu.memory_space<hbm>> -> memref<16x128xi32, #tpu.memory_space<hbm>>
        tpu.enqueue_dma source(%dma_start3A_35 : memref<16x128xi32, #tpu.memory_space<hbm>>) target(%arg8 : memref<16x128xi32, #tpu.memory_space<vmem>>) target_semaphore(%run_scoped3A : memref<!tpu.dma_semaphore, #tpu.memory_space<semaphore_mem>>)
        %dma_wait3A = arith.constant 0 : i32
        %dma_wait3A_36 = tpu.memref_slice %arg5[%add3A, %mul3A_18, %dma_wait3A] : memref<32x80x128xi32, #tpu.memory_space<hbm>> -> memref<1x16x128xi32, #tpu.memory_space<hbm>>
        %dma_wait3A_37 = tpu.memref_squeeze %dma_wait3A_36 : memref<1x16x128xi32, #tpu.memory_space<hbm>> -> memref<16x128xi32, #tpu.memory_space<hbm>>
        %dma_wait3A_38 = arith.constant 0 : i32
        %dma_wait3A_39 = tpu.memref_slice %arg5[%add3A, %mul3A_18, %dma_wait3A_38] : memref<32x80x128xi32, #tpu.memory_space<hbm>> -> memref<1x16x128xi32, #tpu.memory_space<hbm>>
        %dma_wait3A_40 = tpu.memref_squeeze %dma_wait3A_39 : memref<1x16x128xi32, #tpu.memory_space<hbm>> -> memref<16x128xi32, #tpu.memory_space<hbm>>
        tpu.wait_dma2 semaphore(%run_scoped3A : memref<!tpu.dma_semaphore, #tpu.memory_space<semaphore_mem>>) src(%dma_wait3A_40 : memref<16x128xi32, #tpu.memory_space<hbm>>) dst(%arg8 : memref<16x128xi32, #tpu.memory_space<vmem>>)
        tpu.yield
      }) : () -> ()
      %dma_start3A = arith.constant 0 : i32
      %dma_start3A_19 = arith.constant 0 : i32
      %dma_start3A_20 = tpu.memref_slice %arg7[%dma_start3A, %dma_start3A_19] : memref<16x128xi32, #tpu.memory_space<vmem>> -> memref<1x128xi32, #tpu.memory_space<vmem>>
      %dma_start3A_21 = tpu.memref_squeeze %dma_start3A_20 : memref<1x128xi32, #tpu.memory_space<vmem>> -> memref<128xi32, #tpu.memory_space<vmem>>
      %dma_start3A_22 = arith.constant 0 : i32
      %dma_start3A_23 = arith.constant 0 : i32
      %dma_start3A_24 = tpu.memref_slice %arg2[%dma_start3A_22, %dma_start3A_23] : memref<10000x128xf32, #tpu.memory_space<hbm>> -> memref<10000x128xf32, #tpu.memory_space<hbm>>
      tpu.enqueue_indirect_dma source(%dma_start3A_24 : memref<10000x128xf32, #tpu.memory_space<hbm>>) target(%arg9 : memref<128x128xf32, #tpu.memory_space<vmem>>) offsets(%dma_start3A_21 : memref<128xi32, #tpu.memory_space<vmem>>) semaphore(%arg12 : memref<!tpu.dma_semaphore, #tpu.memory_space<semaphore_mem>>)
      %scan3A_25 = arith.constant 0 : i32
      %scan3A_26 = arith.constant 8 : i32
      %scan3A_27 = arith.addi %scan3A_25, %scan3A_26 : i32
      %scan3A_28 = arith.constant 1 : i32
      scf.for %scan3A_30 = %scan3A_25 to %scan3A_27 step %scan3A_28  : i32 {
        %mul3A_31 = arith.constant 1 : i32
        %mul3A_32 = arith.muli %scan3A_30, %mul3A_31 : i32
        %add3A_33 = arith.constant 0 : i32
        %add3A_34 = arith.addi %add3A_33, %mul3A_32 : i32
        %mul3A_35 = arith.constant 2 : i32
        %mul3A_36 = arith.muli %mul3A_35, %add3A_34 : i32
        %add3A_37 = arith.constant 1 : i32
        %add3A_38 = arith.addi %mul3A_36, %add3A_37 : i32
        %dma_start3A_39 = arith.constant 0 : i32
        %dma_start3A_40 = tpu.memref_slice %arg7[%add3A_38, %dma_start3A_39] : memref<16x128xi32, #tpu.memory_space<vmem>> -> memref<1x128xi32, #tpu.memory_space<vmem>>
        %dma_start3A_41 = tpu.memref_squeeze %dma_start3A_40 : memref<1x128xi32, #tpu.memory_space<vmem>> -> memref<128xi32, #tpu.memory_space<vmem>>
        %dma_start3A_42 = arith.constant 0 : i32
        %dma_start3A_43 = arith.constant 0 : i32
        %dma_start3A_44 = tpu.memref_slice %arg2[%dma_start3A_42, %dma_start3A_43] : memref<10000x128xf32, #tpu.memory_space<hbm>> -> memref<10000x128xf32, #tpu.memory_space<hbm>>
        tpu.enqueue_indirect_dma source(%dma_start3A_44 : memref<10000x128xf32, #tpu.memory_space<hbm>>) target(%arg10 : memref<128x128xf32, #tpu.memory_space<vmem>>) offsets(%dma_start3A_41 : memref<128xi32, #tpu.memory_space<vmem>>) semaphore(%arg13 : memref<!tpu.dma_semaphore, #tpu.memory_space<semaphore_mem>>)
        %dma_wait3A = arith.constant 0 : i32
        %dma_wait3A_45 = tpu.memref_slice %arg7[%mul3A_36, %dma_wait3A] : memref<16x128xi32, #tpu.memory_space<vmem>> -> memref<1x128xi32, #tpu.memory_space<vmem>>
        %dma_wait3A_46 = tpu.memref_squeeze %dma_wait3A_45 : memref<1x128xi32, #tpu.memory_space<vmem>> -> memref<128xi32, #tpu.memory_space<vmem>>
        %dma_wait3A_47 = arith.constant 0 : i32
        %dma_wait3A_48 = arith.constant 0 : i32
        %dma_wait3A_49 = tpu.memref_slice %arg2[%dma_wait3A_47, %dma_wait3A_48] : memref<10000x128xf32, #tpu.memory_space<hbm>> -> memref<10000x128xf32, #tpu.memory_space<hbm>>
        tpu.wait_indirect_dma semaphore(%arg12 : memref<!tpu.dma_semaphore, #tpu.memory_space<semaphore_mem>>) src(%dma_wait3A_49 : memref<10000x128xf32, #tpu.memory_space<hbm>>) dst(%arg9 : memref<128x128xf32, #tpu.memory_space<vmem>>)
        "tpu.region"() ({
          %run_scoped3A = tpu.sem_alloc : memref<!tpu.dma_semaphore, #tpu.memory_space<semaphore_mem>>
          %dma_start3A_62 = arith.constant 0 : i32
          %dma_start3A_63 = tpu.memref_slice %arg8[%mul3A_36, %dma_start3A_62] : memref<16x128xi32, #tpu.memory_space<vmem>> -> memref<1x128xi32, #tpu.memory_space<vmem>>
          %dma_start3A_64 = tpu.memref_squeeze %dma_start3A_63 : memref<1x128xi32, #tpu.memory_space<vmem>> -> memref<128xi32, #tpu.memory_space<vmem>>
          %dma_start3A_65 = arith.constant 0 : i32
          %dma_start3A_66 = arith.constant 0 : i32
          %dma_start3A_67 = tpu.memref_slice %arg11[%dma_start3A_65, %dma_start3A_66] : memref<10512x128xf32, #tpu.memory_space<vmem_shared>> -> memref<10512x128xf32, #tpu.memory_space<vmem_shared>>
          tpu.enqueue_indirect_dma source(%arg9 : memref<128x128xf32, #tpu.memory_space<vmem>>) target(%dma_start3A_67 : memref<10512x128xf32, #tpu.memory_space<vmem_shared>>) offsets(%dma_start3A_64 : memref<128xi32, #tpu.memory_space<vmem>>) semaphore(%run_scoped3A : memref<!tpu.dma_semaphore, #tpu.memory_space<semaphore_mem>>) {add = true}
          %dma_wait3A_68 = arith.constant 0 : i32
          %dma_wait3A_69 = tpu.memref_slice %arg8[%mul3A_36, %dma_wait3A_68] : memref<16x128xi32, #tpu.memory_space<vmem>> -> memref<1x128xi32, #tpu.memory_space<vmem>>
          %dma_wait3A_70 = tpu.memref_squeeze %dma_wait3A_69 : memref<1x128xi32, #tpu.memory_space<vmem>> -> memref<128xi32, #tpu.memory_space<vmem>>
          %dma_wait3A_71 = arith.constant 0 : i32
          %dma_wait3A_72 = arith.constant 0 : i32
          %dma_wait3A_73 = tpu.memref_slice %arg11[%dma_wait3A_71, %dma_wait3A_72] : memref<10512x128xf32, #tpu.memory_space<vmem_shared>> -> memref<10512x128xf32, #tpu.memory_space<vmem_shared>>
          tpu.wait_indirect_dma semaphore(%run_scoped3A : memref<!tpu.dma_semaphore, #tpu.memory_space<semaphore_mem>>) src(%arg9 : memref<128x128xf32, #tpu.memory_space<vmem>>) dst(%dma_wait3A_73 : memref<10512x128xf32, #tpu.memory_space<vmem_shared>>)
          tpu.yield
        }) : () -> ()
        %lt3A = arith.constant 7 : i32
        %lt3A_50 = arith.cmpi slt, %add3A_34, %lt3A : i32
        %convert_element_type3A = arith.extui %lt3A_50 : i1 to i32
        %cond3A = arith.constant 0 : i32
        %cond3A_51 = arith.cmpi ne, %convert_element_type3A, %cond3A : i32
        scf.if %cond3A_51 {
          %add3A_62 = arith.constant 2 : i32
          %add3A_63 = arith.addi %mul3A_36, %add3A_62 : i32
          %dma_start3A_64 = arith.constant 0 : i32
          %dma_start3A_65 = tpu.memref_slice %arg7[%add3A_63, %dma_start3A_64] : memref<16x128xi32, #tpu.memory_space<vmem>> -> memref<1x128xi32, #tpu.memory_space<vmem>>
          %dma_start3A_66 = tpu.memref_squeeze %dma_start3A_65 : memref<1x128xi32, #tpu.memory_space<vmem>> -> memref<128xi32, #tpu.memory_space<vmem>>
          %dma_start3A_67 = arith.constant 0 : i32
          %dma_start3A_68 = arith.constant 0 : i32
          %dma_start3A_69 = tpu.memref_slice %arg2[%dma_start3A_67, %dma_start3A_68] : memref<10000x128xf32, #tpu.memory_space<hbm>> -> memref<10000x128xf32, #tpu.memory_space<hbm>>
          tpu.enqueue_indirect_dma source(%dma_start3A_69 : memref<10000x128xf32, #tpu.memory_space<hbm>>) target(%arg9 : memref<128x128xf32, #tpu.memory_space<vmem>>) offsets(%dma_start3A_66 : memref<128xi32, #tpu.memory_space<vmem>>) semaphore(%arg12 : memref<!tpu.dma_semaphore, #tpu.memory_space<semaphore_mem>>)
        } else {
        }
        %add3A_52 = arith.constant 1 : i32
        %add3A_53 = arith.addi %mul3A_36, %add3A_52 : i32
        %dma_wait3A_54 = arith.constant 0 : i32
        %dma_wait3A_55 = tpu.memref_slice %arg7[%add3A_53, %dma_wait3A_54] : memref<16x128xi32, #tpu.memory_space<vmem>> -> memref<1x128xi32, #tpu.memory_space<vmem>>
        %dma_wait3A_56 = tpu.memref_squeeze %dma_wait3A_55 : memref<1x128xi32, #tpu.memory_space<vmem>> -> memref<128xi32, #tpu.memory_space<vmem>>
        %dma_wait3A_57 = arith.constant 0 : i32
        %dma_wait3A_58 = arith.constant 0 : i32
        %dma_wait3A_59 = tpu.memref_slice %arg2[%dma_wait3A_57, %dma_wait3A_58] : memref<10000x128xf32, #tpu.memory_space<hbm>> -> memref<10000x128xf32, #tpu.memory_space<hbm>>
        tpu.wait_indirect_dma semaphore(%arg13 : memref<!tpu.dma_semaphore, #tpu.memory_space<semaphore_mem>>) src(%dma_wait3A_59 : memref<10000x128xf32, #tpu.memory_space<hbm>>) dst(%arg10 : memref<128x128xf32, #tpu.memory_space<vmem>>)
        %add3A_60 = arith.constant 1 : i32
        %add3A_61 = arith.addi %mul3A_36, %add3A_60 : i32
        "tpu.region"() ({
          %run_scoped3A = tpu.sem_alloc : memref<!tpu.dma_semaphore, #tpu.memory_space<semaphore_mem>>
          %dma_start3A_62 = arith.constant 0 : i32
          %dma_start3A_63 = tpu.memref_slice %arg8[%add3A_61, %dma_start3A_62] : memref<16x128xi32, #tpu.memory_space<vmem>> -> memref<1x128xi32, #tpu.memory_space<vmem>>
          %dma_start3A_64 = tpu.memref_squeeze %dma_start3A_63 : memref<1x128xi32, #tpu.memory_space<vmem>> -> memref<128xi32, #tpu.memory_space<vmem>>
          %dma_start3A_65 = arith.constant 0 : i32
          %dma_start3A_66 = arith.constant 0 : i32
          %dma_start3A_67 = tpu.memref_slice %arg11[%dma_start3A_65, %dma_start3A_66] : memref<10512x128xf32, #tpu.memory_space<vmem_shared>> -> memref<10512x128xf32, #tpu.memory_space<vmem_shared>>
          tpu.enqueue_indirect_dma source(%arg10 : memref<128x128xf32, #tpu.memory_space<vmem>>) target(%dma_start3A_67 : memref<10512x128xf32, #tpu.memory_space<vmem_shared>>) offsets(%dma_start3A_64 : memref<128xi32, #tpu.memory_space<vmem>>) semaphore(%run_scoped3A : memref<!tpu.dma_semaphore, #tpu.memory_space<semaphore_mem>>) {add = true}
          %dma_wait3A_68 = arith.constant 0 : i32
          %dma_wait3A_69 = tpu.memref_slice %arg8[%add3A_61, %dma_wait3A_68] : memref<16x128xi32, #tpu.memory_space<vmem>> -> memref<1x128xi32, #tpu.memory_space<vmem>>
          %dma_wait3A_70 = tpu.memref_squeeze %dma_wait3A_69 : memref<1x128xi32, #tpu.memory_space<vmem>> -> memref<128xi32, #tpu.memory_space<vmem>>
          %dma_wait3A_71 = arith.constant 0 : i32
          %dma_wait3A_72 = arith.constant 0 : i32
          %dma_wait3A_73 = tpu.memref_slice %arg11[%dma_wait3A_71, %dma_wait3A_72] : memref<10512x128xf32, #tpu.memory_space<vmem_shared>> -> memref<10512x128xf32, #tpu.memory_space<vmem_shared>>
          tpu.wait_indirect_dma semaphore(%run_scoped3A : memref<!tpu.dma_semaphore, #tpu.memory_space<semaphore_mem>>) src(%arg10 : memref<128x128xf32, #tpu.memory_space<vmem>>) dst(%dma_wait3A_73 : memref<10512x128xf32, #tpu.memory_space<vmem_shared>>)
          tpu.yield
        }) : () -> ()
      }
      %scan3A_29 = arith.constant 8 : i32
    }
    %scan3A_6 = arith.constant 5 : i32
    %barrier3A_7 = arith.constant 0 : index
    tpu.barrier barrier_id(%barrier3A_7)
    %mul3A_8 = arith.constant 625 : i32
    %mul3A_9 = arith.muli %arg1, %mul3A_8 : i32
    "tpu.region"() ({
      %run_scoped3A = tpu.sem_alloc : memref<!tpu.dma_semaphore, #tpu.memory_space<semaphore_mem>>
      %dma_start3A = arith.constant 0 : i32
      %dma_start3A_10 = arith.constant 0 : i32
      %dma_start3A_11 = tpu.memref_slice %arg6[%add3A, %dma_start3A, %dma_start3A_10] : memref<32x625x128xf32, #tpu.memory_space<hbm>> -> memref<1x625x128xf32, #tpu.memory_space<hbm>>
      %dma_start3A_12 = tpu.memref_squeeze %dma_start3A_11 : memref<1x625x128xf32, #tpu.memory_space<hbm>> -> memref<625x128xf32, #tpu.memory_space<hbm>>
      %dma_start3A_13 = arith.constant 0 : i32
      %dma_start3A_14 = tpu.memref_slice %arg11[%mul3A_9, %dma_start3A_13] : memref<10512x128xf32, #tpu.memory_space<vmem_shared>> -> memref<625x128xf32, #tpu.memory_space<vmem_shared>>
      tpu.enqueue_dma source(%dma_start3A_14 : memref<625x128xf32, #tpu.memory_space<vmem_shared>>) target(%dma_start3A_12 : memref<625x128xf32, #tpu.memory_space<hbm>>) target_semaphore(%run_scoped3A : memref<!tpu.dma_semaphore, #tpu.memory_space<semaphore_mem>>)
      %dma_wait3A = arith.constant 0 : i32
      %dma_wait3A_15 = arith.constant 0 : i32
      %dma_wait3A_16 = tpu.memref_slice %arg6[%add3A, %dma_wait3A, %dma_wait3A_15] : memref<32x625x128xf32, #tpu.memory_space<hbm>> -> memref<1x625x128xf32, #tpu.memory_space<hbm>>
      %dma_wait3A_17 = tpu.memref_squeeze %dma_wait3A_16 : memref<1x625x128xf32, #tpu.memory_space<hbm>> -> memref<625x128xf32, #tpu.memory_space<hbm>>
      %dma_wait3A_18 = arith.constant 0 : i32
      %dma_wait3A_19 = tpu.memref_slice %arg11[%mul3A_9, %dma_wait3A_18] : memref<10512x128xf32, #tpu.memory_space<vmem_shared>> -> memref<625x128xf32, #tpu.memory_space<vmem_shared>>
      tpu.wait_dma2 semaphore(%run_scoped3A : memref<!tpu.dma_semaphore, #tpu.memory_space<semaphore_mem>>) src(%dma_wait3A_19 : memref<625x128xf32, #tpu.memory_space<vmem_shared>>) dst(%dma_wait3A_17 : memref<625x128xf32, #tpu.memory_space<hbm>>)
      tpu.yield
    }) : () -> ()
    return
  }
}

#map = affine_map<(d0, d1) -> (0, 0)>
#map1 = affine_map<(d0, d1) -> (0, 0, 0)>
module attributes {stable_mosaic.version = 14 : i64} {
  func.func @agg(%arg0: i32, %arg1: i32, %arg2: memref<20000x128xf32, #tpu.memory_space<hbm>>, %arg3: memref<32x625x128xf32, #tpu.memory_space<hbm>>, %arg4: memref<32x160x128xi32, #tpu.memory_space<hbm>>, %arg5: memref<16x160x128xi32, #tpu.memory_space<hbm>>, %arg6: memref<32x625x128xf32, #tpu.memory_space<hbm>>, %arg7: memref<16x128xi32, #tpu.memory_space<vmem>>, %arg8: memref<16x128xi32, #tpu.memory_space<vmem>>, %arg9: memref<128x128xf32, #tpu.memory_space<vmem>>, %arg10: memref<128x128xf32, #tpu.memory_space<vmem>>, %arg11: memref<10512x128xf32, #tpu.memory_space<vmem_shared>>, %arg12: memref<!tpu.dma_semaphore, #tpu.memory_space<semaphore_mem>>, %arg13: memref<!tpu.dma_semaphore, #tpu.memory_space<semaphore_mem>>) attributes {dimension_semantics = [#tpu.dimension_semantics<core_parallel>, #tpu.dimension_semantics<subcore_parallel>], iteration_bounds = array<i64: 2, 16>, scalar_prefetch = 0 : i64, scratch_operands = 7 : i64, tpu.core_type = #tpu.core_type<sc_vector_subcore>, window_params = [{transform_indices = #map}, {transform_indices = #map1}, {transform_indices = #map1}, {transform_indices = #map1}, {transform_indices = #map1}]} {
    %mul3A = arith.constant 16 : i32
    %mul3A_0 = arith.muli %arg0, %mul3A : i32
    %add3A = arith.addi %mul3A_0, %arg1 : i32
    %mul3A_1 = arith.constant 625 : i32
    %mul3A_2 = arith.muli %arg1, %mul3A_1 : i32
    "tpu.region"() ({
      %run_scoped3A = tpu.sem_alloc : memref<!tpu.dma_semaphore, #tpu.memory_space<semaphore_mem>>
      %dma_start3A = arith.constant 0 : i32
      %dma_start3A_10 = tpu.memref_slice %arg11[%mul3A_2, %dma_start3A] : memref<10512x128xf32, #tpu.memory_space<vmem_shared>> -> memref<625x128xf32, #tpu.memory_space<vmem_shared>>
      %dma_start3A_11 = arith.constant 0 : i32
      %dma_start3A_12 = arith.constant 0 : i32
      %dma_start3A_13 = tpu.memref_slice %arg3[%add3A, %dma_start3A_11, %dma_start3A_12] : memref<32x625x128xf32, #tpu.memory_space<hbm>> -> memref<1x625x128xf32, #tpu.memory_space<hbm>>
      %dma_start3A_14 = tpu.memref_squeeze %dma_start3A_13 : memref<1x625x128xf32, #tpu.memory_space<hbm>> -> memref<625x128xf32, #tpu.memory_space<hbm>>
      tpu.enqueue_dma source(%dma_start3A_14 : memref<625x128xf32, #tpu.memory_space<hbm>>) target(%dma_start3A_10 : memref<625x128xf32, #tpu.memory_space<vmem_shared>>) target_semaphore(%run_scoped3A : memref<!tpu.dma_semaphore, #tpu.memory_space<semaphore_mem>>)
      %dma_wait3A = arith.constant 0 : i32
      %dma_wait3A_15 = tpu.memref_slice %arg11[%mul3A_2, %dma_wait3A] : memref<10512x128xf32, #tpu.memory_space<vmem_shared>> -> memref<625x128xf32, #tpu.memory_space<vmem_shared>>
      %dma_wait3A_16 = arith.constant 0 : i32
      %dma_wait3A_17 = arith.constant 0 : i32
      %dma_wait3A_18 = tpu.memref_slice %arg3[%add3A, %dma_wait3A_16, %dma_wait3A_17] : memref<32x625x128xf32, #tpu.memory_space<hbm>> -> memref<1x625x128xf32, #tpu.memory_space<hbm>>
      %dma_wait3A_19 = tpu.memref_squeeze %dma_wait3A_18 : memref<1x625x128xf32, #tpu.memory_space<hbm>> -> memref<625x128xf32, #tpu.memory_space<hbm>>
      tpu.wait_dma2 semaphore(%run_scoped3A : memref<!tpu.dma_semaphore, #tpu.memory_space<semaphore_mem>>) src(%dma_wait3A_19 : memref<625x128xf32, #tpu.memory_space<hbm>>) dst(%dma_wait3A_15 : memref<625x128xf32, #tpu.memory_space<vmem_shared>>)
      tpu.yield
    }) : () -> ()
    %barrier3A = arith.constant 0 : index
    tpu.barrier barrier_id(%barrier3A)
    %scan3A = arith.constant 0 : i32
    %scan3A_3 = arith.constant 10 : i32
    %scan3A_4 = arith.addi %scan3A, %scan3A_3 : i32
    %scan3A_5 = arith.constant 1 : i32
    scf.for %scan3A_10 = %scan3A to %scan3A_4 step %scan3A_5  : i32 {
      %mul3A_11 = arith.constant 1 : i32
      %mul3A_12 = arith.muli %scan3A_10, %mul3A_11 : i32
      %add3A_13 = arith.constant 0 : i32
      %add3A_14 = arith.addi %add3A_13, %mul3A_12 : i32
      %mul3A_15 = arith.constant 16 : i32
      %mul3A_16 = arith.muli %add3A_14, %mul3A_15 : i32
      "tpu.region"() ({
        %run_scoped3A = tpu.sem_alloc : memref<!tpu.dma_semaphore, #tpu.memory_space<semaphore_mem>>
        %dma_start3A_30 = arith.constant 0 : i32
        %dma_start3A_31 = tpu.memref_slice %arg4[%add3A, %mul3A_16, %dma_start3A_30] : memref<32x160x128xi32, #tpu.memory_space<hbm>> -> memref<1x16x128xi32, #tpu.memory_space<hbm>>
        %dma_start3A_32 = tpu.memref_squeeze %dma_start3A_31 : memref<1x16x128xi32, #tpu.memory_space<hbm>> -> memref<16x128xi32, #tpu.memory_space<hbm>>
        %dma_start3A_33 = arith.constant 0 : i32
        %dma_start3A_34 = tpu.memref_slice %arg4[%add3A, %mul3A_16, %dma_start3A_33] : memref<32x160x128xi32, #tpu.memory_space<hbm>> -> memref<1x16x128xi32, #tpu.memory_space<hbm>>
        %dma_start3A_35 = tpu.memref_squeeze %dma_start3A_34 : memref<1x16x128xi32, #tpu.memory_space<hbm>> -> memref<16x128xi32, #tpu.memory_space<hbm>>
        tpu.enqueue_dma source(%dma_start3A_35 : memref<16x128xi32, #tpu.memory_space<hbm>>) target(%arg7 : memref<16x128xi32, #tpu.memory_space<vmem>>) target_semaphore(%run_scoped3A : memref<!tpu.dma_semaphore, #tpu.memory_space<semaphore_mem>>)
        %dma_wait3A = arith.constant 0 : i32
        %dma_wait3A_36 = tpu.memref_slice %arg4[%add3A, %mul3A_16, %dma_wait3A] : memref<32x160x128xi32, #tpu.memory_space<hbm>> -> memref<1x16x128xi32, #tpu.memory_space<hbm>>
        %dma_wait3A_37 = tpu.memref_squeeze %dma_wait3A_36 : memref<1x16x128xi32, #tpu.memory_space<hbm>> -> memref<16x128xi32, #tpu.memory_space<hbm>>
        %dma_wait3A_38 = arith.constant 0 : i32
        %dma_wait3A_39 = tpu.memref_slice %arg4[%add3A, %mul3A_16, %dma_wait3A_38] : memref<32x160x128xi32, #tpu.memory_space<hbm>> -> memref<1x16x128xi32, #tpu.memory_space<hbm>>
        %dma_wait3A_40 = tpu.memref_squeeze %dma_wait3A_39 : memref<1x16x128xi32, #tpu.memory_space<hbm>> -> memref<16x128xi32, #tpu.memory_space<hbm>>
        tpu.wait_dma2 semaphore(%run_scoped3A : memref<!tpu.dma_semaphore, #tpu.memory_space<semaphore_mem>>) src(%dma_wait3A_40 : memref<16x128xi32, #tpu.memory_space<hbm>>) dst(%arg7 : memref<16x128xi32, #tpu.memory_space<vmem>>)
        tpu.yield
      }) : () -> ()
      %mul3A_17 = arith.constant 16 : i32
      %mul3A_18 = arith.muli %add3A_14, %mul3A_17 : i32
      "tpu.region"() ({
        %run_scoped3A = tpu.sem_alloc : memref<!tpu.dma_semaphore, #tpu.memory_space<semaphore_mem>>
        %dma_start3A_30 = arith.constant 0 : i32
        %dma_start3A_31 = tpu.memref_slice %arg5[%arg1, %mul3A_18, %dma_start3A_30] : memref<16x160x128xi32, #tpu.memory_space<hbm>> -> memref<1x16x128xi32, #tpu.memory_space<hbm>>
        %dma_start3A_32 = tpu.memref_squeeze %dma_start3A_31 : memref<1x16x128xi32, #tpu.memory_space<hbm>> -> memref<16x128xi32, #tpu.memory_space<hbm>>
        %dma_start3A_33 = arith.constant 0 : i32
        %dma_start3A_34 = tpu.memref_slice %arg5[%arg1, %mul3A_18, %dma_start3A_33] : memref<16x160x128xi32, #tpu.memory_space<hbm>> -> memref<1x16x128xi32, #tpu.memory_space<hbm>>
        %dma_start3A_35 = tpu.memref_squeeze %dma_start3A_34 : memref<1x16x128xi32, #tpu.memory_space<hbm>> -> memref<16x128xi32, #tpu.memory_space<hbm>>
        tpu.enqueue_dma source(%dma_start3A_35 : memref<16x128xi32, #tpu.memory_space<hbm>>) target(%arg8 : memref<16x128xi32, #tpu.memory_space<vmem>>) target_semaphore(%run_scoped3A : memref<!tpu.dma_semaphore, #tpu.memory_space<semaphore_mem>>)
        %dma_wait3A = arith.constant 0 : i32
        %dma_wait3A_36 = tpu.memref_slice %arg5[%arg1, %mul3A_18, %dma_wait3A] : memref<16x160x128xi32, #tpu.memory_space<hbm>> -> memref<1x16x128xi32, #tpu.memory_space<hbm>>
        %dma_wait3A_37 = tpu.memref_squeeze %dma_wait3A_36 : memref<1x16x128xi32, #tpu.memory_space<hbm>> -> memref<16x128xi32, #tpu.memory_space<hbm>>
        %dma_wait3A_38 = arith.constant 0 : i32
        %dma_wait3A_39 = tpu.memref_slice %arg5[%arg1, %mul3A_18, %dma_wait3A_38] : memref<16x160x128xi32, #tpu.memory_space<hbm>> -> memref<1x16x128xi32, #tpu.memory_space<hbm>>
        %dma_wait3A_40 = tpu.memref_squeeze %dma_wait3A_39 : memref<1x16x128xi32, #tpu.memory_space<hbm>> -> memref<16x128xi32, #tpu.memory_space<hbm>>
        tpu.wait_dma2 semaphore(%run_scoped3A : memref<!tpu.dma_semaphore, #tpu.memory_space<semaphore_mem>>) src(%dma_wait3A_40 : memref<16x128xi32, #tpu.memory_space<hbm>>) dst(%arg8 : memref<16x128xi32, #tpu.memory_space<vmem>>)
        tpu.yield
      }) : () -> ()
      %dma_start3A = arith.constant 0 : i32
      %dma_start3A_19 = arith.constant 0 : i32
      %dma_start3A_20 = tpu.memref_slice %arg7[%dma_start3A, %dma_start3A_19] : memref<16x128xi32, #tpu.memory_space<vmem>> -> memref<1x128xi32, #tpu.memory_space<vmem>>
      %dma_start3A_21 = tpu.memref_squeeze %dma_start3A_20 : memref<1x128xi32, #tpu.memory_space<vmem>> -> memref<128xi32, #tpu.memory_space<vmem>>
      %dma_start3A_22 = arith.constant 0 : i32
      %dma_start3A_23 = arith.constant 0 : i32
      %dma_start3A_24 = tpu.memref_slice %arg2[%dma_start3A_22, %dma_start3A_23] : memref<20000x128xf32, #tpu.memory_space<hbm>> -> memref<20000x128xf32, #tpu.memory_space<hbm>>
      tpu.enqueue_indirect_dma source(%dma_start3A_24 : memref<20000x128xf32, #tpu.memory_space<hbm>>) target(%arg9 : memref<128x128xf32, #tpu.memory_space<vmem>>) offsets(%dma_start3A_21 : memref<128xi32, #tpu.memory_space<vmem>>) semaphore(%arg12 : memref<!tpu.dma_semaphore, #tpu.memory_space<semaphore_mem>>)
      %scan3A_25 = arith.constant 0 : i32
      %scan3A_26 = arith.constant 8 : i32
      %scan3A_27 = arith.addi %scan3A_25, %scan3A_26 : i32
      %scan3A_28 = arith.constant 1 : i32
      scf.for %scan3A_30 = %scan3A_25 to %scan3A_27 step %scan3A_28  : i32 {
        %mul3A_31 = arith.constant 1 : i32
        %mul3A_32 = arith.muli %scan3A_30, %mul3A_31 : i32
        %add3A_33 = arith.constant 0 : i32
        %add3A_34 = arith.addi %add3A_33, %mul3A_32 : i32
        %mul3A_35 = arith.constant 2 : i32
        %mul3A_36 = arith.muli %mul3A_35, %add3A_34 : i32
        %add3A_37 = arith.constant 1 : i32
        %add3A_38 = arith.addi %mul3A_36, %add3A_37 : i32
        %dma_start3A_39 = arith.constant 0 : i32
        %dma_start3A_40 = tpu.memref_slice %arg7[%add3A_38, %dma_start3A_39] : memref<16x128xi32, #tpu.memory_space<vmem>> -> memref<1x128xi32, #tpu.memory_space<vmem>>
        %dma_start3A_41 = tpu.memref_squeeze %dma_start3A_40 : memref<1x128xi32, #tpu.memory_space<vmem>> -> memref<128xi32, #tpu.memory_space<vmem>>
        %dma_start3A_42 = arith.constant 0 : i32
        %dma_start3A_43 = arith.constant 0 : i32
        %dma_start3A_44 = tpu.memref_slice %arg2[%dma_start3A_42, %dma_start3A_43] : memref<20000x128xf32, #tpu.memory_space<hbm>> -> memref<20000x128xf32, #tpu.memory_space<hbm>>
        tpu.enqueue_indirect_dma source(%dma_start3A_44 : memref<20000x128xf32, #tpu.memory_space<hbm>>) target(%arg10 : memref<128x128xf32, #tpu.memory_space<vmem>>) offsets(%dma_start3A_41 : memref<128xi32, #tpu.memory_space<vmem>>) semaphore(%arg13 : memref<!tpu.dma_semaphore, #tpu.memory_space<semaphore_mem>>)
        %dma_wait3A = arith.constant 0 : i32
        %dma_wait3A_45 = tpu.memref_slice %arg7[%mul3A_36, %dma_wait3A] : memref<16x128xi32, #tpu.memory_space<vmem>> -> memref<1x128xi32, #tpu.memory_space<vmem>>
        %dma_wait3A_46 = tpu.memref_squeeze %dma_wait3A_45 : memref<1x128xi32, #tpu.memory_space<vmem>> -> memref<128xi32, #tpu.memory_space<vmem>>
        %dma_wait3A_47 = arith.constant 0 : i32
        %dma_wait3A_48 = arith.constant 0 : i32
        %dma_wait3A_49 = tpu.memref_slice %arg2[%dma_wait3A_47, %dma_wait3A_48] : memref<20000x128xf32, #tpu.memory_space<hbm>> -> memref<20000x128xf32, #tpu.memory_space<hbm>>
        tpu.wait_indirect_dma semaphore(%arg12 : memref<!tpu.dma_semaphore, #tpu.memory_space<semaphore_mem>>) src(%dma_wait3A_49 : memref<20000x128xf32, #tpu.memory_space<hbm>>) dst(%arg9 : memref<128x128xf32, #tpu.memory_space<vmem>>)
        "tpu.region"() ({
          %run_scoped3A = tpu.sem_alloc : memref<!tpu.dma_semaphore, #tpu.memory_space<semaphore_mem>>
          %dma_start3A_62 = arith.constant 0 : i32
          %dma_start3A_63 = tpu.memref_slice %arg8[%mul3A_36, %dma_start3A_62] : memref<16x128xi32, #tpu.memory_space<vmem>> -> memref<1x128xi32, #tpu.memory_space<vmem>>
          %dma_start3A_64 = tpu.memref_squeeze %dma_start3A_63 : memref<1x128xi32, #tpu.memory_space<vmem>> -> memref<128xi32, #tpu.memory_space<vmem>>
          %dma_start3A_65 = arith.constant 0 : i32
          %dma_start3A_66 = arith.constant 0 : i32
          %dma_start3A_67 = tpu.memref_slice %arg11[%dma_start3A_65, %dma_start3A_66] : memref<10512x128xf32, #tpu.memory_space<vmem_shared>> -> memref<10512x128xf32, #tpu.memory_space<vmem_shared>>
          tpu.enqueue_indirect_dma source(%arg9 : memref<128x128xf32, #tpu.memory_space<vmem>>) target(%dma_start3A_67 : memref<10512x128xf32, #tpu.memory_space<vmem_shared>>) offsets(%dma_start3A_64 : memref<128xi32, #tpu.memory_space<vmem>>) semaphore(%run_scoped3A : memref<!tpu.dma_semaphore, #tpu.memory_space<semaphore_mem>>) {add = true}
          %dma_wait3A_68 = arith.constant 0 : i32
          %dma_wait3A_69 = tpu.memref_slice %arg8[%mul3A_36, %dma_wait3A_68] : memref<16x128xi32, #tpu.memory_space<vmem>> -> memref<1x128xi32, #tpu.memory_space<vmem>>
          %dma_wait3A_70 = tpu.memref_squeeze %dma_wait3A_69 : memref<1x128xi32, #tpu.memory_space<vmem>> -> memref<128xi32, #tpu.memory_space<vmem>>
          %dma_wait3A_71 = arith.constant 0 : i32
          %dma_wait3A_72 = arith.constant 0 : i32
          %dma_wait3A_73 = tpu.memref_slice %arg11[%dma_wait3A_71, %dma_wait3A_72] : memref<10512x128xf32, #tpu.memory_space<vmem_shared>> -> memref<10512x128xf32, #tpu.memory_space<vmem_shared>>
          tpu.wait_indirect_dma semaphore(%run_scoped3A : memref<!tpu.dma_semaphore, #tpu.memory_space<semaphore_mem>>) src(%arg9 : memref<128x128xf32, #tpu.memory_space<vmem>>) dst(%dma_wait3A_73 : memref<10512x128xf32, #tpu.memory_space<vmem_shared>>)
          tpu.yield
        }) : () -> ()
        %lt3A = arith.constant 7 : i32
        %lt3A_50 = arith.cmpi slt, %add3A_34, %lt3A : i32
        %convert_element_type3A = arith.extui %lt3A_50 : i1 to i32
        %cond3A = arith.constant 0 : i32
        %cond3A_51 = arith.cmpi ne, %convert_element_type3A, %cond3A : i32
        scf.if %cond3A_51 {
          %add3A_62 = arith.constant 2 : i32
          %add3A_63 = arith.addi %mul3A_36, %add3A_62 : i32
          %dma_start3A_64 = arith.constant 0 : i32
          %dma_start3A_65 = tpu.memref_slice %arg7[%add3A_63, %dma_start3A_64] : memref<16x128xi32, #tpu.memory_space<vmem>> -> memref<1x128xi32, #tpu.memory_space<vmem>>
          %dma_start3A_66 = tpu.memref_squeeze %dma_start3A_65 : memref<1x128xi32, #tpu.memory_space<vmem>> -> memref<128xi32, #tpu.memory_space<vmem>>
          %dma_start3A_67 = arith.constant 0 : i32
          %dma_start3A_68 = arith.constant 0 : i32
          %dma_start3A_69 = tpu.memref_slice %arg2[%dma_start3A_67, %dma_start3A_68] : memref<20000x128xf32, #tpu.memory_space<hbm>> -> memref<20000x128xf32, #tpu.memory_space<hbm>>
          tpu.enqueue_indirect_dma source(%dma_start3A_69 : memref<20000x128xf32, #tpu.memory_space<hbm>>) target(%arg9 : memref<128x128xf32, #tpu.memory_space<vmem>>) offsets(%dma_start3A_66 : memref<128xi32, #tpu.memory_space<vmem>>) semaphore(%arg12 : memref<!tpu.dma_semaphore, #tpu.memory_space<semaphore_mem>>)
        } else {
        }
        %add3A_52 = arith.constant 1 : i32
        %add3A_53 = arith.addi %mul3A_36, %add3A_52 : i32
        %dma_wait3A_54 = arith.constant 0 : i32
        %dma_wait3A_55 = tpu.memref_slice %arg7[%add3A_53, %dma_wait3A_54] : memref<16x128xi32, #tpu.memory_space<vmem>> -> memref<1x128xi32, #tpu.memory_space<vmem>>
        %dma_wait3A_56 = tpu.memref_squeeze %dma_wait3A_55 : memref<1x128xi32, #tpu.memory_space<vmem>> -> memref<128xi32, #tpu.memory_space<vmem>>
        %dma_wait3A_57 = arith.constant 0 : i32
        %dma_wait3A_58 = arith.constant 0 : i32
        %dma_wait3A_59 = tpu.memref_slice %arg2[%dma_wait3A_57, %dma_wait3A_58] : memref<20000x128xf32, #tpu.memory_space<hbm>> -> memref<20000x128xf32, #tpu.memory_space<hbm>>
        tpu.wait_indirect_dma semaphore(%arg13 : memref<!tpu.dma_semaphore, #tpu.memory_space<semaphore_mem>>) src(%dma_wait3A_59 : memref<20000x128xf32, #tpu.memory_space<hbm>>) dst(%arg10 : memref<128x128xf32, #tpu.memory_space<vmem>>)
        %add3A_60 = arith.constant 1 : i32
        %add3A_61 = arith.addi %mul3A_36, %add3A_60 : i32
        "tpu.region"() ({
          %run_scoped3A = tpu.sem_alloc : memref<!tpu.dma_semaphore, #tpu.memory_space<semaphore_mem>>
          %dma_start3A_62 = arith.constant 0 : i32
          %dma_start3A_63 = tpu.memref_slice %arg8[%add3A_61, %dma_start3A_62] : memref<16x128xi32, #tpu.memory_space<vmem>> -> memref<1x128xi32, #tpu.memory_space<vmem>>
          %dma_start3A_64 = tpu.memref_squeeze %dma_start3A_63 : memref<1x128xi32, #tpu.memory_space<vmem>> -> memref<128xi32, #tpu.memory_space<vmem>>
          %dma_start3A_65 = arith.constant 0 : i32
          %dma_start3A_66 = arith.constant 0 : i32
          %dma_start3A_67 = tpu.memref_slice %arg11[%dma_start3A_65, %dma_start3A_66] : memref<10512x128xf32, #tpu.memory_space<vmem_shared>> -> memref<10512x128xf32, #tpu.memory_space<vmem_shared>>
          tpu.enqueue_indirect_dma source(%arg10 : memref<128x128xf32, #tpu.memory_space<vmem>>) target(%dma_start3A_67 : memref<10512x128xf32, #tpu.memory_space<vmem_shared>>) offsets(%dma_start3A_64 : memref<128xi32, #tpu.memory_space<vmem>>) semaphore(%run_scoped3A : memref<!tpu.dma_semaphore, #tpu.memory_space<semaphore_mem>>) {add = true}
          %dma_wait3A_68 = arith.constant 0 : i32
          %dma_wait3A_69 = tpu.memref_slice %arg8[%add3A_61, %dma_wait3A_68] : memref<16x128xi32, #tpu.memory_space<vmem>> -> memref<1x128xi32, #tpu.memory_space<vmem>>
          %dma_wait3A_70 = tpu.memref_squeeze %dma_wait3A_69 : memref<1x128xi32, #tpu.memory_space<vmem>> -> memref<128xi32, #tpu.memory_space<vmem>>
          %dma_wait3A_71 = arith.constant 0 : i32
          %dma_wait3A_72 = arith.constant 0 : i32
          %dma_wait3A_73 = tpu.memref_slice %arg11[%dma_wait3A_71, %dma_wait3A_72] : memref<10512x128xf32, #tpu.memory_space<vmem_shared>> -> memref<10512x128xf32, #tpu.memory_space<vmem_shared>>
          tpu.wait_indirect_dma semaphore(%run_scoped3A : memref<!tpu.dma_semaphore, #tpu.memory_space<semaphore_mem>>) src(%arg10 : memref<128x128xf32, #tpu.memory_space<vmem>>) dst(%dma_wait3A_73 : memref<10512x128xf32, #tpu.memory_space<vmem_shared>>)
          tpu.yield
        }) : () -> ()
      }
      %scan3A_29 = arith.constant 8 : i32
    }
    %scan3A_6 = arith.constant 10 : i32
    %barrier3A_7 = arith.constant 0 : index
    tpu.barrier barrier_id(%barrier3A_7)
    %mul3A_8 = arith.constant 625 : i32
    %mul3A_9 = arith.muli %arg1, %mul3A_8 : i32
    "tpu.region"() ({
      %run_scoped3A = tpu.sem_alloc : memref<!tpu.dma_semaphore, #tpu.memory_space<semaphore_mem>>
      %dma_start3A = arith.constant 0 : i32
      %dma_start3A_10 = arith.constant 0 : i32
      %dma_start3A_11 = tpu.memref_slice %arg6[%add3A, %dma_start3A, %dma_start3A_10] : memref<32x625x128xf32, #tpu.memory_space<hbm>> -> memref<1x625x128xf32, #tpu.memory_space<hbm>>
      %dma_start3A_12 = tpu.memref_squeeze %dma_start3A_11 : memref<1x625x128xf32, #tpu.memory_space<hbm>> -> memref<625x128xf32, #tpu.memory_space<hbm>>
      %dma_start3A_13 = arith.constant 0 : i32
      %dma_start3A_14 = tpu.memref_slice %arg11[%mul3A_9, %dma_start3A_13] : memref<10512x128xf32, #tpu.memory_space<vmem_shared>> -> memref<625x128xf32, #tpu.memory_space<vmem_shared>>
      tpu.enqueue_dma source(%dma_start3A_14 : memref<625x128xf32, #tpu.memory_space<vmem_shared>>) target(%dma_start3A_12 : memref<625x128xf32, #tpu.memory_space<hbm>>) target_semaphore(%run_scoped3A : memref<!tpu.dma_semaphore, #tpu.memory_space<semaphore_mem>>)
      %dma_wait3A = arith.constant 0 : i32
      %dma_wait3A_15 = arith.constant 0 : i32
      %dma_wait3A_16 = tpu.memref_slice %arg6[%add3A, %dma_wait3A, %dma_wait3A_15] : memref<32x625x128xf32, #tpu.memory_space<hbm>> -> memref<1x625x128xf32, #tpu.memory_space<hbm>>
      %dma_wait3A_17 = tpu.memref_squeeze %dma_wait3A_16 : memref<1x625x128xf32, #tpu.memory_space<hbm>> -> memref<625x128xf32, #tpu.memory_space<hbm>>
      %dma_wait3A_18 = arith.constant 0 : i32
      %dma_wait3A_19 = tpu.memref_slice %arg11[%mul3A_9, %dma_wait3A_18] : memref<10512x128xf32, #tpu.memory_space<vmem_shared>> -> memref<625x128xf32, #tpu.memory_space<vmem_shared>>
      tpu.wait_dma2 semaphore(%run_scoped3A : memref<!tpu.dma_semaphore, #tpu.memory_space<semaphore_mem>>) src(%dma_wait3A_19 : memref<625x128xf32, #tpu.memory_space<vmem_shared>>) dst(%dma_wait3A_17 : memref<625x128xf32, #tpu.memory_space<hbm>>)
      tpu.yield
    }) : () -> ()
    return
  }
}

#map = affine_map<(d0, d1) -> (0, 0)>
#map1 = affine_map<(d0, d1) -> (0, 0, 0)>
module attributes {stable_mosaic.version = 14 : i64} {
  func.func @agg(%arg0: i32, %arg1: i32, %arg2: memref<20000x128xf32, #tpu.memory_space<hbm>>, %arg3: memref<32x625x128xf32, #tpu.memory_space<hbm>>, %arg4: memref<32x160x128xi32, #tpu.memory_space<hbm>>, %arg5: memref<16x160x128xi32, #tpu.memory_space<hbm>>, %arg6: memref<32x625x128xf32, #tpu.memory_space<hbm>>, %arg7: memref<16x128xi32, #tpu.memory_space<vmem>>, %arg8: memref<16x128xi32, #tpu.memory_space<vmem>>, %arg9: memref<128x128xf32, #tpu.memory_space<vmem>>, %arg10: memref<128x128xf32, #tpu.memory_space<vmem>>, %arg11: memref<10512x128xf32, #tpu.memory_space<vmem_shared>>, %arg12: memref<!tpu.dma_semaphore, #tpu.memory_space<semaphore_mem>>, %arg13: memref<!tpu.dma_semaphore, #tpu.memory_space<semaphore_mem>>) attributes {dimension_semantics = [#tpu.dimension_semantics<core_parallel>, #tpu.dimension_semantics<subcore_parallel>], iteration_bounds = array<i64: 2, 16>, scalar_prefetch = 0 : i64, scratch_operands = 7 : i64, tpu.core_type = #tpu.core_type<sc_vector_subcore>, window_params = [{transform_indices = #map}, {transform_indices = #map1}, {transform_indices = #map1}, {transform_indices = #map1}, {transform_indices = #map1}]} {
    %mul3A = arith.constant 16 : i32
    %mul3A_0 = arith.muli %arg0, %mul3A : i32
    %add3A = arith.addi %mul3A_0, %arg1 : i32
    %mul3A_1 = arith.constant 625 : i32
    %mul3A_2 = arith.muli %arg1, %mul3A_1 : i32
    "tpu.region"() ({
      %run_scoped3A = tpu.sem_alloc : memref<!tpu.dma_semaphore, #tpu.memory_space<semaphore_mem>>
      %dma_start3A = arith.constant 0 : i32
      %dma_start3A_10 = tpu.memref_slice %arg11[%mul3A_2, %dma_start3A] : memref<10512x128xf32, #tpu.memory_space<vmem_shared>> -> memref<625x128xf32, #tpu.memory_space<vmem_shared>>
      %dma_start3A_11 = arith.constant 0 : i32
      %dma_start3A_12 = arith.constant 0 : i32
      %dma_start3A_13 = tpu.memref_slice %arg3[%add3A, %dma_start3A_11, %dma_start3A_12] : memref<32x625x128xf32, #tpu.memory_space<hbm>> -> memref<1x625x128xf32, #tpu.memory_space<hbm>>
      %dma_start3A_14 = tpu.memref_squeeze %dma_start3A_13 : memref<1x625x128xf32, #tpu.memory_space<hbm>> -> memref<625x128xf32, #tpu.memory_space<hbm>>
      tpu.enqueue_dma source(%dma_start3A_14 : memref<625x128xf32, #tpu.memory_space<hbm>>) target(%dma_start3A_10 : memref<625x128xf32, #tpu.memory_space<vmem_shared>>) target_semaphore(%run_scoped3A : memref<!tpu.dma_semaphore, #tpu.memory_space<semaphore_mem>>)
      %dma_wait3A = arith.constant 0 : i32
      %dma_wait3A_15 = tpu.memref_slice %arg11[%mul3A_2, %dma_wait3A] : memref<10512x128xf32, #tpu.memory_space<vmem_shared>> -> memref<625x128xf32, #tpu.memory_space<vmem_shared>>
      %dma_wait3A_16 = arith.constant 0 : i32
      %dma_wait3A_17 = arith.constant 0 : i32
      %dma_wait3A_18 = tpu.memref_slice %arg3[%add3A, %dma_wait3A_16, %dma_wait3A_17] : memref<32x625x128xf32, #tpu.memory_space<hbm>> -> memref<1x625x128xf32, #tpu.memory_space<hbm>>
      %dma_wait3A_19 = tpu.memref_squeeze %dma_wait3A_18 : memref<1x625x128xf32, #tpu.memory_space<hbm>> -> memref<625x128xf32, #tpu.memory_space<hbm>>
      tpu.wait_dma2 semaphore(%run_scoped3A : memref<!tpu.dma_semaphore, #tpu.memory_space<semaphore_mem>>) src(%dma_wait3A_19 : memref<625x128xf32, #tpu.memory_space<hbm>>) dst(%dma_wait3A_15 : memref<625x128xf32, #tpu.memory_space<vmem_shared>>)
      tpu.yield
    }) : () -> ()
    %barrier3A = arith.constant 0 : index
    tpu.barrier barrier_id(%barrier3A)
    %scan3A = arith.constant 0 : i32
    %scan3A_3 = arith.constant 10 : i32
    %scan3A_4 = arith.addi %scan3A, %scan3A_3 : i32
    %scan3A_5 = arith.constant 1 : i32
    scf.for %scan3A_10 = %scan3A to %scan3A_4 step %scan3A_5  : i32 {
      %mul3A_11 = arith.constant 1 : i32
      %mul3A_12 = arith.muli %scan3A_10, %mul3A_11 : i32
      %add3A_13 = arith.constant 0 : i32
      %add3A_14 = arith.addi %add3A_13, %mul3A_12 : i32
      %mul3A_15 = arith.constant 16 : i32
      %mul3A_16 = arith.muli %add3A_14, %mul3A_15 : i32
      "tpu.region"() ({
        %run_scoped3A = tpu.sem_alloc : memref<!tpu.dma_semaphore, #tpu.memory_space<semaphore_mem>>
        %dma_start3A_30 = arith.constant 0 : i32
        %dma_start3A_31 = tpu.memref_slice %arg4[%add3A, %mul3A_16, %dma_start3A_30] : memref<32x160x128xi32, #tpu.memory_space<hbm>> -> memref<1x16x128xi32, #tpu.memory_space<hbm>>
        %dma_start3A_32 = tpu.memref_squeeze %dma_start3A_31 : memref<1x16x128xi32, #tpu.memory_space<hbm>> -> memref<16x128xi32, #tpu.memory_space<hbm>>
        %dma_start3A_33 = arith.constant 0 : i32
        %dma_start3A_34 = tpu.memref_slice %arg4[%add3A, %mul3A_16, %dma_start3A_33] : memref<32x160x128xi32, #tpu.memory_space<hbm>> -> memref<1x16x128xi32, #tpu.memory_space<hbm>>
        %dma_start3A_35 = tpu.memref_squeeze %dma_start3A_34 : memref<1x16x128xi32, #tpu.memory_space<hbm>> -> memref<16x128xi32, #tpu.memory_space<hbm>>
        tpu.enqueue_dma source(%dma_start3A_35 : memref<16x128xi32, #tpu.memory_space<hbm>>) target(%arg7 : memref<16x128xi32, #tpu.memory_space<vmem>>) target_semaphore(%run_scoped3A : memref<!tpu.dma_semaphore, #tpu.memory_space<semaphore_mem>>)
        %dma_wait3A = arith.constant 0 : i32
        %dma_wait3A_36 = tpu.memref_slice %arg4[%add3A, %mul3A_16, %dma_wait3A] : memref<32x160x128xi32, #tpu.memory_space<hbm>> -> memref<1x16x128xi32, #tpu.memory_space<hbm>>
        %dma_wait3A_37 = tpu.memref_squeeze %dma_wait3A_36 : memref<1x16x128xi32, #tpu.memory_space<hbm>> -> memref<16x128xi32, #tpu.memory_space<hbm>>
        %dma_wait3A_38 = arith.constant 0 : i32
        %dma_wait3A_39 = tpu.memref_slice %arg4[%add3A, %mul3A_16, %dma_wait3A_38] : memref<32x160x128xi32, #tpu.memory_space<hbm>> -> memref<1x16x128xi32, #tpu.memory_space<hbm>>
        %dma_wait3A_40 = tpu.memref_squeeze %dma_wait3A_39 : memref<1x16x128xi32, #tpu.memory_space<hbm>> -> memref<16x128xi32, #tpu.memory_space<hbm>>
        tpu.wait_dma2 semaphore(%run_scoped3A : memref<!tpu.dma_semaphore, #tpu.memory_space<semaphore_mem>>) src(%dma_wait3A_40 : memref<16x128xi32, #tpu.memory_space<hbm>>) dst(%arg7 : memref<16x128xi32, #tpu.memory_space<vmem>>)
        tpu.yield
      }) : () -> ()
      %mul3A_17 = arith.constant 16 : i32
      %mul3A_18 = arith.muli %add3A_14, %mul3A_17 : i32
      "tpu.region"() ({
        %run_scoped3A = tpu.sem_alloc : memref<!tpu.dma_semaphore, #tpu.memory_space<semaphore_mem>>
        %dma_start3A_30 = arith.constant 0 : i32
        %dma_start3A_31 = tpu.memref_slice %arg5[%arg1, %mul3A_18, %dma_start3A_30] : memref<16x160x128xi32, #tpu.memory_space<hbm>> -> memref<1x16x128xi32, #tpu.memory_space<hbm>>
        %dma_start3A_32 = tpu.memref_squeeze %dma_start3A_31 : memref<1x16x128xi32, #tpu.memory_space<hbm>> -> memref<16x128xi32, #tpu.memory_space<hbm>>
        %dma_start3A_33 = arith.constant 0 : i32
        %dma_start3A_34 = tpu.memref_slice %arg5[%arg1, %mul3A_18, %dma_start3A_33] : memref<16x160x128xi32, #tpu.memory_space<hbm>> -> memref<1x16x128xi32, #tpu.memory_space<hbm>>
        %dma_start3A_35 = tpu.memref_squeeze %dma_start3A_34 : memref<1x16x128xi32, #tpu.memory_space<hbm>> -> memref<16x128xi32, #tpu.memory_space<hbm>>
        tpu.enqueue_dma source(%dma_start3A_35 : memref<16x128xi32, #tpu.memory_space<hbm>>) target(%arg8 : memref<16x128xi32, #tpu.memory_space<vmem>>) target_semaphore(%run_scoped3A : memref<!tpu.dma_semaphore, #tpu.memory_space<semaphore_mem>>)
        %dma_wait3A = arith.constant 0 : i32
        %dma_wait3A_36 = tpu.memref_slice %arg5[%arg1, %mul3A_18, %dma_wait3A] : memref<16x160x128xi32, #tpu.memory_space<hbm>> -> memref<1x16x128xi32, #tpu.memory_space<hbm>>
        %dma_wait3A_37 = tpu.memref_squeeze %dma_wait3A_36 : memref<1x16x128xi32, #tpu.memory_space<hbm>> -> memref<16x128xi32, #tpu.memory_space<hbm>>
        %dma_wait3A_38 = arith.constant 0 : i32
        %dma_wait3A_39 = tpu.memref_slice %arg5[%arg1, %mul3A_18, %dma_wait3A_38] : memref<16x160x128xi32, #tpu.memory_space<hbm>> -> memref<1x16x128xi32, #tpu.memory_space<hbm>>
        %dma_wait3A_40 = tpu.memref_squeeze %dma_wait3A_39 : memref<1x16x128xi32, #tpu.memory_space<hbm>> -> memref<16x128xi32, #tpu.memory_space<hbm>>
        tpu.wait_dma2 semaphore(%run_scoped3A : memref<!tpu.dma_semaphore, #tpu.memory_space<semaphore_mem>>) src(%dma_wait3A_40 : memref<16x128xi32, #tpu.memory_space<hbm>>) dst(%arg8 : memref<16x128xi32, #tpu.memory_space<vmem>>)
        tpu.yield
      }) : () -> ()
      %dma_start3A = arith.constant 0 : i32
      %dma_start3A_19 = arith.constant 0 : i32
      %dma_start3A_20 = tpu.memref_slice %arg7[%dma_start3A, %dma_start3A_19] : memref<16x128xi32, #tpu.memory_space<vmem>> -> memref<1x128xi32, #tpu.memory_space<vmem>>
      %dma_start3A_21 = tpu.memref_squeeze %dma_start3A_20 : memref<1x128xi32, #tpu.memory_space<vmem>> -> memref<128xi32, #tpu.memory_space<vmem>>
      %dma_start3A_22 = arith.constant 0 : i32
      %dma_start3A_23 = arith.constant 0 : i32
      %dma_start3A_24 = tpu.memref_slice %arg2[%dma_start3A_22, %dma_start3A_23] : memref<20000x128xf32, #tpu.memory_space<hbm>> -> memref<20000x128xf32, #tpu.memory_space<hbm>>
      tpu.enqueue_indirect_dma source(%dma_start3A_24 : memref<20000x128xf32, #tpu.memory_space<hbm>>) target(%arg9 : memref<128x128xf32, #tpu.memory_space<vmem>>) offsets(%dma_start3A_21 : memref<128xi32, #tpu.memory_space<vmem>>) semaphore(%arg12 : memref<!tpu.dma_semaphore, #tpu.memory_space<semaphore_mem>>)
      %scan3A_25 = arith.constant 0 : i32
      %scan3A_26 = arith.constant 8 : i32
      %scan3A_27 = arith.addi %scan3A_25, %scan3A_26 : i32
      %scan3A_28 = arith.constant 1 : i32
      scf.for %scan3A_30 = %scan3A_25 to %scan3A_27 step %scan3A_28  : i32 {
        %mul3A_31 = arith.constant 1 : i32
        %mul3A_32 = arith.muli %scan3A_30, %mul3A_31 : i32
        %add3A_33 = arith.constant 0 : i32
        %add3A_34 = arith.addi %add3A_33, %mul3A_32 : i32
        %mul3A_35 = arith.constant 2 : i32
        %mul3A_36 = arith.muli %mul3A_35, %add3A_34 : i32
        %add3A_37 = arith.constant 1 : i32
        %add3A_38 = arith.addi %mul3A_36, %add3A_37 : i32
        %dma_start3A_39 = arith.constant 0 : i32
        %dma_start3A_40 = tpu.memref_slice %arg7[%add3A_38, %dma_start3A_39] : memref<16x128xi32, #tpu.memory_space<vmem>> -> memref<1x128xi32, #tpu.memory_space<vmem>>
        %dma_start3A_41 = tpu.memref_squeeze %dma_start3A_40 : memref<1x128xi32, #tpu.memory_space<vmem>> -> memref<128xi32, #tpu.memory_space<vmem>>
        %dma_start3A_42 = arith.constant 0 : i32
        %dma_start3A_43 = arith.constant 0 : i32
        %dma_start3A_44 = tpu.memref_slice %arg2[%dma_start3A_42, %dma_start3A_43] : memref<20000x128xf32, #tpu.memory_space<hbm>> -> memref<20000x128xf32, #tpu.memory_space<hbm>>
        tpu.enqueue_indirect_dma source(%dma_start3A_44 : memref<20000x128xf32, #tpu.memory_space<hbm>>) target(%arg10 : memref<128x128xf32, #tpu.memory_space<vmem>>) offsets(%dma_start3A_41 : memref<128xi32, #tpu.memory_space<vmem>>) semaphore(%arg13 : memref<!tpu.dma_semaphore, #tpu.memory_space<semaphore_mem>>)
        %dma_wait3A = arith.constant 0 : i32
        %dma_wait3A_45 = tpu.memref_slice %arg7[%mul3A_36, %dma_wait3A] : memref<16x128xi32, #tpu.memory_space<vmem>> -> memref<1x128xi32, #tpu.memory_space<vmem>>
        %dma_wait3A_46 = tpu.memref_squeeze %dma_wait3A_45 : memref<1x128xi32, #tpu.memory_space<vmem>> -> memref<128xi32, #tpu.memory_space<vmem>>
        %dma_wait3A_47 = arith.constant 0 : i32
        %dma_wait3A_48 = arith.constant 0 : i32
        %dma_wait3A_49 = tpu.memref_slice %arg2[%dma_wait3A_47, %dma_wait3A_48] : memref<20000x128xf32, #tpu.memory_space<hbm>> -> memref<20000x128xf32, #tpu.memory_space<hbm>>
        tpu.wait_indirect_dma semaphore(%arg12 : memref<!tpu.dma_semaphore, #tpu.memory_space<semaphore_mem>>) src(%dma_wait3A_49 : memref<20000x128xf32, #tpu.memory_space<hbm>>) dst(%arg9 : memref<128x128xf32, #tpu.memory_space<vmem>>)
        "tpu.region"() ({
          %run_scoped3A = tpu.sem_alloc : memref<!tpu.dma_semaphore, #tpu.memory_space<semaphore_mem>>
          %dma_start3A_62 = arith.constant 0 : i32
          %dma_start3A_63 = tpu.memref_slice %arg8[%mul3A_36, %dma_start3A_62] : memref<16x128xi32, #tpu.memory_space<vmem>> -> memref<1x128xi32, #tpu.memory_space<vmem>>
          %dma_start3A_64 = tpu.memref_squeeze %dma_start3A_63 : memref<1x128xi32, #tpu.memory_space<vmem>> -> memref<128xi32, #tpu.memory_space<vmem>>
          %dma_start3A_65 = arith.constant 0 : i32
          %dma_start3A_66 = arith.constant 0 : i32
          %dma_start3A_67 = tpu.memref_slice %arg11[%dma_start3A_65, %dma_start3A_66] : memref<10512x128xf32, #tpu.memory_space<vmem_shared>> -> memref<10512x128xf32, #tpu.memory_space<vmem_shared>>
          tpu.enqueue_indirect_dma source(%arg9 : memref<128x128xf32, #tpu.memory_space<vmem>>) target(%dma_start3A_67 : memref<10512x128xf32, #tpu.memory_space<vmem_shared>>) offsets(%dma_start3A_64 : memref<128xi32, #tpu.memory_space<vmem>>) semaphore(%run_scoped3A : memref<!tpu.dma_semaphore, #tpu.memory_space<semaphore_mem>>) {add = true}
          %dma_wait3A_68 = arith.constant 0 : i32
          %dma_wait3A_69 = tpu.memref_slice %arg8[%mul3A_36, %dma_wait3A_68] : memref<16x128xi32, #tpu.memory_space<vmem>> -> memref<1x128xi32, #tpu.memory_space<vmem>>
          %dma_wait3A_70 = tpu.memref_squeeze %dma_wait3A_69 : memref<1x128xi32, #tpu.memory_space<vmem>> -> memref<128xi32, #tpu.memory_space<vmem>>
          %dma_wait3A_71 = arith.constant 0 : i32
          %dma_wait3A_72 = arith.constant 0 : i32
          %dma_wait3A_73 = tpu.memref_slice %arg11[%dma_wait3A_71, %dma_wait3A_72] : memref<10512x128xf32, #tpu.memory_space<vmem_shared>> -> memref<10512x128xf32, #tpu.memory_space<vmem_shared>>
          tpu.wait_indirect_dma semaphore(%run_scoped3A : memref<!tpu.dma_semaphore, #tpu.memory_space<semaphore_mem>>) src(%arg9 : memref<128x128xf32, #tpu.memory_space<vmem>>) dst(%dma_wait3A_73 : memref<10512x128xf32, #tpu.memory_space<vmem_shared>>)
          tpu.yield
        }) : () -> ()
        %lt3A = arith.constant 7 : i32
        %lt3A_50 = arith.cmpi slt, %add3A_34, %lt3A : i32
        %convert_element_type3A = arith.extui %lt3A_50 : i1 to i32
        %cond3A = arith.constant 0 : i32
        %cond3A_51 = arith.cmpi ne, %convert_element_type3A, %cond3A : i32
        scf.if %cond3A_51 {
          %add3A_62 = arith.constant 2 : i32
          %add3A_63 = arith.addi %mul3A_36, %add3A_62 : i32
          %dma_start3A_64 = arith.constant 0 : i32
          %dma_start3A_65 = tpu.memref_slice %arg7[%add3A_63, %dma_start3A_64] : memref<16x128xi32, #tpu.memory_space<vmem>> -> memref<1x128xi32, #tpu.memory_space<vmem>>
          %dma_start3A_66 = tpu.memref_squeeze %dma_start3A_65 : memref<1x128xi32, #tpu.memory_space<vmem>> -> memref<128xi32, #tpu.memory_space<vmem>>
          %dma_start3A_67 = arith.constant 0 : i32
          %dma_start3A_68 = arith.constant 0 : i32
          %dma_start3A_69 = tpu.memref_slice %arg2[%dma_start3A_67, %dma_start3A_68] : memref<20000x128xf32, #tpu.memory_space<hbm>> -> memref<20000x128xf32, #tpu.memory_space<hbm>>
          tpu.enqueue_indirect_dma source(%dma_start3A_69 : memref<20000x128xf32, #tpu.memory_space<hbm>>) target(%arg9 : memref<128x128xf32, #tpu.memory_space<vmem>>) offsets(%dma_start3A_66 : memref<128xi32, #tpu.memory_space<vmem>>) semaphore(%arg12 : memref<!tpu.dma_semaphore, #tpu.memory_space<semaphore_mem>>)
        } else {
        }
        %add3A_52 = arith.constant 1 : i32
        %add3A_53 = arith.addi %mul3A_36, %add3A_52 : i32
        %dma_wait3A_54 = arith.constant 0 : i32
        %dma_wait3A_55 = tpu.memref_slice %arg7[%add3A_53, %dma_wait3A_54] : memref<16x128xi32, #tpu.memory_space<vmem>> -> memref<1x128xi32, #tpu.memory_space<vmem>>
        %dma_wait3A_56 = tpu.memref_squeeze %dma_wait3A_55 : memref<1x128xi32, #tpu.memory_space<vmem>> -> memref<128xi32, #tpu.memory_space<vmem>>
        %dma_wait3A_57 = arith.constant 0 : i32
        %dma_wait3A_58 = arith.constant 0 : i32
        %dma_wait3A_59 = tpu.memref_slice %arg2[%dma_wait3A_57, %dma_wait3A_58] : memref<20000x128xf32, #tpu.memory_space<hbm>> -> memref<20000x128xf32, #tpu.memory_space<hbm>>
        tpu.wait_indirect_dma semaphore(%arg13 : memref<!tpu.dma_semaphore, #tpu.memory_space<semaphore_mem>>) src(%dma_wait3A_59 : memref<20000x128xf32, #tpu.memory_space<hbm>>) dst(%arg10 : memref<128x128xf32, #tpu.memory_space<vmem>>)
        %add3A_60 = arith.constant 1 : i32
        %add3A_61 = arith.addi %mul3A_36, %add3A_60 : i32
        "tpu.region"() ({
          %run_scoped3A = tpu.sem_alloc : memref<!tpu.dma_semaphore, #tpu.memory_space<semaphore_mem>>
          %dma_start3A_62 = arith.constant 0 : i32
          %dma_start3A_63 = tpu.memref_slice %arg8[%add3A_61, %dma_start3A_62] : memref<16x128xi32, #tpu.memory_space<vmem>> -> memref<1x128xi32, #tpu.memory_space<vmem>>
          %dma_start3A_64 = tpu.memref_squeeze %dma_start3A_63 : memref<1x128xi32, #tpu.memory_space<vmem>> -> memref<128xi32, #tpu.memory_space<vmem>>
          %dma_start3A_65 = arith.constant 0 : i32
          %dma_start3A_66 = arith.constant 0 : i32
          %dma_start3A_67 = tpu.memref_slice %arg11[%dma_start3A_65, %dma_start3A_66] : memref<10512x128xf32, #tpu.memory_space<vmem_shared>> -> memref<10512x128xf32, #tpu.memory_space<vmem_shared>>
          tpu.enqueue_indirect_dma source(%arg10 : memref<128x128xf32, #tpu.memory_space<vmem>>) target(%dma_start3A_67 : memref<10512x128xf32, #tpu.memory_space<vmem_shared>>) offsets(%dma_start3A_64 : memref<128xi32, #tpu.memory_space<vmem>>) semaphore(%run_scoped3A : memref<!tpu.dma_semaphore, #tpu.memory_space<semaphore_mem>>) {add = true}
          %dma_wait3A_68 = arith.constant 0 : i32
          %dma_wait3A_69 = tpu.memref_slice %arg8[%add3A_61, %dma_wait3A_68] : memref<16x128xi32, #tpu.memory_space<vmem>> -> memref<1x128xi32, #tpu.memory_space<vmem>>
          %dma_wait3A_70 = tpu.memref_squeeze %dma_wait3A_69 : memref<1x128xi32, #tpu.memory_space<vmem>> -> memref<128xi32, #tpu.memory_space<vmem>>
          %dma_wait3A_71 = arith.constant 0 : i32
          %dma_wait3A_72 = arith.constant 0 : i32
          %dma_wait3A_73 = tpu.memref_slice %arg11[%dma_wait3A_71, %dma_wait3A_72] : memref<10512x128xf32, #tpu.memory_space<vmem_shared>> -> memref<10512x128xf32, #tpu.memory_space<vmem_shared>>
          tpu.wait_indirect_dma semaphore(%run_scoped3A : memref<!tpu.dma_semaphore, #tpu.memory_space<semaphore_mem>>) src(%arg10 : memref<128x128xf32, #tpu.memory_space<vmem>>) dst(%dma_wait3A_73 : memref<10512x128xf32, #tpu.memory_space<vmem_shared>>)
          tpu.yield
        }) : () -> ()
      }
      %scan3A_29 = arith.constant 8 : i32
    }
    %scan3A_6 = arith.constant 10 : i32
    %barrier3A_7 = arith.constant 0 : index
    tpu.barrier barrier_id(%barrier3A_7)
    %mul3A_8 = arith.constant 625 : i32
    %mul3A_9 = arith.muli %arg1, %mul3A_8 : i32
    "tpu.region"() ({
      %run_scoped3A = tpu.sem_alloc : memref<!tpu.dma_semaphore, #tpu.memory_space<semaphore_mem>>
      %dma_start3A = arith.constant 0 : i32
      %dma_start3A_10 = arith.constant 0 : i32
      %dma_start3A_11 = tpu.memref_slice %arg6[%add3A, %dma_start3A, %dma_start3A_10] : memref<32x625x128xf32, #tpu.memory_space<hbm>> -> memref<1x625x128xf32, #tpu.memory_space<hbm>>
      %dma_start3A_12 = tpu.memref_squeeze %dma_start3A_11 : memref<1x625x128xf32, #tpu.memory_space<hbm>> -> memref<625x128xf32, #tpu.memory_space<hbm>>
      %dma_start3A_13 = arith.constant 0 : i32
      %dma_start3A_14 = tpu.memref_slice %arg11[%mul3A_9, %dma_start3A_13] : memref<10512x128xf32, #tpu.memory_space<vmem_shared>> -> memref<625x128xf32, #tpu.memory_space<vmem_shared>>
      tpu.enqueue_dma source(%dma_start3A_14 : memref<625x128xf32, #tpu.memory_space<vmem_shared>>) target(%dma_start3A_12 : memref<625x128xf32, #tpu.memory_space<hbm>>) target_semaphore(%run_scoped3A : memref<!tpu.dma_semaphore, #tpu.memory_space<semaphore_mem>>)
      %dma_wait3A = arith.constant 0 : i32
      %dma_wait3A_15 = arith.constant 0 : i32
      %dma_wait3A_16 = tpu.memref_slice %arg6[%add3A, %dma_wait3A, %dma_wait3A_15] : memref<32x625x128xf32, #tpu.memory_space<hbm>> -> memref<1x625x128xf32, #tpu.memory_space<hbm>>
      %dma_wait3A_17 = tpu.memref_squeeze %dma_wait3A_16 : memref<1x625x128xf32, #tpu.memory_space<hbm>> -> memref<625x128xf32, #tpu.memory_space<hbm>>
      %dma_wait3A_18 = arith.constant 0 : i32
      %dma_wait3A_19 = tpu.memref_slice %arg11[%mul3A_9, %dma_wait3A_18] : memref<10512x128xf32, #tpu.memory_space<vmem_shared>> -> memref<625x128xf32, #tpu.memory_space<vmem_shared>>
      tpu.wait_dma2 semaphore(%run_scoped3A : memref<!tpu.dma_semaphore, #tpu.memory_space<semaphore_mem>>) src(%dma_wait3A_19 : memref<625x128xf32, #tpu.memory_space<vmem_shared>>) dst(%dma_wait3A_17 : memref<625x128xf32, #tpu.memory_space<hbm>>)
      tpu.yield
    }) : () -> ()
    return
  }
}

#map = affine_map<(d0, d1) -> (0, 0)>
#map1 = affine_map<(d0, d1) -> (0, 0, 0)>
module attributes {stable_mosaic.version = 14 : i64} {
  func.func @agg(%arg0: i32, %arg1: i32, %arg2: memref<20000x128xf32, #tpu.memory_space<hbm>>, %arg3: memref<32x625x128xf32, #tpu.memory_space<hbm>>, %arg4: memref<32x160x128xi32, #tpu.memory_space<hbm>>, %arg5: memref<16x160x128xi32, #tpu.memory_space<hbm>>, %arg6: memref<32x625x128xf32, #tpu.memory_space<hbm>>, %arg7: memref<16x128xi32, #tpu.memory_space<vmem>>, %arg8: memref<16x128xi32, #tpu.memory_space<vmem>>, %arg9: memref<128x128xf32, #tpu.memory_space<vmem>>, %arg10: memref<128x128xf32, #tpu.memory_space<vmem>>, %arg11: memref<10512x128xf32, #tpu.memory_space<vmem_shared>>, %arg12: memref<!tpu.dma_semaphore, #tpu.memory_space<semaphore_mem>>, %arg13: memref<!tpu.dma_semaphore, #tpu.memory_space<semaphore_mem>>) attributes {dimension_semantics = [#tpu.dimension_semantics<core_parallel>, #tpu.dimension_semantics<subcore_parallel>], iteration_bounds = array<i64: 2, 16>, scalar_prefetch = 0 : i64, scratch_operands = 7 : i64, tpu.core_type = #tpu.core_type<sc_vector_subcore>, window_params = [{transform_indices = #map}, {transform_indices = #map1}, {transform_indices = #map1}, {transform_indices = #map1}, {transform_indices = #map1}]} {
    %mul3A = arith.constant 16 : i32
    %mul3A_0 = arith.muli %arg0, %mul3A : i32
    %add3A = arith.addi %mul3A_0, %arg1 : i32
    %mul3A_1 = arith.constant 625 : i32
    %mul3A_2 = arith.muli %arg1, %mul3A_1 : i32
    "tpu.region"() ({
      %run_scoped3A = tpu.sem_alloc : memref<!tpu.dma_semaphore, #tpu.memory_space<semaphore_mem>>
      %dma_start3A = arith.constant 0 : i32
      %dma_start3A_10 = tpu.memref_slice %arg11[%mul3A_2, %dma_start3A] : memref<10512x128xf32, #tpu.memory_space<vmem_shared>> -> memref<625x128xf32, #tpu.memory_space<vmem_shared>>
      %dma_start3A_11 = arith.constant 0 : i32
      %dma_start3A_12 = arith.constant 0 : i32
      %dma_start3A_13 = tpu.memref_slice %arg3[%add3A, %dma_start3A_11, %dma_start3A_12] : memref<32x625x128xf32, #tpu.memory_space<hbm>> -> memref<1x625x128xf32, #tpu.memory_space<hbm>>
      %dma_start3A_14 = tpu.memref_squeeze %dma_start3A_13 : memref<1x625x128xf32, #tpu.memory_space<hbm>> -> memref<625x128xf32, #tpu.memory_space<hbm>>
      tpu.enqueue_dma source(%dma_start3A_14 : memref<625x128xf32, #tpu.memory_space<hbm>>) target(%dma_start3A_10 : memref<625x128xf32, #tpu.memory_space<vmem_shared>>) target_semaphore(%run_scoped3A : memref<!tpu.dma_semaphore, #tpu.memory_space<semaphore_mem>>)
      %dma_wait3A = arith.constant 0 : i32
      %dma_wait3A_15 = tpu.memref_slice %arg11[%mul3A_2, %dma_wait3A] : memref<10512x128xf32, #tpu.memory_space<vmem_shared>> -> memref<625x128xf32, #tpu.memory_space<vmem_shared>>
      %dma_wait3A_16 = arith.constant 0 : i32
      %dma_wait3A_17 = arith.constant 0 : i32
      %dma_wait3A_18 = tpu.memref_slice %arg3[%add3A, %dma_wait3A_16, %dma_wait3A_17] : memref<32x625x128xf32, #tpu.memory_space<hbm>> -> memref<1x625x128xf32, #tpu.memory_space<hbm>>
      %dma_wait3A_19 = tpu.memref_squeeze %dma_wait3A_18 : memref<1x625x128xf32, #tpu.memory_space<hbm>> -> memref<625x128xf32, #tpu.memory_space<hbm>>
      tpu.wait_dma2 semaphore(%run_scoped3A : memref<!tpu.dma_semaphore, #tpu.memory_space<semaphore_mem>>) src(%dma_wait3A_19 : memref<625x128xf32, #tpu.memory_space<hbm>>) dst(%dma_wait3A_15 : memref<625x128xf32, #tpu.memory_space<vmem_shared>>)
      tpu.yield
    }) : () -> ()
    %barrier3A = arith.constant 0 : index
    tpu.barrier barrier_id(%barrier3A)
    %scan3A = arith.constant 0 : i32
    %scan3A_3 = arith.constant 10 : i32
    %scan3A_4 = arith.addi %scan3A, %scan3A_3 : i32
    %scan3A_5 = arith.constant 1 : i32
    scf.for %scan3A_10 = %scan3A to %scan3A_4 step %scan3A_5  : i32 {
      %mul3A_11 = arith.constant 1 : i32
      %mul3A_12 = arith.muli %scan3A_10, %mul3A_11 : i32
      %add3A_13 = arith.constant 0 : i32
      %add3A_14 = arith.addi %add3A_13, %mul3A_12 : i32
      %mul3A_15 = arith.constant 16 : i32
      %mul3A_16 = arith.muli %add3A_14, %mul3A_15 : i32
      "tpu.region"() ({
        %run_scoped3A = tpu.sem_alloc : memref<!tpu.dma_semaphore, #tpu.memory_space<semaphore_mem>>
        %dma_start3A_30 = arith.constant 0 : i32
        %dma_start3A_31 = tpu.memref_slice %arg4[%add3A, %mul3A_16, %dma_start3A_30] : memref<32x160x128xi32, #tpu.memory_space<hbm>> -> memref<1x16x128xi32, #tpu.memory_space<hbm>>
        %dma_start3A_32 = tpu.memref_squeeze %dma_start3A_31 : memref<1x16x128xi32, #tpu.memory_space<hbm>> -> memref<16x128xi32, #tpu.memory_space<hbm>>
        %dma_start3A_33 = arith.constant 0 : i32
        %dma_start3A_34 = tpu.memref_slice %arg4[%add3A, %mul3A_16, %dma_start3A_33] : memref<32x160x128xi32, #tpu.memory_space<hbm>> -> memref<1x16x128xi32, #tpu.memory_space<hbm>>
        %dma_start3A_35 = tpu.memref_squeeze %dma_start3A_34 : memref<1x16x128xi32, #tpu.memory_space<hbm>> -> memref<16x128xi32, #tpu.memory_space<hbm>>
        tpu.enqueue_dma source(%dma_start3A_35 : memref<16x128xi32, #tpu.memory_space<hbm>>) target(%arg7 : memref<16x128xi32, #tpu.memory_space<vmem>>) target_semaphore(%run_scoped3A : memref<!tpu.dma_semaphore, #tpu.memory_space<semaphore_mem>>)
        %dma_wait3A = arith.constant 0 : i32
        %dma_wait3A_36 = tpu.memref_slice %arg4[%add3A, %mul3A_16, %dma_wait3A] : memref<32x160x128xi32, #tpu.memory_space<hbm>> -> memref<1x16x128xi32, #tpu.memory_space<hbm>>
        %dma_wait3A_37 = tpu.memref_squeeze %dma_wait3A_36 : memref<1x16x128xi32, #tpu.memory_space<hbm>> -> memref<16x128xi32, #tpu.memory_space<hbm>>
        %dma_wait3A_38 = arith.constant 0 : i32
        %dma_wait3A_39 = tpu.memref_slice %arg4[%add3A, %mul3A_16, %dma_wait3A_38] : memref<32x160x128xi32, #tpu.memory_space<hbm>> -> memref<1x16x128xi32, #tpu.memory_space<hbm>>
        %dma_wait3A_40 = tpu.memref_squeeze %dma_wait3A_39 : memref<1x16x128xi32, #tpu.memory_space<hbm>> -> memref<16x128xi32, #tpu.memory_space<hbm>>
        tpu.wait_dma2 semaphore(%run_scoped3A : memref<!tpu.dma_semaphore, #tpu.memory_space<semaphore_mem>>) src(%dma_wait3A_40 : memref<16x128xi32, #tpu.memory_space<hbm>>) dst(%arg7 : memref<16x128xi32, #tpu.memory_space<vmem>>)
        tpu.yield
      }) : () -> ()
      %mul3A_17 = arith.constant 16 : i32
      %mul3A_18 = arith.muli %add3A_14, %mul3A_17 : i32
      "tpu.region"() ({
        %run_scoped3A = tpu.sem_alloc : memref<!tpu.dma_semaphore, #tpu.memory_space<semaphore_mem>>
        %dma_start3A_30 = arith.constant 0 : i32
        %dma_start3A_31 = tpu.memref_slice %arg5[%arg1, %mul3A_18, %dma_start3A_30] : memref<16x160x128xi32, #tpu.memory_space<hbm>> -> memref<1x16x128xi32, #tpu.memory_space<hbm>>
        %dma_start3A_32 = tpu.memref_squeeze %dma_start3A_31 : memref<1x16x128xi32, #tpu.memory_space<hbm>> -> memref<16x128xi32, #tpu.memory_space<hbm>>
        %dma_start3A_33 = arith.constant 0 : i32
        %dma_start3A_34 = tpu.memref_slice %arg5[%arg1, %mul3A_18, %dma_start3A_33] : memref<16x160x128xi32, #tpu.memory_space<hbm>> -> memref<1x16x128xi32, #tpu.memory_space<hbm>>
        %dma_start3A_35 = tpu.memref_squeeze %dma_start3A_34 : memref<1x16x128xi32, #tpu.memory_space<hbm>> -> memref<16x128xi32, #tpu.memory_space<hbm>>
        tpu.enqueue_dma source(%dma_start3A_35 : memref<16x128xi32, #tpu.memory_space<hbm>>) target(%arg8 : memref<16x128xi32, #tpu.memory_space<vmem>>) target_semaphore(%run_scoped3A : memref<!tpu.dma_semaphore, #tpu.memory_space<semaphore_mem>>)
        %dma_wait3A = arith.constant 0 : i32
        %dma_wait3A_36 = tpu.memref_slice %arg5[%arg1, %mul3A_18, %dma_wait3A] : memref<16x160x128xi32, #tpu.memory_space<hbm>> -> memref<1x16x128xi32, #tpu.memory_space<hbm>>
        %dma_wait3A_37 = tpu.memref_squeeze %dma_wait3A_36 : memref<1x16x128xi32, #tpu.memory_space<hbm>> -> memref<16x128xi32, #tpu.memory_space<hbm>>
        %dma_wait3A_38 = arith.constant 0 : i32
        %dma_wait3A_39 = tpu.memref_slice %arg5[%arg1, %mul3A_18, %dma_wait3A_38] : memref<16x160x128xi32, #tpu.memory_space<hbm>> -> memref<1x16x128xi32, #tpu.memory_space<hbm>>
        %dma_wait3A_40 = tpu.memref_squeeze %dma_wait3A_39 : memref<1x16x128xi32, #tpu.memory_space<hbm>> -> memref<16x128xi32, #tpu.memory_space<hbm>>
        tpu.wait_dma2 semaphore(%run_scoped3A : memref<!tpu.dma_semaphore, #tpu.memory_space<semaphore_mem>>) src(%dma_wait3A_40 : memref<16x128xi32, #tpu.memory_space<hbm>>) dst(%arg8 : memref<16x128xi32, #tpu.memory_space<vmem>>)
        tpu.yield
      }) : () -> ()
      %dma_start3A = arith.constant 0 : i32
      %dma_start3A_19 = arith.constant 0 : i32
      %dma_start3A_20 = tpu.memref_slice %arg7[%dma_start3A, %dma_start3A_19] : memref<16x128xi32, #tpu.memory_space<vmem>> -> memref<1x128xi32, #tpu.memory_space<vmem>>
      %dma_start3A_21 = tpu.memref_squeeze %dma_start3A_20 : memref<1x128xi32, #tpu.memory_space<vmem>> -> memref<128xi32, #tpu.memory_space<vmem>>
      %dma_start3A_22 = arith.constant 0 : i32
      %dma_start3A_23 = arith.constant 0 : i32
      %dma_start3A_24 = tpu.memref_slice %arg2[%dma_start3A_22, %dma_start3A_23] : memref<20000x128xf32, #tpu.memory_space<hbm>> -> memref<20000x128xf32, #tpu.memory_space<hbm>>
      tpu.enqueue_indirect_dma source(%dma_start3A_24 : memref<20000x128xf32, #tpu.memory_space<hbm>>) target(%arg9 : memref<128x128xf32, #tpu.memory_space<vmem>>) offsets(%dma_start3A_21 : memref<128xi32, #tpu.memory_space<vmem>>) semaphore(%arg12 : memref<!tpu.dma_semaphore, #tpu.memory_space<semaphore_mem>>)
      %scan3A_25 = arith.constant 0 : i32
      %scan3A_26 = arith.constant 8 : i32
      %scan3A_27 = arith.addi %scan3A_25, %scan3A_26 : i32
      %scan3A_28 = arith.constant 1 : i32
      scf.for %scan3A_30 = %scan3A_25 to %scan3A_27 step %scan3A_28  : i32 {
        %mul3A_31 = arith.constant 1 : i32
        %mul3A_32 = arith.muli %scan3A_30, %mul3A_31 : i32
        %add3A_33 = arith.constant 0 : i32
        %add3A_34 = arith.addi %add3A_33, %mul3A_32 : i32
        %mul3A_35 = arith.constant 2 : i32
        %mul3A_36 = arith.muli %mul3A_35, %add3A_34 : i32
        %add3A_37 = arith.constant 1 : i32
        %add3A_38 = arith.addi %mul3A_36, %add3A_37 : i32
        %dma_start3A_39 = arith.constant 0 : i32
        %dma_start3A_40 = tpu.memref_slice %arg7[%add3A_38, %dma_start3A_39] : memref<16x128xi32, #tpu.memory_space<vmem>> -> memref<1x128xi32, #tpu.memory_space<vmem>>
        %dma_start3A_41 = tpu.memref_squeeze %dma_start3A_40 : memref<1x128xi32, #tpu.memory_space<vmem>> -> memref<128xi32, #tpu.memory_space<vmem>>
        %dma_start3A_42 = arith.constant 0 : i32
        %dma_start3A_43 = arith.constant 0 : i32
        %dma_start3A_44 = tpu.memref_slice %arg2[%dma_start3A_42, %dma_start3A_43] : memref<20000x128xf32, #tpu.memory_space<hbm>> -> memref<20000x128xf32, #tpu.memory_space<hbm>>
        tpu.enqueue_indirect_dma source(%dma_start3A_44 : memref<20000x128xf32, #tpu.memory_space<hbm>>) target(%arg10 : memref<128x128xf32, #tpu.memory_space<vmem>>) offsets(%dma_start3A_41 : memref<128xi32, #tpu.memory_space<vmem>>) semaphore(%arg13 : memref<!tpu.dma_semaphore, #tpu.memory_space<semaphore_mem>>)
        %dma_wait3A = arith.constant 0 : i32
        %dma_wait3A_45 = tpu.memref_slice %arg7[%mul3A_36, %dma_wait3A] : memref<16x128xi32, #tpu.memory_space<vmem>> -> memref<1x128xi32, #tpu.memory_space<vmem>>
        %dma_wait3A_46 = tpu.memref_squeeze %dma_wait3A_45 : memref<1x128xi32, #tpu.memory_space<vmem>> -> memref<128xi32, #tpu.memory_space<vmem>>
        %dma_wait3A_47 = arith.constant 0 : i32
        %dma_wait3A_48 = arith.constant 0 : i32
        %dma_wait3A_49 = tpu.memref_slice %arg2[%dma_wait3A_47, %dma_wait3A_48] : memref<20000x128xf32, #tpu.memory_space<hbm>> -> memref<20000x128xf32, #tpu.memory_space<hbm>>
        tpu.wait_indirect_dma semaphore(%arg12 : memref<!tpu.dma_semaphore, #tpu.memory_space<semaphore_mem>>) src(%dma_wait3A_49 : memref<20000x128xf32, #tpu.memory_space<hbm>>) dst(%arg9 : memref<128x128xf32, #tpu.memory_space<vmem>>)
        "tpu.region"() ({
          %run_scoped3A = tpu.sem_alloc : memref<!tpu.dma_semaphore, #tpu.memory_space<semaphore_mem>>
          %dma_start3A_62 = arith.constant 0 : i32
          %dma_start3A_63 = tpu.memref_slice %arg8[%mul3A_36, %dma_start3A_62] : memref<16x128xi32, #tpu.memory_space<vmem>> -> memref<1x128xi32, #tpu.memory_space<vmem>>
          %dma_start3A_64 = tpu.memref_squeeze %dma_start3A_63 : memref<1x128xi32, #tpu.memory_space<vmem>> -> memref<128xi32, #tpu.memory_space<vmem>>
          %dma_start3A_65 = arith.constant 0 : i32
          %dma_start3A_66 = arith.constant 0 : i32
          %dma_start3A_67 = tpu.memref_slice %arg11[%dma_start3A_65, %dma_start3A_66] : memref<10512x128xf32, #tpu.memory_space<vmem_shared>> -> memref<10512x128xf32, #tpu.memory_space<vmem_shared>>
          tpu.enqueue_indirect_dma source(%arg9 : memref<128x128xf32, #tpu.memory_space<vmem>>) target(%dma_start3A_67 : memref<10512x128xf32, #tpu.memory_space<vmem_shared>>) offsets(%dma_start3A_64 : memref<128xi32, #tpu.memory_space<vmem>>) semaphore(%run_scoped3A : memref<!tpu.dma_semaphore, #tpu.memory_space<semaphore_mem>>) {add = true}
          %dma_wait3A_68 = arith.constant 0 : i32
          %dma_wait3A_69 = tpu.memref_slice %arg8[%mul3A_36, %dma_wait3A_68] : memref<16x128xi32, #tpu.memory_space<vmem>> -> memref<1x128xi32, #tpu.memory_space<vmem>>
          %dma_wait3A_70 = tpu.memref_squeeze %dma_wait3A_69 : memref<1x128xi32, #tpu.memory_space<vmem>> -> memref<128xi32, #tpu.memory_space<vmem>>
          %dma_wait3A_71 = arith.constant 0 : i32
          %dma_wait3A_72 = arith.constant 0 : i32
          %dma_wait3A_73 = tpu.memref_slice %arg11[%dma_wait3A_71, %dma_wait3A_72] : memref<10512x128xf32, #tpu.memory_space<vmem_shared>> -> memref<10512x128xf32, #tpu.memory_space<vmem_shared>>
          tpu.wait_indirect_dma semaphore(%run_scoped3A : memref<!tpu.dma_semaphore, #tpu.memory_space<semaphore_mem>>) src(%arg9 : memref<128x128xf32, #tpu.memory_space<vmem>>) dst(%dma_wait3A_73 : memref<10512x128xf32, #tpu.memory_space<vmem_shared>>)
          tpu.yield
        }) : () -> ()
        %lt3A = arith.constant 7 : i32
        %lt3A_50 = arith.cmpi slt, %add3A_34, %lt3A : i32
        %convert_element_type3A = arith.extui %lt3A_50 : i1 to i32
        %cond3A = arith.constant 0 : i32
        %cond3A_51 = arith.cmpi ne, %convert_element_type3A, %cond3A : i32
        scf.if %cond3A_51 {
          %add3A_62 = arith.constant 2 : i32
          %add3A_63 = arith.addi %mul3A_36, %add3A_62 : i32
          %dma_start3A_64 = arith.constant 0 : i32
          %dma_start3A_65 = tpu.memref_slice %arg7[%add3A_63, %dma_start3A_64] : memref<16x128xi32, #tpu.memory_space<vmem>> -> memref<1x128xi32, #tpu.memory_space<vmem>>
          %dma_start3A_66 = tpu.memref_squeeze %dma_start3A_65 : memref<1x128xi32, #tpu.memory_space<vmem>> -> memref<128xi32, #tpu.memory_space<vmem>>
          %dma_start3A_67 = arith.constant 0 : i32
          %dma_start3A_68 = arith.constant 0 : i32
          %dma_start3A_69 = tpu.memref_slice %arg2[%dma_start3A_67, %dma_start3A_68] : memref<20000x128xf32, #tpu.memory_space<hbm>> -> memref<20000x128xf32, #tpu.memory_space<hbm>>
          tpu.enqueue_indirect_dma source(%dma_start3A_69 : memref<20000x128xf32, #tpu.memory_space<hbm>>) target(%arg9 : memref<128x128xf32, #tpu.memory_space<vmem>>) offsets(%dma_start3A_66 : memref<128xi32, #tpu.memory_space<vmem>>) semaphore(%arg12 : memref<!tpu.dma_semaphore, #tpu.memory_space<semaphore_mem>>)
        } else {
        }
        %add3A_52 = arith.constant 1 : i32
        %add3A_53 = arith.addi %mul3A_36, %add3A_52 : i32
        %dma_wait3A_54 = arith.constant 0 : i32
        %dma_wait3A_55 = tpu.memref_slice %arg7[%add3A_53, %dma_wait3A_54] : memref<16x128xi32, #tpu.memory_space<vmem>> -> memref<1x128xi32, #tpu.memory_space<vmem>>
        %dma_wait3A_56 = tpu.memref_squeeze %dma_wait3A_55 : memref<1x128xi32, #tpu.memory_space<vmem>> -> memref<128xi32, #tpu.memory_space<vmem>>
        %dma_wait3A_57 = arith.constant 0 : i32
        %dma_wait3A_58 = arith.constant 0 : i32
        %dma_wait3A_59 = tpu.memref_slice %arg2[%dma_wait3A_57, %dma_wait3A_58] : memref<20000x128xf32, #tpu.memory_space<hbm>> -> memref<20000x128xf32, #tpu.memory_space<hbm>>
        tpu.wait_indirect_dma semaphore(%arg13 : memref<!tpu.dma_semaphore, #tpu.memory_space<semaphore_mem>>) src(%dma_wait3A_59 : memref<20000x128xf32, #tpu.memory_space<hbm>>) dst(%arg10 : memref<128x128xf32, #tpu.memory_space<vmem>>)
        %add3A_60 = arith.constant 1 : i32
        %add3A_61 = arith.addi %mul3A_36, %add3A_60 : i32
        "tpu.region"() ({
          %run_scoped3A = tpu.sem_alloc : memref<!tpu.dma_semaphore, #tpu.memory_space<semaphore_mem>>
          %dma_start3A_62 = arith.constant 0 : i32
          %dma_start3A_63 = tpu.memref_slice %arg8[%add3A_61, %dma_start3A_62] : memref<16x128xi32, #tpu.memory_space<vmem>> -> memref<1x128xi32, #tpu.memory_space<vmem>>
          %dma_start3A_64 = tpu.memref_squeeze %dma_start3A_63 : memref<1x128xi32, #tpu.memory_space<vmem>> -> memref<128xi32, #tpu.memory_space<vmem>>
          %dma_start3A_65 = arith.constant 0 : i32
          %dma_start3A_66 = arith.constant 0 : i32
          %dma_start3A_67 = tpu.memref_slice %arg11[%dma_start3A_65, %dma_start3A_66] : memref<10512x128xf32, #tpu.memory_space<vmem_shared>> -> memref<10512x128xf32, #tpu.memory_space<vmem_shared>>
          tpu.enqueue_indirect_dma source(%arg10 : memref<128x128xf32, #tpu.memory_space<vmem>>) target(%dma_start3A_67 : memref<10512x128xf32, #tpu.memory_space<vmem_shared>>) offsets(%dma_start3A_64 : memref<128xi32, #tpu.memory_space<vmem>>) semaphore(%run_scoped3A : memref<!tpu.dma_semaphore, #tpu.memory_space<semaphore_mem>>) {add = true}
          %dma_wait3A_68 = arith.constant 0 : i32
          %dma_wait3A_69 = tpu.memref_slice %arg8[%add3A_61, %dma_wait3A_68] : memref<16x128xi32, #tpu.memory_space<vmem>> -> memref<1x128xi32, #tpu.memory_space<vmem>>
          %dma_wait3A_70 = tpu.memref_squeeze %dma_wait3A_69 : memref<1x128xi32, #tpu.memory_space<vmem>> -> memref<128xi32, #tpu.memory_space<vmem>>
          %dma_wait3A_71 = arith.constant 0 : i32
          %dma_wait3A_72 = arith.constant 0 : i32
          %dma_wait3A_73 = tpu.memref_slice %arg11[%dma_wait3A_71, %dma_wait3A_72] : memref<10512x128xf32, #tpu.memory_space<vmem_shared>> -> memref<10512x128xf32, #tpu.memory_space<vmem_shared>>
          tpu.wait_indirect_dma semaphore(%run_scoped3A : memref<!tpu.dma_semaphore, #tpu.memory_space<semaphore_mem>>) src(%arg10 : memref<128x128xf32, #tpu.memory_space<vmem>>) dst(%dma_wait3A_73 : memref<10512x128xf32, #tpu.memory_space<vmem_shared>>)
          tpu.yield
        }) : () -> ()
      }
      %scan3A_29 = arith.constant 8 : i32
    }
    %scan3A_6 = arith.constant 10 : i32
    %barrier3A_7 = arith.constant 0 : index
    tpu.barrier barrier_id(%barrier3A_7)
    %mul3A_8 = arith.constant 625 : i32
    %mul3A_9 = arith.muli %arg1, %mul3A_8 : i32
    "tpu.region"() ({
      %run_scoped3A = tpu.sem_alloc : memref<!tpu.dma_semaphore, #tpu.memory_space<semaphore_mem>>
      %dma_start3A = arith.constant 0 : i32
      %dma_start3A_10 = arith.constant 0 : i32
      %dma_start3A_11 = tpu.memref_slice %arg6[%add3A, %dma_start3A, %dma_start3A_10] : memref<32x625x128xf32, #tpu.memory_space<hbm>> -> memref<1x625x128xf32, #tpu.memory_space<hbm>>
      %dma_start3A_12 = tpu.memref_squeeze %dma_start3A_11 : memref<1x625x128xf32, #tpu.memory_space<hbm>> -> memref<625x128xf32, #tpu.memory_space<hbm>>
      %dma_start3A_13 = arith.constant 0 : i32
      %dma_start3A_14 = tpu.memref_slice %arg11[%mul3A_9, %dma_start3A_13] : memref<10512x128xf32, #tpu.memory_space<vmem_shared>> -> memref<625x128xf32, #tpu.memory_space<vmem_shared>>
      tpu.enqueue_dma source(%dma_start3A_14 : memref<625x128xf32, #tpu.memory_space<vmem_shared>>) target(%dma_start3A_12 : memref<625x128xf32, #tpu.memory_space<hbm>>) target_semaphore(%run_scoped3A : memref<!tpu.dma_semaphore, #tpu.memory_space<semaphore_mem>>)
      %dma_wait3A = arith.constant 0 : i32
      %dma_wait3A_15 = arith.constant 0 : i32
      %dma_wait3A_16 = tpu.memref_slice %arg6[%add3A, %dma_wait3A, %dma_wait3A_15] : memref<32x625x128xf32, #tpu.memory_space<hbm>> -> memref<1x625x128xf32, #tpu.memory_space<hbm>>
      %dma_wait3A_17 = tpu.memref_squeeze %dma_wait3A_16 : memref<1x625x128xf32, #tpu.memory_space<hbm>> -> memref<625x128xf32, #tpu.memory_space<hbm>>
      %dma_wait3A_18 = arith.constant 0 : i32
      %dma_wait3A_19 = tpu.memref_slice %arg11[%mul3A_9, %dma_wait3A_18] : memref<10512x128xf32, #tpu.memory_space<vmem_shared>> -> memref<625x128xf32, #tpu.memory_space<vmem_shared>>
      tpu.wait_dma2 semaphore(%run_scoped3A : memref<!tpu.dma_semaphore, #tpu.memory_space<semaphore_mem>>) src(%dma_wait3A_19 : memref<625x128xf32, #tpu.memory_space<vmem_shared>>) dst(%dma_wait3A_17 : memref<625x128xf32, #tpu.memory_space<hbm>>)
      tpu.yield
    }) : () -> ()
    return
  }
}

module attributes {stable_mosaic.version = 14 : i64} {
  func.func @_mlp_body(%arg0: memref<20000x128xf32, #tpu.memory_space<vmem>>, %arg1: memref<128x256xf32, #tpu.memory_space<vmem>>, %arg2: memref<1x256xf32, #tpu.memory_space<vmem>>, %arg3: memref<256x256xf32, #tpu.memory_space<vmem>>, %arg4: memref<1x256xf32, #tpu.memory_space<vmem>>, %arg5: memref<10000x256xf32, #tpu.memory_space<vmem>>) attributes {dimension_semantics = [], scalar_prefetch = 0 : i64, scratch_operands = 0 : i64, tpu.core_type = #tpu.core_type<tc>} {
    %get3A = arith.constant 0 : index
    %get3A_0 = arith.constant 0 : index
    %get3A_1 = vector.load %arg0[%get3A, %get3A_0] : memref<20000x128xf32, #tpu.memory_space<vmem>>, vector<10000x128xf32>
    %get3A_2 = arith.constant 10000 : index
    %get3A_3 = arith.constant 0 : index
    %get3A_4 = vector.load %arg0[%get3A_2, %get3A_3] : memref<20000x128xf32, #tpu.memory_space<vmem>>, vector<10000x128xf32>
    %add3A = arith.addf %get3A_1, %get3A_4 : vector<10000x128xf32>
    %get3A_5 = arith.constant 0 : index
    %get3A_6 = arith.constant 0 : index
    %get3A_7 = vector.load %arg1[%get3A_5, %get3A_6] : memref<128x256xf32, #tpu.memory_space<vmem>>, vector<128x256xf32>
    %convert_element_type3A = arith.truncf %add3A : vector<10000x128xf32> to vector<10000x128xbf16>
    %convert_element_type3A_8 = arith.truncf %get3A_7 : vector<128x256xf32> to vector<128x256xbf16>
    %dot_general3A = arith.constant dense<0.000000e+00> : vector<10000x256xf32>
    %dot_general3A_9 = tpu.matmul %convert_element_type3A, %convert_element_type3A_8, %dot_general3A {dimension_numbers = #tpu.dot_dimension_numbers<[1], [0], [0], [1], [0, 0, 1, 1], [], []>, transpose_lhs_hint = false} : vector<10000x128xbf16>, vector<128x256xbf16>, vector<10000x256xf32> -> vector<10000x256xf32>
    %get3A_10 = arith.constant 0 : index
    %get3A_11 = arith.constant 0 : index
    %get3A_12 = vector.load %arg2[%get3A_10, %get3A_11] : memref<1x256xf32, #tpu.memory_space<vmem>>, vector<1x256xf32>
    %add3A_13 = vector.broadcast %get3A_12 : vector<1x256xf32> to vector<10000x256xf32>
    %add3A_14 = arith.addf %dot_general3A_9, %add3A_13 : vector<10000x256xf32>
    %max3A = arith.constant 0.000000e+00 : f32
    %max3A_15 = vector.broadcast %max3A : f32 to vector<10000x256xf32>
    %max3A_16 = arith.maximumf %add3A_14, %max3A_15 : vector<10000x256xf32>
    %get3A_17 = arith.constant 0 : index
    %get3A_18 = arith.constant 0 : index
    %get3A_19 = vector.load %arg3[%get3A_17, %get3A_18] : memref<256x256xf32, #tpu.memory_space<vmem>>, vector<256x256xf32>
    %convert_element_type3A_20 = arith.truncf %max3A_16 : vector<10000x256xf32> to vector<10000x256xbf16>
    %convert_element_type3A_21 = arith.truncf %get3A_19 : vector<256x256xf32> to vector<256x256xbf16>
    %dot_general3A_22 = arith.constant dense<0.000000e+00> : vector<10000x256xf32>
    %dot_general3A_23 = tpu.matmul %convert_element_type3A_20, %convert_element_type3A_21, %dot_general3A_22 {dimension_numbers = #tpu.dot_dimension_numbers<[1], [0], [0], [1], [0, 0, 1, 1], [], []>, transpose_lhs_hint = false} : vector<10000x256xbf16>, vector<256x256xbf16>, vector<10000x256xf32> -> vector<10000x256xf32>
    %get3A_24 = arith.constant 0 : index
    %get3A_25 = arith.constant 0 : index
    %get3A_26 = vector.load %arg4[%get3A_24, %get3A_25] : memref<1x256xf32, #tpu.memory_space<vmem>>, vector<1x256xf32>
    %add3A_27 = vector.broadcast %get3A_26 : vector<1x256xf32> to vector<10000x256xf32>
    %add3A_28 = arith.addf %dot_general3A_23, %add3A_27 : vector<10000x256xf32>
    %max3A_29 = arith.constant 0.000000e+00 : f32
    %max3A_30 = vector.broadcast %max3A_29 : f32 to vector<10000x256xf32>
    %max3A_31 = arith.maximumf %add3A_28, %max3A_30 : vector<10000x256xf32>
    %swap3A = arith.constant 0 : index
    %swap3A_32 = arith.constant 0 : index
    %swap3A_33 = vector.load %arg5[%swap3A, %swap3A_32] : memref<10000x256xf32, #tpu.memory_space<vmem>>, vector<10000x256xf32>
    tpu.vector_store %arg5[%swap3A, %swap3A_32], %max3A_31 {strides = array<i32>} : memref<10000x256xf32, #tpu.memory_space<vmem>>, vector<10000x256xf32>,
    return
  }
}

module attributes {stable_mosaic.version = 14 : i64} {
  func.func @_norm_body(%arg0: memref<10000x256xf32, #tpu.memory_space<vmem>>, %arg1: memref<1x256xf32, #tpu.memory_space<vmem>>, %arg2: memref<1x256xf32, #tpu.memory_space<vmem>>, %arg3: memref<1x256xf32, #tpu.memory_space<vmem>>, %arg4: memref<1x256xf32, #tpu.memory_space<vmem>>, %arg5: memref<20000x128xf32, #tpu.memory_space<vmem>>) attributes {dimension_semantics = [], scalar_prefetch = 0 : i64, scratch_operands = 0 : i64, tpu.core_type = #tpu.core_type<tc>} {
    %get3A = arith.constant 0 : index
    %get3A_0 = arith.constant 0 : index
    %get3A_1 = vector.load %arg0[%get3A, %get3A_0] : memref<10000x256xf32, #tpu.memory_space<vmem>>, vector<10000x256xf32>
    %get3A_2 = arith.constant 0 : index
    %get3A_3 = arith.constant 0 : index
    %get3A_4 = vector.load %arg1[%get3A_2, %get3A_3] : memref<1x256xf32, #tpu.memory_space<vmem>>, vector<1x256xf32>
    %sub3A = vector.broadcast %get3A_4 : vector<1x256xf32> to vector<10000x256xf32>
    %sub3A_5 = arith.subf %get3A_1, %sub3A : vector<10000x256xf32>
    %get3A_6 = arith.constant 0 : index
    %get3A_7 = arith.constant 0 : index
    %get3A_8 = vector.load %arg2[%get3A_6, %get3A_7] : memref<1x256xf32, #tpu.memory_space<vmem>>, vector<1x256xf32>
    %add3A = arith.constant 9.99999974E-6 : f32
    %add3A_9 = vector.broadcast %add3A : f32 to vector<1x256xf32>
    %add3A_10 = arith.addf %get3A_8, %add3A_9 : vector<1x256xf32>
    %sqrt3A = math.sqrt %add3A_10 : vector<1x256xf32>
    %div3A = vector.broadcast %sqrt3A : vector<1x256xf32> to vector<10000x256xf32>
    %div3A_11 = arith.divf %sub3A_5, %div3A : vector<10000x256xf32>
    %get3A_12 = arith.constant 0 : index
    %get3A_13 = arith.constant 0 : index
    %get3A_14 = vector.load %arg3[%get3A_12, %get3A_13] : memref<1x256xf32, #tpu.memory_space<vmem>>, vector<1x256xf32>
    %mul3A = vector.broadcast %get3A_14 : vector<1x256xf32> to vector<10000x256xf32>
    %mul3A_15 = arith.mulf %div3A_11, %mul3A : vector<10000x256xf32>
    %get3A_16 = arith.constant 0 : index
    %get3A_17 = arith.constant 0 : index
    %get3A_18 = vector.load %arg4[%get3A_16, %get3A_17] : memref<1x256xf32, #tpu.memory_space<vmem>>, vector<1x256xf32>
    %add3A_19 = vector.broadcast %get3A_18 : vector<1x256xf32> to vector<10000x256xf32>
    %add3A_20 = arith.addf %mul3A_15, %add3A_19 : vector<10000x256xf32>
    %slice3A = vector.extract_strided_slice %add3A_20 {offsets = [0, 0], sizes = [10000, 128], strides = [1, 1]} : vector<10000x256xf32> to vector<10000x128xf32>
    %swap3A = arith.constant 0 : index
    %swap3A_21 = arith.constant 0 : index
    %swap3A_22 = vector.load %arg5[%swap3A, %swap3A_21] : memref<20000x128xf32, #tpu.memory_space<vmem>>, vector<10000x128xf32>
    tpu.vector_store %arg5[%swap3A, %swap3A_21], %slice3A {strides = array<i32>} : memref<20000x128xf32, #tpu.memory_space<vmem>>, vector<10000x128xf32>,
    %slice3A_23 = vector.extract_strided_slice %add3A_20 {offsets = [0, 128], sizes = [10000, 128], strides = [1, 1]} : vector<10000x256xf32> to vector<10000x128xf32>
    %swap3A_24 = arith.constant 10000 : index
    %swap3A_25 = arith.constant 0 : index
    %swap3A_26 = vector.load %arg5[%swap3A_24, %swap3A_25] : memref<20000x128xf32, #tpu.memory_space<vmem>>, vector<10000x128xf32>
    tpu.vector_store %arg5[%swap3A_24, %swap3A_25], %slice3A_23 {strides = array<i32>} : memref<20000x128xf32, #tpu.memory_space<vmem>>, vector<10000x128xf32>,
    return
  }
}

module attributes {stable_mosaic.version = 14 : i64} {
  func.func @_mlp_body(%arg0: memref<20000x128xf32, #tpu.memory_space<vmem>>, %arg1: memref<256x256xf32, #tpu.memory_space<vmem>>, %arg2: memref<1x256xf32, #tpu.memory_space<vmem>>, %arg3: memref<256x256xf32, #tpu.memory_space<vmem>>, %arg4: memref<1x256xf32, #tpu.memory_space<vmem>>, %arg5: memref<10000x256xf32, #tpu.memory_space<vmem>>) attributes {dimension_semantics = [], scalar_prefetch = 0 : i64, scratch_operands = 0 : i64, tpu.core_type = #tpu.core_type<tc>} {
    %get3A = arith.constant 0 : index
    %get3A_0 = arith.constant 0 : index
    %get3A_1 = vector.load %arg0[%get3A, %get3A_0] : memref<20000x128xf32, #tpu.memory_space<vmem>>, vector<10000x128xf32>
    %get3A_2 = arith.constant 10000 : index
    %get3A_3 = arith.constant 0 : index
    %get3A_4 = vector.load %arg0[%get3A_2, %get3A_3] : memref<20000x128xf32, #tpu.memory_space<vmem>>, vector<10000x128xf32>
    %concatenate3A = tpu.concatenate %get3A_1, %get3A_4 in 1 : vector<10000x128xf32>, vector<10000x128xf32> -> vector<10000x256xf32>
    %get3A_5 = arith.constant 0 : index
    %get3A_6 = arith.constant 0 : index
    %get3A_7 = vector.load %arg1[%get3A_5, %get3A_6] : memref<256x256xf32, #tpu.memory_space<vmem>>, vector<256x256xf32>
    %convert_element_type3A = arith.truncf %concatenate3A : vector<10000x256xf32> to vector<10000x256xbf16>
    %convert_element_type3A_8 = arith.truncf %get3A_7 : vector<256x256xf32> to vector<256x256xbf16>
    %dot_general3A = arith.constant dense<0.000000e+00> : vector<10000x256xf32>
    %dot_general3A_9 = tpu.matmul %convert_element_type3A, %convert_element_type3A_8, %dot_general3A {dimension_numbers = #tpu.dot_dimension_numbers<[1], [0], [0], [1], [0, 0, 1, 1], [], []>, transpose_lhs_hint = false} : vector<10000x256xbf16>, vector<256x256xbf16>, vector<10000x256xf32> -> vector<10000x256xf32>
    %get3A_10 = arith.constant 0 : index
    %get3A_11 = arith.constant 0 : index
    %get3A_12 = vector.load %arg2[%get3A_10, %get3A_11] : memref<1x256xf32, #tpu.memory_space<vmem>>, vector<1x256xf32>
    %add3A = vector.broadcast %get3A_12 : vector<1x256xf32> to vector<10000x256xf32>
    %add3A_13 = arith.addf %dot_general3A_9, %add3A : vector<10000x256xf32>
    %max3A = arith.constant 0.000000e+00 : f32
    %max3A_14 = vector.broadcast %max3A : f32 to vector<10000x256xf32>
    %max3A_15 = arith.maximumf %add3A_13, %max3A_14 : vector<10000x256xf32>
    %get3A_16 = arith.constant 0 : index
    %get3A_17 = arith.constant 0 : index
    %get3A_18 = vector.load %arg3[%get3A_16, %get3A_17] : memref<256x256xf32, #tpu.memory_space<vmem>>, vector<256x256xf32>
    %convert_element_type3A_19 = arith.truncf %max3A_15 : vector<10000x256xf32> to vector<10000x256xbf16>
    %convert_element_type3A_20 = arith.truncf %get3A_18 : vector<256x256xf32> to vector<256x256xbf16>
    %dot_general3A_21 = arith.constant dense<0.000000e+00> : vector<10000x256xf32>
    %dot_general3A_22 = tpu.matmul %convert_element_type3A_19, %convert_element_type3A_20, %dot_general3A_21 {dimension_numbers = #tpu.dot_dimension_numbers<[1], [0], [0], [1], [0, 0, 1, 1], [], []>, transpose_lhs_hint = false} : vector<10000x256xbf16>, vector<256x256xbf16>, vector<10000x256xf32> -> vector<10000x256xf32>
    %get3A_23 = arith.constant 0 : index
    %get3A_24 = arith.constant 0 : index
    %get3A_25 = vector.load %arg4[%get3A_23, %get3A_24] : memref<1x256xf32, #tpu.memory_space<vmem>>, vector<1x256xf32>
    %add3A_26 = vector.broadcast %get3A_25 : vector<1x256xf32> to vector<10000x256xf32>
    %add3A_27 = arith.addf %dot_general3A_22, %add3A_26 : vector<10000x256xf32>
    %max3A_28 = arith.constant 0.000000e+00 : f32
    %max3A_29 = vector.broadcast %max3A_28 : f32 to vector<10000x256xf32>
    %max3A_30 = arith.maximumf %add3A_27, %max3A_29 : vector<10000x256xf32>
    %swap3A = arith.constant 0 : index
    %swap3A_31 = arith.constant 0 : index
    %swap3A_32 = vector.load %arg5[%swap3A, %swap3A_31] : memref<10000x256xf32, #tpu.memory_space<vmem>>, vector<10000x256xf32>
    tpu.vector_store %arg5[%swap3A, %swap3A_31], %max3A_30 {strides = array<i32>} : memref<10000x256xf32, #tpu.memory_space<vmem>>, vector<10000x256xf32>,
    return
  }
}

module attributes {stable_mosaic.version = 14 : i64} {
  func.func @_final_body(%arg0: memref<10000x256xf32, #tpu.memory_space<vmem>>, %arg1: memref<1x256xf32, #tpu.memory_space<vmem>>, %arg2: memref<1x256xf32, #tpu.memory_space<vmem>>, %arg3: memref<1x256xf32, #tpu.memory_space<vmem>>, %arg4: memref<1x256xf32, #tpu.memory_space<vmem>>, %arg5: memref<1x10000xi32, #tpu.memory_space<vmem>>, %arg6: memref<256x256xf32, #tpu.memory_space<vmem>>, %arg7: memref<1x256xf32, #tpu.memory_space<vmem>>, %arg8: memref<256x10xf32, #tpu.memory_space<vmem>>, %arg9: memref<1x10xf32, #tpu.memory_space<vmem>>, %arg10: memref<64x10xf32, #tpu.memory_space<vmem>>) attributes {dimension_semantics = [], scalar_prefetch = 0 : i64, scratch_operands = 0 : i64, tpu.core_type = #tpu.core_type<tc>} {
    %get3A = arith.constant 0 : index
    %get3A_0 = arith.constant 0 : index
    %get3A_1 = vector.load %arg0[%get3A, %get3A_0] : memref<10000x256xf32, #tpu.memory_space<vmem>>, vector<10000x256xf32>
    %get3A_2 = arith.constant 0 : index
    %get3A_3 = arith.constant 0 : index
    %get3A_4 = vector.load %arg1[%get3A_2, %get3A_3] : memref<1x256xf32, #tpu.memory_space<vmem>>, vector<1x256xf32>
    %sub3A = vector.broadcast %get3A_4 : vector<1x256xf32> to vector<10000x256xf32>
    %sub3A_5 = arith.subf %get3A_1, %sub3A : vector<10000x256xf32>
    %get3A_6 = arith.constant 0 : index
    %get3A_7 = arith.constant 0 : index
    %get3A_8 = vector.load %arg2[%get3A_6, %get3A_7] : memref<1x256xf32, #tpu.memory_space<vmem>>, vector<1x256xf32>
    %add3A = arith.constant 9.99999974E-6 : f32
    %add3A_9 = vector.broadcast %add3A : f32 to vector<1x256xf32>
    %add3A_10 = arith.addf %get3A_8, %add3A_9 : vector<1x256xf32>
    %sqrt3A = math.sqrt %add3A_10 : vector<1x256xf32>
    %div3A = vector.broadcast %sqrt3A : vector<1x256xf32> to vector<10000x256xf32>
    %div3A_11 = arith.divf %sub3A_5, %div3A : vector<10000x256xf32>
    %get3A_12 = arith.constant 0 : index
    %get3A_13 = arith.constant 0 : index
    %get3A_14 = vector.load %arg3[%get3A_12, %get3A_13] : memref<1x256xf32, #tpu.memory_space<vmem>>, vector<1x256xf32>
    %mul3A = vector.broadcast %get3A_14 : vector<1x256xf32> to vector<10000x256xf32>
    %mul3A_15 = arith.mulf %div3A_11, %mul3A : vector<10000x256xf32>
    %get3A_16 = arith.constant 0 : index
    %get3A_17 = arith.constant 0 : index
    %get3A_18 = vector.load %arg4[%get3A_16, %get3A_17] : memref<1x256xf32, #tpu.memory_space<vmem>>, vector<1x256xf32>
    %add3A_19 = vector.broadcast %get3A_18 : vector<1x256xf32> to vector<10000x256xf32>
    %add3A_20 = arith.addf %mul3A_15, %add3A_19 : vector<10000x256xf32>
    %get3A_21 = arith.constant 0 : index
    %get3A_22 = arith.constant 0 : index
    %get3A_23 = vector.load %arg5[%get3A_21, %get3A_22] : memref<1x10000xi32, #tpu.memory_space<vmem>>, vector<1x10000xi32>
    %iota3A = tpu.iota {dimensions = array<i32: 0>} : vector<64x10000xi32>
    %eq3A = vector.broadcast %get3A_23 : vector<1x10000xi32> to vector<64x10000xi32>
    %eq3A_24 = arith.cmpi eq, %eq3A, %iota3A : vector<64x10000xi32>
    %convert_element_type3A = arith.extui %eq3A_24 : vector<64x10000xi1> to vector<64x10000xi32>
    %convert_element_type3A_25 = arith.sitofp %convert_element_type3A : vector<64x10000xi32> to vector<64x10000xf32>
    %dot_general3A = arith.constant dense<0.000000e+00> : vector<64x256xf32>
    %dot_general3A_26 = tpu.matmul %convert_element_type3A_25, %add3A_20, %dot_general3A {dimension_numbers = #tpu.dot_dimension_numbers<[1], [0], [0], [1], [0, 0, 1, 1], [], []>, precision = #tpu.contract_precision<fp32>, transpose_lhs_hint = false} : vector<64x10000xf32>, vector<10000x256xf32>, vector<64x256xf32> -> vector<64x256xf32>
    %get3A_27 = arith.constant 0 : index
    %get3A_28 = arith.constant 0 : index
    %get3A_29 = vector.load %arg6[%get3A_27, %get3A_28] : memref<256x256xf32, #tpu.memory_space<vmem>>, vector<256x256xf32>
    %convert_element_type3A_30 = arith.truncf %dot_general3A_26 : vector<64x256xf32> to vector<64x256xbf16>
    %convert_element_type3A_31 = arith.truncf %get3A_29 : vector<256x256xf32> to vector<256x256xbf16>
    %dot_general3A_32 = arith.constant dense<0.000000e+00> : vector<64x256xf32>
    %dot_general3A_33 = tpu.matmul %convert_element_type3A_30, %convert_element_type3A_31, %dot_general3A_32 {dimension_numbers = #tpu.dot_dimension_numbers<[1], [0], [0], [1], [0, 0, 1, 1], [], []>, transpose_lhs_hint = false} : vector<64x256xbf16>, vector<256x256xbf16>, vector<64x256xf32> -> vector<64x256xf32>
    %get3A_34 = arith.constant 0 : index
    %get3A_35 = arith.constant 0 : index
    %get3A_36 = vector.load %arg7[%get3A_34, %get3A_35] : memref<1x256xf32, #tpu.memory_space<vmem>>, vector<1x256xf32>
    %add3A_37 = vector.broadcast %get3A_36 : vector<1x256xf32> to vector<64x256xf32>
    %add3A_38 = arith.addf %dot_general3A_33, %add3A_37 : vector<64x256xf32>
    %max3A = arith.constant 0.000000e+00 : f32
    %max3A_39 = vector.broadcast %max3A : f32 to vector<64x256xf32>
    %max3A_40 = arith.maximumf %add3A_38, %max3A_39 : vector<64x256xf32>
    %get3A_41 = arith.constant 0 : index
    %get3A_42 = arith.constant 0 : index
    %get3A_43 = vector.load %arg8[%get3A_41, %get3A_42] : memref<256x10xf32, #tpu.memory_space<vmem>>, vector<256x10xf32>
    %convert_element_type3A_44 = arith.truncf %max3A_40 : vector<64x256xf32> to vector<64x256xbf16>
    %convert_element_type3A_45 = arith.truncf %get3A_43 : vector<256x10xf32> to vector<256x10xbf16>
    %dot_general3A_46 = arith.constant dense<0.000000e+00> : vector<64x10xf32>
    %dot_general3A_47 = tpu.matmul %convert_element_type3A_44, %convert_element_type3A_45, %dot_general3A_46 {dimension_numbers = #tpu.dot_dimension_numbers<[1], [0], [0], [1], [0, 0, 1, 1], [], []>, transpose_lhs_hint = false} : vector<64x256xbf16>, vector<256x10xbf16>, vector<64x10xf32> -> vector<64x10xf32>
    %get3A_48 = arith.constant 0 : index
    %get3A_49 = arith.constant 0 : index
    %get3A_50 = vector.load %arg9[%get3A_48, %get3A_49] : memref<1x10xf32, #tpu.memory_space<vmem>>, vector<1x10xf32>
    %add3A_51 = vector.broadcast %get3A_50 : vector<1x10xf32> to vector<64x10xf32>
    %add3A_52 = arith.addf %dot_general3A_47, %add3A_51 : vector<64x10xf32>
    %reduce_max3A = arith.constant dense<0xFF800000> : vector<64xf32>
    %reduce_max3A_53 = vector.multi_reduction <maximumf>, %add3A_52, %reduce_max3A [1] : vector<64x10xf32> to vector<64xf32>
    %broadcast_in_dim3A = vector.shape_cast %reduce_max3A_53 : vector<64xf32> to vector<64x1xf32>
    %sub3A_54 = vector.broadcast %broadcast_in_dim3A : vector<64x1xf32> to vector<64x10xf32>
    %sub3A_55 = arith.subf %add3A_52, %sub3A_54 : vector<64x10xf32>
    %exp3A = math.exp %sub3A_55 : vector<64x10xf32>
    %reduce_sum3A = arith.constant dense<0.000000e+00> : vector<64xf32>
    %reduce_sum3A_56 = vector.multi_reduction <add>, %exp3A, %reduce_sum3A [1] : vector<64x10xf32> to vector<64xf32>
    %broadcast_in_dim3A_57 = vector.shape_cast %reduce_sum3A_56 : vector<64xf32> to vector<64x1xf32>
    %log3A = math.log %broadcast_in_dim3A_57 : vector<64x1xf32>
    %sub3A_58 = vector.broadcast %broadcast_in_dim3A : vector<64x1xf32> to vector<64x10xf32>
    %sub3A_59 = arith.subf %add3A_52, %sub3A_58 : vector<64x10xf32>
    %sub3A_60 = vector.broadcast %log3A : vector<64x1xf32> to vector<64x10xf32>
    %sub3A_61 = arith.subf %sub3A_59, %sub3A_60 : vector<64x10xf32>
    %swap3A = arith.constant 0 : index
    %swap3A_62 = arith.constant 0 : index
    %swap3A_63 = vector.load %arg10[%swap3A, %swap3A_62] : memref<64x10xf32, #tpu.memory_space<vmem>>, vector<64x10xf32>
    tpu.vector_store %arg10[%swap3A, %swap3A_62], %sub3A_61 {strides = array<i32>} : memref<64x10xf32, #tpu.memory_space<vmem>>, vector<64x10xf32>,
    return
  }
}

</mosaic_0001>

<sc_bundles>
// kernel: kernel.17.cloned.1.call-start
scs
__scs_entry_jumppad:
0x0: {  	(pc) =	sbr.rel $0x88, $3  }
0x1: {  	(tag) =	ssettag $0x0;
	lr =	simm.s32 $0x1  }
0x2: {  	[smem:$0x3F90] =	sst lr;
	_ =	strace $0xD0000000  }
0x3: {  	_ = 	snop  }
0x4: {  	_ = 	snop  }
0x5: {  	_ = 	snop  }
0x6: {  	_ = 	snop  }
0x7: {  	_ = 	snop  }
__scs_overlays_trampoline_lowered:
0x8: {  	[smem:$0x3F9F] =	sst s0  }
0x9: {  	[smem:$0x3FA0] =	sst s1  }
0xa: {  	[smem:$0x3FA1] =	sst s2  }
0xb: {  	[smem:$0x3FA2] =	sst s3  }
0xc: {  	[smem:$0x3FA3] =	sst s4  }
0xd: {  	[smem:$0x3FA4] =	sst s5  }
0xe: {  	[smem:$0x3FA5] =	sst s6  }
0xf: {  	[smem:$0x3FA6] =	sst s7  }
0x10: {  	[smem:$0x3FA7] =	sst s8  }
0x11: {  	[smem:$0x3FA8] =	sst s9;
	s0 =	simm.s32 @!p0 $0x0  }
0x12: {  	s1 =	sld [smem:$0x3F8E];
	s0 =	simm.s32 @p0 $0x1  }
0x13: {  	[smem:$0x3FA9] =	sst s0;
	s0 =	simm.s32 @!p1 $0x0  }
0x14: {  	s2 =	sld [smem:$0x3F8D];
	s0 =	simm.s32 @p1 $0x1  }
0x15: {  	[smem:$0x3FAA] =	sst s0;
	s0 =	simm.s32 @!p2 $0x0  }
0x16: {  	s3 =	sld [smem:$0x3FDB];
	s0 =	simm.s32 @p2 $0x1  }
0x17: {  	s4 =	simm.s32 $0x1BF5;
	[smem:$0x3FAC] =	sst s0  }
0x18: {  	s0 =	sld [smem:$0x3F8F];
	_ =	swait.ge [sflag:s4], $0x0  }
0x19: {  	s7 =	sld [smem:$0x3F90]  }
0x1a: {  	s8 =	sadd.s32 $0xFFFFE003, lr  }
0x1b: {  	s9 =	sadd.s32 $0xFFFFFEF7, lr;
	s5 =	simm.s32 $0xFFFFFFFF;
	p2 =	slt.u32 s8, $0xFFFFF086  }
0x1c: {  	p1 =	slt.u32 s9, $0xF7A;
	s5 =	simm.s32 @!p2 $0x0  }
0x1d: {  	s5 =	simm.s32 @p1 $0x1;
	p0 =	seq.s32 s7, s2  }
0x1e: {  	s7 =	smul.u32 @!p0 $0xF7A, s2;
	p2 =	seq.s32 @!p0 s5, $0x0  }
0x1f: {  	s9 =	smul.u32 $0xF7A, s1;
	s8 =	simm.s32 @!p0 $0x1BF5;
	p2 =	por !p2, p0  }
0x20: {  	[sflag:s8] =	ssyncset.s32 @!p0 $0xFFFFF086;
	s6 =	sadd.s32 @!p0 s3, s7;
	s7 =	simm.s32 @!p0 $0x108  }
0x21: {  	s3 =	sadd.s32 s3, s9;
	s6 =	sadd.s32 @!p0 $0x88, s6;
	s7 =	simm.s32 @p2 $0x1082  }
0x22: {  	[simem:s7], [sflag:s8] =	dma.local @!p0 [hbm:s6], $0xF7A  }
0x23: {  	s9 =	sor.u32 $0xD0000000, s2;
	s6 =	simm.s32 $0x108;
	_ =	swait.ge @!p0 [sflag:s8], $0x0  }
0x24: {  	s3 =	sadd.s32 $0x88, s3;
	s6 =	simm.s32 @!p1 $0x1082;
	[sflag:s4] =	ssyncset.s32 $0xFFFFF086  }
0x25: {  	[simem:s6], [sflag:s4] =	dma.local [hbm:s3], $0xF7A  }
0x26: {  	[smem:$0x3F90] =	sst s1;
	(tag) =	ssettag s2;
	_ =	strace s9  }
0x27: {  	s1 =	sld [smem:$0x3FA0]  }
0x28: {  	s2 =	sld [smem:$0x3FA1]  }
0x29: {  	s4 =	sld [smem:$0x3FA3]  }
0x2a: {  	p0 =	seq.s32 s5, $0x0;
	s5 =	sld [smem:$0x3FA4]  }
0x2b: {  	s6 =	sld [smem:$0x3FA5]  }
0x2c: {  	s7 =	sld [smem:$0x3FA6]  }
0x2d: {  	s3 =	simm.s32 $0x108;
	s8 =	sld [smem:$0x3FA7]  }
0x2e: {  	s3 =	simm.s32 @!p0 $0x1082;
	s9 =	sld [smem:$0x3FA8]  }
0x2f: {  	lr =	sadd.s32 s0, s3;
	s0 =	sld [smem:$0x3F9F]  }
0x30: {  	s3 =	sld [smem:$0x3FA2]  }
0x31: {  	[smem:$0x3FAB] =	sst s10  }
0x32: {  	s10 =	sld [smem:$0x3FA9];
	_ =	sdelay $0x3  }
0x33: {  	p0 =	seq.s32 s10, $0x1;
	s10 =	sld [smem:$0x3FAB];
	_ =	sdelay $0x3  }
0x34: {  	[smem:$0x3FAB] =	sst s10  }
0x35: {  	s10 =	sld [smem:$0x3FAA];
	_ =	sdelay $0x3  }
0x36: {  	p1 =	seq.s32 s10, $0x1;
	s10 =	sld [smem:$0x3FAB];
	_ =	sdelay $0x3  }
0x37: {  	[smem:$0x3FAB] =	sst s10  }
0x38: {  	s10 =	sld [smem:$0x3FAC]  }
0x39: {  	_ = 	snop;
	(pc) =	sbr.ind lr, $3  }
0x3a: {  	_ = 	snop  }
0x3b: {  	_ = 	snop  }
0x3c: {  	p2 =	seq.s32 s10, $0x1;
	s10 =	sld [smem:$0x3FAB]  }
0x3d: {  	_ =	shalt  }
0x3e: {  	_ =	shalt  }
0x3f: {  	_ =	shalt  }
0x40: {  	_ =	shalt  }
0x41: {  	_ =	shalt  }
0x42: {  	_ =	shalt  }
0x43: {  	_ =	shalt  }
0x44: {  	_ =	shalt  }
0x45: {  	_ =	shalt  }
0x46: {  	_ =	shalt  }
0x47: {  	_ =	shalt  }
0x48: {  	_ =	shalt  }
0x49: {  	_ =	shalt  }
0x4a: {  	_ =	shalt  }
0x4b: {  	_ =	shalt  }
0x4c: {  	_ =	shalt  }
0x4d: {  	_ =	shalt  }
0x4e: {  	_ =	shalt  }
0x4f: {  	_ =	shalt  }
0x50: {  	_ =	shalt  }
0x51: {  	_ =	shalt  }
0x52: {  	_ =	shalt  }
0x53: {  	_ =	shalt  }
0x54: {  	_ =	shalt  }
0x55: {  	_ =	shalt  }
0x56: {  	_ =	shalt  }
0x57: {  	_ =	shalt  }
0x58: {  	_ =	shalt  }
0x59: {  	_ =	shalt  }
0x5a: {  	_ =	shalt  }
0x5b: {  	_ =	shalt  }
0x5c: {  	_ =	shalt  }
0x5d: {  	_ =	shalt  }
0x5e: {  	_ =	shalt  }
0x5f: {  	_ =	shalt  }
0x60: {  	_ =	shalt  }
0x61: {  	_ =	shalt  }
0x62: {  	_ =	shalt  }
0x63: {  	_ =	shalt  }
0x64: {  	_ =	shalt  }
0x65: {  	_ =	shalt  }
0x66: {  	_ =	shalt  }
0x67: {  	_ =	shalt  }
0x68: {  	_ =	shalt  }
0x69: {  	_ =	shalt  }
0x6a: {  	_ =	shalt  }
0x6b: {  	_ =	shalt  }
0x6c: {  	_ =	shalt  }
0x6d: {  	_ =	shalt  }
0x6e: {  	_ =	shalt  }
0x6f: {  	_ =	shalt  }
0x70: {  	_ =	shalt  }
0x71: {  	_ =	shalt  }
0x72: {  	_ =	shalt  }
0x73: {  	_ =	shalt  }
0x74: {  	_ =	shalt  }
0x75: {  	_ =	shalt  }
0x76: {  	_ =	shalt  }
0x77: {  	_ =	shalt  }
0x78: {  	_ =	shalt  }
0x79: {  	_ =	shalt  }
0x7a: {  	_ =	shalt  }
0x7b: {  	_ =	shalt  }
0x7c: {  	_ =	shalt  }
0x7d: {  	_ =	shalt  }
0x7e: {  	_ =	shalt  }
0x7f: {  	_ =	shalt  }
0x80: {  	_ =	shalt  }
0x81: {  	_ =	shalt  }
0x82: {  	_ =	shalt  }
0x83: {  	_ =	shalt  }
0x84: {  	_ =	shalt  }
0x85: {  	_ =	shalt  }
0x86: {  	_ =	shalt  }
0x87: {  	_ =	shalt  }
.Lfunc_end0:
.L_simem_size_0:
called_computation_lowered:
.L_overlay_start_0:
0x88: {  	s2 =	sld [smem:$0x3FD9]  }
0x89: {  	s3 =	sld [smem:$0x3FFE];
	_ =	sdelay $0x1  }
0x8a: {  	s1 =	srdreg.scid  }
0x8b: {  	s0 =	sand.u32 $0x1, s1  }
0x8c: {  	s17 =	sshll.u32 s0, $0xA;
	s2 =	sadd.s32 s3, s2  }
0x8d: {  	s2 =	sadd.s32 s2, s17  }
0x8e: {  	[smem:$0x3FB7] =	sst s2  }
0x8f: {  	_ = 	snop  }
0x90: {  	s2 =	sld [smem:$0x3FC9];
	(tm) =	ssettm $0x1  }
0x91: {  	s18 =	sld [smem:$0x3FFB];
	_ =	sdelay $0x3  }
0x92: {  	_ =	strace s18  }
0x93: {  	s3 =	sld [smem:$0x3FFC];
	_ =	sdelay $0x3  }
0x94: {  	_ =	strace s3  }
0x95: {  	s3 =	sld [smem:$0x3FFD];
	_ =	sdelay $0x3  }
0x96: {  	_ =	strace s3  }
0x97: {  	_ =	strace $0x8FFFFFFF  }
0x98: {  	s19 =	sld [smem:$0x3FDB];
	_ =	sdelay $0x1  }
0x99: {  	s4 =	simm.s32 $_scs_section_size  }
0x9a: {  	s5 =	simm.s32 $_size__tile_overlayer_lowered;
	s6 =	simm.s32 $_tile_overlayer_lowered  }
0x9b: {  	s22 =	simm.s32 $0x1BFF;
	s21 =	sshll.u32 s6, $0x1;
	s3 =	sadd.s32 s4, s19  }
0x9c: {  	s7 =	simm.s32 $0x0;
	s20 =	sshll.u32 s5, $0x1;
	s5 =	sadd.s32 s21, s3  }
0x9d: {  	[timem:s7], [sflag:s22] =	dma.local [hbm:s5], s20  }
0x9e: {  	_ =	swait.ge [sflag:s22], s20  }
0x9f: {  	s4 =	ssub.s32 $0x0, s20;
	[sflag:s22] =	ssyncset.done $0x0  }
0xa0: {  	[sflag:s22] =	ssyncadd.s32 s4;
	_ =	sdelay $0x1  }
0xa1: {  	s23 =	simm.s32 $0x1B8B  }
0xa2: {  	_ =	swait.ge [sflag:s23], $0x1  }
0xa3: {  	[sflag:s23] =	ssyncset.done $0x0  }
0xa4: {  	s25 =	simm.s32 $0x1B8E;
	s24 =	sld [smem:$0x3FFE];
	[sflag:s23] =	ssyncadd.s32 $0xFFFFFFFF  }
0xa5: {  	s26 =	simm.s32 $execute0_lowered;
	[smem:$0x3FD2] =	sst s25  }
0xa6: {  	s5 =	sshll.u32 s26, $0x1;
	_ =	strace $0x80000046;
	[dreg:$0x1] =	wrdreg $0xFFFFFFFF  }
0xa7: {  	s28 =	simm.s32 $_size_execute0_lowered;
	s3 =	sadd.s32 s3, s5;
	[dreg:$0x0] =	wrdreg $0x0  }
0xa8: {  	s5 =	sshll.u32 s28, $0x1;
	[dreg:$0x2] =	wrdreg s3  }
0xa9: {  	[dreg:$0x3] =	wrdreg s5  }
0xaa: {  	[dreg:$0x4] =	wrdreg $0xC0  }
0xab: {  	_ =	task [dreg:s7], $0x5FFFF  }
0xac: {  	[dreg:$0x1] =	wrdreg $0xFFFFFFFF  }
0xad: {  	[dreg:$0x0] =	wrdreg $0x60  }
0xae: {  	[dreg:$0x2] =	wrdreg s2  }
0xaf: {  	[dreg:$0x3] =	wrdreg s24  }
0xb0: {  	[dreg:$0x4] =	wrdreg $0x90000  }
0xb1: {  	[dreg:$0x5] =	wrdreg $0x9  }
0xb2: {  	_ =	task.clear_ibuf [dreg:s7], $0x6FFFF;
	_ =	strace $0x90000046  }
0xb3: {  	s29 =	simm.s32 $0x9;
	_ =	strace $0x80000048  }
0xb4: {  	_ =	swait.ge [sflag:s29], $0x1  }
0xb5: {  	[sflag:s29] =	ssyncadd.s32 $0xFFFFFFFF  }
0xb6: {  	_ =	strace $0x90000048  }
0xb7: {  	_ =	sfence  }
0xb8: {  	s30 =	sld [smem:$0x0];
	_ =	sdelay $0x2  }
0xb9: {  	s31 =	sshll.u32 s1, $0xD;
	s1 =	sshrl.u32 s1, $0x2  }
0xba: {  	s3 =	sand.u32 $0x4000, s31;
	s1 =	sadd.s32 s1, s30  }
0xbb: {  	s0 =	sor.u32 s3, s0;
	s1 =	sshll.u32 s1, $0x11  }
0xbc: {  	s0 =	sor.u32 s1, s0  }
0xbd: {  	s0 =	sadd.s32 $0x8F2B, s0  }
0xbe: {  	[sflag:s0] =	ssyncadd.remote.s32 $0x1  }
0xbf: {  	_ =	sfence.sel $0xFFFF  }
0xc0: {  	[dreg:$0x0] =	wrdreg $0xFFFFFFFF;
	(pc) =	sbr.abs _section_cstart, $3  }
0xc1: {  	[dreg:$0x1] =	wrdreg $0xFFFFFFFF  }
0xc2: {  	_ =	task.clear_ibuf [dreg:s7], $0x2FFFF;
	_ =	strace $0x9FFFFFFF  }
0xc3: {  	(tm) =	ssettm $0x7FFFFFFF  }
tec
execute0_lowered:
.L_overlay_start_1:
0x0: {  	(tag) =	ssettag $0x1  }
0x1: {  	s0 =	rddreg [dreg:$0x0]  }
0x2: {  	s1 =	rddreg [dreg:$0x1]  }
0x3: {  	s2 =	srdreg.scid;
	s3 =	rddreg [dreg:$0x2]  }
0x4: {  	s9 =	stileid.u32;
	s4 =	simm.s32 $0x0;
	s13 =	simm.s32 $0x100  }
0x5: {  	s15 =	simm.s32 $0x880;
	s17 =	simm.s32 $0x180;
	[smem:$0x7FF] =	sst s4  }
0x6: {  	s18 =	simm.s32 $0x900;
	_ =	strace $0x80000047;
	[dreg:$0x6] =	wrdreg s13  }
0x7: {  	s19 =	simm.s32 $0x200;
	s20 =	simm.s32 $0x980;
	[dreg:$0x7] =	wrdreg s15  }
0x8: {  	s21 =	simm.s32 $0x280;
	s22 =	simm.s32 $0xA00;
	[dreg:$0x8] =	wrdreg s17  }
0x9: {  	s23 =	simm.s32 $0x300;
	s24 =	simm.s32 $0xA80;
	[dreg:$0x9] =	wrdreg s18  }
0xa: {  	s28 =	simm.s32 $0x680;
	s29 =	simm.s32 $0xE00;
	[dreg:$0xa] =	wrdreg s19  }
0xb: {  	s30 =	simm.s32 $0x700;
	s31 =	simm.s32 $0xE80;
	[dreg:$0xb] =	wrdreg s20  }
0xc: {  	s2 =	sand.u32 $0x1, s2;
	s6 =	smul.u32 $0x2800, s9;
	[dreg:$0xc] =	wrdreg s21  }
0xd: {  	s8 =	smul.u32 $0x4E200, s9;
	s16 =	sshll.u32 s9, $0x6;
	[dreg:$0xd] =	wrdreg s22  }
0xe: {  	s5 =	smul.u32 $0x28000, s2;
	s7 =	sshll.u32 s2, $0x4;
	[dreg:$0xe] =	wrdreg s23  }
0xf: {  	s2 =	ssub.s32 $0x2, s2;
	s13 =	simm.s32 $0x1000;
	[dreg:$0xf] =	wrdreg s24  }
0x10: {  	s15 =	simm.s32 $0x1;
	s17 =	simm.s32 $0x400;
	s18 =	simm.s32 $0xB80  }
0x11: {  	s19 =	simm.s32 $0x480;
	s20 =	simm.s32 $0xC00;
	s21 =	simm.s32 $0x500  }
0x12: {  	s22 =	simm.s32 $0xC80;
	s23 =	simm.s32 $0x580;
	s24 =	simm.s32 $0xD00  }
0x13: {  	s25 =	sor.u32 s9, s7;
	s26 =	sshrl.u32 s2, $0x1;
	s11 =	sshrl.u32 s8, $0x2  }
0x14: {  	s7 =	sor.u32 $0x1C03, s16;
	s16 =	simm.s32 $0x2;
	s9 =	simm.s32 $0x0  }
0x15: {  	s5 =	sadd.s32 s6, s5;
	s6 =	smul.u32 $0x2780, s25;
	s2 =	ssub.s32 s2, s26  }
0x16: {  	s12 =	sadd.s32 s11, s3;
	s25 =	simm.s32 $0x380;
	[dreg:$0x13] =	wrdreg s7  }
0x17: {  	s11 =	simm.s32 $0x800;
	s26 =	simm.s32 $0xB00;
	[dreg:$0x10] =	wrdreg s25  }
0x18: {  	s5 =	sshrl.u32 s5, $0x3;
	s2 =	smax.u32 s2, $0x1;
	[dreg:$0x11] =	wrdreg s26  }
0x19: {  	s8 =	sshrl.u32 s12, $0x3;
	s5 =	sadd.s32 s5, s1;
	[dreg:$0x15] =	wrdreg s2  }
0x1a: {  	s12 =	simm.s32 $0x80;
	[dreg:$0x16] =	wrdreg s8;
	s10 =	sadd.s32 $0x1600, s5  }
0x1b: {  	s1 =	sadd.s32 s6, s1;
	s5 =	sadd.s32 $0xB600, s5;
	[dreg:$0x4] =	wrdreg s10  }
0x1c: {  	s25 =	simm.s32 $0x600;
	s14 =	sadd.s32 $0x15600, s1;
	[dreg:$0x5] =	wrdreg s5  }
0x1d: {  	s26 =	simm.s32 $0xD80;
	s1 =	sadd.s32 $0x64600, s1;
	[dreg:$0x12] =	wrdreg s14  }
0x1e: {  	s2 =	simm.s32 $0xF00;
	[dreg:$0x14] =	wrdreg s1;
	s10 =	simm.s32 $0x3  }
0x1f: {  	s14 =	simm.s32 $0x5000;
	s1 =	simm.s32 $0x780;
	s5 =	simm.s32 $0xF80  }
.LBB2_1:
0x20: {  	[dreg:$0x17] =	wrdreg s9  }
0x21: {  	s6 =	rddreg [dreg:$0x12]  }
0x22: {  	[spmem:s8], [sflag:s7] =	dma.local [hbm:s6], $0x2710  }
0x23: {  	_ =	swait.ge [sflag:s10], $0x2710  }
0x24: {  	[sflag:s10] =	ssyncset.done $0x0  }
0x25: {  	[sflag:s10] =	ssyncadd.s32 $0xFFFFD8F0  }
0x26: {  	[bflag:$0x0] =	sbarrier.arrive $0xFFFF  }
0x27: {  	s8 =	rddreg [dreg:$0x5]  }
0x28: {  	s6 =	sadd.s32 $0x0, s8  }
0x29: {  	[tilespmem:s4], [sflag:$0x3] =	stream.linear.gather [hbm4b:s6+s4], $0x800, $0x38;
	[tilespmem:$0x1D880] =	vst v63  }
0x2a: {  	_ =	swait.ge [sflag:s10], $0x800  }
0x2b: {  	s9 =	rddreg [dreg:$0x4];
	[sflag:s10] =	ssyncset.done $0x0  }
0x2c: {  	[sflag:s10] =	ssyncadd.s32 $0xFFFFF800;
	s6 =	sadd.s32 $0x0, s9  }
0x2d: {  	[tilespmem:s11], [sflag:$0x3] =	stream.linear.gather [hbm4b:s6+s4], $0x800, $0x38;
	[tilespmem:$0x1D880] =	vst v63  }
0x2e: {  	_ =	swait.ge [sflag:s10], $0x800  }
0x2f: {  	[sflag:s10] =	ssyncset.done $0x0  }
0x30: {  	[sflag:s10] =	ssyncadd.s32 $0xFFFFF800  }
0x31: {  	[tilespmem:s13], [sflag:$0x1] =	stream.indirect.gather [hbm4b:s0+s12], $0x80, s4, s12, $0xb8;
	[tilespmem:$0x1D880] =	vst v63  }
0x32: {  	_ = 	snop  }
0x33: {  	[tilespmem:s14], [sflag:$0x2] =	stream.indirect.gather [hbm4b:s0+s12], $0x80, s12, s12, $0xb8;
	[tilespmem:$0x1D880] =	vst v63  }
0x34: {  	_ =	swait.ge [sflag:s15], $0x4000  }
0x35: {  	[sflag:s15] =	ssyncset.done $0x0  }
0x36: {  	[sflag:s15] =	ssyncadd.s32 $0xFFFFC000  }
0x37: {  	[spmem:s3] =	stream.indirect.scatter.add.f32 [tilespmem:s13], [sflag:$0x3], $0x80, s11, s12, $0xb8;
	[tilespmem:$0x1D880] =	vst v63  }
0x38: {  	_ =	swait.ge [sflag:s10], $0x4000  }
0x39: {  	[sflag:s10] =	ssyncset.done $0x0  }
0x3a: {  	s7 =	rddreg [dreg:$0x6];
	[sflag:s10] =	ssyncadd.s32 $0xFFFFC000  }
0x3b: {  	[tilespmem:s13], [sflag:$0x1] =	stream.indirect.gather [hbm4b:s0+s12], $0x80, s7, s12, $0xb8;
	[tilespmem:$0x1D880] =	vst v63  }
0x3c: {  	_ =	swait.ge [sflag:s16], $0x4000  }
0x3d: {  	[sflag:s16] =	ssyncset.done $0x0  }
0x3e: {  	s8 =	rddreg [dreg:$0x7];
	[sflag:s16] =	ssyncadd.s32 $0xFFFFC000  }
0x3f: {  	[spmem:s3] =	stream.indirect.scatter.add.f32 [tilespmem:s14], [sflag:$0x3], $0x80, s8, s12, $0xb8;
	[tilespmem:$0x1D880] =	vst v63  }
0x40: {  	_ =	swait.ge [sflag:s10], $0x4000  }
0x41: {  	[sflag:s10] =	ssyncset.done $0x0  }
0x42: {  	s9 =	rddreg [dreg:$0x8];
	[sflag:s10] =	ssyncadd.s32 $0xFFFFC000  }
0x43: {  	[tilespmem:s14], [sflag:$0x2] =	stream.indirect.gather [hbm4b:s0+s12], $0x80, s9, s12, $0xb8;
	[tilespmem:$0x1D880] =	vst v63  }
0x44: {  	_ =	swait.ge [sflag:s15], $0x4000  }
0x45: {  	[sflag:s15] =	ssyncset.done $0x0  }
0x46: {  	s7 =	rddreg [dreg:$0x9];
	[sflag:s15] =	ssyncadd.s32 $0xFFFFC000  }
0x47: {  	[spmem:s3] =	stream.indirect.scatter.add.f32 [tilespmem:s13], [sflag:$0x3], $0x80, s7, s12, $0xb8;
	[tilespmem:$0x1D880] =	vst v63  }
0x48: {  	_ =	swait.ge [sflag:s10], $0x4000  }
0x49: {  	[sflag:s10] =	ssyncset.done $0x0  }
0x4a: {  	s8 =	rddreg [dreg:$0xa];
	[sflag:s10] =	ssyncadd.s32 $0xFFFFC000  }
0x4b: {  	[tilespmem:s13], [sflag:$0x1] =	stream.indirect.gather [hbm4b:s0+s12], $0x80, s8, s12, $0xb8;
	[tilespmem:$0x1D880] =	vst v63  }
0x4c: {  	_ =	swait.ge [sflag:s16], $0x4000  }
0x4d: {  	[sflag:s16] =	ssyncset.done $0x0  }
0x4e: {  	s9 =	rddreg [dreg:$0xb];
	[sflag:s16] =	ssyncadd.s32 $0xFFFFC000  }
0x4f: {  	[spmem:s3] =	stream.indirect.scatter.add.f32 [tilespmem:s14], [sflag:$0x3], $0x80, s9, s12, $0xb8;
	[tilespmem:$0x1D880] =	vst v63  }
0x50: {  	_ =	swait.ge [sflag:s10], $0x4000  }
0x51: {  	[sflag:s10] =	ssyncset.done $0x0  }
0x52: {  	s7 =	rddreg [dreg:$0xc];
	[sflag:s10] =	ssyncadd.s32 $0xFFFFC000  }
0x53: {  	[tilespmem:s14], [sflag:$0x2] =	stream.indirect.gather [hbm4b:s0+s12], $0x80, s7, s12, $0xb8;
	[tilespmem:$0x1D880] =	vst v63  }
0x54: {  	_ =	swait.ge [sflag:s15], $0x4000  }
0x55: {  	[sflag:s15] =	ssyncset.done $0x0  }
0x56: {  	s8 =	rddreg [dreg:$0xd];
	[sflag:s15] =	ssyncadd.s32 $0xFFFFC000  }
0x57: {  	[spmem:s3] =	stream.indirect.scatter.add.f32 [tilespmem:s13], [sflag:$0x3], $0x80, s8, s12, $0xb8;
	[tilespmem:$0x1D880] =	vst v63  }
0x58: {  	_ =	swait.ge [sflag:s10], $0x4000  }
0x59: {  	[sflag:s10] =	ssyncset.done $0x0  }
0x5a: {  	s9 =	rddreg [dreg:$0xe];
	[sflag:s10] =	ssyncadd.s32 $0xFFFFC000  }
0x5b: {  	[tilespmem:s13], [sflag:$0x1] =	stream.indirect.gather [hbm4b:s0+s12], $0x80, s9, s12, $0xb8;
	[tilespmem:$0x1D880] =	vst v63  }
0x5c: {  	_ =	swait.ge [sflag:s16], $0x4000  }
0x5d: {  	[sflag:s16] =	ssyncset.done $0x0  }
0x5e: {  	s7 =	rddreg [dreg:$0xf];
	[sflag:s16] =	ssyncadd.s32 $0xFFFFC000  }
0x5f: {  	[spmem:s3] =	stream.indirect.scatter.add.f32 [tilespmem:s14], [sflag:$0x3], $0x80, s7, s12, $0xb8;
	[tilespmem:$0x1D880] =	vst v63  }
0x60: {  	_ =	swait.ge [sflag:s10], $0x4000  }
0x61: {  	[sflag:s10] =	ssyncset.done $0x0  }
0x62: {  	s8 =	rddreg [dreg:$0x10];
	[sflag:s10] =	ssyncadd.s32 $0xFFFFC000  }
0x63: {  	[tilespmem:s14], [sflag:$0x2] =	stream.indirect.gather [hbm4b:s0+s12], $0x80, s8, s12, $0xb8;
	[tilespmem:$0x1D880] =	vst v63  }
0x64: {  	_ =	swait.ge [sflag:s15], $0x4000  }
0x65: {  	[sflag:s15] =	ssyncset.done $0x0  }
0x66: {  	s9 =	rddreg [dreg:$0x11];
	[sflag:s15] =	ssyncadd.s32 $0xFFFFC000  }
0x67: {  	[spmem:s3] =	stream.indirect.scatter.add.f32 [tilespmem:s13], [sflag:$0x3], $0x80, s9, s12, $0xb8;
	[tilespmem:$0x1D880] =	vst v63  }
0x68: {  	_ =	swait.ge [sflag:s10], $0x4000  }
0x69: {  	[sflag:s10] =	ssyncset.done $0x0  }
0x6a: {  	[sflag:s10] =	ssyncadd.s32 $0xFFFFC000  }
0x6b: {  	[tilespmem:s13], [sflag:$0x1] =	stream.indirect.gather [hbm4b:s0+s12], $0x80, s17, s12, $0xb8;
	[tilespmem:$0x1D880] =	vst v63  }
0x6c: {  	_ =	swait.ge [sflag:s16], $0x4000  }
0x6d: {  	[sflag:s16] =	ssyncset.done $0x0  }
0x6e: {  	[sflag:s16] =	ssyncadd.s32 $0xFFFFC000  }
0x6f: {  	[spmem:s3] =	stream.indirect.scatter.add.f32 [tilespmem:s14], [sflag:$0x3], $0x80, s18, s12, $0xb8;
	[tilespmem:$0x1D880] =	vst v63  }
0x70: {  	_ =	swait.ge [sflag:s10], $0x4000  }
0x71: {  	[sflag:s10] =	ssyncset.done $0x0  }
0x72: {  	[sflag:s10] =	ssyncadd.s32 $0xFFFFC000  }
0x73: {  	[tilespmem:s14], [sflag:$0x2] =	stream.indirect.gather [hbm4b:s0+s12], $0x80, s19, s12, $0xb8;
	[tilespmem:$0x1D880] =	vst v63  }
0x74: {  	_ =	swait.ge [sflag:s15], $0x4000  }
0x75: {  	[sflag:s15] =	ssyncset.done $0x0  }
0x76: {  	[sflag:s15] =	ssyncadd.s32 $0xFFFFC000  }
0x77: {  	[spmem:s3] =	stream.indirect.scatter.add.f32 [tilespmem:s13], [sflag:$0x3], $0x80, s20, s12, $0xb8;
	[tilespmem:$0x1D880] =	vst v63  }
0x78: {  	_ =	swait.ge [sflag:s10], $0x4000  }
0x79: {  	[sflag:s10] =	ssyncset.done $0x0  }
0x7a: {  	[sflag:s10] =	ssyncadd.s32 $0xFFFFC000  }
0x7b: {  	[tilespmem:s13], [sflag:$0x1] =	stream.indirect.gather [hbm4b:s0+s12], $0x80, s21, s12, $0xb8;
	[tilespmem:$0x1D880] =	vst v63  }
0x7c: {  	_ =	swait.ge [sflag:s16], $0x4000  }
0x7d: {  	[sflag:s16] =	ssyncset.done $0x0  }
0x7e: {  	[sflag:s16] =	ssyncadd.s32 $0xFFFFC000  }
0x7f: {  	[spmem:s3] =	stream.indirect.scatter.add.f32 [tilespmem:s14], [sflag:$0x3], $0x80, s22, s12, $0xb8;
	[tilespmem:$0x1D880] =	vst v63  }
0x80: {  	_ =	swait.ge [sflag:s10], $0x4000  }
0x81: {  	[sflag:s10] =	ssyncset.done $0x0  }
0x82: {  	[sflag:s10] =	ssyncadd.s32 $0xFFFFC000  }
0x83: {  	[tilespmem:s14], [sflag:$0x2] =	stream.indirect.gather [hbm4b:s0+s12], $0x80, s23, s12, $0xb8;
	[tilespmem:$0x1D880] =	vst v63  }
0x84: {  	_ =	swait.ge [sflag:s15], $0x4000  }
0x85: {  	[sflag:s15] =	ssyncset.done $0x0  }
0x86: {  	[sflag:s15] =	ssyncadd.s32 $0xFFFFC000  }
0x87: {  	[spmem:s3] =	stream.indirect.scatter.add.f32 [tilespmem:s13], [sflag:$0x3], $0x80, s24, s12, $0xb8;
	[tilespmem:$0x1D880] =	vst v63  }
0x88: {  	_ =	swait.ge [sflag:s10], $0x4000  }
0x89: {  	[sflag:s10] =	ssyncset.done $0x0  }
0x8a: {  	[sflag:s10] =	ssyncadd.s32 $0xFFFFC000  }
0x8b: {  	[tilespmem:s13], [sflag:$0x1] =	stream.indirect.gather [hbm4b:s0+s12], $0x80, s25, s12, $0xb8;
	[tilespmem:$0x1D880] =	vst v63  }
0x8c: {  	_ =	swait.ge [sflag:s16], $0x4000  }
0x8d: {  	[sflag:s16] =	ssyncset.done $0x0  }
0x8e: {  	[sflag:s16] =	ssyncadd.s32 $0xFFFFC000  }
0x8f: {  	[spmem:s3] =	stream.indirect.scatter.add.f32 [tilespmem:s14], [sflag:$0x3], $0x80, s26, s12, $0xb8;
	[tilespmem:$0x1D880] =	vst v63  }
0x90: {  	_ =	swait.ge [sflag:s10], $0x4000  }
0x91: {  	[sflag:s10] =	ssyncset.done $0x0  }
0x92: {  	[sflag:s10] =	ssyncadd.s32 $0xFFFFC000  }
0x93: {  	[tilespmem:s14], [sflag:$0x2] =	stream.indirect.gather [hbm4b:s0+s12], $0x80, s28, s12, $0xb8;
	[tilespmem:$0x1D880] =	vst v63  }
0x94: {  	_ =	swait.ge [sflag:s15], $0x4000  }
0x95: {  	[sflag:s15] =	ssyncset.done $0x0  }
0x96: {  	[sflag:s15] =	ssyncadd.s32 $0xFFFFC000  }
0x97: {  	[spmem:s3] =	stream.indirect.scatter.add.f32 [tilespmem:s13], [sflag:$0x3], $0x80, s29, s12, $0xb8;
	[tilespmem:$0x1D880] =	vst v63  }
0x98: {  	_ =	swait.ge [sflag:s10], $0x4000  }
0x99: {  	[sflag:s10] =	ssyncset.done $0x0  }
0x9a: {  	[sflag:s10] =	ssyncadd.s32 $0xFFFFC000  }
0x9b: {  	[tilespmem:s13], [sflag:$0x1] =	stream.indirect.gather [hbm4b:s0+s12], $0x80, s30, s12, $0xb8;
	[tilespmem:$0x1D880] =	vst v63  }
0x9c: {  	_ =	swait.ge [sflag:s16], $0x4000  }
0x9d: {  	[sflag:s16] =	ssyncset.done $0x0  }
0x9e: {  	[sflag:s16] =	ssyncadd.s32 $0xFFFFC000  }
0x9f: {  	[spmem:s3] =	stream.indirect.scatter.add.f32 [tilespmem:s14], [sflag:$0x3], $0x80, s31, s12, $0xb8;
	[tilespmem:$0x1D880] =	vst v63  }
0xa0: {  	_ =	swait.ge [sflag:s10], $0x4000  }
0xa1: {  	[sflag:s10] =	ssyncset.done $0x0  }
0xa2: {  	[sflag:s10] =	ssyncadd.s32 $0xFFFFC000  }
0xa3: {  	[tilespmem:s14], [sflag:$0x2] =	stream.indirect.gather [hbm4b:s0+s12], $0x80, s1, s12, $0xb8;
	[tilespmem:$0x1D880] =	vst v63  }
0xa4: {  	_ =	swait.ge [sflag:s15], $0x4000  }
0xa5: {  	[sflag:s15] =	ssyncset.done $0x0  }
0xa6: {  	[sflag:s15] =	ssyncadd.s32 $0xFFFFC000  }
0xa7: {  	[spmem:s3] =	stream.indirect.scatter.add.f32 [tilespmem:s13], [sflag:$0x3], $0x80, s2, s12, $0xb8;
	[tilespmem:$0x1D880] =	vst v63  }
0xa8: {  	_ =	swait.ge [sflag:s10], $0x4000  }
0xa9: {  	[sflag:s10] =	ssyncset.done $0x0  }
0xaa: {  	[sflag:s10] =	ssyncadd.s32 $0xFFFFC000  }
0xab: {  	_ =	swait.ge [sflag:s16], $0x4000  }
0xac: {  	[sflag:s16] =	ssyncset.done $0x0  }
0xad: {  	[sflag:s16] =	ssyncadd.s32 $0xFFFFC000  }
0xae: {  	[spmem:s3] =	stream.indirect.scatter.add.f32 [tilespmem:s14], [sflag:$0x3], $0x80, s5, s12, $0xb8;
	[tilespmem:$0x1D880] =	vst v63  }
0xaf: {  	s6 =	simm.s32 $0x200;
	_ =	swait.ge [sflag:s10], $0x4000  }
0xb0: {  	s8 =	simm.s32 $0x100;
	s9 =	rddreg [dreg:$0x5];
	[sflag:s10] =	ssyncset.done $0x0  }
.LBB2_2:
0xb1: {  	[sflag:s10] =	ssyncadd.s32 $0xFFFFC000;
	s9 =	sadd.s32 s8, s9  }
0xb2: {  	[tilespmem:s4], [sflag:$0x3] =	stream.linear.gather [hbm4b:s9+s4], $0x800, $0x38;
	[tilespmem:$0x1D880] =	vst v63  }
0xb3: {  	_ =	swait.ge [sflag:s10], $0x800  }
0xb4: {  	s9 =	rddreg [dreg:$0x4];
	[sflag:s10] =	ssyncset.done $0x0  }
0xb5: {  	[sflag:s10] =	ssyncadd.s32 $0xFFFFF800;
	s9 =	sadd.s32 s8, s9  }
0xb6: {  	[tilespmem:s11], [sflag:$0x3] =	stream.linear.gather [hbm4b:s9+s4], $0x800, $0x38;
	[tilespmem:$0x1D880] =	vst v63  }
0xb7: {  	_ =	swait.ge [sflag:s10], $0x800  }
0xb8: {  	[sflag:s10] =	ssyncset.done $0x0  }
0xb9: {  	[sflag:s10] =	ssyncadd.s32 $0xFFFFF800  }
0xba: {  	[tilespmem:s13], [sflag:$0x1] =	stream.indirect.gather [hbm4b:s0+s12], $0x80, s4, s12, $0xb8;
	[tilespmem:$0x1D880] =	vst v63  }
0xbb: {  	_ = 	snop  }
0xbc: {  	[tilespmem:s14], [sflag:$0x2] =	stream.indirect.gather [hbm4b:s0+s12], $0x80, s12, s12, $0xb8;
	[tilespmem:$0x1D880] =	vst v63  }
0xbd: {  	_ =	swait.ge [sflag:s15], $0x4000  }
0xbe: {  	[sflag:s15] =	ssyncset.done $0x0  }
0xbf: {  	[sflag:s15] =	ssyncadd.s32 $0xFFFFC000  }
0xc0: {  	[spmem:s3] =	stream.indirect.scatter.add.f32 [tilespmem:s13], [sflag:$0x3], $0x80, s11, s12, $0xb8;
	[tilespmem:$0x1D880] =	vst v63  }
0xc1: {  	_ =	swait.ge [sflag:s10], $0x4000  }
0xc2: {  	[sflag:s10] =	ssyncset.done $0x0  }
0xc3: {  	s9 =	rddreg [dreg:$0x6];
	[sflag:s10] =	ssyncadd.s32 $0xFFFFC000  }
0xc4: {  	[tilespmem:s13], [sflag:$0x1] =	stream.indirect.gather [hbm4b:s0+s12], $0x80, s9, s12, $0xb8;
	[tilespmem:$0x1D880] =	vst v63  }
0xc5: {  	_ =	swait.ge [sflag:s16], $0x4000  }
0xc6: {  	[sflag:s16] =	ssyncset.done $0x0  }
0xc7: {  	s9 =	rddreg [dreg:$0x7];
	[sflag:s16] =	ssyncadd.s32 $0xFFFFC000  }
0xc8: {  	[spmem:s3] =	stream.indirect.scatter.add.f32 [tilespmem:s14], [sflag:$0x3], $0x80, s9, s12, $0xb8;
	[tilespmem:$0x1D880] =	vst v63  }
0xc9: {  	_ =	swait.ge [sflag:s10], $0x4000  }
0xca: {  	[sflag:s10] =	ssyncset.done $0x0  }
0xcb: {  	s9 =	rddreg [dreg:$0x8];
	[sflag:s10] =	ssyncadd.s32 $0xFFFFC000  }
0xcc: {  	[tilespmem:s14], [sflag:$0x2] =	stream.indirect.gather [hbm4b:s0+s12], $0x80, s9, s12, $0xb8;
	[tilespmem:$0x1D880] =	vst v63  }
0xcd: {  	_ =	swait.ge [sflag:s15], $0x4000  }
0xce: {  	[sflag:s15] =	ssyncset.done $0x0  }
0xcf: {  	s9 =	rddreg [dreg:$0x9];
	[sflag:s15] =	ssyncadd.s32 $0xFFFFC000  }
0xd0: {  	[spmem:s3] =	stream.indirect.scatter.add.f32 [tilespmem:s13], [sflag:$0x3], $0x80, s9, s12, $0xb8;
	[tilespmem:$0x1D880] =	vst v63  }
0xd1: {  	_ =	swait.ge [sflag:s10], $0x4000  }
0xd2: {  	[sflag:s10] =	ssyncset.done $0x0  }
0xd3: {  	s9 =	rddreg [dreg:$0xa];
	[sflag:s10] =	ssyncadd.s32 $0xFFFFC000  }
0xd4: {  	[tilespmem:s13], [sflag:$0x1] =	stream.indirect.gather [hbm4b:s0+s12], $0x80, s9, s12, $0xb8;
	[tilespmem:$0x1D880] =	vst v63  }
0xd5: {  	_ =	swait.ge [sflag:s16], $0x4000  }
0xd6: {  	[sflag:s16] =	ssyncset.done $0x0  }
0xd7: {  	s9 =	rddreg [dreg:$0xb];
	[sflag:s16] =	ssyncadd.s32 $0xFFFFC000  }
0xd8: {  	[spmem:s3] =	stream.indirect.scatter.add.f32 [tilespmem:s14], [sflag:$0x3], $0x80, s9, s12, $0xb8;
	[tilespmem:$0x1D880] =	vst v63  }
0xd9: {  	_ =	swait.ge [sflag:s10], $0x4000  }
0xda: {  	[sflag:s10] =	ssyncset.done $0x0  }
0xdb: {  	s9 =	rddreg [dreg:$0xc];
	[sflag:s10] =	ssyncadd.s32 $0xFFFFC000  }
0xdc: {  	[tilespmem:s14], [sflag:$0x2] =	stream.indirect.gather [hbm4b:s0+s12], $0x80, s9, s12, $0xb8;
	[tilespmem:$0x1D880] =	vst v63  }
0xdd: {  	_ =	swait.ge [sflag:s15], $0x4000  }
0xde: {  	[sflag:s15] =	ssyncset.done $0x0  }
0xdf: {  	s9 =	rddreg [dreg:$0xd];
	[sflag:s15] =	ssyncadd.s32 $0xFFFFC000  }
0xe0: {  	[spmem:s3] =	stream.indirect.scatter.add.f32 [tilespmem:s13], [sflag:$0x3], $0x80, s9, s12, $0xb8;
	[tilespmem:$0x1D880] =	vst v63  }
0xe1: {  	_ =	swait.ge [sflag:s10], $0x4000  }
0xe2: {  	[sflag:s10] =	ssyncset.done $0x0  }
0xe3: {  	s9 =	rddreg [dreg:$0xe];
	[sflag:s10] =	ssyncadd.s32 $0xFFFFC000  }
0xe4: {  	[tilespmem:s13], [sflag:$0x1] =	stream.indirect.gather [hbm4b:s0+s12], $0x80, s9, s12, $0xb8;
	[tilespmem:$0x1D880] =	vst v63  }
0xe5: {  	_ =	swait.ge [sflag:s16], $0x4000  }
0xe6: {  	[sflag:s16] =	ssyncset.done $0x0  }
0xe7: {  	s9 =	rddreg [dreg:$0xf];
	[sflag:s16] =	ssyncadd.s32 $0xFFFFC000  }
0xe8: {  	[spmem:s3] =	stream.indirect.scatter.add.f32 [tilespmem:s14], [sflag:$0x3], $0x80, s9, s12, $0xb8;
	[tilespmem:$0x1D880] =	vst v63  }
0xe9: {  	_ =	swait.ge [sflag:s10], $0x4000  }
0xea: {  	[sflag:s10] =	ssyncset.done $0x0  }
0xeb: {  	s9 =	rddreg [dreg:$0x10];
	[sflag:s10] =	ssyncadd.s32 $0xFFFFC000  }
0xec: {  	[tilespmem:s14], [sflag:$0x2] =	stream.indirect.gather [hbm4b:s0+s12], $0x80, s9, s12, $0xb8;
	[tilespmem:$0x1D880] =	vst v63  }
0xed: {  	_ =	swait.ge [sflag:s15], $0x4000  }
0xee: {  	[sflag:s15] =	ssyncset.done $0x0  }
0xef: {  	s9 =	rddreg [dreg:$0x11];
	[sflag:s15] =	ssyncadd.s32 $0xFFFFC000  }
0xf0: {  	[spmem:s3] =	stream.indirect.scatter.add.f32 [tilespmem:s13], [sflag:$0x3], $0x80, s9, s12, $0xb8;
	[tilespmem:$0x1D880] =	vst v63  }
0xf1: {  	_ =	swait.ge [sflag:s10], $0x4000  }
0xf2: {  	[sflag:s10] =	ssyncset.done $0x0  }
0xf3: {  	[sflag:s10] =	ssyncadd.s32 $0xFFFFC000  }
0xf4: {  	[tilespmem:s13], [sflag:$0x1] =	stream.indirect.gather [hbm4b:s0+s12], $0x80, s17, s12, $0xb8;
	[tilespmem:$0x1D880] =	vst v63  }
0xf5: {  	_ =	swait.ge [sflag:s16], $0x4000  }
0xf6: {  	[sflag:s16] =	ssyncset.done $0x0  }
0xf7: {  	[sflag:s16] =	ssyncadd.s32 $0xFFFFC000  }
0xf8: {  	[spmem:s3] =	stream.indirect.scatter.add.f32 [tilespmem:s14], [sflag:$0x3], $0x80, s18, s12, $0xb8;
	[tilespmem:$0x1D880] =	vst v63  }
0xf9: {  	_ =	swait.ge [sflag:s10], $0x4000  }
0xfa: {  	[sflag:s10] =	ssyncset.done $0x0  }
0xfb: {  	[sflag:s10] =	ssyncadd.s32 $0xFFFFC000  }
0xfc: {  	[tilespmem:s14], [sflag:$0x2] =	stream.indirect.gather [hbm4b:s0+s12], $0x80, s19, s12, $0xb8;
	[tilespmem:$0x1D880] =	vst v63  }
0xfd: {  	_ =	swait.ge [sflag:s15], $0x4000  }
0xfe: {  	[sflag:s15] =	ssyncset.done $0x0  }
0xff: {  	[sflag:s15] =	ssyncadd.s32 $0xFFFFC000  }
0x100: {  	[spmem:s3] =	stream.indirect.scatter.add.f32 [tilespmem:s13], [sflag:$0x3], $0x80, s20, s12, $0xb8;
	[tilespmem:$0x1D880] =	vst v63  }
0x101: {  	_ =	swait.ge [sflag:s10], $0x4000  }
0x102: {  	[sflag:s10] =	ssyncset.done $0x0  }
0x103: {  	[sflag:s10] =	ssyncadd.s32 $0xFFFFC000  }
0x104: {  	[tilespmem:s13], [sflag:$0x1] =	stream.indirect.gather [hbm4b:s0+s12], $0x80, s21, s12, $0xb8;
	[tilespmem:$0x1D880] =	vst v63  }
0x105: {  	_ =	swait.ge [sflag:s16], $0x4000  }
0x106: {  	[sflag:s16] =	ssyncset.done $0x0  }
0x107: {  	[sflag:s16] =	ssyncadd.s32 $0xFFFFC000  }
0x108: {  	[spmem:s3] =	stream.indirect.scatter.add.f32 [tilespmem:s14], [sflag:$0x3], $0x80, s22, s12, $0xb8;
	[tilespmem:$0x1D880] =	vst v63  }
0x109: {  	_ =	swait.ge [sflag:s10], $0x4000  }
0x10a: {  	[sflag:s10] =	ssyncset.done $0x0  }
0x10b: {  	[sflag:s10] =	ssyncadd.s32 $0xFFFFC000  }
0x10c: {  	[tilespmem:s14], [sflag:$0x2] =	stream.indirect.gather [hbm4b:s0+s12], $0x80, s23, s12, $0xb8;
	[tilespmem:$0x1D880] =	vst v63  }
0x10d: {  	_ =	swait.ge [sflag:s15], $0x4000  }
0x10e: {  	[sflag:s15] =	ssyncset.done $0x0  }
0x10f: {  	[sflag:s15] =	ssyncadd.s32 $0xFFFFC000  }
0x110: {  	[spmem:s3] =	stream.indirect.scatter.add.f32 [tilespmem:s13], [sflag:$0x3], $0x80, s24, s12, $0xb8;
	[tilespmem:$0x1D880] =	vst v63  }
0x111: {  	_ =	swait.ge [sflag:s10], $0x4000  }
0x112: {  	[sflag:s10] =	ssyncset.done $0x0  }
0x113: {  	[sflag:s10] =	ssyncadd.s32 $0xFFFFC000  }
0x114: {  	[tilespmem:s13], [sflag:$0x1] =	stream.indirect.gather [hbm4b:s0+s12], $0x80, s25, s12, $0xb8;
	[tilespmem:$0x1D880] =	vst v63  }
0x115: {  	_ =	swait.ge [sflag:s16], $0x4000  }
0x116: {  	[sflag:s16] =	ssyncset.done $0x0  }
0x117: {  	[sflag:s16] =	ssyncadd.s32 $0xFFFFC000  }
0x118: {  	[spmem:s3] =	stream.indirect.scatter.add.f32 [tilespmem:s14], [sflag:$0x3], $0x80, s26, s12, $0xb8;
	[tilespmem:$0x1D880] =	vst v63  }
0x119: {  	_ =	swait.ge [sflag:s10], $0x4000  }
0x11a: {  	[sflag:s10] =	ssyncset.done $0x0  }
0x11b: {  	[sflag:s10] =	ssyncadd.s32 $0xFFFFC000  }
0x11c: {  	[tilespmem:s14], [sflag:$0x2] =	stream.indirect.gather [hbm4b:s0+s12], $0x80, s28, s12, $0xb8;
	[tilespmem:$0x1D880] =	vst v63  }
0x11d: {  	_ =	swait.ge [sflag:s15], $0x4000  }
0x11e: {  	[sflag:s15] =	ssyncset.done $0x0  }
0x11f: {  	[sflag:s15] =	ssyncadd.s32 $0xFFFFC000  }
0x120: {  	[spmem:s3] =	stream.indirect.scatter.add.f32 [tilespmem:s13], [sflag:$0x3], $0x80, s29, s12, $0xb8;
	[tilespmem:$0x1D880] =	vst v63  }
0x121: {  	_ =	swait.ge [sflag:s10], $0x4000  }
0x122: {  	[sflag:s10] =	ssyncset.done $0x0  }
0x123: {  	[sflag:s10] =	ssyncadd.s32 $0xFFFFC000  }
0x124: {  	[tilespmem:s13], [sflag:$0x1] =	stream.indirect.gather [hbm4b:s0+s12], $0x80, s30, s12, $0xb8;
	[tilespmem:$0x1D880] =	vst v63  }
0x125: {  	_ =	swait.ge [sflag:s16], $0x4000  }
0x126: {  	[sflag:s16] =	ssyncset.done $0x0  }
0x127: {  	[sflag:s16] =	ssyncadd.s32 $0xFFFFC000  }
0x128: {  	[spmem:s3] =	stream.indirect.scatter.add.f32 [tilespmem:s14], [sflag:$0x3], $0x80, s31, s12, $0xb8;
	[tilespmem:$0x1D880] =	vst v63  }
0x129: {  	_ =	swait.ge [sflag:s10], $0x4000  }
0x12a: {  	[sflag:s10] =	ssyncset.done $0x0  }
0x12b: {  	[sflag:s10] =	ssyncadd.s32 $0xFFFFC000  }
0x12c: {  	[tilespmem:s14], [sflag:$0x2] =	stream.indirect.gather [hbm4b:s0+s12], $0x80, s1, s12, $0xb8;
	[tilespmem:$0x1D880] =	vst v63  }
0x12d: {  	_ =	swait.ge [sflag:s15], $0x4000  }
0x12e: {  	[sflag:s15] =	ssyncset.done $0x0  }
0x12f: {  	[sflag:s15] =	ssyncadd.s32 $0xFFFFC000  }
0x130: {  	[spmem:s3] =	stream.indirect.scatter.add.f32 [tilespmem:s13], [sflag:$0x3], $0x80, s2, s12, $0xb8;
	[tilespmem:$0x1D880] =	vst v63  }
0x131: {  	_ =	swait.ge [sflag:s10], $0x4000  }
0x132: {  	[sflag:s10] =	ssyncset.done $0x0  }
0x133: {  	[sflag:s10] =	ssyncadd.s32 $0xFFFFC000  }
0x134: {  	p0 =	sne.s32 s6, $0x400;
	_ =	swait.ge [sflag:s16], $0x4000  }
.Ltmp0:
0x135: {  	[sflag:s16] =	ssyncset.done $0x0;
	(pc) =	sbr.rel @p0 .LBB2_2-.Ltmp0, $4  }
0x136: {  	[sflag:s16] =	ssyncadd.s32 $0xFFFFC000  }
0x137: {  	[spmem:s3] =	stream.indirect.scatter.add.f32 [tilespmem:s14], [sflag:$0x3], $0x80, s5, s12, $0xb8;
	[tilespmem:$0x1D880] =	vst v63  }
0x138: {  	s7 =	smov.u32 s6;
	s6 =	sadd.s32 $0x100, s6;
	_ =	swait.ge [sflag:s10], $0x4000  }
0x139: {  	s8 =	smov.u32 s7;
	s9 =	rddreg [dreg:$0x5];
	[sflag:s10] =	ssyncset.done $0x0  }
0x13a: {  	[sflag:s10] =	ssyncadd.s32 $0xFFFFC000;
	s6 =	sadd.s32 s8, s9  }
0x13b: {  	[tilespmem:s4], [sflag:$0x3] =	stream.linear.gather [hbm4b:s6+s4], $0x800, $0x38;
	[tilespmem:$0x1D880] =	vst v63  }
0x13c: {  	_ =	swait.ge [sflag:s10], $0x800  }
0x13d: {  	s7 =	rddreg [dreg:$0x4];
	[sflag:s10] =	ssyncset.done $0x0  }
0x13e: {  	s6 =	sadd.s32 s8, s7;
	[sflag:s10] =	ssyncadd.s32 $0xFFFFF800  }
0x13f: {  	[tilespmem:s11], [sflag:$0x3] =	stream.linear.gather [hbm4b:s6+s4], $0x800, $0x38;
	[tilespmem:$0x1D880] =	vst v63  }
0x140: {  	_ =	swait.ge [sflag:s10], $0x800  }
0x141: {  	[sflag:s10] =	ssyncset.done $0x0  }
0x142: {  	[sflag:s10] =	ssyncadd.s32 $0xFFFFF800  }
0x143: {  	[tilespmem:s13], [sflag:$0x1] =	stream.indirect.gather [hbm4b:s0+s12], $0x80, s4, s12, $0xb8;
	[tilespmem:$0x1D880] =	vst v63  }
0x144: {  	_ = 	snop  }
0x145: {  	[tilespmem:s14], [sflag:$0x2] =	stream.indirect.gather [hbm4b:s0+s12], $0x80, s12, s12, $0xb8;
	[tilespmem:$0x1D880] =	vst v63  }
0x146: {  	_ =	swait.ge [sflag:s15], $0x4000  }
0x147: {  	[sflag:s15] =	ssyncset.done $0x0  }
0x148: {  	[sflag:s15] =	ssyncadd.s32 $0xFFFFC000  }
0x149: {  	[spmem:s3] =	stream.indirect.scatter.add.f32 [tilespmem:s13], [sflag:$0x3], $0x80, s11, s12, $0xb8;
	[tilespmem:$0x1D880] =	vst v63  }
0x14a: {  	_ =	swait.ge [sflag:s10], $0x4000  }
0x14b: {  	[sflag:s10] =	ssyncset.done $0x0  }
0x14c: {  	s9 =	rddreg [dreg:$0x6];
	[sflag:s10] =	ssyncadd.s32 $0xFFFFC000  }
0x14d: {  	[tilespmem:s13], [sflag:$0x1] =	stream.indirect.gather [hbm4b:s0+s12], $0x80, s9, s12, $0xb8;
	[tilespmem:$0x1D880] =	vst v63  }
0x14e: {  	_ =	swait.ge [sflag:s16], $0x4000  }
0x14f: {  	[sflag:s16] =	ssyncset.done $0x0  }
0x150: {  	s7 =	rddreg [dreg:$0x7];
	[sflag:s16] =	ssyncadd.s32 $0xFFFFC000  }
0x151: {  	[spmem:s3] =	stream.indirect.scatter.add.f32 [tilespmem:s14], [sflag:$0x3], $0x80, s7, s12, $0xb8;
	[tilespmem:$0x1D880] =	vst v63  }
0x152: {  	_ =	swait.ge [sflag:s10], $0x4000  }
0x153: {  	[sflag:s10] =	ssyncset.done $0x0  }
0x154: {  	s8 =	rddreg [dreg:$0x8];
	[sflag:s10] =	ssyncadd.s32 $0xFFFFC000  }
0x155: {  	[tilespmem:s14], [sflag:$0x2] =	stream.indirect.gather [hbm4b:s0+s12], $0x80, s8, s12, $0xb8;
	[tilespmem:$0x1D880] =	vst v63  }
0x156: {  	_ =	swait.ge [sflag:s15], $0x4000  }
0x157: {  	[sflag:s15] =	ssyncset.done $0x0  }
0x158: {  	s9 =	rddreg [dreg:$0x9];
	[sflag:s15] =	ssyncadd.s32 $0xFFFFC000  }
0x159: {  	[spmem:s3] =	stream.indirect.scatter.add.f32 [tilespmem:s13], [sflag:$0x3], $0x80, s9, s12, $0xb8;
	[tilespmem:$0x1D880] =	vst v63  }
0x15a: {  	_ =	swait.ge [sflag:s10], $0x4000  }
0x15b: {  	[sflag:s10] =	ssyncset.done $0x0  }
0x15c: {  	s7 =	rddreg [dreg:$0xa];
	[sflag:s10] =	ssyncadd.s32 $0xFFFFC000  }
0x15d: {  	[tilespmem:s13], [sflag:$0x1] =	stream.indirect.gather [hbm4b:s0+s12], $0x80, s7, s12, $0xb8;
	[tilespmem:$0x1D880] =	vst v63  }
0x15e: {  	_ =	swait.ge [sflag:s16], $0x4000  }
0x15f: {  	[sflag:s16] =	ssyncset.done $0x0  }
0x160: {  	s8 =	rddreg [dreg:$0xb];
	[sflag:s16] =	ssyncadd.s32 $0xFFFFC000  }
0x161: {  	[spmem:s3] =	stream.indirect.scatter.add.f32 [tilespmem:s14], [sflag:$0x3], $0x80, s8, s12, $0xb8;
	[tilespmem:$0x1D880] =	vst v63  }
0x162: {  	_ =	swait.ge [sflag:s10], $0x4000  }
0x163: {  	[sflag:s10] =	ssyncset.done $0x0  }
0x164: {  	s9 =	rddreg [dreg:$0xc];
	[sflag:s10] =	ssyncadd.s32 $0xFFFFC000  }
0x165: {  	[tilespmem:s14], [sflag:$0x2] =	stream.indirect.gather [hbm4b:s0+s12], $0x80, s9, s12, $0xb8;
	[tilespmem:$0x1D880] =	vst v63  }
0x166: {  	_ =	swait.ge [sflag:s15], $0x4000  }
0x167: {  	[sflag:s15] =	ssyncset.done $0x0  }
0x168: {  	s7 =	rddreg [dreg:$0xd];
	[sflag:s15] =	ssyncadd.s32 $0xFFFFC000  }
0x169: {  	[spmem:s3] =	stream.indirect.scatter.add.f32 [tilespmem:s13], [sflag:$0x3], $0x80, s7, s12, $0xb8;
	[tilespmem:$0x1D880] =	vst v63  }
0x16a: {  	_ =	swait.ge [sflag:s10], $0x4000  }
0x16b: {  	[sflag:s10] =	ssyncset.done $0x0  }
0x16c: {  	s8 =	rddreg [dreg:$0xe];
	[sflag:s10] =	ssyncadd.s32 $0xFFFFC000  }
0x16d: {  	[tilespmem:s13], [sflag:$0x1] =	stream.indirect.gather [hbm4b:s0+s12], $0x80, s8, s12, $0xb8;
	[tilespmem:$0x1D880] =	vst v63  }
0x16e: {  	_ =	swait.ge [sflag:s16], $0x4000  }
0x16f: {  	[sflag:s16] =	ssyncset.done $0x0  }
0x170: {  	s9 =	rddreg [dreg:$0xf];
	[sflag:s16] =	ssyncadd.s32 $0xFFFFC000  }
0x171: {  	[spmem:s3] =	stream.indirect.scatter.add.f32 [tilespmem:s14], [sflag:$0x3], $0x80, s9, s12, $0xb8;
	[tilespmem:$0x1D880] =	vst v63  }
0x172: {  	_ =	swait.ge [sflag:s10], $0x4000  }
0x173: {  	[sflag:s10] =	ssyncset.done $0x0  }
0x174: {  	s7 =	rddreg [dreg:$0x10];
	[sflag:s10] =	ssyncadd.s32 $0xFFFFC000  }
0x175: {  	[tilespmem:s14], [sflag:$0x2] =	stream.indirect.gather [hbm4b:s0+s12], $0x80, s7, s12, $0xb8;
	[tilespmem:$0x1D880] =	vst v63  }
0x176: {  	_ =	swait.ge [sflag:s15], $0x4000  }
0x177: {  	[sflag:s15] =	ssyncset.done $0x0  }
0x178: {  	s8 =	rddreg [dreg:$0x11];
	[sflag:s15] =	ssyncadd.s32 $0xFFFFC000  }
0x179: {  	[spmem:s3] =	stream.indirect.scatter.add.f32 [tilespmem:s13], [sflag:$0x3], $0x80, s8, s12, $0xb8;
	[tilespmem:$0x1D880] =	vst v63  }
0x17a: {  	_ =	swait.ge [sflag:s10], $0x4000  }
0x17b: {  	[sflag:s10] =	ssyncset.done $0x0  }
0x17c: {  	[sflag:s10] =	ssyncadd.s32 $0xFFFFC000  }
0x17d: {  	[tilespmem:s13], [sflag:$0x1] =	stream.indirect.gather [hbm4b:s0+s12], $0x80, s17, s12, $0xb8;
	[tilespmem:$0x1D880] =	vst v63  }
0x17e: {  	_ =	swait.ge [sflag:s16], $0x4000  }
0x17f: {  	[sflag:s16] =	ssyncset.done $0x0  }
0x180: {  	[sflag:s16] =	ssyncadd.s32 $0xFFFFC000  }
0x181: {  	[spmem:s3] =	stream.indirect.scatter.add.f32 [tilespmem:s14], [sflag:$0x3], $0x80, s18, s12, $0xb8;
	[tilespmem:$0x1D880] =	vst v63  }
0x182: {  	_ =	swait.ge [sflag:s10], $0x4000  }
0x183: {  	[sflag:s10] =	ssyncset.done $0x0  }
0x184: {  	[sflag:s10] =	ssyncadd.s32 $0xFFFFC000  }
0x185: {  	[tilespmem:s14], [sflag:$0x2] =	stream.indirect.gather [hbm4b:s0+s12], $0x80, s19, s12, $0xb8;
	[tilespmem:$0x1D880] =	vst v63  }
0x186: {  	_ =	swait.ge [sflag:s15], $0x4000  }
0x187: {  	[sflag:s15] =	ssyncset.done $0x0  }
0x188: {  	[sflag:s15] =	ssyncadd.s32 $0xFFFFC000  }
0x189: {  	[spmem:s3] =	stream.indirect.scatter.add.f32 [tilespmem:s13], [sflag:$0x3], $0x80, s20, s12, $0xb8;
	[tilespmem:$0x1D880] =	vst v63  }
0x18a: {  	_ =	swait.ge [sflag:s10], $0x4000  }
0x18b: {  	[sflag:s10] =	ssyncset.done $0x0  }
0x18c: {  	[sflag:s10] =	ssyncadd.s32 $0xFFFFC000  }
0x18d: {  	[tilespmem:s13], [sflag:$0x1] =	stream.indirect.gather [hbm4b:s0+s12], $0x80, s21, s12, $0xb8;
	[tilespmem:$0x1D880] =	vst v63  }
0x18e: {  	_ =	swait.ge [sflag:s16], $0x4000  }
0x18f: {  	[sflag:s16] =	ssyncset.done $0x0  }
0x190: {  	[sflag:s16] =	ssyncadd.s32 $0xFFFFC000  }
0x191: {  	[spmem:s3] =	stream.indirect.scatter.add.f32 [tilespmem:s14], [sflag:$0x3], $0x80, s22, s12, $0xb8;
	[tilespmem:$0x1D880] =	vst v63  }
0x192: {  	_ =	swait.ge [sflag:s10], $0x4000  }
0x193: {  	[sflag:s10] =	ssyncset.done $0x0  }
0x194: {  	[sflag:s10] =	ssyncadd.s32 $0xFFFFC000  }
0x195: {  	[tilespmem:s14], [sflag:$0x2] =	stream.indirect.gather [hbm4b:s0+s12], $0x80, s23, s12, $0xb8;
	[tilespmem:$0x1D880] =	vst v63  }
0x196: {  	_ =	swait.ge [sflag:s15], $0x4000  }
0x197: {  	[sflag:s15] =	ssyncset.done $0x0  }
0x198: {  	[sflag:s15] =	ssyncadd.s32 $0xFFFFC000  }
0x199: {  	[spmem:s3] =	stream.indirect.scatter.add.f32 [tilespmem:s13], [sflag:$0x3], $0x80, s24, s12, $0xb8;
	[tilespmem:$0x1D880] =	vst v63  }
0x19a: {  	_ =	swait.ge [sflag:s10], $0x4000  }
0x19b: {  	[sflag:s10] =	ssyncset.done $0x0  }
0x19c: {  	[sflag:s10] =	ssyncadd.s32 $0xFFFFC000  }
0x19d: {  	[tilespmem:s13], [sflag:$0x1] =	stream.indirect.gather [hbm4b:s0+s12], $0x80, s25, s12, $0xb8;
	[tilespmem:$0x1D880] =	vst v63  }
0x19e: {  	_ =	swait.ge [sflag:s16], $0x4000  }
0x19f: {  	[sflag:s16] =	ssyncset.done $0x0  }
0x1a0: {  	[sflag:s16] =	ssyncadd.s32 $0xFFFFC000  }
0x1a1: {  	[spmem:s3] =	stream.indirect.scatter.add.f32 [tilespmem:s14], [sflag:$0x3], $0x80, s26, s12, $0xb8;
	[tilespmem:$0x1D880] =	vst v63  }
0x1a2: {  	_ =	swait.ge [sflag:s10], $0x4000  }
0x1a3: {  	[sflag:s10] =	ssyncset.done $0x0  }
0x1a4: {  	[sflag:s10] =	ssyncadd.s32 $0xFFFFC000  }
0x1a5: {  	[tilespmem:s14], [sflag:$0x2] =	stream.indirect.gather [hbm4b:s0+s12], $0x80, s28, s12, $0xb8;
	[tilespmem:$0x1D880] =	vst v63  }
0x1a6: {  	_ =	swait.ge [sflag:s15], $0x4000  }
0x1a7: {  	[sflag:s15] =	ssyncset.done $0x0  }
0x1a8: {  	[sflag:s15] =	ssyncadd.s32 $0xFFFFC000  }
0x1a9: {  	[spmem:s3] =	stream.indirect.scatter.add.f32 [tilespmem:s13], [sflag:$0x3], $0x80, s29, s12, $0xb8;
	[tilespmem:$0x1D880] =	vst v63  }
0x1aa: {  	_ =	swait.ge [sflag:s10], $0x4000  }
0x1ab: {  	[sflag:s10] =	ssyncset.done $0x0  }
0x1ac: {  	[sflag:s10] =	ssyncadd.s32 $0xFFFFC000  }
0x1ad: {  	[tilespmem:s13], [sflag:$0x1] =	stream.indirect.gather [hbm4b:s0+s12], $0x80, s30, s12, $0xb8;
	[tilespmem:$0x1D880] =	vst v63  }
0x1ae: {  	_ =	swait.ge [sflag:s16], $0x4000  }
0x1af: {  	[sflag:s16] =	ssyncset.done $0x0  }
0x1b0: {  	[sflag:s16] =	ssyncadd.s32 $0xFFFFC000  }
0x1b1: {  	[spmem:s3] =	stream.indirect.scatter.add.f32 [tilespmem:s14], [sflag:$0x3], $0x80, s31, s12, $0xb8;
	[tilespmem:$0x1D880] =	vst v63  }
0x1b2: {  	_ =	swait.ge [sflag:s10], $0x4000  }
0x1b3: {  	[sflag:s10] =	ssyncset.done $0x0  }
0x1b4: {  	[sflag:s10] =	ssyncadd.s32 $0xFFFFC000  }
0x1b5: {  	[tilespmem:s14], [sflag:$0x2] =	stream.indirect.gather [hbm4b:s0+s12], $0x80, s1, s12, $0xb8;
	[tilespmem:$0x1D880] =	vst v63  }
0x1b6: {  	_ =	swait.ge [sflag:s15], $0x4000  }
0x1b7: {  	[sflag:s15] =	ssyncset.done $0x0  }
0x1b8: {  	[sflag:s15] =	ssyncadd.s32 $0xFFFFC000  }
0x1b9: {  	[spmem:s3] =	stream.indirect.scatter.add.f32 [tilespmem:s13], [sflag:$0x3], $0x80, s2, s12, $0xb8;
	[tilespmem:$0x1D880] =	vst v63  }
0x1ba: {  	_ =	swait.ge [sflag:s10], $0x4000  }
0x1bb: {  	[sflag:s10] =	ssyncset.done $0x0  }
0x1bc: {  	[sflag:s10] =	ssyncadd.s32 $0xFFFFC000  }
0x1bd: {  	_ =	swait.ge [sflag:s16], $0x4000  }
0x1be: {  	[sflag:s16] =	ssyncset.done $0x0  }
0x1bf: {  	[sflag:s16] =	ssyncadd.s32 $0xFFFFC000  }
0x1c0: {  	[spmem:s3] =	stream.indirect.scatter.add.f32 [tilespmem:s14], [sflag:$0x3], $0x80, s5, s12, $0xb8;
	[tilespmem:$0x1D880] =	vst v63  }
0x1c1: {  	_ =	swait.ge [sflag:s10], $0x4000  }
0x1c2: {  	[sflag:s10] =	ssyncset.done $0x0  }
0x1c3: {  	[sflag:s10] =	ssyncadd.s32 $0xFFFFC000  }
0x1c4: {  	[bflag:$0x0] =	sbarrier.arrive $0xFFFF  }
0x1c5: {  	s7 =	rddreg [dreg:$0x13]  }
0x1c6: {  	s9 =	rddreg [dreg:$0x14]  }
0x1c7: {  	s8 =	rddreg [dreg:$0x16]  }
0x1c8: {  	[hbm:s9], [sflag:s7] =	dma.local [spmem:s8], $0x2710  }
0x1c9: {  	_ =	swait.ge [sflag:s10], $0x2710  }
0x1ca: {  	s6 =	rddreg [dreg:$0x17]  }
0x1cb: {  	s9 =	sadd.s32 $0x1, s6;
	s6 =	rddreg [dreg:$0x15]  }
0x1cc: {  	p0 =	sne.s32 s9, s6  }
.Ltmp1:
0x1cd: {  	_ = 	snop;
	(pc) =	sbr.rel @p0 .LBB2_1-.Ltmp1, $3  }
0x1ce: {  	_ =	sdelay $0x1  }
0x1cf: {  	[sflag:s10] =	ssyncset.done $0x0  }
0x1d0: {  	[sflag:s10] =	ssyncadd.s32 $0xFFFFD8F0  }
0x1d1: {  	_ =	sfence.sel $0x180000  }
0x1d2: {  	[bflag:$0x0] =	sbarrier.arrive $0xFFFF  }
0x1d3: {  	_ =	strace $0x90000047  }
0x1d4: {  	s0 =	stileid.u32;
	[bflag:$0x2] =	sbarrier.arrive $0xFFFF  }
0x1d5: {  	p0 =	sne.s32 s0, $0x0;
	s0 =	rddreg [dreg:$0x3]  }
0x1d6: {  	s0 =	sadd.s32 @!p0 $0x100000, s0  }
0x1d7: {  	[sflag:s0] =	ssyncadd.tile.s32 @!p0 $0x1;
	_ =	shalt  }
.Lfunc_end2:
_tile_overlayer_lowered:
.L_overlay_start_2:
0x1d8: {  	(tag) =	ssettag $0x2  }
0x1d9: {  	s0 =	rddreg [dreg:$0x0];
	s2 =	stileid.u32  }
0x1da: {  	s1 =	rddreg [dreg:$0x1];
	p0 =	sne.s32 s2, $0x0  }
0x1db: {  	s3 =	rddreg [dreg:$0x2];
	[bflag:$0x3] =	sbarrier.arrive $0xFFFF;
	s2 =	simm.s32 @!p0 $0x1C03  }
0x1dc: {  	[timem:s3], [sflag:s2] =	dma.local @!p0 [hbm:s0], s1  }
0x1dd: {  	s0 =	simm.s32 @!p0 $0x3  }
0x1de: {  	_ =	swait.ge @!p0 [sflag:s0], s1  }
0x1df: {  	s1 =	ssub.s32 @!p0 $0x0, s1;
	[sflag:s0] =	ssyncset.done @!p0 $0x0  }
0x1e0: {  	[sflag:s0] =	ssyncadd.s32 @!p0 s1  }
0x1e1: {  	[bflag:$0x3] =	sbarrier.arrive $0xFFFF  }
0x1e2: {  	_ =	shalt  }

// kernel: kernel.20.cloned.1.call-start
scs
__scs_entry_jumppad:
0x0: {  	(pc) =	sbr.rel $0x88, $3  }
0x1: {  	(tag) =	ssettag $0x0;
	lr =	simm.s32 $0x1  }
0x2: {  	[smem:$0x3F90] =	sst lr;
	_ =	strace $0xD0000000  }
0x3: {  	_ = 	snop  }
0x4: {  	_ = 	snop  }
0x5: {  	_ = 	snop  }
0x6: {  	_ = 	snop  }
0x7: {  	_ = 	snop  }
__scs_overlays_trampoline_lowered:
0x8: {  	[smem:$0x3F9F] =	sst s0  }
0x9: {  	[smem:$0x3FA0] =	sst s1  }
0xa: {  	[smem:$0x3FA1] =	sst s2  }
0xb: {  	[smem:$0x3FA2] =	sst s3  }
0xc: {  	[smem:$0x3FA3] =	sst s4  }
0xd: {  	[smem:$0x3FA4] =	sst s5  }
0xe: {  	[smem:$0x3FA5] =	sst s6  }
0xf: {  	[smem:$0x3FA6] =	sst s7  }
0x10: {  	[smem:$0x3FA7] =	sst s8  }
0x11: {  	[smem:$0x3FA8] =	sst s9;
	s0 =	simm.s32 @!p0 $0x0  }
0x12: {  	s1 =	sld [smem:$0x3F8E];
	s0 =	simm.s32 @p0 $0x1  }
0x13: {  	[smem:$0x3FA9] =	sst s0;
	s0 =	simm.s32 @!p1 $0x0  }
0x14: {  	s2 =	sld [smem:$0x3F8D];
	s0 =	simm.s32 @p1 $0x1  }
0x15: {  	[smem:$0x3FAA] =	sst s0;
	s0 =	simm.s32 @!p2 $0x0  }
0x16: {  	s3 =	sld [smem:$0x3FDB];
	s0 =	simm.s32 @p2 $0x1  }
0x17: {  	s4 =	simm.s32 $0x1BF5;
	[smem:$0x3FAC] =	sst s0  }
0x18: {  	s0 =	sld [smem:$0x3F8F];
	_ =	swait.ge [sflag:s4], $0x0  }
0x19: {  	s7 =	sld [smem:$0x3F90]  }
0x1a: {  	s8 =	sadd.s32 $0xFFFFE003, lr  }
0x1b: {  	s9 =	sadd.s32 $0xFFFFFEF7, lr;
	s5 =	simm.s32 $0xFFFFFFFF;
	p2 =	slt.u32 s8, $0xFFFFF086  }
0x1c: {  	p1 =	slt.u32 s9, $0xF7A;
	s5 =	simm.s32 @!p2 $0x0  }
0x1d: {  	s5 =	simm.s32 @p1 $0x1;
	p0 =	seq.s32 s7, s2  }
0x1e: {  	s7 =	smul.u32 @!p0 $0xF7A, s2;
	p2 =	seq.s32 @!p0 s5, $0x0  }
0x1f: {  	s9 =	smul.u32 $0xF7A, s1;
	s8 =	simm.s32 @!p0 $0x1BF5;
	p2 =	por !p2, p0  }
0x20: {  	[sflag:s8] =	ssyncset.s32 @!p0 $0xFFFFF086;
	s6 =	sadd.s32 @!p0 s3, s7;
	s7 =	simm.s32 @!p0 $0x108  }
0x21: {  	s3 =	sadd.s32 s3, s9;
	s6 =	sadd.s32 @!p0 $0x88, s6;
	s7 =	simm.s32 @p2 $0x1082  }
0x22: {  	[simem:s7], [sflag:s8] =	dma.local @!p0 [hbm:s6], $0xF7A  }
0x23: {  	s9 =	sor.u32 $0xD0000000, s2;
	s6 =	simm.s32 $0x108;
	_ =	swait.ge @!p0 [sflag:s8], $0x0  }
0x24: {  	s3 =	sadd.s32 $0x88, s3;
	s6 =	simm.s32 @!p1 $0x1082;
	[sflag:s4] =	ssyncset.s32 $0xFFFFF086  }
0x25: {  	[simem:s6], [sflag:s4] =	dma.local [hbm:s3], $0xF7A  }
0x26: {  	[smem:$0x3F90] =	sst s1;
	(tag) =	ssettag s2;
	_ =	strace s9  }
0x27: {  	s1 =	sld [smem:$0x3FA0]  }
0x28: {  	s2 =	sld [smem:$0x3FA1]  }
0x29: {  	s4 =	sld [smem:$0x3FA3]  }
0x2a: {  	p0 =	seq.s32 s5, $0x0;
	s5 =	sld [smem:$0x3FA4]  }
0x2b: {  	s6 =	sld [smem:$0x3FA5]  }
0x2c: {  	s7 =	sld [smem:$0x3FA6]  }
0x2d: {  	s3 =	simm.s32 $0x108;
	s8 =	sld [smem:$0x3FA7]  }
0x2e: {  	s3 =	simm.s32 @!p0 $0x1082;
	s9 =	sld [smem:$0x3FA8]  }
0x2f: {  	lr =	sadd.s32 s0, s3;
	s0 =	sld [smem:$0x3F9F]  }
0x30: {  	s3 =	sld [smem:$0x3FA2]  }
0x31: {  	[smem:$0x3FAB] =	sst s10  }
0x32: {  	s10 =	sld [smem:$0x3FA9];
	_ =	sdelay $0x3  }
0x33: {  	p0 =	seq.s32 s10, $0x1;
	s10 =	sld [smem:$0x3FAB];
	_ =	sdelay $0x3  }
0x34: {  	[smem:$0x3FAB] =	sst s10  }
0x35: {  	s10 =	sld [smem:$0x3FAA];
	_ =	sdelay $0x3  }
0x36: {  	p1 =	seq.s32 s10, $0x1;
	s10 =	sld [smem:$0x3FAB];
	_ =	sdelay $0x3  }
0x37: {  	[smem:$0x3FAB] =	sst s10  }
0x38: {  	s10 =	sld [smem:$0x3FAC]  }
0x39: {  	_ = 	snop;
	(pc) =	sbr.ind lr, $3  }
0x3a: {  	_ = 	snop  }
0x3b: {  	_ = 	snop  }
0x3c: {  	p2 =	seq.s32 s10, $0x1;
	s10 =	sld [smem:$0x3FAB]  }
0x3d: {  	_ =	shalt  }
0x3e: {  	_ =	shalt  }
0x3f: {  	_ =	shalt  }
0x40: {  	_ =	shalt  }
0x41: {  	_ =	shalt  }
0x42: {  	_ =	shalt  }
0x43: {  	_ =	shalt  }
0x44: {  	_ =	shalt  }
0x45: {  	_ =	shalt  }
0x46: {  	_ =	shalt  }
0x47: {  	_ =	shalt  }
0x48: {  	_ =	shalt  }
0x49: {  	_ =	shalt  }
0x4a: {  	_ =	shalt  }
0x4b: {  	_ =	shalt  }
0x4c: {  	_ =	shalt  }
0x4d: {  	_ =	shalt  }
0x4e: {  	_ =	shalt  }
0x4f: {  	_ =	shalt  }
0x50: {  	_ =	shalt  }
0x51: {  	_ =	shalt  }
0x52: {  	_ =	shalt  }
0x53: {  	_ =	shalt  }
0x54: {  	_ =	shalt  }
0x55: {  	_ =	shalt  }
0x56: {  	_ =	shalt  }
0x57: {  	_ =	shalt  }
0x58: {  	_ =	shalt  }
0x59: {  	_ =	shalt  }
0x5a: {  	_ =	shalt  }
0x5b: {  	_ =	shalt  }
0x5c: {  	_ =	shalt  }
0x5d: {  	_ =	shalt  }
0x5e: {  	_ =	shalt  }
0x5f: {  	_ =	shalt  }
0x60: {  	_ =	shalt  }
0x61: {  	_ =	shalt  }
0x62: {  	_ =	shalt  }
0x63: {  	_ =	shalt  }
0x64: {  	_ =	shalt  }
0x65: {  	_ =	shalt  }
0x66: {  	_ =	shalt  }
0x67: {  	_ =	shalt  }
0x68: {  	_ =	shalt  }
0x69: {  	_ =	shalt  }
0x6a: {  	_ =	shalt  }
0x6b: {  	_ =	shalt  }
0x6c: {  	_ =	shalt  }
0x6d: {  	_ =	shalt  }
0x6e: {  	_ =	shalt  }
0x6f: {  	_ =	shalt  }
0x70: {  	_ =	shalt  }
0x71: {  	_ =	shalt  }
0x72: {  	_ =	shalt  }
0x73: {  	_ =	shalt  }
0x74: {  	_ =	shalt  }
0x75: {  	_ =	shalt  }
0x76: {  	_ =	shalt  }
0x77: {  	_ =	shalt  }
0x78: {  	_ =	shalt  }
0x79: {  	_ =	shalt  }
0x7a: {  	_ =	shalt  }
0x7b: {  	_ =	shalt  }
0x7c: {  	_ =	shalt  }
0x7d: {  	_ =	shalt  }
0x7e: {  	_ =	shalt  }
0x7f: {  	_ =	shalt  }
0x80: {  	_ =	shalt  }
0x81: {  	_ =	shalt  }
0x82: {  	_ =	shalt  }
0x83: {  	_ =	shalt  }
0x84: {  	_ =	shalt  }
0x85: {  	_ =	shalt  }
0x86: {  	_ =	shalt  }
0x87: {  	_ =	shalt  }
.Lfunc_end0:
.L_simem_size_0:
called_computation.1_lowered:
.L_overlay_start_0:
0x88: {  	s2 =	sld [smem:$0x3FD9]  }
0x89: {  	s3 =	sld [smem:$0x3FFE];
	_ =	sdelay $0x1  }
0x8a: {  	s1 =	srdreg.scid  }
0x8b: {  	s0 =	sand.u32 $0x1, s1  }
0x8c: {  	s16 =	sshll.u32 s0, $0xA;
	s2 =	sadd.s32 s3, s2  }
0x8d: {  	s2 =	sadd.s32 s2, s16  }
0x8e: {  	[smem:$0x3FB7] =	sst s2  }
0x8f: {  	_ = 	snop  }
0x90: {  	(tm) =	ssettm $0x1  }
0x91: {  	s17 =	sld [smem:$0x3FFB];
	_ =	sdelay $0x3  }
0x92: {  	_ =	strace s17  }
0x93: {  	s2 =	sld [smem:$0x3FFC];
	_ =	sdelay $0x3  }
0x94: {  	_ =	strace s2  }
0x95: {  	s2 =	sld [smem:$0x3FFD];
	_ =	sdelay $0x3  }
0x96: {  	_ =	strace s2  }
0x97: {  	_ =	strace $0x8FFFFFFF  }
0x98: {  	s18 =	sld [smem:$0x3FDB];
	_ =	sdelay $0x1  }
0x99: {  	s19 =	simm.s32 $_scs_section_size  }
0x9a: {  	s4 =	simm.s32 $_size__tile_overlayer_lowered;
	s5 =	simm.s32 $_tile_overlayer_lowered  }
0x9b: {  	s22 =	simm.s32 $0x1BFF;
	s21 =	sshll.u32 s5, $0x1;
	s2 =	sadd.s32 s19, s18  }
0x9c: {  	s6 =	simm.s32 $0x0;
	s20 =	sshll.u32 s4, $0x1;
	s4 =	sadd.s32 s21, s2  }
0x9d: {  	[timem:s6], [sflag:s22] =	dma.local [hbm:s4], s20  }
0x9e: {  	_ =	swait.ge [sflag:s22], s20  }
0x9f: {  	s3 =	ssub.s32 $0x0, s20;
	[sflag:s22] =	ssyncset.done $0x0  }
0xa0: {  	[sflag:s22] =	ssyncadd.s32 s3;
	_ =	sdelay $0x1  }
0xa1: {  	s23 =	simm.s32 $0x1B8B  }
0xa2: {  	_ =	swait.ge [sflag:s23], $0x1  }
0xa3: {  	[sflag:s23] =	ssyncset.done $0x0  }
0xa4: {  	s25 =	simm.s32 $0x1B8E;
	s24 =	sld [smem:$0x3FFE];
	[sflag:s23] =	ssyncadd.s32 $0xFFFFFFFF  }
0xa5: {  	s26 =	simm.s32 $execute0_lowered;
	[smem:$0x3FD2] =	sst s25  }
0xa6: {  	s4 =	sshll.u32 s26, $0x1;
	_ =	strace $0x80000049;
	[dreg:$0x1] =	wrdreg $0xFFFFFFFF  }
0xa7: {  	s28 =	simm.s32 $_size_execute0_lowered;
	s2 =	sadd.s32 s2, s4;
	[dreg:$0x0] =	wrdreg $0x0  }
0xa8: {  	s4 =	sshll.u32 s28, $0x1;
	[dreg:$0x2] =	wrdreg s2  }
0xa9: {  	[dreg:$0x3] =	wrdreg s4  }
0xaa: {  	[dreg:$0x4] =	wrdreg $0xC0  }
0xab: {  	_ =	task [dreg:s6], $0x5FFFF  }
0xac: {  	[dreg:$0x1] =	wrdreg $0xFFFFFFFF  }
0xad: {  	[dreg:$0x0] =	wrdreg $0x60  }
0xae: {  	[dreg:$0x2] =	wrdreg s24  }
0xaf: {  	[dreg:$0x3] =	wrdreg $0x90000  }
0xb0: {  	[dreg:$0x4] =	wrdreg $0x9  }
0xb1: {  	_ =	task.clear_ibuf [dreg:s6], $0x5FFFF;
	_ =	strace $0x90000049  }
0xb2: {  	s29 =	simm.s32 $0x9;
	_ =	strace $0x8000004B  }
0xb3: {  	_ =	swait.ge [sflag:s29], $0x1  }
0xb4: {  	[sflag:s29] =	ssyncadd.s32 $0xFFFFFFFF  }
0xb5: {  	_ =	strace $0x9000004B  }
0xb6: {  	_ =	sfence  }
0xb7: {  	s30 =	sld [smem:$0x0];
	_ =	sdelay $0x2  }
0xb8: {  	s31 =	sshll.u32 s1, $0xD;
	s1 =	sshrl.u32 s1, $0x2  }
0xb9: {  	s3 =	sand.u32 $0x4000, s31;
	s1 =	sadd.s32 s1, s30  }
0xba: {  	s0 =	sor.u32 s3, s0;
	s1 =	sshll.u32 s1, $0x11  }
0xbb: {  	s0 =	sor.u32 s1, s0  }
0xbc: {  	s0 =	sadd.s32 $0x8F2B, s0  }
0xbd: {  	[sflag:s0] =	ssyncadd.remote.s32 $0x1  }
0xbe: {  	_ =	sfence.sel $0xFFFF  }
0xbf: {  	[dreg:$0x0] =	wrdreg $0xFFFFFFFF;
	(pc) =	sbr.abs _section_cstart, $3  }
0xc0: {  	[dreg:$0x1] =	wrdreg $0xFFFFFFFF  }
0xc1: {  	_ =	task.clear_ibuf [dreg:s6], $0x2FFFF;
	_ =	strace $0x9FFFFFFF  }
0xc2: {  	(tm) =	ssettm $0x7FFFFFFF  }
0xc3: {  	_ =	shalt  }
tec
execute0_lowered:
.L_overlay_start_1:
0x0: {  	(tag) =	ssettag $0x1  }
0x1: {  	s0 =	rddreg [dreg:$0x0]  }
0x2: {  	s2 =	rddreg [dreg:$0x1];
	s1 =	srdreg.scid  }
0x3: {  	s10 =	stileid.u32;
	s3 =	simm.s32 $0x0;
	s13 =	simm.s32 $0x100  }
0x4: {  	s15 =	simm.s32 $0x880;
	s17 =	simm.s32 $0x180;
	[smem:$0x7FF] =	sst s3  }
0x5: {  	s18 =	simm.s32 $0x900;
	_ =	strace $0x8000004A;
	[dreg:$0x5] =	wrdreg s13  }
0x6: {  	s19 =	simm.s32 $0x200;
	s20 =	simm.s32 $0x980;
	[dreg:$0x6] =	wrdreg s15  }
0x7: {  	s21 =	simm.s32 $0x280;
	s22 =	simm.s32 $0xA00;
	[dreg:$0x7] =	wrdreg s17  }
0x8: {  	s23 =	simm.s32 $0x300;
	s24 =	simm.s32 $0xA80;
	[dreg:$0x8] =	wrdreg s18  }
0x9: {  	s25 =	simm.s32 $0x380;
	s26 =	simm.s32 $0xB00;
	[dreg:$0x9] =	wrdreg s19  }
0xa: {  	s28 =	simm.s32 $0x680;
	s29 =	simm.s32 $0xE00;
	[dreg:$0xa] =	wrdreg s20  }
0xb: {  	s30 =	simm.s32 $0x700;
	s31 =	simm.s32 $0xE80;
	[dreg:$0xb] =	wrdreg s21  }
0xc: {  	s1 =	sand.u32 $0x1, s1;
	s5 =	smul.u32 $0x5000, s10;
	[dreg:$0xc] =	wrdreg s22  }
0xd: {  	s4 =	sadd.s32 $0x1600, s0;
	s7 =	smul.u32 $0xA00, s10;
	[dreg:$0xd] =	wrdreg s23  }
0xe: {  	s16 =	sshll.u32 s10, $0x6;
	s6 =	smul.u32 $0x50000, s1;
	[dreg:$0xe] =	wrdreg s24  }
0xf: {  	s9 =	sshll.u32 s1, $0x4;
	s1 =	ssub.s32 $0x2, s1;
	[dreg:$0xf] =	wrdreg s25  }
0x10: {  	s13 =	simm.s32 $0x1000;
	s15 =	simm.s32 $0x1;
	[dreg:$0x10] =	wrdreg s26  }
0x11: {  	s17 =	simm.s32 $0x400;
	s18 =	simm.s32 $0xB80;
	s19 =	simm.s32 $0x480  }
0x12: {  	s20 =	simm.s32 $0xC00;
	s21 =	simm.s32 $0x500;
	s22 =	simm.s32 $0xC80  }
0x13: {  	s23 =	simm.s32 $0x580;
	s24 =	simm.s32 $0xD00;
	s25 =	simm.s32 $0x600  }
0x14: {  	s26 =	simm.s32 $0xD80;
	s7 =	sadd.s32 s7, s0;
	s8 =	sshrl.u32 s1, $0x1  }
0x15: {  	s5 =	sadd.s32 s5, s6;
	s6 =	sor.u32 s10, s9;
	s9 =	smul.u32 $0x4E200, s10  }
0x16: {  	s1 =	ssub.s32 s1, s8;
	s12 =	sadd.s32 $0xC7600, s7;
	s7 =	sor.u32 $0x1C03, s16  }
0x17: {  	s10 =	simm.s32 $0x3;
	s16 =	simm.s32 $0x2;
	s5 =	sshrl.u32 s5, $0x3  }
0x18: {  	s6 =	smul.u32 $0x2780, s6;
	[dreg:$0x4] =	wrdreg s12;
	s1 =	smax.u32 s1, $0x1  }
0x19: {  	s12 =	simm.s32 $0x80;
	[dreg:$0x12] =	wrdreg s7;
	s5 =	sadd.s32 s5, s0  }
0x1a: {  	s11 =	sshrl.u32 s9, $0x2;
	[dreg:$0x14] =	wrdreg s1;
	s1 =	simm.s32 $0xF00  }
0x1b: {  	s9 =	simm.s32 $0x0;
	s0 =	sadd.s32 s6, s0;
	s5 =	sadd.s32 $0xB3600, s5  }
0x1c: {  	s6 =	sadd.s32 s11, s2;
	[dreg:$0x3] =	wrdreg s5;
	s14 =	sadd.s32 $0x4F800, s0  }
0x1d: {  	s11 =	simm.s32 $0x800;
	s0 =	sadd.s32 $0xD1C00, s0;
	[dreg:$0x11] =	wrdreg s14  }
0x1e: {  	s8 =	sshrl.u32 s6, $0x3;
	s5 =	simm.s32 $0xF80;
	[dreg:$0x13] =	wrdreg s0  }
0x1f: {  	s14 =	simm.s32 $0x5000;
	s0 =	simm.s32 $0x780;
	[dreg:$0x15] =	wrdreg s8  }
.LBB2_1:
0x20: {  	[dreg:$0x16] =	wrdreg s9  }
0x21: {  	s6 =	rddreg [dreg:$0x11]  }
0x22: {  	[spmem:s8], [sflag:s7] =	dma.local [hbm:s6], $0x2710  }
0x23: {  	_ =	swait.ge [sflag:s10], $0x2710  }
0x24: {  	[sflag:s10] =	ssyncset.done $0x0  }
0x25: {  	[sflag:s10] =	ssyncadd.s32 $0xFFFFD8F0  }
0x26: {  	[bflag:$0x0] =	sbarrier.arrive $0xFFFF  }
0x27: {  	s8 =	rddreg [dreg:$0x3]  }
0x28: {  	s6 =	sadd.s32 $0x0, s8  }
0x29: {  	[tilespmem:s3], [sflag:$0x3] =	stream.linear.gather [hbm4b:s6+s3], $0x800, $0x38;
	[tilespmem:$0x1D880] =	vst v63  }
0x2a: {  	_ =	swait.ge [sflag:s10], $0x800  }
0x2b: {  	s9 =	rddreg [dreg:$0x4];
	[sflag:s10] =	ssyncset.done $0x0  }
0x2c: {  	[sflag:s10] =	ssyncadd.s32 $0xFFFFF800;
	s6 =	sadd.s32 $0x0, s9  }
0x2d: {  	[tilespmem:s11], [sflag:$0x3] =	stream.linear.gather [hbm4b:s6+s3], $0x800, $0x38;
	[tilespmem:$0x1D880] =	vst v63  }
0x2e: {  	_ =	swait.ge [sflag:s10], $0x800  }
0x2f: {  	[sflag:s10] =	ssyncset.done $0x0  }
0x30: {  	[sflag:s10] =	ssyncadd.s32 $0xFFFFF800  }
0x31: {  	[tilespmem:s13], [sflag:$0x1] =	stream.indirect.gather [hbm4b:s4+s12], $0x80, s3, s12, $0xb8;
	[tilespmem:$0x1D880] =	vst v63  }
0x32: {  	_ = 	snop  }
0x33: {  	[tilespmem:s14], [sflag:$0x2] =	stream.indirect.gather [hbm4b:s4+s12], $0x80, s12, s12, $0xb8;
	[tilespmem:$0x1D880] =	vst v63  }
0x34: {  	_ =	swait.ge [sflag:s15], $0x4000  }
0x35: {  	[sflag:s15] =	ssyncset.done $0x0  }
0x36: {  	[sflag:s15] =	ssyncadd.s32 $0xFFFFC000  }
0x37: {  	[spmem:s2] =	stream.indirect.scatter.add.f32 [tilespmem:s13], [sflag:$0x3], $0x80, s11, s12, $0xb8;
	[tilespmem:$0x1D880] =	vst v63  }
0x38: {  	_ =	swait.ge [sflag:s10], $0x4000  }
0x39: {  	[sflag:s10] =	ssyncset.done $0x0  }
0x3a: {  	s7 =	rddreg [dreg:$0x5];
	[sflag:s10] =	ssyncadd.s32 $0xFFFFC000  }
0x3b: {  	[tilespmem:s13], [sflag:$0x1] =	stream.indirect.gather [hbm4b:s4+s12], $0x80, s7, s12, $0xb8;
	[tilespmem:$0x1D880] =	vst v63  }
0x3c: {  	_ =	swait.ge [sflag:s16], $0x4000  }
0x3d: {  	[sflag:s16] =	ssyncset.done $0x0  }
0x3e: {  	s8 =	rddreg [dreg:$0x6];
	[sflag:s16] =	ssyncadd.s32 $0xFFFFC000  }
0x3f: {  	[spmem:s2] =	stream.indirect.scatter.add.f32 [tilespmem:s14], [sflag:$0x3], $0x80, s8, s12, $0xb8;
	[tilespmem:$0x1D880] =	vst v63  }
0x40: {  	_ =	swait.ge [sflag:s10], $0x4000  }
0x41: {  	[sflag:s10] =	ssyncset.done $0x0  }
0x42: {  	s9 =	rddreg [dreg:$0x7];
	[sflag:s10] =	ssyncadd.s32 $0xFFFFC000  }
0x43: {  	[tilespmem:s14], [sflag:$0x2] =	stream.indirect.gather [hbm4b:s4+s12], $0x80, s9, s12, $0xb8;
	[tilespmem:$0x1D880] =	vst v63  }
0x44: {  	_ =	swait.ge [sflag:s15], $0x4000  }
0x45: {  	[sflag:s15] =	ssyncset.done $0x0  }
0x46: {  	s7 =	rddreg [dreg:$0x8];
	[sflag:s15] =	ssyncadd.s32 $0xFFFFC000  }
0x47: {  	[spmem:s2] =	stream.indirect.scatter.add.f32 [tilespmem:s13], [sflag:$0x3], $0x80, s7, s12, $0xb8;
	[tilespmem:$0x1D880] =	vst v63  }
0x48: {  	_ =	swait.ge [sflag:s10], $0x4000  }
0x49: {  	[sflag:s10] =	ssyncset.done $0x0  }
0x4a: {  	s8 =	rddreg [dreg:$0x9];
	[sflag:s10] =	ssyncadd.s32 $0xFFFFC000  }
0x4b: {  	[tilespmem:s13], [sflag:$0x1] =	stream.indirect.gather [hbm4b:s4+s12], $0x80, s8, s12, $0xb8;
	[tilespmem:$0x1D880] =	vst v63  }
0x4c: {  	_ =	swait.ge [sflag:s16], $0x4000  }
0x4d: {  	[sflag:s16] =	ssyncset.done $0x0  }
0x4e: {  	s9 =	rddreg [dreg:$0xa];
	[sflag:s16] =	ssyncadd.s32 $0xFFFFC000  }
0x4f: {  	[spmem:s2] =	stream.indirect.scatter.add.f32 [tilespmem:s14], [sflag:$0x3], $0x80, s9, s12, $0xb8;
	[tilespmem:$0x1D880] =	vst v63  }
0x50: {  	_ =	swait.ge [sflag:s10], $0x4000  }
0x51: {  	[sflag:s10] =	ssyncset.done $0x0  }
0x52: {  	s7 =	rddreg [dreg:$0xb];
	[sflag:s10] =	ssyncadd.s32 $0xFFFFC000  }
0x53: {  	[tilespmem:s14], [sflag:$0x2] =	stream.indirect.gather [hbm4b:s4+s12], $0x80, s7, s12, $0xb8;
	[tilespmem:$0x1D880] =	vst v63  }
0x54: {  	_ =	swait.ge [sflag:s15], $0x4000  }
0x55: {  	[sflag:s15] =	ssyncset.done $0x0  }
0x56: {  	s8 =	rddreg [dreg:$0xc];
	[sflag:s15] =	ssyncadd.s32 $0xFFFFC000  }
0x57: {  	[spmem:s2] =	stream.indirect.scatter.add.f32 [tilespmem:s13], [sflag:$0x3], $0x80, s8, s12, $0xb8;
	[tilespmem:$0x1D880] =	vst v63  }
0x58: {  	_ =	swait.ge [sflag:s10], $0x4000  }
0x59: {  	[sflag:s10] =	ssyncset.done $0x0  }
0x5a: {  	s9 =	rddreg [dreg:$0xd];
	[sflag:s10] =	ssyncadd.s32 $0xFFFFC000  }
0x5b: {  	[tilespmem:s13], [sflag:$0x1] =	stream.indirect.gather [hbm4b:s4+s12], $0x80, s9, s12, $0xb8;
	[tilespmem:$0x1D880] =	vst v63  }
0x5c: {  	_ =	swait.ge [sflag:s16], $0x4000  }
0x5d: {  	[sflag:s16] =	ssyncset.done $0x0  }
0x5e: {  	s7 =	rddreg [dreg:$0xe];
	[sflag:s16] =	ssyncadd.s32 $0xFFFFC000  }
0x5f: {  	[spmem:s2] =	stream.indirect.scatter.add.f32 [tilespmem:s14], [sflag:$0x3], $0x80, s7, s12, $0xb8;
	[tilespmem:$0x1D880] =	vst v63  }
0x60: {  	_ =	swait.ge [sflag:s10], $0x4000  }
0x61: {  	[sflag:s10] =	ssyncset.done $0x0  }
0x62: {  	s8 =	rddreg [dreg:$0xf];
	[sflag:s10] =	ssyncadd.s32 $0xFFFFC000  }
0x63: {  	[tilespmem:s14], [sflag:$0x2] =	stream.indirect.gather [hbm4b:s4+s12], $0x80, s8, s12, $0xb8;
	[tilespmem:$0x1D880] =	vst v63  }
0x64: {  	_ =	swait.ge [sflag:s15], $0x4000  }
0x65: {  	[sflag:s15] =	ssyncset.done $0x0  }
0x66: {  	s9 =	rddreg [dreg:$0x10];
	[sflag:s15] =	ssyncadd.s32 $0xFFFFC000  }
0x67: {  	[spmem:s2] =	stream.indirect.scatter.add.f32 [tilespmem:s13], [sflag:$0x3], $0x80, s9, s12, $0xb8;
	[tilespmem:$0x1D880] =	vst v63  }
0x68: {  	_ =	swait.ge [sflag:s10], $0x4000  }
0x69: {  	[sflag:s10] =	ssyncset.done $0x0  }
0x6a: {  	[sflag:s10] =	ssyncadd.s32 $0xFFFFC000  }
0x6b: {  	[tilespmem:s13], [sflag:$0x1] =	stream.indirect.gather [hbm4b:s4+s12], $0x80, s17, s12, $0xb8;
	[tilespmem:$0x1D880] =	vst v63  }
0x6c: {  	_ =	swait.ge [sflag:s16], $0x4000  }
0x6d: {  	[sflag:s16] =	ssyncset.done $0x0  }
0x6e: {  	[sflag:s16] =	ssyncadd.s32 $0xFFFFC000  }
0x6f: {  	[spmem:s2] =	stream.indirect.scatter.add.f32 [tilespmem:s14], [sflag:$0x3], $0x80, s18, s12, $0xb8;
	[tilespmem:$0x1D880] =	vst v63  }
0x70: {  	_ =	swait.ge [sflag:s10], $0x4000  }
0x71: {  	[sflag:s10] =	ssyncset.done $0x0  }
0x72: {  	[sflag:s10] =	ssyncadd.s32 $0xFFFFC000  }
0x73: {  	[tilespmem:s14], [sflag:$0x2] =	stream.indirect.gather [hbm4b:s4+s12], $0x80, s19, s12, $0xb8;
	[tilespmem:$0x1D880] =	vst v63  }
0x74: {  	_ =	swait.ge [sflag:s15], $0x4000  }
0x75: {  	[sflag:s15] =	ssyncset.done $0x0  }
0x76: {  	[sflag:s15] =	ssyncadd.s32 $0xFFFFC000  }
0x77: {  	[spmem:s2] =	stream.indirect.scatter.add.f32 [tilespmem:s13], [sflag:$0x3], $0x80, s20, s12, $0xb8;
	[tilespmem:$0x1D880] =	vst v63  }
0x78: {  	_ =	swait.ge [sflag:s10], $0x4000  }
0x79: {  	[sflag:s10] =	ssyncset.done $0x0  }
0x7a: {  	[sflag:s10] =	ssyncadd.s32 $0xFFFFC000  }
0x7b: {  	[tilespmem:s13], [sflag:$0x1] =	stream.indirect.gather [hbm4b:s4+s12], $0x80, s21, s12, $0xb8;
	[tilespmem:$0x1D880] =	vst v63  }
0x7c: {  	_ =	swait.ge [sflag:s16], $0x4000  }
0x7d: {  	[sflag:s16] =	ssyncset.done $0x0  }
0x7e: {  	[sflag:s16] =	ssyncadd.s32 $0xFFFFC000  }
0x7f: {  	[spmem:s2] =	stream.indirect.scatter.add.f32 [tilespmem:s14], [sflag:$0x3], $0x80, s22, s12, $0xb8;
	[tilespmem:$0x1D880] =	vst v63  }
0x80: {  	_ =	swait.ge [sflag:s10], $0x4000  }
0x81: {  	[sflag:s10] =	ssyncset.done $0x0  }
0x82: {  	[sflag:s10] =	ssyncadd.s32 $0xFFFFC000  }
0x83: {  	[tilespmem:s14], [sflag:$0x2] =	stream.indirect.gather [hbm4b:s4+s12], $0x80, s23, s12, $0xb8;
	[tilespmem:$0x1D880] =	vst v63  }
0x84: {  	_ =	swait.ge [sflag:s15], $0x4000  }
0x85: {  	[sflag:s15] =	ssyncset.done $0x0  }
0x86: {  	[sflag:s15] =	ssyncadd.s32 $0xFFFFC000  }
0x87: {  	[spmem:s2] =	stream.indirect.scatter.add.f32 [tilespmem:s13], [sflag:$0x3], $0x80, s24, s12, $0xb8;
	[tilespmem:$0x1D880] =	vst v63  }
0x88: {  	_ =	swait.ge [sflag:s10], $0x4000  }
0x89: {  	[sflag:s10] =	ssyncset.done $0x0  }
0x8a: {  	[sflag:s10] =	ssyncadd.s32 $0xFFFFC000  }
0x8b: {  	[tilespmem:s13], [sflag:$0x1] =	stream.indirect.gather [hbm4b:s4+s12], $0x80, s25, s12, $0xb8;
	[tilespmem:$0x1D880] =	vst v63  }
0x8c: {  	_ =	swait.ge [sflag:s16], $0x4000  }
0x8d: {  	[sflag:s16] =	ssyncset.done $0x0  }
0x8e: {  	[sflag:s16] =	ssyncadd.s32 $0xFFFFC000  }
0x8f: {  	[spmem:s2] =	stream.indirect.scatter.add.f32 [tilespmem:s14], [sflag:$0x3], $0x80, s26, s12, $0xb8;
	[tilespmem:$0x1D880] =	vst v63  }
0x90: {  	_ =	swait.ge [sflag:s10], $0x4000  }
0x91: {  	[sflag:s10] =	ssyncset.done $0x0  }
0x92: {  	[sflag:s10] =	ssyncadd.s32 $0xFFFFC000  }
0x93: {  	[tilespmem:s14], [sflag:$0x2] =	stream.indirect.gather [hbm4b:s4+s12], $0x80, s28, s12, $0xb8;
	[tilespmem:$0x1D880] =	vst v63  }
0x94: {  	_ =	swait.ge [sflag:s15], $0x4000  }
0x95: {  	[sflag:s15] =	ssyncset.done $0x0  }
0x96: {  	[sflag:s15] =	ssyncadd.s32 $0xFFFFC000  }
0x97: {  	[spmem:s2] =	stream.indirect.scatter.add.f32 [tilespmem:s13], [sflag:$0x3], $0x80, s29, s12, $0xb8;
	[tilespmem:$0x1D880] =	vst v63  }
0x98: {  	_ =	swait.ge [sflag:s10], $0x4000  }
0x99: {  	[sflag:s10] =	ssyncset.done $0x0  }
0x9a: {  	[sflag:s10] =	ssyncadd.s32 $0xFFFFC000  }
0x9b: {  	[tilespmem:s13], [sflag:$0x1] =	stream.indirect.gather [hbm4b:s4+s12], $0x80, s30, s12, $0xb8;
	[tilespmem:$0x1D880] =	vst v63  }
0x9c: {  	_ =	swait.ge [sflag:s16], $0x4000  }
0x9d: {  	[sflag:s16] =	ssyncset.done $0x0  }
0x9e: {  	[sflag:s16] =	ssyncadd.s32 $0xFFFFC000  }
0x9f: {  	[spmem:s2] =	stream.indirect.scatter.add.f32 [tilespmem:s14], [sflag:$0x3], $0x80, s31, s12, $0xb8;
	[tilespmem:$0x1D880] =	vst v63  }
0xa0: {  	_ =	swait.ge [sflag:s10], $0x4000  }
0xa1: {  	[sflag:s10] =	ssyncset.done $0x0  }
0xa2: {  	[sflag:s10] =	ssyncadd.s32 $0xFFFFC000  }
0xa3: {  	[tilespmem:s14], [sflag:$0x2] =	stream.indirect.gather [hbm4b:s4+s12], $0x80, s0, s12, $0xb8;
	[tilespmem:$0x1D880] =	vst v63  }
0xa4: {  	_ =	swait.ge [sflag:s15], $0x4000  }
0xa5: {  	[sflag:s15] =	ssyncset.done $0x0  }
0xa6: {  	[sflag:s15] =	ssyncadd.s32 $0xFFFFC000  }
0xa7: {  	[spmem:s2] =	stream.indirect.scatter.add.f32 [tilespmem:s13], [sflag:$0x3], $0x80, s1, s12, $0xb8;
	[tilespmem:$0x1D880] =	vst v63  }
0xa8: {  	_ =	swait.ge [sflag:s10], $0x4000  }
0xa9: {  	[sflag:s10] =	ssyncset.done $0x0  }
0xaa: {  	[sflag:s10] =	ssyncadd.s32 $0xFFFFC000  }
0xab: {  	_ =	swait.ge [sflag:s16], $0x4000  }
0xac: {  	[sflag:s16] =	ssyncset.done $0x0  }
0xad: {  	[sflag:s16] =	ssyncadd.s32 $0xFFFFC000  }
0xae: {  	[spmem:s2] =	stream.indirect.scatter.add.f32 [tilespmem:s14], [sflag:$0x3], $0x80, s5, s12, $0xb8;
	[tilespmem:$0x1D880] =	vst v63  }
0xaf: {  	s6 =	simm.s32 $0x200;
	_ =	swait.ge [sflag:s10], $0x4000  }
0xb0: {  	s8 =	simm.s32 $0x100;
	s9 =	rddreg [dreg:$0x3];
	[sflag:s10] =	ssyncset.done $0x0  }
.LBB2_2:
0xb1: {  	[sflag:s10] =	ssyncadd.s32 $0xFFFFC000;
	s9 =	sadd.s32 s8, s9  }
0xb2: {  	[tilespmem:s3], [sflag:$0x3] =	stream.linear.gather [hbm4b:s9+s3], $0x800, $0x38;
	[tilespmem:$0x1D880] =	vst v63  }
0xb3: {  	_ =	swait.ge [sflag:s10], $0x800  }
0xb4: {  	s9 =	rddreg [dreg:$0x4];
	[sflag:s10] =	ssyncset.done $0x0  }
0xb5: {  	[sflag:s10] =	ssyncadd.s32 $0xFFFFF800;
	s9 =	sadd.s32 s8, s9  }
0xb6: {  	[tilespmem:s11], [sflag:$0x3] =	stream.linear.gather [hbm4b:s9+s3], $0x800, $0x38;
	[tilespmem:$0x1D880] =	vst v63  }
0xb7: {  	_ =	swait.ge [sflag:s10], $0x800  }
0xb8: {  	[sflag:s10] =	ssyncset.done $0x0  }
0xb9: {  	[sflag:s10] =	ssyncadd.s32 $0xFFFFF800  }
0xba: {  	[tilespmem:s13], [sflag:$0x1] =	stream.indirect.gather [hbm4b:s4+s12], $0x80, s3, s12, $0xb8;
	[tilespmem:$0x1D880] =	vst v63  }
0xbb: {  	_ = 	snop  }
0xbc: {  	[tilespmem:s14], [sflag:$0x2] =	stream.indirect.gather [hbm4b:s4+s12], $0x80, s12, s12, $0xb8;
	[tilespmem:$0x1D880] =	vst v63  }
0xbd: {  	_ =	swait.ge [sflag:s15], $0x4000  }
0xbe: {  	[sflag:s15] =	ssyncset.done $0x0  }
0xbf: {  	[sflag:s15] =	ssyncadd.s32 $0xFFFFC000  }
0xc0: {  	[spmem:s2] =	stream.indirect.scatter.add.f32 [tilespmem:s13], [sflag:$0x3], $0x80, s11, s12, $0xb8;
	[tilespmem:$0x1D880] =	vst v63  }
0xc1: {  	_ =	swait.ge [sflag:s10], $0x4000  }
0xc2: {  	[sflag:s10] =	ssyncset.done $0x0  }
0xc3: {  	s9 =	rddreg [dreg:$0x5];
	[sflag:s10] =	ssyncadd.s32 $0xFFFFC000  }
0xc4: {  	[tilespmem:s13], [sflag:$0x1] =	stream.indirect.gather [hbm4b:s4+s12], $0x80, s9, s12, $0xb8;
	[tilespmem:$0x1D880] =	vst v63  }
0xc5: {  	_ =	swait.ge [sflag:s16], $0x4000  }
0xc6: {  	[sflag:s16] =	ssyncset.done $0x0  }
0xc7: {  	s9 =	rddreg [dreg:$0x6];
	[sflag:s16] =	ssyncadd.s32 $0xFFFFC000  }
0xc8: {  	[spmem:s2] =	stream.indirect.scatter.add.f32 [tilespmem:s14], [sflag:$0x3], $0x80, s9, s12, $0xb8;
	[tilespmem:$0x1D880] =	vst v63  }
0xc9: {  	_ =	swait.ge [sflag:s10], $0x4000  }
0xca: {  	[sflag:s10] =	ssyncset.done $0x0  }
0xcb: {  	s9 =	rddreg [dreg:$0x7];
	[sflag:s10] =	ssyncadd.s32 $0xFFFFC000  }
0xcc: {  	[tilespmem:s14], [sflag:$0x2] =	stream.indirect.gather [hbm4b:s4+s12], $0x80, s9, s12, $0xb8;
	[tilespmem:$0x1D880] =	vst v63  }
0xcd: {  	_ =	swait.ge [sflag:s15], $0x4000  }
0xce: {  	[sflag:s15] =	ssyncset.done $0x0  }
0xcf: {  	s9 =	rddreg [dreg:$0x8];
	[sflag:s15] =	ssyncadd.s32 $0xFFFFC000  }
0xd0: {  	[spmem:s2] =	stream.indirect.scatter.add.f32 [tilespmem:s13], [sflag:$0x3], $0x80, s9, s12, $0xb8;
	[tilespmem:$0x1D880] =	vst v63  }
0xd1: {  	_ =	swait.ge [sflag:s10], $0x4000  }
0xd2: {  	[sflag:s10] =	ssyncset.done $0x0  }
0xd3: {  	s9 =	rddreg [dreg:$0x9];
	[sflag:s10] =	ssyncadd.s32 $0xFFFFC000  }
0xd4: {  	[tilespmem:s13], [sflag:$0x1] =	stream.indirect.gather [hbm4b:s4+s12], $0x80, s9, s12, $0xb8;
	[tilespmem:$0x1D880] =	vst v63  }
0xd5: {  	_ =	swait.ge [sflag:s16], $0x4000  }
0xd6: {  	[sflag:s16] =	ssyncset.done $0x0  }
0xd7: {  	s9 =	rddreg [dreg:$0xa];
	[sflag:s16] =	ssyncadd.s32 $0xFFFFC000  }
0xd8: {  	[spmem:s2] =	stream.indirect.scatter.add.f32 [tilespmem:s14], [sflag:$0x3], $0x80, s9, s12, $0xb8;
	[tilespmem:$0x1D880] =	vst v63  }
0xd9: {  	_ =	swait.ge [sflag:s10], $0x4000  }
0xda: {  	[sflag:s10] =	ssyncset.done $0x0  }
0xdb: {  	s9 =	rddreg [dreg:$0xb];
	[sflag:s10] =	ssyncadd.s32 $0xFFFFC000  }
0xdc: {  	[tilespmem:s14], [sflag:$0x2] =	stream.indirect.gather [hbm4b:s4+s12], $0x80, s9, s12, $0xb8;
	[tilespmem:$0x1D880] =	vst v63  }
0xdd: {  	_ =	swait.ge [sflag:s15], $0x4000  }
0xde: {  	[sflag:s15] =	ssyncset.done $0x0  }
0xdf: {  	s9 =	rddreg [dreg:$0xc];
	[sflag:s15] =	ssyncadd.s32 $0xFFFFC000  }
0xe0: {  	[spmem:s2] =	stream.indirect.scatter.add.f32 [tilespmem:s13], [sflag:$0x3], $0x80, s9, s12, $0xb8;
	[tilespmem:$0x1D880] =	vst v63  }
0xe1: {  	_ =	swait.ge [sflag:s10], $0x4000  }
0xe2: {  	[sflag:s10] =	ssyncset.done $0x0  }
0xe3: {  	s9 =	rddreg [dreg:$0xd];
	[sflag:s10] =	ssyncadd.s32 $0xFFFFC000  }
0xe4: {  	[tilespmem:s13], [sflag:$0x1] =	stream.indirect.gather [hbm4b:s4+s12], $0x80, s9, s12, $0xb8;
	[tilespmem:$0x1D880] =	vst v63  }
0xe5: {  	_ =	swait.ge [sflag:s16], $0x4000  }
0xe6: {  	[sflag:s16] =	ssyncset.done $0x0  }
0xe7: {  	s9 =	rddreg [dreg:$0xe];
	[sflag:s16] =	ssyncadd.s32 $0xFFFFC000  }
0xe8: {  	[spmem:s2] =	stream.indirect.scatter.add.f32 [tilespmem:s14], [sflag:$0x3], $0x80, s9, s12, $0xb8;
	[tilespmem:$0x1D880] =	vst v63  }
0xe9: {  	_ =	swait.ge [sflag:s10], $0x4000  }
0xea: {  	[sflag:s10] =	ssyncset.done $0x0  }
0xeb: {  	s9 =	rddreg [dreg:$0xf];
	[sflag:s10] =	ssyncadd.s32 $0xFFFFC000  }
0xec: {  	[tilespmem:s14], [sflag:$0x2] =	stream.indirect.gather [hbm4b:s4+s12], $0x80, s9, s12, $0xb8;
	[tilespmem:$0x1D880] =	vst v63  }
0xed: {  	_ =	swait.ge [sflag:s15], $0x4000  }
0xee: {  	[sflag:s15] =	ssyncset.done $0x0  }
0xef: {  	s9 =	rddreg [dreg:$0x10];
	[sflag:s15] =	ssyncadd.s32 $0xFFFFC000  }
0xf0: {  	[spmem:s2] =	stream.indirect.scatter.add.f32 [tilespmem:s13], [sflag:$0x3], $0x80, s9, s12, $0xb8;
	[tilespmem:$0x1D880] =	vst v63  }
0xf1: {  	_ =	swait.ge [sflag:s10], $0x4000  }
0xf2: {  	[sflag:s10] =	ssyncset.done $0x0  }
0xf3: {  	[sflag:s10] =	ssyncadd.s32 $0xFFFFC000  }
0xf4: {  	[tilespmem:s13], [sflag:$0x1] =	stream.indirect.gather [hbm4b:s4+s12], $0x80, s17, s12, $0xb8;
	[tilespmem:$0x1D880] =	vst v63  }
0xf5: {  	_ =	swait.ge [sflag:s16], $0x4000  }
0xf6: {  	[sflag:s16] =	ssyncset.done $0x0  }
0xf7: {  	[sflag:s16] =	ssyncadd.s32 $0xFFFFC000  }
0xf8: {  	[spmem:s2] =	stream.indirect.scatter.add.f32 [tilespmem:s14], [sflag:$0x3], $0x80, s18, s12, $0xb8;
	[tilespmem:$0x1D880] =	vst v63  }
0xf9: {  	_ =	swait.ge [sflag:s10], $0x4000  }
0xfa: {  	[sflag:s10] =	ssyncset.done $0x0  }
0xfb: {  	[sflag:s10] =	ssyncadd.s32 $0xFFFFC000  }
0xfc: {  	[tilespmem:s14], [sflag:$0x2] =	stream.indirect.gather [hbm4b:s4+s12], $0x80, s19, s12, $0xb8;
	[tilespmem:$0x1D880] =	vst v63  }
0xfd: {  	_ =	swait.ge [sflag:s15], $0x4000  }
0xfe: {  	[sflag:s15] =	ssyncset.done $0x0  }
0xff: {  	[sflag:s15] =	ssyncadd.s32 $0xFFFFC000  }
0x100: {  	[spmem:s2] =	stream.indirect.scatter.add.f32 [tilespmem:s13], [sflag:$0x3], $0x80, s20, s12, $0xb8;
	[tilespmem:$0x1D880] =	vst v63  }
0x101: {  	_ =	swait.ge [sflag:s10], $0x4000  }
0x102: {  	[sflag:s10] =	ssyncset.done $0x0  }
0x103: {  	[sflag:s10] =	ssyncadd.s32 $0xFFFFC000  }
0x104: {  	[tilespmem:s13], [sflag:$0x1] =	stream.indirect.gather [hbm4b:s4+s12], $0x80, s21, s12, $0xb8;
	[tilespmem:$0x1D880] =	vst v63  }
0x105: {  	_ =	swait.ge [sflag:s16], $0x4000  }
0x106: {  	[sflag:s16] =	ssyncset.done $0x0  }
0x107: {  	[sflag:s16] =	ssyncadd.s32 $0xFFFFC000  }
0x108: {  	[spmem:s2] =	stream.indirect.scatter.add.f32 [tilespmem:s14], [sflag:$0x3], $0x80, s22, s12, $0xb8;
	[tilespmem:$0x1D880] =	vst v63  }
0x109: {  	_ =	swait.ge [sflag:s10], $0x4000  }
0x10a: {  	[sflag:s10] =	ssyncset.done $0x0  }
0x10b: {  	[sflag:s10] =	ssyncadd.s32 $0xFFFFC000  }
0x10c: {  	[tilespmem:s14], [sflag:$0x2] =	stream.indirect.gather [hbm4b:s4+s12], $0x80, s23, s12, $0xb8;
	[tilespmem:$0x1D880] =	vst v63  }
0x10d: {  	_ =	swait.ge [sflag:s15], $0x4000  }
0x10e: {  	[sflag:s15] =	ssyncset.done $0x0  }
0x10f: {  	[sflag:s15] =	ssyncadd.s32 $0xFFFFC000  }
0x110: {  	[spmem:s2] =	stream.indirect.scatter.add.f32 [tilespmem:s13], [sflag:$0x3], $0x80, s24, s12, $0xb8;
	[tilespmem:$0x1D880] =	vst v63  }
0x111: {  	_ =	swait.ge [sflag:s10], $0x4000  }
0x112: {  	[sflag:s10] =	ssyncset.done $0x0  }
0x113: {  	[sflag:s10] =	ssyncadd.s32 $0xFFFFC000  }
0x114: {  	[tilespmem:s13], [sflag:$0x1] =	stream.indirect.gather [hbm4b:s4+s12], $0x80, s25, s12, $0xb8;
	[tilespmem:$0x1D880] =	vst v63  }
0x115: {  	_ =	swait.ge [sflag:s16], $0x4000  }
0x116: {  	[sflag:s16] =	ssyncset.done $0x0  }
0x117: {  	[sflag:s16] =	ssyncadd.s32 $0xFFFFC000  }
0x118: {  	[spmem:s2] =	stream.indirect.scatter.add.f32 [tilespmem:s14], [sflag:$0x3], $0x80, s26, s12, $0xb8;
	[tilespmem:$0x1D880] =	vst v63  }
0x119: {  	_ =	swait.ge [sflag:s10], $0x4000  }
0x11a: {  	[sflag:s10] =	ssyncset.done $0x0  }
0x11b: {  	[sflag:s10] =	ssyncadd.s32 $0xFFFFC000  }
0x11c: {  	[tilespmem:s14], [sflag:$0x2] =	stream.indirect.gather [hbm4b:s4+s12], $0x80, s28, s12, $0xb8;
	[tilespmem:$0x1D880] =	vst v63  }
0x11d: {  	_ =	swait.ge [sflag:s15], $0x4000  }
0x11e: {  	[sflag:s15] =	ssyncset.done $0x0  }
0x11f: {  	[sflag:s15] =	ssyncadd.s32 $0xFFFFC000  }
0x120: {  	[spmem:s2] =	stream.indirect.scatter.add.f32 [tilespmem:s13], [sflag:$0x3], $0x80, s29, s12, $0xb8;
	[tilespmem:$0x1D880] =	vst v63  }
0x121: {  	_ =	swait.ge [sflag:s10], $0x4000  }
0x122: {  	[sflag:s10] =	ssyncset.done $0x0  }
0x123: {  	[sflag:s10] =	ssyncadd.s32 $0xFFFFC000  }
0x124: {  	[tilespmem:s13], [sflag:$0x1] =	stream.indirect.gather [hbm4b:s4+s12], $0x80, s30, s12, $0xb8;
	[tilespmem:$0x1D880] =	vst v63  }
0x125: {  	_ =	swait.ge [sflag:s16], $0x4000  }
0x126: {  	[sflag:s16] =	ssyncset.done $0x0  }
0x127: {  	[sflag:s16] =	ssyncadd.s32 $0xFFFFC000  }
0x128: {  	[spmem:s2] =	stream.indirect.scatter.add.f32 [tilespmem:s14], [sflag:$0x3], $0x80, s31, s12, $0xb8;
	[tilespmem:$0x1D880] =	vst v63  }
0x129: {  	_ =	swait.ge [sflag:s10], $0x4000  }
0x12a: {  	[sflag:s10] =	ssyncset.done $0x0  }
0x12b: {  	[sflag:s10] =	ssyncadd.s32 $0xFFFFC000  }
0x12c: {  	[tilespmem:s14], [sflag:$0x2] =	stream.indirect.gather [hbm4b:s4+s12], $0x80, s0, s12, $0xb8;
	[tilespmem:$0x1D880] =	vst v63  }
0x12d: {  	_ =	swait.ge [sflag:s15], $0x4000  }
0x12e: {  	[sflag:s15] =	ssyncset.done $0x0  }
0x12f: {  	[sflag:s15] =	ssyncadd.s32 $0xFFFFC000  }
0x130: {  	[spmem:s2] =	stream.indirect.scatter.add.f32 [tilespmem:s13], [sflag:$0x3], $0x80, s1, s12, $0xb8;
	[tilespmem:$0x1D880] =	vst v63  }
0x131: {  	_ =	swait.ge [sflag:s10], $0x4000  }
0x132: {  	[sflag:s10] =	ssyncset.done $0x0  }
0x133: {  	[sflag:s10] =	ssyncadd.s32 $0xFFFFC000  }
0x134: {  	p0 =	sne.s32 s6, $0x900;
	_ =	swait.ge [sflag:s16], $0x4000  }
.Ltmp0:
0x135: {  	[sflag:s16] =	ssyncset.done $0x0;
	(pc) =	sbr.rel @p0 .LBB2_2-.Ltmp0, $4  }
0x136: {  	[sflag:s16] =	ssyncadd.s32 $0xFFFFC000  }
0x137: {  	[spmem:s2] =	stream.indirect.scatter.add.f32 [tilespmem:s14], [sflag:$0x3], $0x80, s5, s12, $0xb8;
	[tilespmem:$0x1D880] =	vst v63  }
0x138: {  	s7 =	smov.u32 s6;
	s6 =	sadd.s32 $0x100, s6;
	_ =	swait.ge [sflag:s10], $0x4000  }
0x139: {  	s8 =	smov.u32 s7;
	s9 =	rddreg [dreg:$0x3];
	[sflag:s10] =	ssyncset.done $0x0  }
0x13a: {  	[sflag:s10] =	ssyncadd.s32 $0xFFFFC000;
	s6 =	sadd.s32 s8, s9  }
0x13b: {  	[tilespmem:s3], [sflag:$0x3] =	stream.linear.gather [hbm4b:s6+s3], $0x800, $0x38;
	[tilespmem:$0x1D880] =	vst v63  }
0x13c: {  	_ =	swait.ge [sflag:s10], $0x800  }
0x13d: {  	s7 =	rddreg [dreg:$0x4];
	[sflag:s10] =	ssyncset.done $0x0  }
0x13e: {  	s6 =	sadd.s32 s8, s7;
	[sflag:s10] =	ssyncadd.s32 $0xFFFFF800  }
0x13f: {  	[tilespmem:s11], [sflag:$0x3] =	stream.linear.gather [hbm4b:s6+s3], $0x800, $0x38;
	[tilespmem:$0x1D880] =	vst v63  }
0x140: {  	_ =	swait.ge [sflag:s10], $0x800  }
0x141: {  	[sflag:s10] =	ssyncset.done $0x0  }
0x142: {  	[sflag:s10] =	ssyncadd.s32 $0xFFFFF800  }
0x143: {  	[tilespmem:s13], [sflag:$0x1] =	stream.indirect.gather [hbm4b:s4+s12], $0x80, s3, s12, $0xb8;
	[tilespmem:$0x1D880] =	vst v63  }
0x144: {  	_ = 	snop  }
0x145: {  	[tilespmem:s14], [sflag:$0x2] =	stream.indirect.gather [hbm4b:s4+s12], $0x80, s12, s12, $0xb8;
	[tilespmem:$0x1D880] =	vst v63  }
0x146: {  	_ =	swait.ge [sflag:s15], $0x4000  }
0x147: {  	[sflag:s15] =	ssyncset.done $0x0  }
0x148: {  	[sflag:s15] =	ssyncadd.s32 $0xFFFFC000  }
0x149: {  	[spmem:s2] =	stream.indirect.scatter.add.f32 [tilespmem:s13], [sflag:$0x3], $0x80, s11, s12, $0xb8;
	[tilespmem:$0x1D880] =	vst v63  }
0x14a: {  	_ =	swait.ge [sflag:s10], $0x4000  }
0x14b: {  	[sflag:s10] =	ssyncset.done $0x0  }
0x14c: {  	s9 =	rddreg [dreg:$0x5];
	[sflag:s10] =	ssyncadd.s32 $0xFFFFC000  }
0x14d: {  	[tilespmem:s13], [sflag:$0x1] =	stream.indirect.gather [hbm4b:s4+s12], $0x80, s9, s12, $0xb8;
	[tilespmem:$0x1D880] =	vst v63  }
0x14e: {  	_ =	swait.ge [sflag:s16], $0x4000  }
0x14f: {  	[sflag:s16] =	ssyncset.done $0x0  }
0x150: {  	s7 =	rddreg [dreg:$0x6];
	[sflag:s16] =	ssyncadd.s32 $0xFFFFC000  }
0x151: {  	[spmem:s2] =	stream.indirect.scatter.add.f32 [tilespmem:s14], [sflag:$0x3], $0x80, s7, s12, $0xb8;
	[tilespmem:$0x1D880] =	vst v63  }
0x152: {  	_ =	swait.ge [sflag:s10], $0x4000  }
0x153: {  	[sflag:s10] =	ssyncset.done $0x0  }
0x154: {  	s8 =	rddreg [dreg:$0x7];
	[sflag:s10] =	ssyncadd.s32 $0xFFFFC000  }
0x155: {  	[tilespmem:s14], [sflag:$0x2] =	stream.indirect.gather [hbm4b:s4+s12], $0x80, s8, s12, $0xb8;
	[tilespmem:$0x1D880] =	vst v63  }
0x156: {  	_ =	swait.ge [sflag:s15], $0x4000  }
0x157: {  	[sflag:s15] =	ssyncset.done $0x0  }
0x158: {  	s9 =	rddreg [dreg:$0x8];
	[sflag:s15] =	ssyncadd.s32 $0xFFFFC000  }
0x159: {  	[spmem:s2] =	stream.indirect.scatter.add.f32 [tilespmem:s13], [sflag:$0x3], $0x80, s9, s12, $0xb8;
	[tilespmem:$0x1D880] =	vst v63  }
0x15a: {  	_ =	swait.ge [sflag:s10], $0x4000  }
0x15b: {  	[sflag:s10] =	ssyncset.done $0x0  }
0x15c: {  	s7 =	rddreg [dreg:$0x9];
	[sflag:s10] =	ssyncadd.s32 $0xFFFFC000  }
0x15d: {  	[tilespmem:s13], [sflag:$0x1] =	stream.indirect.gather [hbm4b:s4+s12], $0x80, s7, s12, $0xb8;
	[tilespmem:$0x1D880] =	vst v63  }
0x15e: {  	_ =	swait.ge [sflag:s16], $0x4000  }
0x15f: {  	[sflag:s16] =	ssyncset.done $0x0  }
0x160: {  	s8 =	rddreg [dreg:$0xa];
	[sflag:s16] =	ssyncadd.s32 $0xFFFFC000  }
0x161: {  	[spmem:s2] =	stream.indirect.scatter.add.f32 [tilespmem:s14], [sflag:$0x3], $0x80, s8, s12, $0xb8;
	[tilespmem:$0x1D880] =	vst v63  }
0x162: {  	_ =	swait.ge [sflag:s10], $0x4000  }
0x163: {  	[sflag:s10] =	ssyncset.done $0x0  }
0x164: {  	s9 =	rddreg [dreg:$0xb];
	[sflag:s10] =	ssyncadd.s32 $0xFFFFC000  }
0x165: {  	[tilespmem:s14], [sflag:$0x2] =	stream.indirect.gather [hbm4b:s4+s12], $0x80, s9, s12, $0xb8;
	[tilespmem:$0x1D880] =	vst v63  }
0x166: {  	_ =	swait.ge [sflag:s15], $0x4000  }
0x167: {  	[sflag:s15] =	ssyncset.done $0x0  }
0x168: {  	s7 =	rddreg [dreg:$0xc];
	[sflag:s15] =	ssyncadd.s32 $0xFFFFC000  }
0x169: {  	[spmem:s2] =	stream.indirect.scatter.add.f32 [tilespmem:s13], [sflag:$0x3], $0x80, s7, s12, $0xb8;
	[tilespmem:$0x1D880] =	vst v63  }
0x16a: {  	_ =	swait.ge [sflag:s10], $0x4000  }
0x16b: {  	[sflag:s10] =	ssyncset.done $0x0  }
0x16c: {  	s8 =	rddreg [dreg:$0xd];
	[sflag:s10] =	ssyncadd.s32 $0xFFFFC000  }
0x16d: {  	[tilespmem:s13], [sflag:$0x1] =	stream.indirect.gather [hbm4b:s4+s12], $0x80, s8, s12, $0xb8;
	[tilespmem:$0x1D880] =	vst v63  }
0x16e: {  	_ =	swait.ge [sflag:s16], $0x4000  }
0x16f: {  	[sflag:s16] =	ssyncset.done $0x0  }
0x170: {  	s9 =	rddreg [dreg:$0xe];
	[sflag:s16] =	ssyncadd.s32 $0xFFFFC000  }
0x171: {  	[spmem:s2] =	stream.indirect.scatter.add.f32 [tilespmem:s14], [sflag:$0x3], $0x80, s9, s12, $0xb8;
	[tilespmem:$0x1D880] =	vst v63  }
0x172: {  	_ =	swait.ge [sflag:s10], $0x4000  }
0x173: {  	[sflag:s10] =	ssyncset.done $0x0  }
0x174: {  	s7 =	rddreg [dreg:$0xf];
	[sflag:s10] =	ssyncadd.s32 $0xFFFFC000  }
0x175: {  	[tilespmem:s14], [sflag:$0x2] =	stream.indirect.gather [hbm4b:s4+s12], $0x80, s7, s12, $0xb8;
	[tilespmem:$0x1D880] =	vst v63  }
0x176: {  	_ =	swait.ge [sflag:s15], $0x4000  }
0x177: {  	[sflag:s15] =	ssyncset.done $0x0  }
0x178: {  	s8 =	rddreg [dreg:$0x10];
	[sflag:s15] =	ssyncadd.s32 $0xFFFFC000  }
0x179: {  	[spmem:s2] =	stream.indirect.scatter.add.f32 [tilespmem:s13], [sflag:$0x3], $0x80, s8, s12, $0xb8;
	[tilespmem:$0x1D880] =	vst v63  }
0x17a: {  	_ =	swait.ge [sflag:s10], $0x4000  }
0x17b: {  	[sflag:s10] =	ssyncset.done $0x0  }
0x17c: {  	[sflag:s10] =	ssyncadd.s32 $0xFFFFC000  }
0x17d: {  	[tilespmem:s13], [sflag:$0x1] =	stream.indirect.gather [hbm4b:s4+s12], $0x80, s17, s12, $0xb8;
	[tilespmem:$0x1D880] =	vst v63  }
0x17e: {  	_ =	swait.ge [sflag:s16], $0x4000  }
0x17f: {  	[sflag:s16] =	ssyncset.done $0x0  }
0x180: {  	[sflag:s16] =	ssyncadd.s32 $0xFFFFC000  }
0x181: {  	[spmem:s2] =	stream.indirect.scatter.add.f32 [tilespmem:s14], [sflag:$0x3], $0x80, s18, s12, $0xb8;
	[tilespmem:$0x1D880] =	vst v63  }
0x182: {  	_ =	swait.ge [sflag:s10], $0x4000  }
0x183: {  	[sflag:s10] =	ssyncset.done $0x0  }
0x184: {  	[sflag:s10] =	ssyncadd.s32 $0xFFFFC000  }
0x185: {  	[tilespmem:s14], [sflag:$0x2] =	stream.indirect.gather [hbm4b:s4+s12], $0x80, s19, s12, $0xb8;
	[tilespmem:$0x1D880] =	vst v63  }
0x186: {  	_ =	swait.ge [sflag:s15], $0x4000  }
0x187: {  	[sflag:s15] =	ssyncset.done $0x0  }
0x188: {  	[sflag:s15] =	ssyncadd.s32 $0xFFFFC000  }
0x189: {  	[spmem:s2] =	stream.indirect.scatter.add.f32 [tilespmem:s13], [sflag:$0x3], $0x80, s20, s12, $0xb8;
	[tilespmem:$0x1D880] =	vst v63  }
0x18a: {  	_ =	swait.ge [sflag:s10], $0x4000  }
0x18b: {  	[sflag:s10] =	ssyncset.done $0x0  }
0x18c: {  	[sflag:s10] =	ssyncadd.s32 $0xFFFFC000  }
0x18d: {  	[tilespmem:s13], [sflag:$0x1] =	stream.indirect.gather [hbm4b:s4+s12], $0x80, s21, s12, $0xb8;
	[tilespmem:$0x1D880] =	vst v63  }
0x18e: {  	_ =	swait.ge [sflag:s16], $0x4000  }
0x18f: {  	[sflag:s16] =	ssyncset.done $0x0  }
0x190: {  	[sflag:s16] =	ssyncadd.s32 $0xFFFFC000  }
0x191: {  	[spmem:s2] =	stream.indirect.scatter.add.f32 [tilespmem:s14], [sflag:$0x3], $0x80, s22, s12, $0xb8;
	[tilespmem:$0x1D880] =	vst v63  }
0x192: {  	_ =	swait.ge [sflag:s10], $0x4000  }
0x193: {  	[sflag:s10] =	ssyncset.done $0x0  }
0x194: {  	[sflag:s10] =	ssyncadd.s32 $0xFFFFC000  }
0x195: {  	[tilespmem:s14], [sflag:$0x2] =	stream.indirect.gather [hbm4b:s4+s12], $0x80, s23, s12, $0xb8;
	[tilespmem:$0x1D880] =	vst v63  }
0x196: {  	_ =	swait.ge [sflag:s15], $0x4000  }
0x197: {  	[sflag:s15] =	ssyncset.done $0x0  }
0x198: {  	[sflag:s15] =	ssyncadd.s32 $0xFFFFC000  }
0x199: {  	[spmem:s2] =	stream.indirect.scatter.add.f32 [tilespmem:s13], [sflag:$0x3], $0x80, s24, s12, $0xb8;
	[tilespmem:$0x1D880] =	vst v63  }
0x19a: {  	_ =	swait.ge [sflag:s10], $0x4000  }
0x19b: {  	[sflag:s10] =	ssyncset.done $0x0  }
0x19c: {  	[sflag:s10] =	ssyncadd.s32 $0xFFFFC000  }
0x19d: {  	[tilespmem:s13], [sflag:$0x1] =	stream.indirect.gather [hbm4b:s4+s12], $0x80, s25, s12, $0xb8;
	[tilespmem:$0x1D880] =	vst v63  }
0x19e: {  	_ =	swait.ge [sflag:s16], $0x4000  }
0x19f: {  	[sflag:s16] =	ssyncset.done $0x0  }
0x1a0: {  	[sflag:s16] =	ssyncadd.s32 $0xFFFFC000  }
0x1a1: {  	[spmem:s2] =	stream.indirect.scatter.add.f32 [tilespmem:s14], [sflag:$0x3], $0x80, s26, s12, $0xb8;
	[tilespmem:$0x1D880] =	vst v63  }
0x1a2: {  	_ =	swait.ge [sflag:s10], $0x4000  }
0x1a3: {  	[sflag:s10] =	ssyncset.done $0x0  }
0x1a4: {  	[sflag:s10] =	ssyncadd.s32 $0xFFFFC000  }
0x1a5: {  	[tilespmem:s14], [sflag:$0x2] =	stream.indirect.gather [hbm4b:s4+s12], $0x80, s28, s12, $0xb8;
	[tilespmem:$0x1D880] =	vst v63  }
0x1a6: {  	_ =	swait.ge [sflag:s15], $0x4000  }
0x1a7: {  	[sflag:s15] =	ssyncset.done $0x0  }
0x1a8: {  	[sflag:s15] =	ssyncadd.s32 $0xFFFFC000  }
0x1a9: {  	[spmem:s2] =	stream.indirect.scatter.add.f32 [tilespmem:s13], [sflag:$0x3], $0x80, s29, s12, $0xb8;
	[tilespmem:$0x1D880] =	vst v63  }
0x1aa: {  	_ =	swait.ge [sflag:s10], $0x4000  }
0x1ab: {  	[sflag:s10] =	ssyncset.done $0x0  }
0x1ac: {  	[sflag:s10] =	ssyncadd.s32 $0xFFFFC000  }
0x1ad: {  	[tilespmem:s13], [sflag:$0x1] =	stream.indirect.gather [hbm4b:s4+s12], $0x80, s30, s12, $0xb8;
	[tilespmem:$0x1D880] =	vst v63  }
0x1ae: {  	_ =	swait.ge [sflag:s16], $0x4000  }
0x1af: {  	[sflag:s16] =	ssyncset.done $0x0  }
0x1b0: {  	[sflag:s16] =	ssyncadd.s32 $0xFFFFC000  }
0x1b1: {  	[spmem:s2] =	stream.indirect.scatter.add.f32 [tilespmem:s14], [sflag:$0x3], $0x80, s31, s12, $0xb8;
	[tilespmem:$0x1D880] =	vst v63  }
0x1b2: {  	_ =	swait.ge [sflag:s10], $0x4000  }
0x1b3: {  	[sflag:s10] =	ssyncset.done $0x0  }
0x1b4: {  	[sflag:s10] =	ssyncadd.s32 $0xFFFFC000  }
0x1b5: {  	[tilespmem:s14], [sflag:$0x2] =	stream.indirect.gather [hbm4b:s4+s12], $0x80, s0, s12, $0xb8;
	[tilespmem:$0x1D880] =	vst v63  }
0x1b6: {  	_ =	swait.ge [sflag:s15], $0x4000  }
0x1b7: {  	[sflag:s15] =	ssyncset.done $0x0  }
0x1b8: {  	[sflag:s15] =	ssyncadd.s32 $0xFFFFC000  }
0x1b9: {  	[spmem:s2] =	stream.indirect.scatter.add.f32 [tilespmem:s13], [sflag:$0x3], $0x80, s1, s12, $0xb8;
	[tilespmem:$0x1D880] =	vst v63  }
0x1ba: {  	_ =	swait.ge [sflag:s10], $0x4000  }
0x1bb: {  	[sflag:s10] =	ssyncset.done $0x0  }
0x1bc: {  	[sflag:s10] =	ssyncadd.s32 $0xFFFFC000  }
0x1bd: {  	_ =	swait.ge [sflag:s16], $0x4000  }
0x1be: {  	[sflag:s16] =	ssyncset.done $0x0  }
0x1bf: {  	[sflag:s16] =	ssyncadd.s32 $0xFFFFC000  }
0x1c0: {  	[spmem:s2] =	stream.indirect.scatter.add.f32 [tilespmem:s14], [sflag:$0x3], $0x80, s5, s12, $0xb8;
	[tilespmem:$0x1D880] =	vst v63  }
0x1c1: {  	_ =	swait.ge [sflag:s10], $0x4000  }
0x1c2: {  	[sflag:s10] =	ssyncset.done $0x0  }
0x1c3: {  	[sflag:s10] =	ssyncadd.s32 $0xFFFFC000  }
0x1c4: {  	[bflag:$0x0] =	sbarrier.arrive $0xFFFF  }
0x1c5: {  	s7 =	rddreg [dreg:$0x12]  }
0x1c6: {  	s9 =	rddreg [dreg:$0x13]  }
0x1c7: {  	s8 =	rddreg [dreg:$0x15]  }
0x1c8: {  	[hbm:s9], [sflag:s7] =	dma.local [spmem:s8], $0x2710  }
0x1c9: {  	_ =	swait.ge [sflag:s10], $0x2710  }
0x1ca: {  	s6 =	rddreg [dreg:$0x16]  }
0x1cb: {  	s9 =	sadd.s32 $0x1, s6;
	s6 =	rddreg [dreg:$0x14]  }
0x1cc: {  	p0 =	sne.s32 s9, s6  }
.Ltmp1:
0x1cd: {  	_ = 	snop;
	(pc) =	sbr.rel @p0 .LBB2_1-.Ltmp1, $3  }
0x1ce: {  	_ =	sdelay $0x1  }
0x1cf: {  	[sflag:s10] =	ssyncset.done $0x0  }
0x1d0: {  	[sflag:s10] =	ssyncadd.s32 $0xFFFFD8F0  }
0x1d1: {  	_ =	sfence.sel $0x180000  }
0x1d2: {  	[bflag:$0x0] =	sbarrier.arrive $0xFFFF  }
0x1d3: {  	_ =	strace $0x9000004A  }
0x1d4: {  	s0 =	stileid.u32;
	[bflag:$0x2] =	sbarrier.arrive $0xFFFF  }
0x1d5: {  	p0 =	sne.s32 s0, $0x0;
	s0 =	rddreg [dreg:$0x2]  }
0x1d6: {  	s0 =	sadd.s32 @!p0 $0x100000, s0  }
0x1d7: {  	[sflag:s0] =	ssyncadd.tile.s32 @!p0 $0x1;
	_ =	shalt  }
.Lfunc_end2:
_tile_overlayer_lowered:
.L_overlay_start_2:
0x1d8: {  	(tag) =	ssettag $0x2  }
0x1d9: {  	s0 =	rddreg [dreg:$0x0];
	s2 =	stileid.u32  }
0x1da: {  	s1 =	rddreg [dreg:$0x1];
	p0 =	sne.s32 s2, $0x0  }
0x1db: {  	s3 =	rddreg [dreg:$0x2];
	[bflag:$0x3] =	sbarrier.arrive $0xFFFF;
	s2 =	simm.s32 @!p0 $0x1C03  }
0x1dc: {  	[timem:s3], [sflag:s2] =	dma.local @!p0 [hbm:s0], s1  }
0x1dd: {  	s0 =	simm.s32 @!p0 $0x3  }
0x1de: {  	_ =	swait.ge @!p0 [sflag:s0], s1  }
0x1df: {  	s1 =	ssub.s32 @!p0 $0x0, s1;
	[sflag:s0] =	ssyncset.done @!p0 $0x0  }
0x1e0: {  	[sflag:s0] =	ssyncadd.s32 @!p0 s1  }
0x1e1: {  	[bflag:$0x3] =	sbarrier.arrive $0xFFFF  }
0x1e2: {  	_ =	shalt  }

// kernel: kernel.23.cloned.1.call-start
scs
__scs_entry_jumppad:
0x0: {  	(pc) =	sbr.rel $0x88, $3  }
0x1: {  	(tag) =	ssettag $0x0;
	lr =	simm.s32 $0x1  }
0x2: {  	[smem:$0x3F90] =	sst lr;
	_ =	strace $0xD0000000  }
0x3: {  	_ = 	snop  }
0x4: {  	_ = 	snop  }
0x5: {  	_ = 	snop  }
0x6: {  	_ = 	snop  }
0x7: {  	_ = 	snop  }
__scs_overlays_trampoline_lowered:
0x8: {  	[smem:$0x3F9F] =	sst s0  }
0x9: {  	[smem:$0x3FA0] =	sst s1  }
0xa: {  	[smem:$0x3FA1] =	sst s2  }
0xb: {  	[smem:$0x3FA2] =	sst s3  }
0xc: {  	[smem:$0x3FA3] =	sst s4  }
0xd: {  	[smem:$0x3FA4] =	sst s5  }
0xe: {  	[smem:$0x3FA5] =	sst s6  }
0xf: {  	[smem:$0x3FA6] =	sst s7  }
0x10: {  	[smem:$0x3FA7] =	sst s8  }
0x11: {  	[smem:$0x3FA8] =	sst s9;
	s0 =	simm.s32 @!p0 $0x0  }
0x12: {  	s1 =	sld [smem:$0x3F8E];
	s0 =	simm.s32 @p0 $0x1  }
0x13: {  	[smem:$0x3FA9] =	sst s0;
	s0 =	simm.s32 @!p1 $0x0  }
0x14: {  	s2 =	sld [smem:$0x3F8D];
	s0 =	simm.s32 @p1 $0x1  }
0x15: {  	[smem:$0x3FAA] =	sst s0;
	s0 =	simm.s32 @!p2 $0x0  }
0x16: {  	s3 =	sld [smem:$0x3FDB];
	s0 =	simm.s32 @p2 $0x1  }
0x17: {  	s4 =	simm.s32 $0x1BF5;
	[smem:$0x3FAC] =	sst s0  }
0x18: {  	s0 =	sld [smem:$0x3F8F];
	_ =	swait.ge [sflag:s4], $0x0  }
0x19: {  	s7 =	sld [smem:$0x3F90]  }
0x1a: {  	s8 =	sadd.s32 $0xFFFFE003, lr  }
0x1b: {  	s9 =	sadd.s32 $0xFFFFFEF7, lr;
	s5 =	simm.s32 $0xFFFFFFFF;
	p2 =	slt.u32 s8, $0xFFFFF086  }
0x1c: {  	p1 =	slt.u32 s9, $0xF7A;
	s5 =	simm.s32 @!p2 $0x0  }
0x1d: {  	s5 =	simm.s32 @p1 $0x1;
	p0 =	seq.s32 s7, s2  }
0x1e: {  	s7 =	smul.u32 @!p0 $0xF7A, s2;
	p2 =	seq.s32 @!p0 s5, $0x0  }
0x1f: {  	s9 =	smul.u32 $0xF7A, s1;
	s8 =	simm.s32 @!p0 $0x1BF5;
	p2 =	por !p2, p0  }
0x20: {  	[sflag:s8] =	ssyncset.s32 @!p0 $0xFFFFF086;
	s6 =	sadd.s32 @!p0 s3, s7;
	s7 =	simm.s32 @!p0 $0x108  }
0x21: {  	s3 =	sadd.s32 s3, s9;
	s6 =	sadd.s32 @!p0 $0x88, s6;
	s7 =	simm.s32 @p2 $0x1082  }
0x22: {  	[simem:s7], [sflag:s8] =	dma.local @!p0 [hbm:s6], $0xF7A  }
0x23: {  	s9 =	sor.u32 $0xD0000000, s2;
	s6 =	simm.s32 $0x108;
	_ =	swait.ge @!p0 [sflag:s8], $0x0  }
0x24: {  	s3 =	sadd.s32 $0x88, s3;
	s6 =	simm.s32 @!p1 $0x1082;
	[sflag:s4] =	ssyncset.s32 $0xFFFFF086  }
0x25: {  	[simem:s6], [sflag:s4] =	dma.local [hbm:s3], $0xF7A  }
0x26: {  	[smem:$0x3F90] =	sst s1;
	(tag) =	ssettag s2;
	_ =	strace s9  }
0x27: {  	s1 =	sld [smem:$0x3FA0]  }
0x28: {  	s2 =	sld [smem:$0x3FA1]  }
0x29: {  	s4 =	sld [smem:$0x3FA3]  }
0x2a: {  	p0 =	seq.s32 s5, $0x0;
	s5 =	sld [smem:$0x3FA4]  }
0x2b: {  	s6 =	sld [smem:$0x3FA5]  }
0x2c: {  	s7 =	sld [smem:$0x3FA6]  }
0x2d: {  	s3 =	simm.s32 $0x108;
	s8 =	sld [smem:$0x3FA7]  }
0x2e: {  	s3 =	simm.s32 @!p0 $0x1082;
	s9 =	sld [smem:$0x3FA8]  }
0x2f: {  	lr =	sadd.s32 s0, s3;
	s0 =	sld [smem:$0x3F9F]  }
0x30: {  	s3 =	sld [smem:$0x3FA2]  }
0x31: {  	[smem:$0x3FAB] =	sst s10  }
0x32: {  	s10 =	sld [smem:$0x3FA9];
	_ =	sdelay $0x3  }
0x33: {  	p0 =	seq.s32 s10, $0x1;
	s10 =	sld [smem:$0x3FAB];
	_ =	sdelay $0x3  }
0x34: {  	[smem:$0x3FAB] =	sst s10  }
0x35: {  	s10 =	sld [smem:$0x3FAA];
	_ =	sdelay $0x3  }
0x36: {  	p1 =	seq.s32 s10, $0x1;
	s10 =	sld [smem:$0x3FAB];
	_ =	sdelay $0x3  }
0x37: {  	[smem:$0x3FAB] =	sst s10  }
0x38: {  	s10 =	sld [smem:$0x3FAC]  }
0x39: {  	_ = 	snop;
	(pc) =	sbr.ind lr, $3  }
0x3a: {  	_ = 	snop  }
0x3b: {  	_ = 	snop  }
0x3c: {  	p2 =	seq.s32 s10, $0x1;
	s10 =	sld [smem:$0x3FAB]  }
0x3d: {  	_ =	shalt  }
0x3e: {  	_ =	shalt  }
0x3f: {  	_ =	shalt  }
0x40: {  	_ =	shalt  }
0x41: {  	_ =	shalt  }
0x42: {  	_ =	shalt  }
0x43: {  	_ =	shalt  }
0x44: {  	_ =	shalt  }
0x45: {  	_ =	shalt  }
0x46: {  	_ =	shalt  }
0x47: {  	_ =	shalt  }
0x48: {  	_ =	shalt  }
0x49: {  	_ =	shalt  }
0x4a: {  	_ =	shalt  }
0x4b: {  	_ =	shalt  }
0x4c: {  	_ =	shalt  }
0x4d: {  	_ =	shalt  }
0x4e: {  	_ =	shalt  }
0x4f: {  	_ =	shalt  }
0x50: {  	_ =	shalt  }
0x51: {  	_ =	shalt  }
0x52: {  	_ =	shalt  }
0x53: {  	_ =	shalt  }
0x54: {  	_ =	shalt  }
0x55: {  	_ =	shalt  }
0x56: {  	_ =	shalt  }
0x57: {  	_ =	shalt  }
0x58: {  	_ =	shalt  }
0x59: {  	_ =	shalt  }
0x5a: {  	_ =	shalt  }
0x5b: {  	_ =	shalt  }
0x5c: {  	_ =	shalt  }
0x5d: {  	_ =	shalt  }
0x5e: {  	_ =	shalt  }
0x5f: {  	_ =	shalt  }
0x60: {  	_ =	shalt  }
0x61: {  	_ =	shalt  }
0x62: {  	_ =	shalt  }
0x63: {  	_ =	shalt  }
0x64: {  	_ =	shalt  }
0x65: {  	_ =	shalt  }
0x66: {  	_ =	shalt  }
0x67: {  	_ =	shalt  }
0x68: {  	_ =	shalt  }
0x69: {  	_ =	shalt  }
0x6a: {  	_ =	shalt  }
0x6b: {  	_ =	shalt  }
0x6c: {  	_ =	shalt  }
0x6d: {  	_ =	shalt  }
0x6e: {  	_ =	shalt  }
0x6f: {  	_ =	shalt  }
0x70: {  	_ =	shalt  }
0x71: {  	_ =	shalt  }
0x72: {  	_ =	shalt  }
0x73: {  	_ =	shalt  }
0x74: {  	_ =	shalt  }
0x75: {  	_ =	shalt  }
0x76: {  	_ =	shalt  }
0x77: {  	_ =	shalt  }
0x78: {  	_ =	shalt  }
0x79: {  	_ =	shalt  }
0x7a: {  	_ =	shalt  }
0x7b: {  	_ =	shalt  }
0x7c: {  	_ =	shalt  }
0x7d: {  	_ =	shalt  }
0x7e: {  	_ =	shalt  }
0x7f: {  	_ =	shalt  }
0x80: {  	_ =	shalt  }
0x81: {  	_ =	shalt  }
0x82: {  	_ =	shalt  }
0x83: {  	_ =	shalt  }
0x84: {  	_ =	shalt  }
0x85: {  	_ =	shalt  }
0x86: {  	_ =	shalt  }
0x87: {  	_ =	shalt  }
.Lfunc_end0:
.L_simem_size_0:
called_computation.2_lowered:
.L_overlay_start_0:
0x88: {  	s2 =	sld [smem:$0x3FD9]  }
0x89: {  	s3 =	sld [smem:$0x3FFE];
	_ =	sdelay $0x1  }
0x8a: {  	s1 =	srdreg.scid  }
0x8b: {  	s0 =	sand.u32 $0x1, s1  }
0x8c: {  	s16 =	sshll.u32 s0, $0xA;
	s2 =	sadd.s32 s3, s2  }
0x8d: {  	s2 =	sadd.s32 s2, s16  }
0x8e: {  	[smem:$0x3FB7] =	sst s2  }
0x8f: {  	_ = 	snop  }
0x90: {  	(tm) =	ssettm $0x1  }
0x91: {  	s17 =	sld [smem:$0x3FFB];
	_ =	sdelay $0x3  }
0x92: {  	_ =	strace s17  }
0x93: {  	s2 =	sld [smem:$0x3FFC];
	_ =	sdelay $0x3  }
0x94: {  	_ =	strace s2  }
0x95: {  	s2 =	sld [smem:$0x3FFD];
	_ =	sdelay $0x3  }
0x96: {  	_ =	strace s2  }
0x97: {  	_ =	strace $0x8FFFFFFF  }
0x98: {  	s18 =	sld [smem:$0x3FDB];
	_ =	sdelay $0x1  }
0x99: {  	s19 =	simm.s32 $_scs_section_size  }
0x9a: {  	s4 =	simm.s32 $_size__tile_overlayer_lowered;
	s5 =	simm.s32 $_tile_overlayer_lowered  }
0x9b: {  	s22 =	simm.s32 $0x1BFF;
	s21 =	sshll.u32 s5, $0x1;
	s2 =	sadd.s32 s19, s18  }
0x9c: {  	s6 =	simm.s32 $0x0;
	s20 =	sshll.u32 s4, $0x1;
	s4 =	sadd.s32 s21, s2  }
0x9d: {  	[timem:s6], [sflag:s22] =	dma.local [hbm:s4], s20  }
0x9e: {  	_ =	swait.ge [sflag:s22], s20  }
0x9f: {  	s3 =	ssub.s32 $0x0, s20;
	[sflag:s22] =	ssyncset.done $0x0  }
0xa0: {  	[sflag:s22] =	ssyncadd.s32 s3;
	_ =	sdelay $0x1  }
0xa1: {  	s23 =	simm.s32 $0x1B8B  }
0xa2: {  	_ =	swait.ge [sflag:s23], $0x1  }
0xa3: {  	[sflag:s23] =	ssyncset.done $0x0  }
0xa4: {  	s25 =	simm.s32 $0x1B8E;
	s24 =	sld [smem:$0x3FFE];
	[sflag:s23] =	ssyncadd.s32 $0xFFFFFFFF  }
0xa5: {  	s26 =	simm.s32 $execute0_lowered;
	[smem:$0x3FD2] =	sst s25  }
0xa6: {  	s4 =	sshll.u32 s26, $0x1;
	_ =	strace $0x8000004C;
	[dreg:$0x1] =	wrdreg $0xFFFFFFFF  }
0xa7: {  	s28 =	simm.s32 $_size_execute0_lowered;
	s2 =	sadd.s32 s2, s4;
	[dreg:$0x0] =	wrdreg $0x0  }
0xa8: {  	s4 =	sshll.u32 s28, $0x1;
	[dreg:$0x2] =	wrdreg s2  }
0xa9: {  	[dreg:$0x3] =	wrdreg s4  }
0xaa: {  	[dreg:$0x4] =	wrdreg $0xC0  }
0xab: {  	_ =	task [dreg:s6], $0x5FFFF  }
0xac: {  	[dreg:$0x1] =	wrdreg $0xFFFFFFFF  }
0xad: {  	[dreg:$0x0] =	wrdreg $0x60  }
0xae: {  	[dreg:$0x2] =	wrdreg s24  }
0xaf: {  	[dreg:$0x3] =	wrdreg $0x90000  }
0xb0: {  	[dreg:$0x4] =	wrdreg $0x9  }
0xb1: {  	_ =	task.clear_ibuf [dreg:s6], $0x5FFFF;
	_ =	strace $0x9000004C  }
0xb2: {  	s29 =	simm.s32 $0x9;
	_ =	strace $0x8000004E  }
0xb3: {  	_ =	swait.ge [sflag:s29], $0x1  }
0xb4: {  	[sflag:s29] =	ssyncadd.s32 $0xFFFFFFFF  }
0xb5: {  	_ =	strace $0x9000004E  }
0xb6: {  	_ =	sfence  }
0xb7: {  	s30 =	sld [smem:$0x0];
	_ =	sdelay $0x2  }
0xb8: {  	s31 =	sshll.u32 s1, $0xD;
	s1 =	sshrl.u32 s1, $0x2  }
0xb9: {  	s3 =	sand.u32 $0x4000, s31;
	s1 =	sadd.s32 s1, s30  }
0xba: {  	s0 =	sor.u32 s3, s0;
	s1 =	sshll.u32 s1, $0x11  }
0xbb: {  	s0 =	sor.u32 s1, s0  }
0xbc: {  	s0 =	sadd.s32 $0x8F2B, s0  }
0xbd: {  	[sflag:s0] =	ssyncadd.remote.s32 $0x1  }
0xbe: {  	_ =	sfence.sel $0xFFFF  }
0xbf: {  	[dreg:$0x0] =	wrdreg $0xFFFFFFFF;
	(pc) =	sbr.abs _section_cstart, $3  }
0xc0: {  	[dreg:$0x1] =	wrdreg $0xFFFFFFFF  }
0xc1: {  	_ =	task.clear_ibuf [dreg:s6], $0x2FFFF;
	_ =	strace $0x9FFFFFFF  }
0xc2: {  	(tm) =	ssettm $0x7FFFFFFF  }
0xc3: {  	_ =	shalt  }
tec
execute0_lowered:
.L_overlay_start_1:
0x0: {  	(tag) =	ssettag $0x1  }
0x1: {  	s0 =	rddreg [dreg:$0x0]  }
0x2: {  	s2 =	rddreg [dreg:$0x1];
	s1 =	srdreg.scid  }
0x3: {  	s10 =	stileid.u32;
	s3 =	simm.s32 $0x0;
	s13 =	simm.s32 $0x100  }
0x4: {  	s15 =	simm.s32 $0x880;
	s17 =	simm.s32 $0x180;
	[smem:$0x7FF] =	sst s3  }
0x5: {  	s18 =	simm.s32 $0x900;
	_ =	strace $0x8000004D;
	[dreg:$0x5] =	wrdreg s13  }
0x6: {  	s19 =	simm.s32 $0x200;
	s20 =	simm.s32 $0x980;
	[dreg:$0x6] =	wrdreg s15  }
0x7: {  	s21 =	simm.s32 $0x280;
	s22 =	simm.s32 $0xA00;
	[dreg:$0x7] =	wrdreg s17  }
0x8: {  	s23 =	simm.s32 $0x300;
	s24 =	simm.s32 $0xA80;
	[dreg:$0x8] =	wrdreg s18  }
0x9: {  	s25 =	simm.s32 $0x380;
	s26 =	simm.s32 $0xB00;
	[dreg:$0x9] =	wrdreg s19  }
0xa: {  	s28 =	simm.s32 $0x680;
	s29 =	simm.s32 $0xE00;
	[dreg:$0xa] =	wrdreg s20  }
0xb: {  	s30 =	simm.s32 $0x700;
	s31 =	simm.s32 $0xE80;
	[dreg:$0xb] =	wrdreg s21  }
0xc: {  	s1 =	sand.u32 $0x1, s1;
	s5 =	smul.u32 $0x5000, s10;
	[dreg:$0xc] =	wrdreg s22  }
0xd: {  	s4 =	sadd.s32 $0x1600, s0;
	s7 =	smul.u32 $0xA00, s10;
	[dreg:$0xd] =	wrdreg s23  }
0xe: {  	s16 =	sshll.u32 s10, $0x6;
	s6 =	smul.u32 $0x50000, s1;
	[dreg:$0xe] =	wrdreg s24  }
0xf: {  	s9 =	sshll.u32 s1, $0x4;
	s1 =	ssub.s32 $0x2, s1;
	[dreg:$0xf] =	wrdreg s25  }
0x10: {  	s13 =	simm.s32 $0x1000;
	s15 =	simm.s32 $0x1;
	[dreg:$0x10] =	wrdreg s26  }
0x11: {  	s17 =	simm.s32 $0x400;
	s18 =	simm.s32 $0xB80;
	s19 =	simm.s32 $0x480  }
0x12: {  	s20 =	simm.s32 $0xC00;
	s21 =	simm.s32 $0x500;
	s22 =	simm.s32 $0xC80  }
0x13: {  	s23 =	simm.s32 $0x580;
	s24 =	simm.s32 $0xD00;
	s25 =	simm.s32 $0x600  }
0x14: {  	s26 =	simm.s32 $0xD80;
	s7 =	sadd.s32 s7, s0;
	s8 =	sshrl.u32 s1, $0x1  }
0x15: {  	s5 =	sadd.s32 s5, s6;
	s6 =	sor.u32 s10, s9;
	s9 =	smul.u32 $0x4E200, s10  }
0x16: {  	s1 =	ssub.s32 s1, s8;
	s12 =	sadd.s32 $0xC7600, s7;
	s7 =	sor.u32 $0x1C03, s16  }
0x17: {  	s10 =	simm.s32 $0x3;
	s16 =	simm.s32 $0x2;
	s5 =	sshrl.u32 s5, $0x3  }
0x18: {  	s6 =	smul.u32 $0x2780, s6;
	[dreg:$0x4] =	wrdreg s12;
	s1 =	smax.u32 s1, $0x1  }
0x19: {  	s12 =	simm.s32 $0x80;
	[dreg:$0x12] =	wrdreg s7;
	s5 =	sadd.s32 s5, s0  }
0x1a: {  	s11 =	sshrl.u32 s9, $0x2;
	[dreg:$0x14] =	wrdreg s1;
	s1 =	simm.s32 $0xF00  }
0x1b: {  	s9 =	simm.s32 $0x0;
	s0 =	sadd.s32 s6, s0;
	s5 =	sadd.s32 $0xB3600, s5  }
0x1c: {  	s6 =	sadd.s32 s11, s2;
	[dreg:$0x3] =	wrdreg s5;
	s14 =	sadd.s32 $0x4F800, s0  }
0x1d: {  	s11 =	simm.s32 $0x800;
	s0 =	sadd.s32 $0xD1C00, s0;
	[dreg:$0x11] =	wrdreg s14  }
0x1e: {  	s8 =	sshrl.u32 s6, $0x3;
	s5 =	simm.s32 $0xF80;
	[dreg:$0x13] =	wrdreg s0  }
0x1f: {  	s14 =	simm.s32 $0x5000;
	s0 =	simm.s32 $0x780;
	[dreg:$0x15] =	wrdreg s8  }
.LBB2_1:
0x20: {  	[dreg:$0x16] =	wrdreg s9  }
0x21: {  	s6 =	rddreg [dreg:$0x11]  }
0x22: {  	[spmem:s8], [sflag:s7] =	dma.local [hbm:s6], $0x2710  }
0x23: {  	_ =	swait.ge [sflag:s10], $0x2710  }
0x24: {  	[sflag:s10] =	ssyncset.done $0x0  }
0x25: {  	[sflag:s10] =	ssyncadd.s32 $0xFFFFD8F0  }
0x26: {  	[bflag:$0x0] =	sbarrier.arrive $0xFFFF  }
0x27: {  	s8 =	rddreg [dreg:$0x3]  }
0x28: {  	s6 =	sadd.s32 $0x0, s8  }
0x29: {  	[tilespmem:s3], [sflag:$0x3] =	stream.linear.gather [hbm4b:s6+s3], $0x800, $0x38;
	[tilespmem:$0x1D880] =	vst v63  }
0x2a: {  	_ =	swait.ge [sflag:s10], $0x800  }
0x2b: {  	s9 =	rddreg [dreg:$0x4];
	[sflag:s10] =	ssyncset.done $0x0  }
0x2c: {  	[sflag:s10] =	ssyncadd.s32 $0xFFFFF800;
	s6 =	sadd.s32 $0x0, s9  }
0x2d: {  	[tilespmem:s11], [sflag:$0x3] =	stream.linear.gather [hbm4b:s6+s3], $0x800, $0x38;
	[tilespmem:$0x1D880] =	vst v63  }
0x2e: {  	_ =	swait.ge [sflag:s10], $0x800  }
0x2f: {  	[sflag:s10] =	ssyncset.done $0x0  }
0x30: {  	[sflag:s10] =	ssyncadd.s32 $0xFFFFF800  }
0x31: {  	[tilespmem:s13], [sflag:$0x1] =	stream.indirect.gather [hbm4b:s4+s12], $0x80, s3, s12, $0xb8;
	[tilespmem:$0x1D880] =	vst v63  }
0x32: {  	_ = 	snop  }
0x33: {  	[tilespmem:s14], [sflag:$0x2] =	stream.indirect.gather [hbm4b:s4+s12], $0x80, s12, s12, $0xb8;
	[tilespmem:$0x1D880] =	vst v63  }
0x34: {  	_ =	swait.ge [sflag:s15], $0x4000  }
0x35: {  	[sflag:s15] =	ssyncset.done $0x0  }
0x36: {  	[sflag:s15] =	ssyncadd.s32 $0xFFFFC000  }
0x37: {  	[spmem:s2] =	stream.indirect.scatter.add.f32 [tilespmem:s13], [sflag:$0x3], $0x80, s11, s12, $0xb8;
	[tilespmem:$0x1D880] =	vst v63  }
0x38: {  	_ =	swait.ge [sflag:s10], $0x4000  }
0x39: {  	[sflag:s10] =	ssyncset.done $0x0  }
0x3a: {  	s7 =	rddreg [dreg:$0x5];
	[sflag:s10] =	ssyncadd.s32 $0xFFFFC000  }
0x3b: {  	[tilespmem:s13], [sflag:$0x1] =	stream.indirect.gather [hbm4b:s4+s12], $0x80, s7, s12, $0xb8;
	[tilespmem:$0x1D880] =	vst v63  }
0x3c: {  	_ =	swait.ge [sflag:s16], $0x4000  }
0x3d: {  	[sflag:s16] =	ssyncset.done $0x0  }
0x3e: {  	s8 =	rddreg [dreg:$0x6];
	[sflag:s16] =	ssyncadd.s32 $0xFFFFC000  }
0x3f: {  	[spmem:s2] =	stream.indirect.scatter.add.f32 [tilespmem:s14], [sflag:$0x3], $0x80, s8, s12, $0xb8;
	[tilespmem:$0x1D880] =	vst v63  }
0x40: {  	_ =	swait.ge [sflag:s10], $0x4000  }
0x41: {  	[sflag:s10] =	ssyncset.done $0x0  }
0x42: {  	s9 =	rddreg [dreg:$0x7];
	[sflag:s10] =	ssyncadd.s32 $0xFFFFC000  }
0x43: {  	[tilespmem:s14], [sflag:$0x2] =	stream.indirect.gather [hbm4b:s4+s12], $0x80, s9, s12, $0xb8;
	[tilespmem:$0x1D880] =	vst v63  }
0x44: {  	_ =	swait.ge [sflag:s15], $0x4000  }
0x45: {  	[sflag:s15] =	ssyncset.done $0x0  }
0x46: {  	s7 =	rddreg [dreg:$0x8];
	[sflag:s15] =	ssyncadd.s32 $0xFFFFC000  }
0x47: {  	[spmem:s2] =	stream.indirect.scatter.add.f32 [tilespmem:s13], [sflag:$0x3], $0x80, s7, s12, $0xb8;
	[tilespmem:$0x1D880] =	vst v63  }
0x48: {  	_ =	swait.ge [sflag:s10], $0x4000  }
0x49: {  	[sflag:s10] =	ssyncset.done $0x0  }
0x4a: {  	s8 =	rddreg [dreg:$0x9];
	[sflag:s10] =	ssyncadd.s32 $0xFFFFC000  }
0x4b: {  	[tilespmem:s13], [sflag:$0x1] =	stream.indirect.gather [hbm4b:s4+s12], $0x80, s8, s12, $0xb8;
	[tilespmem:$0x1D880] =	vst v63  }
0x4c: {  	_ =	swait.ge [sflag:s16], $0x4000  }
0x4d: {  	[sflag:s16] =	ssyncset.done $0x0  }
0x4e: {  	s9 =	rddreg [dreg:$0xa];
	[sflag:s16] =	ssyncadd.s32 $0xFFFFC000  }
0x4f: {  	[spmem:s2] =	stream.indirect.scatter.add.f32 [tilespmem:s14], [sflag:$0x3], $0x80, s9, s12, $0xb8;
	[tilespmem:$0x1D880] =	vst v63  }
0x50: {  	_ =	swait.ge [sflag:s10], $0x4000  }
0x51: {  	[sflag:s10] =	ssyncset.done $0x0  }
0x52: {  	s7 =	rddreg [dreg:$0xb];
	[sflag:s10] =	ssyncadd.s32 $0xFFFFC000  }
0x53: {  	[tilespmem:s14], [sflag:$0x2] =	stream.indirect.gather [hbm4b:s4+s12], $0x80, s7, s12, $0xb8;
	[tilespmem:$0x1D880] =	vst v63  }
0x54: {  	_ =	swait.ge [sflag:s15], $0x4000  }
0x55: {  	[sflag:s15] =	ssyncset.done $0x0  }
0x56: {  	s8 =	rddreg [dreg:$0xc];
	[sflag:s15] =	ssyncadd.s32 $0xFFFFC000  }
0x57: {  	[spmem:s2] =	stream.indirect.scatter.add.f32 [tilespmem:s13], [sflag:$0x3], $0x80, s8, s12, $0xb8;
	[tilespmem:$0x1D880] =	vst v63  }
0x58: {  	_ =	swait.ge [sflag:s10], $0x4000  }
0x59: {  	[sflag:s10] =	ssyncset.done $0x0  }
0x5a: {  	s9 =	rddreg [dreg:$0xd];
	[sflag:s10] =	ssyncadd.s32 $0xFFFFC000  }
0x5b: {  	[tilespmem:s13], [sflag:$0x1] =	stream.indirect.gather [hbm4b:s4+s12], $0x80, s9, s12, $0xb8;
	[tilespmem:$0x1D880] =	vst v63  }
0x5c: {  	_ =	swait.ge [sflag:s16], $0x4000  }
0x5d: {  	[sflag:s16] =	ssyncset.done $0x0  }
0x5e: {  	s7 =	rddreg [dreg:$0xe];
	[sflag:s16] =	ssyncadd.s32 $0xFFFFC000  }
0x5f: {  	[spmem:s2] =	stream.indirect.scatter.add.f32 [tilespmem:s14], [sflag:$0x3], $0x80, s7, s12, $0xb8;
	[tilespmem:$0x1D880] =	vst v63  }
0x60: {  	_ =	swait.ge [sflag:s10], $0x4000  }
0x61: {  	[sflag:s10] =	ssyncset.done $0x0  }
0x62: {  	s8 =	rddreg [dreg:$0xf];
	[sflag:s10] =	ssyncadd.s32 $0xFFFFC000  }
0x63: {  	[tilespmem:s14], [sflag:$0x2] =	stream.indirect.gather [hbm4b:s4+s12], $0x80, s8, s12, $0xb8;
	[tilespmem:$0x1D880] =	vst v63  }
0x64: {  	_ =	swait.ge [sflag:s15], $0x4000  }
0x65: {  	[sflag:s15] =	ssyncset.done $0x0  }
0x66: {  	s9 =	rddreg [dreg:$0x10];
	[sflag:s15] =	ssyncadd.s32 $0xFFFFC000  }
0x67: {  	[spmem:s2] =	stream.indirect.scatter.add.f32 [tilespmem:s13], [sflag:$0x3], $0x80, s9, s12, $0xb8;
	[tilespmem:$0x1D880] =	vst v63  }
0x68: {  	_ =	swait.ge [sflag:s10], $0x4000  }
0x69: {  	[sflag:s10] =	ssyncset.done $0x0  }
0x6a: {  	[sflag:s10] =	ssyncadd.s32 $0xFFFFC000  }
0x6b: {  	[tilespmem:s13], [sflag:$0x1] =	stream.indirect.gather [hbm4b:s4+s12], $0x80, s17, s12, $0xb8;
	[tilespmem:$0x1D880] =	vst v63  }
0x6c: {  	_ =	swait.ge [sflag:s16], $0x4000  }
0x6d: {  	[sflag:s16] =	ssyncset.done $0x0  }
0x6e: {  	[sflag:s16] =	ssyncadd.s32 $0xFFFFC000  }
0x6f: {  	[spmem:s2] =	stream.indirect.scatter.add.f32 [tilespmem:s14], [sflag:$0x3], $0x80, s18, s12, $0xb8;
	[tilespmem:$0x1D880] =	vst v63  }
0x70: {  	_ =	swait.ge [sflag:s10], $0x4000  }
0x71: {  	[sflag:s10] =	ssyncset.done $0x0  }
0x72: {  	[sflag:s10] =	ssyncadd.s32 $0xFFFFC000  }
0x73: {  	[tilespmem:s14], [sflag:$0x2] =	stream.indirect.gather [hbm4b:s4+s12], $0x80, s19, s12, $0xb8;
	[tilespmem:$0x1D880] =	vst v63  }
0x74: {  	_ =	swait.ge [sflag:s15], $0x4000  }
0x75: {  	[sflag:s15] =	ssyncset.done $0x0  }
0x76: {  	[sflag:s15] =	ssyncadd.s32 $0xFFFFC000  }
0x77: {  	[spmem:s2] =	stream.indirect.scatter.add.f32 [tilespmem:s13], [sflag:$0x3], $0x80, s20, s12, $0xb8;
	[tilespmem:$0x1D880] =	vst v63  }
0x78: {  	_ =	swait.ge [sflag:s10], $0x4000  }
0x79: {  	[sflag:s10] =	ssyncset.done $0x0  }
0x7a: {  	[sflag:s10] =	ssyncadd.s32 $0xFFFFC000  }
0x7b: {  	[tilespmem:s13], [sflag:$0x1] =	stream.indirect.gather [hbm4b:s4+s12], $0x80, s21, s12, $0xb8;
	[tilespmem:$0x1D880] =	vst v63  }
0x7c: {  	_ =	swait.ge [sflag:s16], $0x4000  }
0x7d: {  	[sflag:s16] =	ssyncset.done $0x0  }
0x7e: {  	[sflag:s16] =	ssyncadd.s32 $0xFFFFC000  }
0x7f: {  	[spmem:s2] =	stream.indirect.scatter.add.f32 [tilespmem:s14], [sflag:$0x3], $0x80, s22, s12, $0xb8;
	[tilespmem:$0x1D880] =	vst v63  }
0x80: {  	_ =	swait.ge [sflag:s10], $0x4000  }
0x81: {  	[sflag:s10] =	ssyncset.done $0x0  }
0x82: {  	[sflag:s10] =	ssyncadd.s32 $0xFFFFC000  }
0x83: {  	[tilespmem:s14], [sflag:$0x2] =	stream.indirect.gather [hbm4b:s4+s12], $0x80, s23, s12, $0xb8;
	[tilespmem:$0x1D880] =	vst v63  }
0x84: {  	_ =	swait.ge [sflag:s15], $0x4000  }
0x85: {  	[sflag:s15] =	ssyncset.done $0x0  }
0x86: {  	[sflag:s15] =	ssyncadd.s32 $0xFFFFC000  }
0x87: {  	[spmem:s2] =	stream.indirect.scatter.add.f32 [tilespmem:s13], [sflag:$0x3], $0x80, s24, s12, $0xb8;
	[tilespmem:$0x1D880] =	vst v63  }
0x88: {  	_ =	swait.ge [sflag:s10], $0x4000  }
0x89: {  	[sflag:s10] =	ssyncset.done $0x0  }
0x8a: {  	[sflag:s10] =	ssyncadd.s32 $0xFFFFC000  }
0x8b: {  	[tilespmem:s13], [sflag:$0x1] =	stream.indirect.gather [hbm4b:s4+s12], $0x80, s25, s12, $0xb8;
	[tilespmem:$0x1D880] =	vst v63  }
0x8c: {  	_ =	swait.ge [sflag:s16], $0x4000  }
0x8d: {  	[sflag:s16] =	ssyncset.done $0x0  }
0x8e: {  	[sflag:s16] =	ssyncadd.s32 $0xFFFFC000  }
0x8f: {  	[spmem:s2] =	stream.indirect.scatter.add.f32 [tilespmem:s14], [sflag:$0x3], $0x80, s26, s12, $0xb8;
	[tilespmem:$0x1D880] =	vst v63  }
0x90: {  	_ =	swait.ge [sflag:s10], $0x4000  }
0x91: {  	[sflag:s10] =	ssyncset.done $0x0  }
0x92: {  	[sflag:s10] =	ssyncadd.s32 $0xFFFFC000  }
0x93: {  	[tilespmem:s14], [sflag:$0x2] =	stream.indirect.gather [hbm4b:s4+s12], $0x80, s28, s12, $0xb8;
	[tilespmem:$0x1D880] =	vst v63  }
0x94: {  	_ =	swait.ge [sflag:s15], $0x4000  }
0x95: {  	[sflag:s15] =	ssyncset.done $0x0  }
0x96: {  	[sflag:s15] =	ssyncadd.s32 $0xFFFFC000  }
0x97: {  	[spmem:s2] =	stream.indirect.scatter.add.f32 [tilespmem:s13], [sflag:$0x3], $0x80, s29, s12, $0xb8;
	[tilespmem:$0x1D880] =	vst v63  }
0x98: {  	_ =	swait.ge [sflag:s10], $0x4000  }
0x99: {  	[sflag:s10] =	ssyncset.done $0x0  }
0x9a: {  	[sflag:s10] =	ssyncadd.s32 $0xFFFFC000  }
0x9b: {  	[tilespmem:s13], [sflag:$0x1] =	stream.indirect.gather [hbm4b:s4+s12], $0x80, s30, s12, $0xb8;
	[tilespmem:$0x1D880] =	vst v63  }
0x9c: {  	_ =	swait.ge [sflag:s16], $0x4000  }
0x9d: {  	[sflag:s16] =	ssyncset.done $0x0  }
0x9e: {  	[sflag:s16] =	ssyncadd.s32 $0xFFFFC000  }
0x9f: {  	[spmem:s2] =	stream.indirect.scatter.add.f32 [tilespmem:s14], [sflag:$0x3], $0x80, s31, s12, $0xb8;
	[tilespmem:$0x1D880] =	vst v63  }
0xa0: {  	_ =	swait.ge [sflag:s10], $0x4000  }
0xa1: {  	[sflag:s10] =	ssyncset.done $0x0  }
0xa2: {  	[sflag:s10] =	ssyncadd.s32 $0xFFFFC000  }
0xa3: {  	[tilespmem:s14], [sflag:$0x2] =	stream.indirect.gather [hbm4b:s4+s12], $0x80, s0, s12, $0xb8;
	[tilespmem:$0x1D880] =	vst v63  }
0xa4: {  	_ =	swait.ge [sflag:s15], $0x4000  }
0xa5: {  	[sflag:s15] =	ssyncset.done $0x0  }
0xa6: {  	[sflag:s15] =	ssyncadd.s32 $0xFFFFC000  }
0xa7: {  	[spmem:s2] =	stream.indirect.scatter.add.f32 [tilespmem:s13], [sflag:$0x3], $0x80, s1, s12, $0xb8;
	[tilespmem:$0x1D880] =	vst v63  }
0xa8: {  	_ =	swait.ge [sflag:s10], $0x4000  }
0xa9: {  	[sflag:s10] =	ssyncset.done $0x0  }
0xaa: {  	[sflag:s10] =	ssyncadd.s32 $0xFFFFC000  }
0xab: {  	_ =	swait.ge [sflag:s16], $0x4000  }
0xac: {  	[sflag:s16] =	ssyncset.done $0x0  }
0xad: {  	[sflag:s16] =	ssyncadd.s32 $0xFFFFC000  }
0xae: {  	[spmem:s2] =	stream.indirect.scatter.add.f32 [tilespmem:s14], [sflag:$0x3], $0x80, s5, s12, $0xb8;
	[tilespmem:$0x1D880] =	vst v63  }
0xaf: {  	s6 =	simm.s32 $0x200;
	_ =	swait.ge [sflag:s10], $0x4000  }
0xb0: {  	s8 =	simm.s32 $0x100;
	s9 =	rddreg [dreg:$0x3];
	[sflag:s10] =	ssyncset.done $0x0  }
.LBB2_2:
0xb1: {  	[sflag:s10] =	ssyncadd.s32 $0xFFFFC000;
	s9 =	sadd.s32 s8, s9  }
0xb2: {  	[tilespmem:s3], [sflag:$0x3] =	stream.linear.gather [hbm4b:s9+s3], $0x800, $0x38;
	[tilespmem:$0x1D880] =	vst v63  }
0xb3: {  	_ =	swait.ge [sflag:s10], $0x800  }
0xb4: {  	s9 =	rddreg [dreg:$0x4];
	[sflag:s10] =	ssyncset.done $0x0  }
0xb5: {  	[sflag:s10] =	ssyncadd.s32 $0xFFFFF800;
	s9 =	sadd.s32 s8, s9  }
0xb6: {  	[tilespmem:s11], [sflag:$0x3] =	stream.linear.gather [hbm4b:s9+s3], $0x800, $0x38;
	[tilespmem:$0x1D880] =	vst v63  }
0xb7: {  	_ =	swait.ge [sflag:s10], $0x800  }
0xb8: {  	[sflag:s10] =	ssyncset.done $0x0  }
0xb9: {  	[sflag:s10] =	ssyncadd.s32 $0xFFFFF800  }
0xba: {  	[tilespmem:s13], [sflag:$0x1] =	stream.indirect.gather [hbm4b:s4+s12], $0x80, s3, s12, $0xb8;
	[tilespmem:$0x1D880] =	vst v63  }
0xbb: {  	_ = 	snop  }
0xbc: {  	[tilespmem:s14], [sflag:$0x2] =	stream.indirect.gather [hbm4b:s4+s12], $0x80, s12, s12, $0xb8;
	[tilespmem:$0x1D880] =	vst v63  }
0xbd: {  	_ =	swait.ge [sflag:s15], $0x4000  }
0xbe: {  	[sflag:s15] =	ssyncset.done $0x0  }
0xbf: {  	[sflag:s15] =	ssyncadd.s32 $0xFFFFC000  }
0xc0: {  	[spmem:s2] =	stream.indirect.scatter.add.f32 [tilespmem:s13], [sflag:$0x3], $0x80, s11, s12, $0xb8;
	[tilespmem:$0x1D880] =	vst v63  }
0xc1: {  	_ =	swait.ge [sflag:s10], $0x4000  }
0xc2: {  	[sflag:s10] =	ssyncset.done $0x0  }
0xc3: {  	s9 =	rddreg [dreg:$0x5];
	[sflag:s10] =	ssyncadd.s32 $0xFFFFC000  }
0xc4: {  	[tilespmem:s13], [sflag:$0x1] =	stream.indirect.gather [hbm4b:s4+s12], $0x80, s9, s12, $0xb8;
	[tilespmem:$0x1D880] =	vst v63  }
0xc5: {  	_ =	swait.ge [sflag:s16], $0x4000  }
0xc6: {  	[sflag:s16] =	ssyncset.done $0x0  }
0xc7: {  	s9 =	rddreg [dreg:$0x6];
	[sflag:s16] =	ssyncadd.s32 $0xFFFFC000  }
0xc8: {  	[spmem:s2] =	stream.indirect.scatter.add.f32 [tilespmem:s14], [sflag:$0x3], $0x80, s9, s12, $0xb8;
	[tilespmem:$0x1D880] =	vst v63  }
0xc9: {  	_ =	swait.ge [sflag:s10], $0x4000  }
0xca: {  	[sflag:s10] =	ssyncset.done $0x0  }
0xcb: {  	s9 =	rddreg [dreg:$0x7];
	[sflag:s10] =	ssyncadd.s32 $0xFFFFC000  }
0xcc: {  	[tilespmem:s14], [sflag:$0x2] =	stream.indirect.gather [hbm4b:s4+s12], $0x80, s9, s12, $0xb8;
	[tilespmem:$0x1D880] =	vst v63  }
0xcd: {  	_ =	swait.ge [sflag:s15], $0x4000  }
0xce: {  	[sflag:s15] =	ssyncset.done $0x0  }
0xcf: {  	s9 =	rddreg [dreg:$0x8];
	[sflag:s15] =	ssyncadd.s32 $0xFFFFC000  }
0xd0: {  	[spmem:s2] =	stream.indirect.scatter.add.f32 [tilespmem:s13], [sflag:$0x3], $0x80, s9, s12, $0xb8;
	[tilespmem:$0x1D880] =	vst v63  }
0xd1: {  	_ =	swait.ge [sflag:s10], $0x4000  }
0xd2: {  	[sflag:s10] =	ssyncset.done $0x0  }
0xd3: {  	s9 =	rddreg [dreg:$0x9];
	[sflag:s10] =	ssyncadd.s32 $0xFFFFC000  }
0xd4: {  	[tilespmem:s13], [sflag:$0x1] =	stream.indirect.gather [hbm4b:s4+s12], $0x80, s9, s12, $0xb8;
	[tilespmem:$0x1D880] =	vst v63  }
0xd5: {  	_ =	swait.ge [sflag:s16], $0x4000  }
0xd6: {  	[sflag:s16] =	ssyncset.done $0x0  }
0xd7: {  	s9 =	rddreg [dreg:$0xa];
	[sflag:s16] =	ssyncadd.s32 $0xFFFFC000  }
0xd8: {  	[spmem:s2] =	stream.indirect.scatter.add.f32 [tilespmem:s14], [sflag:$0x3], $0x80, s9, s12, $0xb8;
	[tilespmem:$0x1D880] =	vst v63  }
0xd9: {  	_ =	swait.ge [sflag:s10], $0x4000  }
0xda: {  	[sflag:s10] =	ssyncset.done $0x0  }
0xdb: {  	s9 =	rddreg [dreg:$0xb];
	[sflag:s10] =	ssyncadd.s32 $0xFFFFC000  }
0xdc: {  	[tilespmem:s14], [sflag:$0x2] =	stream.indirect.gather [hbm4b:s4+s12], $0x80, s9, s12, $0xb8;
	[tilespmem:$0x1D880] =	vst v63  }
0xdd: {  	_ =	swait.ge [sflag:s15], $0x4000  }
0xde: {  	[sflag:s15] =	ssyncset.done $0x0  }
0xdf: {  	s9 =	rddreg [dreg:$0xc];
	[sflag:s15] =	ssyncadd.s32 $0xFFFFC000  }
0xe0: {  	[spmem:s2] =	stream.indirect.scatter.add.f32 [tilespmem:s13], [sflag:$0x3], $0x80, s9, s12, $0xb8;
	[tilespmem:$0x1D880] =	vst v63  }
0xe1: {  	_ =	swait.ge [sflag:s10], $0x4000  }
0xe2: {  	[sflag:s10] =	ssyncset.done $0x0  }
0xe3: {  	s9 =	rddreg [dreg:$0xd];
	[sflag:s10] =	ssyncadd.s32 $0xFFFFC000  }
0xe4: {  	[tilespmem:s13], [sflag:$0x1] =	stream.indirect.gather [hbm4b:s4+s12], $0x80, s9, s12, $0xb8;
	[tilespmem:$0x1D880] =	vst v63  }
0xe5: {  	_ =	swait.ge [sflag:s16], $0x4000  }
0xe6: {  	[sflag:s16] =	ssyncset.done $0x0  }
0xe7: {  	s9 =	rddreg [dreg:$0xe];
	[sflag:s16] =	ssyncadd.s32 $0xFFFFC000  }
0xe8: {  	[spmem:s2] =	stream.indirect.scatter.add.f32 [tilespmem:s14], [sflag:$0x3], $0x80, s9, s12, $0xb8;
	[tilespmem:$0x1D880] =	vst v63  }
0xe9: {  	_ =	swait.ge [sflag:s10], $0x4000  }
0xea: {  	[sflag:s10] =	ssyncset.done $0x0  }
0xeb: {  	s9 =	rddreg [dreg:$0xf];
	[sflag:s10] =	ssyncadd.s32 $0xFFFFC000  }
0xec: {  	[tilespmem:s14], [sflag:$0x2] =	stream.indirect.gather [hbm4b:s4+s12], $0x80, s9, s12, $0xb8;
	[tilespmem:$0x1D880] =	vst v63  }
0xed: {  	_ =	swait.ge [sflag:s15], $0x4000  }
0xee: {  	[sflag:s15] =	ssyncset.done $0x0  }
0xef: {  	s9 =	rddreg [dreg:$0x10];
	[sflag:s15] =	ssyncadd.s32 $0xFFFFC000  }
0xf0: {  	[spmem:s2] =	stream.indirect.scatter.add.f32 [tilespmem:s13], [sflag:$0x3], $0x80, s9, s12, $0xb8;
	[tilespmem:$0x1D880] =	vst v63  }
0xf1: {  	_ =	swait.ge [sflag:s10], $0x4000  }
0xf2: {  	[sflag:s10] =	ssyncset.done $0x0  }
0xf3: {  	[sflag:s10] =	ssyncadd.s32 $0xFFFFC000  }
0xf4: {  	[tilespmem:s13], [sflag:$0x1] =	stream.indirect.gather [hbm4b:s4+s12], $0x80, s17, s12, $0xb8;
	[tilespmem:$0x1D880] =	vst v63  }
0xf5: {  	_ =	swait.ge [sflag:s16], $0x4000  }
0xf6: {  	[sflag:s16] =	ssyncset.done $0x0  }
0xf7: {  	[sflag:s16] =	ssyncadd.s32 $0xFFFFC000  }
0xf8: {  	[spmem:s2] =	stream.indirect.scatter.add.f32 [tilespmem:s14], [sflag:$0x3], $0x80, s18, s12, $0xb8;
	[tilespmem:$0x1D880] =	vst v63  }
0xf9: {  	_ =	swait.ge [sflag:s10], $0x4000  }
0xfa: {  	[sflag:s10] =	ssyncset.done $0x0  }
0xfb: {  	[sflag:s10] =	ssyncadd.s32 $0xFFFFC000  }
0xfc: {  	[tilespmem:s14], [sflag:$0x2] =	stream.indirect.gather [hbm4b:s4+s12], $0x80, s19, s12, $0xb8;
	[tilespmem:$0x1D880] =	vst v63  }
0xfd: {  	_ =	swait.ge [sflag:s15], $0x4000  }
0xfe: {  	[sflag:s15] =	ssyncset.done $0x0  }
0xff: {  	[sflag:s15] =	ssyncadd.s32 $0xFFFFC000  }
0x100: {  	[spmem:s2] =	stream.indirect.scatter.add.f32 [tilespmem:s13], [sflag:$0x3], $0x80, s20, s12, $0xb8;
	[tilespmem:$0x1D880] =	vst v63  }
0x101: {  	_ =	swait.ge [sflag:s10], $0x4000  }
0x102: {  	[sflag:s10] =	ssyncset.done $0x0  }
0x103: {  	[sflag:s10] =	ssyncadd.s32 $0xFFFFC000  }
0x104: {  	[tilespmem:s13], [sflag:$0x1] =	stream.indirect.gather [hbm4b:s4+s12], $0x80, s21, s12, $0xb8;
	[tilespmem:$0x1D880] =	vst v63  }
0x105: {  	_ =	swait.ge [sflag:s16], $0x4000  }
0x106: {  	[sflag:s16] =	ssyncset.done $0x0  }
0x107: {  	[sflag:s16] =	ssyncadd.s32 $0xFFFFC000  }
0x108: {  	[spmem:s2] =	stream.indirect.scatter.add.f32 [tilespmem:s14], [sflag:$0x3], $0x80, s22, s12, $0xb8;
	[tilespmem:$0x1D880] =	vst v63  }
0x109: {  	_ =	swait.ge [sflag:s10], $0x4000  }
0x10a: {  	[sflag:s10] =	ssyncset.done $0x0  }
0x10b: {  	[sflag:s10] =	ssyncadd.s32 $0xFFFFC000  }
0x10c: {  	[tilespmem:s14], [sflag:$0x2] =	stream.indirect.gather [hbm4b:s4+s12], $0x80, s23, s12, $0xb8;
	[tilespmem:$0x1D880] =	vst v63  }
0x10d: {  	_ =	swait.ge [sflag:s15], $0x4000  }
0x10e: {  	[sflag:s15] =	ssyncset.done $0x0  }
0x10f: {  	[sflag:s15] =	ssyncadd.s32 $0xFFFFC000  }
0x110: {  	[spmem:s2] =	stream.indirect.scatter.add.f32 [tilespmem:s13], [sflag:$0x3], $0x80, s24, s12, $0xb8;
	[tilespmem:$0x1D880] =	vst v63  }
0x111: {  	_ =	swait.ge [sflag:s10], $0x4000  }
0x112: {  	[sflag:s10] =	ssyncset.done $0x0  }
0x113: {  	[sflag:s10] =	ssyncadd.s32 $0xFFFFC000  }
0x114: {  	[tilespmem:s13], [sflag:$0x1] =	stream.indirect.gather [hbm4b:s4+s12], $0x80, s25, s12, $0xb8;
	[tilespmem:$0x1D880] =	vst v63  }
0x115: {  	_ =	swait.ge [sflag:s16], $0x4000  }
0x116: {  	[sflag:s16] =	ssyncset.done $0x0  }
0x117: {  	[sflag:s16] =	ssyncadd.s32 $0xFFFFC000  }
0x118: {  	[spmem:s2] =	stream.indirect.scatter.add.f32 [tilespmem:s14], [sflag:$0x3], $0x80, s26, s12, $0xb8;
	[tilespmem:$0x1D880] =	vst v63  }
0x119: {  	_ =	swait.ge [sflag:s10], $0x4000  }
0x11a: {  	[sflag:s10] =	ssyncset.done $0x0  }
0x11b: {  	[sflag:s10] =	ssyncadd.s32 $0xFFFFC000  }
0x11c: {  	[tilespmem:s14], [sflag:$0x2] =	stream.indirect.gather [hbm4b:s4+s12], $0x80, s28, s12, $0xb8;
	[tilespmem:$0x1D880] =	vst v63  }
0x11d: {  	_ =	swait.ge [sflag:s15], $0x4000  }
0x11e: {  	[sflag:s15] =	ssyncset.done $0x0  }
0x11f: {  	[sflag:s15] =	ssyncadd.s32 $0xFFFFC000  }
0x120: {  	[spmem:s2] =	stream.indirect.scatter.add.f32 [tilespmem:s13], [sflag:$0x3], $0x80, s29, s12, $0xb8;
	[tilespmem:$0x1D880] =	vst v63  }
0x121: {  	_ =	swait.ge [sflag:s10], $0x4000  }
0x122: {  	[sflag:s10] =	ssyncset.done $0x0  }
0x123: {  	[sflag:s10] =	ssyncadd.s32 $0xFFFFC000  }
0x124: {  	[tilespmem:s13], [sflag:$0x1] =	stream.indirect.gather [hbm4b:s4+s12], $0x80, s30, s12, $0xb8;
	[tilespmem:$0x1D880] =	vst v63  }
0x125: {  	_ =	swait.ge [sflag:s16], $0x4000  }
0x126: {  	[sflag:s16] =	ssyncset.done $0x0  }
0x127: {  	[sflag:s16] =	ssyncadd.s32 $0xFFFFC000  }
0x128: {  	[spmem:s2] =	stream.indirect.scatter.add.f32 [tilespmem:s14], [sflag:$0x3], $0x80, s31, s12, $0xb8;
	[tilespmem:$0x1D880] =	vst v63  }
0x129: {  	_ =	swait.ge [sflag:s10], $0x4000  }
0x12a: {  	[sflag:s10] =	ssyncset.done $0x0  }
0x12b: {  	[sflag:s10] =	ssyncadd.s32 $0xFFFFC000  }
0x12c: {  	[tilespmem:s14], [sflag:$0x2] =	stream.indirect.gather [hbm4b:s4+s12], $0x80, s0, s12, $0xb8;
	[tilespmem:$0x1D880] =	vst v63  }
0x12d: {  	_ =	swait.ge [sflag:s15], $0x4000  }
0x12e: {  	[sflag:s15] =	ssyncset.done $0x0  }
0x12f: {  	[sflag:s15] =	ssyncadd.s32 $0xFFFFC000  }
0x130: {  	[spmem:s2] =	stream.indirect.scatter.add.f32 [tilespmem:s13], [sflag:$0x3], $0x80, s1, s12, $0xb8;
	[tilespmem:$0x1D880] =	vst v63  }
0x131: {  	_ =	swait.ge [sflag:s10], $0x4000  }
0x132: {  	[sflag:s10] =	ssyncset.done $0x0  }
0x133: {  	[sflag:s10] =	ssyncadd.s32 $0xFFFFC000  }
0x134: {  	p0 =	sne.s32 s6, $0x900;
	_ =	swait.ge [sflag:s16], $0x4000  }
.Ltmp0:
0x135: {  	[sflag:s16] =	ssyncset.done $0x0;
	(pc) =	sbr.rel @p0 .LBB2_2-.Ltmp0, $4  }
0x136: {  	[sflag:s16] =	ssyncadd.s32 $0xFFFFC000  }
0x137: {  	[spmem:s2] =	stream.indirect.scatter.add.f32 [tilespmem:s14], [sflag:$0x3], $0x80, s5, s12, $0xb8;
	[tilespmem:$0x1D880] =	vst v63  }
0x138: {  	s7 =	smov.u32 s6;
	s6 =	sadd.s32 $0x100, s6;
	_ =	swait.ge [sflag:s10], $0x4000  }
0x139: {  	s8 =	smov.u32 s7;
	s9 =	rddreg [dreg:$0x3];
	[sflag:s10] =	ssyncset.done $0x0  }
0x13a: {  	[sflag:s10] =	ssyncadd.s32 $0xFFFFC000;
	s6 =	sadd.s32 s8, s9  }
0x13b: {  	[tilespmem:s3], [sflag:$0x3] =	stream.linear.gather [hbm4b:s6+s3], $0x800, $0x38;
	[tilespmem:$0x1D880] =	vst v63  }
0x13c: {  	_ =	swait.ge [sflag:s10], $0x800  }
0x13d: {  	s7 =	rddreg [dreg:$0x4];
	[sflag:s10] =	ssyncset.done $0x0  }
0x13e: {  	s6 =	sadd.s32 s8, s7;
	[sflag:s10] =	ssyncadd.s32 $0xFFFFF800  }
0x13f: {  	[tilespmem:s11], [sflag:$0x3] =	stream.linear.gather [hbm4b:s6+s3], $0x800, $0x38;
	[tilespmem:$0x1D880] =	vst v63  }
0x140: {  	_ =	swait.ge [sflag:s10], $0x800  }
0x141: {  	[sflag:s10] =	ssyncset.done $0x0  }
0x142: {  	[sflag:s10] =	ssyncadd.s32 $0xFFFFF800  }
0x143: {  	[tilespmem:s13], [sflag:$0x1] =	stream.indirect.gather [hbm4b:s4+s12], $0x80, s3, s12, $0xb8;
	[tilespmem:$0x1D880] =	vst v63  }
0x144: {  	_ = 	snop  }
0x145: {  	[tilespmem:s14], [sflag:$0x2] =	stream.indirect.gather [hbm4b:s4+s12], $0x80, s12, s12, $0xb8;
	[tilespmem:$0x1D880] =	vst v63  }
0x146: {  	_ =	swait.ge [sflag:s15], $0x4000  }
0x147: {  	[sflag:s15] =	ssyncset.done $0x0  }
0x148: {  	[sflag:s15] =	ssyncadd.s32 $0xFFFFC000  }
0x149: {  	[spmem:s2] =	stream.indirect.scatter.add.f32 [tilespmem:s13], [sflag:$0x3], $0x80, s11, s12, $0xb8;
	[tilespmem:$0x1D880] =	vst v63  }
0x14a: {  	_ =	swait.ge [sflag:s10], $0x4000  }
0x14b: {  	[sflag:s10] =	ssyncset.done $0x0  }
0x14c: {  	s9 =	rddreg [dreg:$0x5];
	[sflag:s10] =	ssyncadd.s32 $0xFFFFC000  }
0x14d: {  	[tilespmem:s13], [sflag:$0x1] =	stream.indirect.gather [hbm4b:s4+s12], $0x80, s9, s12, $0xb8;
	[tilespmem:$0x1D880] =	vst v63  }
0x14e: {  	_ =	swait.ge [sflag:s16], $0x4000  }
0x14f: {  	[sflag:s16] =	ssyncset.done $0x0  }
0x150: {  	s7 =	rddreg [dreg:$0x6];
	[sflag:s16] =	ssyncadd.s32 $0xFFFFC000  }
0x151: {  	[spmem:s2] =	stream.indirect.scatter.add.f32 [tilespmem:s14], [sflag:$0x3], $0x80, s7, s12, $0xb8;
	[tilespmem:$0x1D880] =	vst v63  }
0x152: {  	_ =	swait.ge [sflag:s10], $0x4000  }
0x153: {  	[sflag:s10] =	ssyncset.done $0x0  }
0x154: {  	s8 =	rddreg [dreg:$0x7];
	[sflag:s10] =	ssyncadd.s32 $0xFFFFC000  }
0x155: {  	[tilespmem:s14], [sflag:$0x2] =	stream.indirect.gather [hbm4b:s4+s12], $0x80, s8, s12, $0xb8;
	[tilespmem:$0x1D880] =	vst v63  }
0x156: {  	_ =	swait.ge [sflag:s15], $0x4000  }
0x157: {  	[sflag:s15] =	ssyncset.done $0x0  }
0x158: {  	s9 =	rddreg [dreg:$0x8];
	[sflag:s15] =	ssyncadd.s32 $0xFFFFC000  }
0x159: {  	[spmem:s2] =	stream.indirect.scatter.add.f32 [tilespmem:s13], [sflag:$0x3], $0x80, s9, s12, $0xb8;
	[tilespmem:$0x1D880] =	vst v63  }
0x15a: {  	_ =	swait.ge [sflag:s10], $0x4000  }
0x15b: {  	[sflag:s10] =	ssyncset.done $0x0  }
0x15c: {  	s7 =	rddreg [dreg:$0x9];
	[sflag:s10] =	ssyncadd.s32 $0xFFFFC000  }
0x15d: {  	[tilespmem:s13], [sflag:$0x1] =	stream.indirect.gather [hbm4b:s4+s12], $0x80, s7, s12, $0xb8;
	[tilespmem:$0x1D880] =	vst v63  }
0x15e: {  	_ =	swait.ge [sflag:s16], $0x4000  }
0x15f: {  	[sflag:s16] =	ssyncset.done $0x0  }
0x160: {  	s8 =	rddreg [dreg:$0xa];
	[sflag:s16] =	ssyncadd.s32 $0xFFFFC000  }
0x161: {  	[spmem:s2] =	stream.indirect.scatter.add.f32 [tilespmem:s14], [sflag:$0x3], $0x80, s8, s12, $0xb8;
	[tilespmem:$0x1D880] =	vst v63  }
0x162: {  	_ =	swait.ge [sflag:s10], $0x4000  }
0x163: {  	[sflag:s10] =	ssyncset.done $0x0  }
0x164: {  	s9 =	rddreg [dreg:$0xb];
	[sflag:s10] =	ssyncadd.s32 $0xFFFFC000  }
0x165: {  	[tilespmem:s14], [sflag:$0x2] =	stream.indirect.gather [hbm4b:s4+s12], $0x80, s9, s12, $0xb8;
	[tilespmem:$0x1D880] =	vst v63  }
0x166: {  	_ =	swait.ge [sflag:s15], $0x4000  }
0x167: {  	[sflag:s15] =	ssyncset.done $0x0  }
0x168: {  	s7 =	rddreg [dreg:$0xc];
	[sflag:s15] =	ssyncadd.s32 $0xFFFFC000  }
0x169: {  	[spmem:s2] =	stream.indirect.scatter.add.f32 [tilespmem:s13], [sflag:$0x3], $0x80, s7, s12, $0xb8;
	[tilespmem:$0x1D880] =	vst v63  }
0x16a: {  	_ =	swait.ge [sflag:s10], $0x4000  }
0x16b: {  	[sflag:s10] =	ssyncset.done $0x0  }
0x16c: {  	s8 =	rddreg [dreg:$0xd];
	[sflag:s10] =	ssyncadd.s32 $0xFFFFC000  }
0x16d: {  	[tilespmem:s13], [sflag:$0x1] =	stream.indirect.gather [hbm4b:s4+s12], $0x80, s8, s12, $0xb8;
	[tilespmem:$0x1D880] =	vst v63  }
0x16e: {  	_ =	swait.ge [sflag:s16], $0x4000  }
0x16f: {  	[sflag:s16] =	ssyncset.done $0x0  }
0x170: {  	s9 =	rddreg [dreg:$0xe];
	[sflag:s16] =	ssyncadd.s32 $0xFFFFC000  }
0x171: {  	[spmem:s2] =	stream.indirect.scatter.add.f32 [tilespmem:s14], [sflag:$0x3], $0x80, s9, s12, $0xb8;
	[tilespmem:$0x1D880] =	vst v63  }
0x172: {  	_ =	swait.ge [sflag:s10], $0x4000  }
0x173: {  	[sflag:s10] =	ssyncset.done $0x0  }
0x174: {  	s7 =	rddreg [dreg:$0xf];
	[sflag:s10] =	ssyncadd.s32 $0xFFFFC000  }
0x175: {  	[tilespmem:s14], [sflag:$0x2] =	stream.indirect.gather [hbm4b:s4+s12], $0x80, s7, s12, $0xb8;
	[tilespmem:$0x1D880] =	vst v63  }
0x176: {  	_ =	swait.ge [sflag:s15], $0x4000  }
0x177: {  	[sflag:s15] =	ssyncset.done $0x0  }
0x178: {  	s8 =	rddreg [dreg:$0x10];
	[sflag:s15] =	ssyncadd.s32 $0xFFFFC000  }
0x179: {  	[spmem:s2] =	stream.indirect.scatter.add.f32 [tilespmem:s13], [sflag:$0x3], $0x80, s8, s12, $0xb8;
	[tilespmem:$0x1D880] =	vst v63  }
0x17a: {  	_ =	swait.ge [sflag:s10], $0x4000  }
0x17b: {  	[sflag:s10] =	ssyncset.done $0x0  }
0x17c: {  	[sflag:s10] =	ssyncadd.s32 $0xFFFFC000  }
0x17d: {  	[tilespmem:s13], [sflag:$0x1] =	stream.indirect.gather [hbm4b:s4+s12], $0x80, s17, s12, $0xb8;
	[tilespmem:$0x1D880] =	vst v63  }
0x17e: {  	_ =	swait.ge [sflag:s16], $0x4000  }
0x17f: {  	[sflag:s16] =	ssyncset.done $0x0  }
0x180: {  	[sflag:s16] =	ssyncadd.s32 $0xFFFFC000  }
0x181: {  	[spmem:s2] =	stream.indirect.scatter.add.f32 [tilespmem:s14], [sflag:$0x3], $0x80, s18, s12, $0xb8;
	[tilespmem:$0x1D880] =	vst v63  }
0x182: {  	_ =	swait.ge [sflag:s10], $0x4000  }
0x183: {  	[sflag:s10] =	ssyncset.done $0x0  }
0x184: {  	[sflag:s10] =	ssyncadd.s32 $0xFFFFC000  }
0x185: {  	[tilespmem:s14], [sflag:$0x2] =	stream.indirect.gather [hbm4b:s4+s12], $0x80, s19, s12, $0xb8;
	[tilespmem:$0x1D880] =	vst v63  }
0x186: {  	_ =	swait.ge [sflag:s15], $0x4000  }
0x187: {  	[sflag:s15] =	ssyncset.done $0x0  }
0x188: {  	[sflag:s15] =	ssyncadd.s32 $0xFFFFC000  }
0x189: {  	[spmem:s2] =	stream.indirect.scatter.add.f32 [tilespmem:s13], [sflag:$0x3], $0x80, s20, s12, $0xb8;
	[tilespmem:$0x1D880] =	vst v63  }
0x18a: {  	_ =	swait.ge [sflag:s10], $0x4000  }
0x18b: {  	[sflag:s10] =	ssyncset.done $0x0  }
0x18c: {  	[sflag:s10] =	ssyncadd.s32 $0xFFFFC000  }
0x18d: {  	[tilespmem:s13], [sflag:$0x1] =	stream.indirect.gather [hbm4b:s4+s12], $0x80, s21, s12, $0xb8;
	[tilespmem:$0x1D880] =	vst v63  }
0x18e: {  	_ =	swait.ge [sflag:s16], $0x4000  }
0x18f: {  	[sflag:s16] =	ssyncset.done $0x0  }
0x190: {  	[sflag:s16] =	ssyncadd.s32 $0xFFFFC000  }
0x191: {  	[spmem:s2] =	stream.indirect.scatter.add.f32 [tilespmem:s14], [sflag:$0x3], $0x80, s22, s12, $0xb8;
	[tilespmem:$0x1D880] =	vst v63  }
0x192: {  	_ =	swait.ge [sflag:s10], $0x4000  }
0x193: {  	[sflag:s10] =	ssyncset.done $0x0  }
0x194: {  	[sflag:s10] =	ssyncadd.s32 $0xFFFFC000  }
0x195: {  	[tilespmem:s14], [sflag:$0x2] =	stream.indirect.gather [hbm4b:s4+s12], $0x80, s23, s12, $0xb8;
	[tilespmem:$0x1D880] =	vst v63  }
0x196: {  	_ =	swait.ge [sflag:s15], $0x4000  }
0x197: {  	[sflag:s15] =	ssyncset.done $0x0  }
0x198: {  	[sflag:s15] =	ssyncadd.s32 $0xFFFFC000  }
0x199: {  	[spmem:s2] =	stream.indirect.scatter.add.f32 [tilespmem:s13], [sflag:$0x3], $0x80, s24, s12, $0xb8;
	[tilespmem:$0x1D880] =	vst v63  }
0x19a: {  	_ =	swait.ge [sflag:s10], $0x4000  }
0x19b: {  	[sflag:s10] =	ssyncset.done $0x0  }
0x19c: {  	[sflag:s10] =	ssyncadd.s32 $0xFFFFC000  }
0x19d: {  	[tilespmem:s13], [sflag:$0x1] =	stream.indirect.gather [hbm4b:s4+s12], $0x80, s25, s12, $0xb8;
	[tilespmem:$0x1D880] =	vst v63  }
0x19e: {  	_ =	swait.ge [sflag:s16], $0x4000  }
0x19f: {  	[sflag:s16] =	ssyncset.done $0x0  }
0x1a0: {  	[sflag:s16] =	ssyncadd.s32 $0xFFFFC000  }
0x1a1: {  	[spmem:s2] =	stream.indirect.scatter.add.f32 [tilespmem:s14], [sflag:$0x3], $0x80, s26, s12, $0xb8;
	[tilespmem:$0x1D880] =	vst v63  }
0x1a2: {  	_ =	swait.ge [sflag:s10], $0x4000  }
0x1a3: {  	[sflag:s10] =	ssyncset.done $0x0  }
0x1a4: {  	[sflag:s10] =	ssyncadd.s32 $0xFFFFC000  }
0x1a5: {  	[tilespmem:s14], [sflag:$0x2] =	stream.indirect.gather [hbm4b:s4+s12], $0x80, s28, s12, $0xb8;
	[tilespmem:$0x1D880] =	vst v63  }
0x1a6: {  	_ =	swait.ge [sflag:s15], $0x4000  }
0x1a7: {  	[sflag:s15] =	ssyncset.done $0x0  }
0x1a8: {  	[sflag:s15] =	ssyncadd.s32 $0xFFFFC000  }
0x1a9: {  	[spmem:s2] =	stream.indirect.scatter.add.f32 [tilespmem:s13], [sflag:$0x3], $0x80, s29, s12, $0xb8;
	[tilespmem:$0x1D880] =	vst v63  }
0x1aa: {  	_ =	swait.ge [sflag:s10], $0x4000  }
0x1ab: {  	[sflag:s10] =	ssyncset.done $0x0  }
0x1ac: {  	[sflag:s10] =	ssyncadd.s32 $0xFFFFC000  }
0x1ad: {  	[tilespmem:s13], [sflag:$0x1] =	stream.indirect.gather [hbm4b:s4+s12], $0x80, s30, s12, $0xb8;
	[tilespmem:$0x1D880] =	vst v63  }
0x1ae: {  	_ =	swait.ge [sflag:s16], $0x4000  }
0x1af: {  	[sflag:s16] =	ssyncset.done $0x0  }
0x1b0: {  	[sflag:s16] =	ssyncadd.s32 $0xFFFFC000  }
0x1b1: {  	[spmem:s2] =	stream.indirect.scatter.add.f32 [tilespmem:s14], [sflag:$0x3], $0x80, s31, s12, $0xb8;
	[tilespmem:$0x1D880] =	vst v63  }
0x1b2: {  	_ =	swait.ge [sflag:s10], $0x4000  }
0x1b3: {  	[sflag:s10] =	ssyncset.done $0x0  }
0x1b4: {  	[sflag:s10] =	ssyncadd.s32 $0xFFFFC000  }
0x1b5: {  	[tilespmem:s14], [sflag:$0x2] =	stream.indirect.gather [hbm4b:s4+s12], $0x80, s0, s12, $0xb8;
	[tilespmem:$0x1D880] =	vst v63  }
0x1b6: {  	_ =	swait.ge [sflag:s15], $0x4000  }
0x1b7: {  	[sflag:s15] =	ssyncset.done $0x0  }
0x1b8: {  	[sflag:s15] =	ssyncadd.s32 $0xFFFFC000  }
0x1b9: {  	[spmem:s2] =	stream.indirect.scatter.add.f32 [tilespmem:s13], [sflag:$0x3], $0x80, s1, s12, $0xb8;
	[tilespmem:$0x1D880] =	vst v63  }
0x1ba: {  	_ =	swait.ge [sflag:s10], $0x4000  }
0x1bb: {  	[sflag:s10] =	ssyncset.done $0x0  }
0x1bc: {  	[sflag:s10] =	ssyncadd.s32 $0xFFFFC000  }
0x1bd: {  	_ =	swait.ge [sflag:s16], $0x4000  }
0x1be: {  	[sflag:s16] =	ssyncset.done $0x0  }
0x1bf: {  	[sflag:s16] =	ssyncadd.s32 $0xFFFFC000  }
0x1c0: {  	[spmem:s2] =	stream.indirect.scatter.add.f32 [tilespmem:s14], [sflag:$0x3], $0x80, s5, s12, $0xb8;
	[tilespmem:$0x1D880] =	vst v63  }
0x1c1: {  	_ =	swait.ge [sflag:s10], $0x4000  }
0x1c2: {  	[sflag:s10] =	ssyncset.done $0x0  }
0x1c3: {  	[sflag:s10] =	ssyncadd.s32 $0xFFFFC000  }
0x1c4: {  	[bflag:$0x0] =	sbarrier.arrive $0xFFFF  }
0x1c5: {  	s7 =	rddreg [dreg:$0x12]  }
0x1c6: {  	s9 =	rddreg [dreg:$0x13]  }
0x1c7: {  	s8 =	rddreg [dreg:$0x15]  }
0x1c8: {  	[hbm:s9], [sflag:s7] =	dma.local [spmem:s8], $0x2710  }
0x1c9: {  	_ =	swait.ge [sflag:s10], $0x2710  }
0x1ca: {  	s6 =	rddreg [dreg:$0x16]  }
0x1cb: {  	s9 =	sadd.s32 $0x1, s6;
	s6 =	rddreg [dreg:$0x14]  }
0x1cc: {  	p0 =	sne.s32 s9, s6  }
.Ltmp1:
0x1cd: {  	_ = 	snop;
	(pc) =	sbr.rel @p0 .LBB2_1-.Ltmp1, $3  }
0x1ce: {  	_ =	sdelay $0x1  }
0x1cf: {  	[sflag:s10] =	ssyncset.done $0x0  }
0x1d0: {  	[sflag:s10] =	ssyncadd.s32 $0xFFFFD8F0  }
0x1d1: {  	_ =	sfence.sel $0x180000  }
0x1d2: {  	[bflag:$0x0] =	sbarrier.arrive $0xFFFF  }
0x1d3: {  	_ =	strace $0x9000004D  }
0x1d4: {  	s0 =	stileid.u32;
	[bflag:$0x2] =	sbarrier.arrive $0xFFFF  }
0x1d5: {  	p0 =	sne.s32 s0, $0x0;
	s0 =	rddreg [dreg:$0x2]  }
0x1d6: {  	s0 =	sadd.s32 @!p0 $0x100000, s0  }
0x1d7: {  	[sflag:s0] =	ssyncadd.tile.s32 @!p0 $0x1;
	_ =	shalt  }
.Lfunc_end2:
_tile_overlayer_lowered:
.L_overlay_start_2:
0x1d8: {  	(tag) =	ssettag $0x2  }
0x1d9: {  	s0 =	rddreg [dreg:$0x0];
	s2 =	stileid.u32  }
0x1da: {  	s1 =	rddreg [dreg:$0x1];
	p0 =	sne.s32 s2, $0x0  }
0x1db: {  	s3 =	rddreg [dreg:$0x2];
	[bflag:$0x3] =	sbarrier.arrive $0xFFFF;
	s2 =	simm.s32 @!p0 $0x1C03  }
0x1dc: {  	[timem:s3], [sflag:s2] =	dma.local @!p0 [hbm:s0], s1  }
0x1dd: {  	s0 =	simm.s32 @!p0 $0x3  }
0x1de: {  	_ =	swait.ge @!p0 [sflag:s0], s1  }
0x1df: {  	s1 =	ssub.s32 @!p0 $0x0, s1;
	[sflag:s0] =	ssyncset.done @!p0 $0x0  }
0x1e0: {  	[sflag:s0] =	ssyncadd.s32 @!p0 s1  }
0x1e1: {  	[bflag:$0x3] =	sbarrier.arrive $0xFFFF  }
0x1e2: {  	_ =	shalt  }

// kernel: kernel.26.cloned.1.call-start
scs
__scs_entry_jumppad:
0x0: {  	(pc) =	sbr.rel $0x88, $3  }
0x1: {  	(tag) =	ssettag $0x0;
	lr =	simm.s32 $0x1  }
0x2: {  	[smem:$0x3F90] =	sst lr;
	_ =	strace $0xD0000000  }
0x3: {  	_ = 	snop  }
0x4: {  	_ = 	snop  }
0x5: {  	_ = 	snop  }
0x6: {  	_ = 	snop  }
0x7: {  	_ = 	snop  }
__scs_overlays_trampoline_lowered:
0x8: {  	[smem:$0x3F9F] =	sst s0  }
0x9: {  	[smem:$0x3FA0] =	sst s1  }
0xa: {  	[smem:$0x3FA1] =	sst s2  }
0xb: {  	[smem:$0x3FA2] =	sst s3  }
0xc: {  	[smem:$0x3FA3] =	sst s4  }
0xd: {  	[smem:$0x3FA4] =	sst s5  }
0xe: {  	[smem:$0x3FA5] =	sst s6  }
0xf: {  	[smem:$0x3FA6] =	sst s7  }
0x10: {  	[smem:$0x3FA7] =	sst s8  }
0x11: {  	[smem:$0x3FA8] =	sst s9;
	s0 =	simm.s32 @!p0 $0x0  }
0x12: {  	s1 =	sld [smem:$0x3F8E];
	s0 =	simm.s32 @p0 $0x1  }
0x13: {  	[smem:$0x3FA9] =	sst s0;
	s0 =	simm.s32 @!p1 $0x0  }
0x14: {  	s2 =	sld [smem:$0x3F8D];
	s0 =	simm.s32 @p1 $0x1  }
0x15: {  	[smem:$0x3FAA] =	sst s0;
	s0 =	simm.s32 @!p2 $0x0  }
0x16: {  	s3 =	sld [smem:$0x3FDB];
	s0 =	simm.s32 @p2 $0x1  }
0x17: {  	s4 =	simm.s32 $0x1BF5;
	[smem:$0x3FAC] =	sst s0  }
0x18: {  	s0 =	sld [smem:$0x3F8F];
	_ =	swait.ge [sflag:s4], $0x0  }
0x19: {  	s7 =	sld [smem:$0x3F90]  }
0x1a: {  	s8 =	sadd.s32 $0xFFFFE003, lr  }
0x1b: {  	s9 =	sadd.s32 $0xFFFFFEF7, lr;
	s5 =	simm.s32 $0xFFFFFFFF;
	p2 =	slt.u32 s8, $0xFFFFF086  }
0x1c: {  	p1 =	slt.u32 s9, $0xF7A;
	s5 =	simm.s32 @!p2 $0x0  }
0x1d: {  	s5 =	simm.s32 @p1 $0x1;
	p0 =	seq.s32 s7, s2  }
0x1e: {  	s7 =	smul.u32 @!p0 $0xF7A, s2;
	p2 =	seq.s32 @!p0 s5, $0x0  }
0x1f: {  	s9 =	smul.u32 $0xF7A, s1;
	s8 =	simm.s32 @!p0 $0x1BF5;
	p2 =	por !p2, p0  }
0x20: {  	[sflag:s8] =	ssyncset.s32 @!p0 $0xFFFFF086;
	s6 =	sadd.s32 @!p0 s3, s7;
	s7 =	simm.s32 @!p0 $0x108  }
0x21: {  	s3 =	sadd.s32 s3, s9;
	s6 =	sadd.s32 @!p0 $0x88, s6;
	s7 =	simm.s32 @p2 $0x1082  }
0x22: {  	[simem:s7], [sflag:s8] =	dma.local @!p0 [hbm:s6], $0xF7A  }
0x23: {  	s9 =	sor.u32 $0xD0000000, s2;
	s6 =	simm.s32 $0x108;
	_ =	swait.ge @!p0 [sflag:s8], $0x0  }
0x24: {  	s3 =	sadd.s32 $0x88, s3;
	s6 =	simm.s32 @!p1 $0x1082;
	[sflag:s4] =	ssyncset.s32 $0xFFFFF086  }
0x25: {  	[simem:s6], [sflag:s4] =	dma.local [hbm:s3], $0xF7A  }
0x26: {  	[smem:$0x3F90] =	sst s1;
	(tag) =	ssettag s2;
	_ =	strace s9  }
0x27: {  	s1 =	sld [smem:$0x3FA0]  }
0x28: {  	s2 =	sld [smem:$0x3FA1]  }
0x29: {  	s4 =	sld [smem:$0x3FA3]  }
0x2a: {  	p0 =	seq.s32 s5, $0x0;
	s5 =	sld [smem:$0x3FA4]  }
0x2b: {  	s6 =	sld [smem:$0x3FA5]  }
0x2c: {  	s7 =	sld [smem:$0x3FA6]  }
0x2d: {  	s3 =	simm.s32 $0x108;
	s8 =	sld [smem:$0x3FA7]  }
0x2e: {  	s3 =	simm.s32 @!p0 $0x1082;
	s9 =	sld [smem:$0x3FA8]  }
0x2f: {  	lr =	sadd.s32 s0, s3;
	s0 =	sld [smem:$0x3F9F]  }
0x30: {  	s3 =	sld [smem:$0x3FA2]  }
0x31: {  	[smem:$0x3FAB] =	sst s10  }
0x32: {  	s10 =	sld [smem:$0x3FA9];
	_ =	sdelay $0x3  }
0x33: {  	p0 =	seq.s32 s10, $0x1;
	s10 =	sld [smem:$0x3FAB];
	_ =	sdelay $0x3  }
0x34: {  	[smem:$0x3FAB] =	sst s10  }
0x35: {  	s10 =	sld [smem:$0x3FAA];
	_ =	sdelay $0x3  }
0x36: {  	p1 =	seq.s32 s10, $0x1;
	s10 =	sld [smem:$0x3FAB];
	_ =	sdelay $0x3  }
0x37: {  	[smem:$0x3FAB] =	sst s10  }
0x38: {  	s10 =	sld [smem:$0x3FAC]  }
0x39: {  	_ = 	snop;
	(pc) =	sbr.ind lr, $3  }
0x3a: {  	_ = 	snop  }
0x3b: {  	_ = 	snop  }
0x3c: {  	p2 =	seq.s32 s10, $0x1;
	s10 =	sld [smem:$0x3FAB]  }
0x3d: {  	_ =	shalt  }
0x3e: {  	_ =	shalt  }
0x3f: {  	_ =	shalt  }
0x40: {  	_ =	shalt  }
0x41: {  	_ =	shalt  }
0x42: {  	_ =	shalt  }
0x43: {  	_ =	shalt  }
0x44: {  	_ =	shalt  }
0x45: {  	_ =	shalt  }
0x46: {  	_ =	shalt  }
0x47: {  	_ =	shalt  }
0x48: {  	_ =	shalt  }
0x49: {  	_ =	shalt  }
0x4a: {  	_ =	shalt  }
0x4b: {  	_ =	shalt  }
0x4c: {  	_ =	shalt  }
0x4d: {  	_ =	shalt  }
0x4e: {  	_ =	shalt  }
0x4f: {  	_ =	shalt  }
0x50: {  	_ =	shalt  }
0x51: {  	_ =	shalt  }
0x52: {  	_ =	shalt  }
0x53: {  	_ =	shalt  }
0x54: {  	_ =	shalt  }
0x55: {  	_ =	shalt  }
0x56: {  	_ =	shalt  }
0x57: {  	_ =	shalt  }
0x58: {  	_ =	shalt  }
0x59: {  	_ =	shalt  }
0x5a: {  	_ =	shalt  }
0x5b: {  	_ =	shalt  }
0x5c: {  	_ =	shalt  }
0x5d: {  	_ =	shalt  }
0x5e: {  	_ =	shalt  }
0x5f: {  	_ =	shalt  }
0x60: {  	_ =	shalt  }
0x61: {  	_ =	shalt  }
0x62: {  	_ =	shalt  }
0x63: {  	_ =	shalt  }
0x64: {  	_ =	shalt  }
0x65: {  	_ =	shalt  }
0x66: {  	_ =	shalt  }
0x67: {  	_ =	shalt  }
0x68: {  	_ =	shalt  }
0x69: {  	_ =	shalt  }
0x6a: {  	_ =	shalt  }
0x6b: {  	_ =	shalt  }
0x6c: {  	_ =	shalt  }
0x6d: {  	_ =	shalt  }
0x6e: {  	_ =	shalt  }
0x6f: {  	_ =	shalt  }
0x70: {  	_ =	shalt  }
0x71: {  	_ =	shalt  }
0x72: {  	_ =	shalt  }
0x73: {  	_ =	shalt  }
0x74: {  	_ =	shalt  }
0x75: {  	_ =	shalt  }
0x76: {  	_ =	shalt  }
0x77: {  	_ =	shalt  }
0x78: {  	_ =	shalt  }
0x79: {  	_ =	shalt  }
0x7a: {  	_ =	shalt  }
0x7b: {  	_ =	shalt  }
0x7c: {  	_ =	shalt  }
0x7d: {  	_ =	shalt  }
0x7e: {  	_ =	shalt  }
0x7f: {  	_ =	shalt  }
0x80: {  	_ =	shalt  }
0x81: {  	_ =	shalt  }
0x82: {  	_ =	shalt  }
0x83: {  	_ =	shalt  }
0x84: {  	_ =	shalt  }
0x85: {  	_ =	shalt  }
0x86: {  	_ =	shalt  }
0x87: {  	_ =	shalt  }
.Lfunc_end0:
.L_simem_size_0:
called_computation.3_lowered:
.L_overlay_start_0:
0x88: {  	s2 =	sld [smem:$0x3FD9]  }
0x89: {  	s3 =	sld [smem:$0x3FFE];
	_ =	sdelay $0x1  }
0x8a: {  	s1 =	srdreg.scid  }
0x8b: {  	s0 =	sand.u32 $0x1, s1  }
0x8c: {  	s16 =	sshll.u32 s0, $0xA;
	s2 =	sadd.s32 s3, s2  }
0x8d: {  	s2 =	sadd.s32 s2, s16  }
0x8e: {  	[smem:$0x3FB7] =	sst s2  }
0x8f: {  	_ = 	snop  }
0x90: {  	(tm) =	ssettm $0x1  }
0x91: {  	s17 =	sld [smem:$0x3FFB];
	_ =	sdelay $0x3  }
0x92: {  	_ =	strace s17  }
0x93: {  	s2 =	sld [smem:$0x3FFC];
	_ =	sdelay $0x3  }
0x94: {  	_ =	strace s2  }
0x95: {  	s2 =	sld [smem:$0x3FFD];
	_ =	sdelay $0x3  }
0x96: {  	_ =	strace s2  }
0x97: {  	_ =	strace $0x8FFFFFFF  }
0x98: {  	s18 =	sld [smem:$0x3FDB];
	_ =	sdelay $0x1  }
0x99: {  	s19 =	simm.s32 $_scs_section_size  }
0x9a: {  	s4 =	simm.s32 $_size__tile_overlayer_lowered;
	s5 =	simm.s32 $_tile_overlayer_lowered  }
0x9b: {  	s22 =	simm.s32 $0x1BFF;
	s21 =	sshll.u32 s5, $0x1;
	s2 =	sadd.s32 s19, s18  }
0x9c: {  	s6 =	simm.s32 $0x0;
	s20 =	sshll.u32 s4, $0x1;
	s4 =	sadd.s32 s21, s2  }
0x9d: {  	[timem:s6], [sflag:s22] =	dma.local [hbm:s4], s20  }
0x9e: {  	_ =	swait.ge [sflag:s22], s20  }
0x9f: {  	s3 =	ssub.s32 $0x0, s20;
	[sflag:s22] =	ssyncset.done $0x0  }
0xa0: {  	[sflag:s22] =	ssyncadd.s32 s3;
	_ =	sdelay $0x1  }
0xa1: {  	s23 =	simm.s32 $0x1B8B  }
0xa2: {  	_ =	swait.ge [sflag:s23], $0x1  }
0xa3: {  	[sflag:s23] =	ssyncset.done $0x0  }
0xa4: {  	s25 =	simm.s32 $0x1B8E;
	s24 =	sld [smem:$0x3FFE];
	[sflag:s23] =	ssyncadd.s32 $0xFFFFFFFF  }
0xa5: {  	s26 =	simm.s32 $execute0_lowered;
	[smem:$0x3FD2] =	sst s25  }
0xa6: {  	s4 =	sshll.u32 s26, $0x1;
	_ =	strace $0x8000004F;
	[dreg:$0x1] =	wrdreg $0xFFFFFFFF  }
0xa7: {  	s28 =	simm.s32 $_size_execute0_lowered;
	s2 =	sadd.s32 s2, s4;
	[dreg:$0x0] =	wrdreg $0x0  }
0xa8: {  	s4 =	sshll.u32 s28, $0x1;
	[dreg:$0x2] =	wrdreg s2  }
0xa9: {  	[dreg:$0x3] =	wrdreg s4  }
0xaa: {  	[dreg:$0x4] =	wrdreg $0xC0  }
0xab: {  	_ =	task [dreg:s6], $0x5FFFF  }
0xac: {  	[dreg:$0x1] =	wrdreg $0xFFFFFFFF  }
0xad: {  	[dreg:$0x0] =	wrdreg $0x60  }
0xae: {  	[dreg:$0x2] =	wrdreg s24  }
0xaf: {  	[dreg:$0x3] =	wrdreg $0x90000  }
0xb0: {  	[dreg:$0x4] =	wrdreg $0x9  }
0xb1: {  	_ =	task.clear_ibuf [dreg:s6], $0x5FFFF;
	_ =	strace $0x9000004F  }
0xb2: {  	s29 =	simm.s32 $0x9;
	_ =	strace $0x80000051  }
0xb3: {  	_ =	swait.ge [sflag:s29], $0x1  }
0xb4: {  	[sflag:s29] =	ssyncadd.s32 $0xFFFFFFFF  }
0xb5: {  	_ =	strace $0x90000051  }
0xb6: {  	_ =	sfence  }
0xb7: {  	s30 =	sld [smem:$0x0];
	_ =	sdelay $0x2  }
0xb8: {  	s31 =	sshll.u32 s1, $0xD;
	s1 =	sshrl.u32 s1, $0x2  }
0xb9: {  	s3 =	sand.u32 $0x4000, s31;
	s1 =	sadd.s32 s1, s30  }
0xba: {  	s0 =	sor.u32 s3, s0;
	s1 =	sshll.u32 s1, $0x11  }
0xbb: {  	s0 =	sor.u32 s1, s0  }
0xbc: {  	s0 =	sadd.s32 $0x8F2B, s0  }
0xbd: {  	[sflag:s0] =	ssyncadd.remote.s32 $0x1  }
0xbe: {  	_ =	sfence.sel $0xFFFF  }
0xbf: {  	[dreg:$0x0] =	wrdreg $0xFFFFFFFF;
	(pc) =	sbr.abs _section_cstart, $3  }
0xc0: {  	[dreg:$0x1] =	wrdreg $0xFFFFFFFF  }
0xc1: {  	_ =	task.clear_ibuf [dreg:s6], $0x2FFFF;
	_ =	strace $0x9FFFFFFF  }
0xc2: {  	(tm) =	ssettm $0x7FFFFFFF  }
0xc3: {  	_ =	shalt  }
tec
execute0_lowered:
.L_overlay_start_1:
0x0: {  	(tag) =	ssettag $0x1  }
0x1: {  	s0 =	rddreg [dreg:$0x0]  }
0x2: {  	s2 =	rddreg [dreg:$0x1];
	s1 =	srdreg.scid  }
0x3: {  	s10 =	stileid.u32;
	s3 =	simm.s32 $0x0;
	s13 =	simm.s32 $0x100  }
0x4: {  	s15 =	simm.s32 $0x880;
	s17 =	simm.s32 $0x180;
	[smem:$0x7FF] =	sst s3  }
0x5: {  	s18 =	simm.s32 $0x900;
	_ =	strace $0x80000050;
	[dreg:$0x5] =	wrdreg s13  }
0x6: {  	s19 =	simm.s32 $0x200;
	s20 =	simm.s32 $0x980;
	[dreg:$0x6] =	wrdreg s15  }
0x7: {  	s21 =	simm.s32 $0x280;
	s22 =	simm.s32 $0xA00;
	[dreg:$0x7] =	wrdreg s17  }
0x8: {  	s23 =	simm.s32 $0x300;
	s24 =	simm.s32 $0xA80;
	[dreg:$0x8] =	wrdreg s18  }
0x9: {  	s25 =	simm.s32 $0x380;
	s26 =	simm.s32 $0xB00;
	[dreg:$0x9] =	wrdreg s19  }
0xa: {  	s28 =	simm.s32 $0x680;
	s29 =	simm.s32 $0xE00;
	[dreg:$0xa] =	wrdreg s20  }
0xb: {  	s30 =	simm.s32 $0x700;
	s31 =	simm.s32 $0xE80;
	[dreg:$0xb] =	wrdreg s21  }
0xc: {  	s1 =	sand.u32 $0x1, s1;
	s5 =	smul.u32 $0x5000, s10;
	[dreg:$0xc] =	wrdreg s22  }
0xd: {  	s4 =	sadd.s32 $0x1600, s0;
	s7 =	smul.u32 $0xA00, s10;
	[dreg:$0xd] =	wrdreg s23  }
0xe: {  	s16 =	sshll.u32 s10, $0x6;
	s6 =	smul.u32 $0x50000, s1;
	[dreg:$0xe] =	wrdreg s24  }
0xf: {  	s9 =	sshll.u32 s1, $0x4;
	s1 =	ssub.s32 $0x2, s1;
	[dreg:$0xf] =	wrdreg s25  }
0x10: {  	s13 =	simm.s32 $0x1000;
	s15 =	simm.s32 $0x1;
	[dreg:$0x10] =	wrdreg s26  }
0x11: {  	s17 =	simm.s32 $0x400;
	s18 =	simm.s32 $0xB80;
	s19 =	simm.s32 $0x480  }
0x12: {  	s20 =	simm.s32 $0xC00;
	s21 =	simm.s32 $0x500;
	s22 =	simm.s32 $0xC80  }
0x13: {  	s23 =	simm.s32 $0x580;
	s24 =	simm.s32 $0xD00;
	s25 =	simm.s32 $0x600  }
0x14: {  	s26 =	simm.s32 $0xD80;
	s7 =	sadd.s32 s7, s0;
	s8 =	sshrl.u32 s1, $0x1  }
0x15: {  	s5 =	sadd.s32 s5, s6;
	s6 =	sor.u32 s10, s9;
	s9 =	smul.u32 $0x4E200, s10  }
0x16: {  	s1 =	ssub.s32 s1, s8;
	s12 =	sadd.s32 $0xC7600, s7;
	s7 =	sor.u32 $0x1C03, s16  }
0x17: {  	s10 =	simm.s32 $0x3;
	s16 =	simm.s32 $0x2;
	s5 =	sshrl.u32 s5, $0x3  }
0x18: {  	s6 =	smul.u32 $0x2780, s6;
	[dreg:$0x4] =	wrdreg s12;
	s1 =	smax.u32 s1, $0x1  }
0x19: {  	s12 =	simm.s32 $0x80;
	[dreg:$0x12] =	wrdreg s7;
	s5 =	sadd.s32 s5, s0  }
0x1a: {  	s11 =	sshrl.u32 s9, $0x2;
	[dreg:$0x14] =	wrdreg s1;
	s1 =	simm.s32 $0xF00  }
0x1b: {  	s9 =	simm.s32 $0x0;
	s0 =	sadd.s32 s6, s0;
	s5 =	sadd.s32 $0xB3600, s5  }
0x1c: {  	s6 =	sadd.s32 s11, s2;
	[dreg:$0x3] =	wrdreg s5;
	s14 =	sadd.s32 $0x4F800, s0  }
0x1d: {  	s11 =	simm.s32 $0x800;
	s0 =	sadd.s32 $0xD1C00, s0;
	[dreg:$0x11] =	wrdreg s14  }
0x1e: {  	s8 =	sshrl.u32 s6, $0x3;
	s5 =	simm.s32 $0xF80;
	[dreg:$0x13] =	wrdreg s0  }
0x1f: {  	s14 =	simm.s32 $0x5000;
	s0 =	simm.s32 $0x780;
	[dreg:$0x15] =	wrdreg s8  }
.LBB2_1:
0x20: {  	[dreg:$0x16] =	wrdreg s9  }
0x21: {  	s6 =	rddreg [dreg:$0x11]  }
0x22: {  	[spmem:s8], [sflag:s7] =	dma.local [hbm:s6], $0x2710  }
0x23: {  	_ =	swait.ge [sflag:s10], $0x2710  }
0x24: {  	[sflag:s10] =	ssyncset.done $0x0  }
0x25: {  	[sflag:s10] =	ssyncadd.s32 $0xFFFFD8F0  }
0x26: {  	[bflag:$0x0] =	sbarrier.arrive $0xFFFF  }
0x27: {  	s8 =	rddreg [dreg:$0x3]  }
0x28: {  	s6 =	sadd.s32 $0x0, s8  }
0x29: {  	[tilespmem:s3], [sflag:$0x3] =	stream.linear.gather [hbm4b:s6+s3], $0x800, $0x38;
	[tilespmem:$0x1D880] =	vst v63  }
0x2a: {  	_ =	swait.ge [sflag:s10], $0x800  }
0x2b: {  	s9 =	rddreg [dreg:$0x4];
	[sflag:s10] =	ssyncset.done $0x0  }
0x2c: {  	[sflag:s10] =	ssyncadd.s32 $0xFFFFF800;
	s6 =	sadd.s32 $0x0, s9  }
0x2d: {  	[tilespmem:s11], [sflag:$0x3] =	stream.linear.gather [hbm4b:s6+s3], $0x800, $0x38;
	[tilespmem:$0x1D880] =	vst v63  }
0x2e: {  	_ =	swait.ge [sflag:s10], $0x800  }
0x2f: {  	[sflag:s10] =	ssyncset.done $0x0  }
0x30: {  	[sflag:s10] =	ssyncadd.s32 $0xFFFFF800  }
0x31: {  	[tilespmem:s13], [sflag:$0x1] =	stream.indirect.gather [hbm4b:s4+s12], $0x80, s3, s12, $0xb8;
	[tilespmem:$0x1D880] =	vst v63  }
0x32: {  	_ = 	snop  }
0x33: {  	[tilespmem:s14], [sflag:$0x2] =	stream.indirect.gather [hbm4b:s4+s12], $0x80, s12, s12, $0xb8;
	[tilespmem:$0x1D880] =	vst v63  }
0x34: {  	_ =	swait.ge [sflag:s15], $0x4000  }
0x35: {  	[sflag:s15] =	ssyncset.done $0x0  }
0x36: {  	[sflag:s15] =	ssyncadd.s32 $0xFFFFC000  }
0x37: {  	[spmem:s2] =	stream.indirect.scatter.add.f32 [tilespmem:s13], [sflag:$0x3], $0x80, s11, s12, $0xb8;
	[tilespmem:$0x1D880] =	vst v63  }
0x38: {  	_ =	swait.ge [sflag:s10], $0x4000  }
0x39: {  	[sflag:s10] =	ssyncset.done $0x0  }
0x3a: {  	s7 =	rddreg [dreg:$0x5];
	[sflag:s10] =	ssyncadd.s32 $0xFFFFC000  }
0x3b: {  	[tilespmem:s13], [sflag:$0x1] =	stream.indirect.gather [hbm4b:s4+s12], $0x80, s7, s12, $0xb8;
	[tilespmem:$0x1D880] =	vst v63  }
0x3c: {  	_ =	swait.ge [sflag:s16], $0x4000  }
0x3d: {  	[sflag:s16] =	ssyncset.done $0x0  }
0x3e: {  	s8 =	rddreg [dreg:$0x6];
	[sflag:s16] =	ssyncadd.s32 $0xFFFFC000  }
0x3f: {  	[spmem:s2] =	stream.indirect.scatter.add.f32 [tilespmem:s14], [sflag:$0x3], $0x80, s8, s12, $0xb8;
	[tilespmem:$0x1D880] =	vst v63  }
0x40: {  	_ =	swait.ge [sflag:s10], $0x4000  }
0x41: {  	[sflag:s10] =	ssyncset.done $0x0  }
0x42: {  	s9 =	rddreg [dreg:$0x7];
	[sflag:s10] =	ssyncadd.s32 $0xFFFFC000  }
0x43: {  	[tilespmem:s14], [sflag:$0x2] =	stream.indirect.gather [hbm4b:s4+s12], $0x80, s9, s12, $0xb8;
	[tilespmem:$0x1D880] =	vst v63  }
0x44: {  	_ =	swait.ge [sflag:s15], $0x4000  }
0x45: {  	[sflag:s15] =	ssyncset.done $0x0  }
0x46: {  	s7 =	rddreg [dreg:$0x8];
	[sflag:s15] =	ssyncadd.s32 $0xFFFFC000  }
0x47: {  	[spmem:s2] =	stream.indirect.scatter.add.f32 [tilespmem:s13], [sflag:$0x3], $0x80, s7, s12, $0xb8;
	[tilespmem:$0x1D880] =	vst v63  }
0x48: {  	_ =	swait.ge [sflag:s10], $0x4000  }
0x49: {  	[sflag:s10] =	ssyncset.done $0x0  }
0x4a: {  	s8 =	rddreg [dreg:$0x9];
	[sflag:s10] =	ssyncadd.s32 $0xFFFFC000  }
0x4b: {  	[tilespmem:s13], [sflag:$0x1] =	stream.indirect.gather [hbm4b:s4+s12], $0x80, s8, s12, $0xb8;
	[tilespmem:$0x1D880] =	vst v63  }
0x4c: {  	_ =	swait.ge [sflag:s16], $0x4000  }
0x4d: {  	[sflag:s16] =	ssyncset.done $0x0  }
0x4e: {  	s9 =	rddreg [dreg:$0xa];
	[sflag:s16] =	ssyncadd.s32 $0xFFFFC000  }
0x4f: {  	[spmem:s2] =	stream.indirect.scatter.add.f32 [tilespmem:s14], [sflag:$0x3], $0x80, s9, s12, $0xb8;
	[tilespmem:$0x1D880] =	vst v63  }
0x50: {  	_ =	swait.ge [sflag:s10], $0x4000  }
0x51: {  	[sflag:s10] =	ssyncset.done $0x0  }
0x52: {  	s7 =	rddreg [dreg:$0xb];
	[sflag:s10] =	ssyncadd.s32 $0xFFFFC000  }
0x53: {  	[tilespmem:s14], [sflag:$0x2] =	stream.indirect.gather [hbm4b:s4+s12], $0x80, s7, s12, $0xb8;
	[tilespmem:$0x1D880] =	vst v63  }
0x54: {  	_ =	swait.ge [sflag:s15], $0x4000  }
0x55: {  	[sflag:s15] =	ssyncset.done $0x0  }
0x56: {  	s8 =	rddreg [dreg:$0xc];
	[sflag:s15] =	ssyncadd.s32 $0xFFFFC000  }
0x57: {  	[spmem:s2] =	stream.indirect.scatter.add.f32 [tilespmem:s13], [sflag:$0x3], $0x80, s8, s12, $0xb8;
	[tilespmem:$0x1D880] =	vst v63  }
0x58: {  	_ =	swait.ge [sflag:s10], $0x4000  }
0x59: {  	[sflag:s10] =	ssyncset.done $0x0  }
0x5a: {  	s9 =	rddreg [dreg:$0xd];
	[sflag:s10] =	ssyncadd.s32 $0xFFFFC000  }
0x5b: {  	[tilespmem:s13], [sflag:$0x1] =	stream.indirect.gather [hbm4b:s4+s12], $0x80, s9, s12, $0xb8;
	[tilespmem:$0x1D880] =	vst v63  }
0x5c: {  	_ =	swait.ge [sflag:s16], $0x4000  }
0x5d: {  	[sflag:s16] =	ssyncset.done $0x0  }
0x5e: {  	s7 =	rddreg [dreg:$0xe];
	[sflag:s16] =	ssyncadd.s32 $0xFFFFC000  }
0x5f: {  	[spmem:s2] =	stream.indirect.scatter.add.f32 [tilespmem:s14], [sflag:$0x3], $0x80, s7, s12, $0xb8;
	[tilespmem:$0x1D880] =	vst v63  }
0x60: {  	_ =	swait.ge [sflag:s10], $0x4000  }
0x61: {  	[sflag:s10] =	ssyncset.done $0x0  }
0x62: {  	s8 =	rddreg [dreg:$0xf];
	[sflag:s10] =	ssyncadd.s32 $0xFFFFC000  }
0x63: {  	[tilespmem:s14], [sflag:$0x2] =	stream.indirect.gather [hbm4b:s4+s12], $0x80, s8, s12, $0xb8;
	[tilespmem:$0x1D880] =	vst v63  }
0x64: {  	_ =	swait.ge [sflag:s15], $0x4000  }
0x65: {  	[sflag:s15] =	ssyncset.done $0x0  }
0x66: {  	s9 =	rddreg [dreg:$0x10];
	[sflag:s15] =	ssyncadd.s32 $0xFFFFC000  }
0x67: {  	[spmem:s2] =	stream.indirect.scatter.add.f32 [tilespmem:s13], [sflag:$0x3], $0x80, s9, s12, $0xb8;
	[tilespmem:$0x1D880] =	vst v63  }
0x68: {  	_ =	swait.ge [sflag:s10], $0x4000  }
0x69: {  	[sflag:s10] =	ssyncset.done $0x0  }
0x6a: {  	[sflag:s10] =	ssyncadd.s32 $0xFFFFC000  }
0x6b: {  	[tilespmem:s13], [sflag:$0x1] =	stream.indirect.gather [hbm4b:s4+s12], $0x80, s17, s12, $0xb8;
	[tilespmem:$0x1D880] =	vst v63  }
0x6c: {  	_ =	swait.ge [sflag:s16], $0x4000  }
0x6d: {  	[sflag:s16] =	ssyncset.done $0x0  }
0x6e: {  	[sflag:s16] =	ssyncadd.s32 $0xFFFFC000  }
0x6f: {  	[spmem:s2] =	stream.indirect.scatter.add.f32 [tilespmem:s14], [sflag:$0x3], $0x80, s18, s12, $0xb8;
	[tilespmem:$0x1D880] =	vst v63  }
0x70: {  	_ =	swait.ge [sflag:s10], $0x4000  }
0x71: {  	[sflag:s10] =	ssyncset.done $0x0  }
0x72: {  	[sflag:s10] =	ssyncadd.s32 $0xFFFFC000  }
0x73: {  	[tilespmem:s14], [sflag:$0x2] =	stream.indirect.gather [hbm4b:s4+s12], $0x80, s19, s12, $0xb8;
	[tilespmem:$0x1D880] =	vst v63  }
0x74: {  	_ =	swait.ge [sflag:s15], $0x4000  }
0x75: {  	[sflag:s15] =	ssyncset.done $0x0  }
0x76: {  	[sflag:s15] =	ssyncadd.s32 $0xFFFFC000  }
0x77: {  	[spmem:s2] =	stream.indirect.scatter.add.f32 [tilespmem:s13], [sflag:$0x3], $0x80, s20, s12, $0xb8;
	[tilespmem:$0x1D880] =	vst v63  }
0x78: {  	_ =	swait.ge [sflag:s10], $0x4000  }
0x79: {  	[sflag:s10] =	ssyncset.done $0x0  }
0x7a: {  	[sflag:s10] =	ssyncadd.s32 $0xFFFFC000  }
0x7b: {  	[tilespmem:s13], [sflag:$0x1] =	stream.indirect.gather [hbm4b:s4+s12], $0x80, s21, s12, $0xb8;
	[tilespmem:$0x1D880] =	vst v63  }
0x7c: {  	_ =	swait.ge [sflag:s16], $0x4000  }
0x7d: {  	[sflag:s16] =	ssyncset.done $0x0  }
0x7e: {  	[sflag:s16] =	ssyncadd.s32 $0xFFFFC000  }
0x7f: {  	[spmem:s2] =	stream.indirect.scatter.add.f32 [tilespmem:s14], [sflag:$0x3], $0x80, s22, s12, $0xb8;
	[tilespmem:$0x1D880] =	vst v63  }
0x80: {  	_ =	swait.ge [sflag:s10], $0x4000  }
0x81: {  	[sflag:s10] =	ssyncset.done $0x0  }
0x82: {  	[sflag:s10] =	ssyncadd.s32 $0xFFFFC000  }
0x83: {  	[tilespmem:s14], [sflag:$0x2] =	stream.indirect.gather [hbm4b:s4+s12], $0x80, s23, s12, $0xb8;
	[tilespmem:$0x1D880] =	vst v63  }
0x84: {  	_ =	swait.ge [sflag:s15], $0x4000  }
0x85: {  	[sflag:s15] =	ssyncset.done $0x0  }
0x86: {  	[sflag:s15] =	ssyncadd.s32 $0xFFFFC000  }
0x87: {  	[spmem:s2] =	stream.indirect.scatter.add.f32 [tilespmem:s13], [sflag:$0x3], $0x80, s24, s12, $0xb8;
	[tilespmem:$0x1D880] =	vst v63  }
0x88: {  	_ =	swait.ge [sflag:s10], $0x4000  }
0x89: {  	[sflag:s10] =	ssyncset.done $0x0  }
0x8a: {  	[sflag:s10] =	ssyncadd.s32 $0xFFFFC000  }
0x8b: {  	[tilespmem:s13], [sflag:$0x1] =	stream.indirect.gather [hbm4b:s4+s12], $0x80, s25, s12, $0xb8;
	[tilespmem:$0x1D880] =	vst v63  }
0x8c: {  	_ =	swait.ge [sflag:s16], $0x4000  }
0x8d: {  	[sflag:s16] =	ssyncset.done $0x0  }
0x8e: {  	[sflag:s16] =	ssyncadd.s32 $0xFFFFC000  }
0x8f: {  	[spmem:s2] =	stream.indirect.scatter.add.f32 [tilespmem:s14], [sflag:$0x3], $0x80, s26, s12, $0xb8;
	[tilespmem:$0x1D880] =	vst v63  }
0x90: {  	_ =	swait.ge [sflag:s10], $0x4000  }
0x91: {  	[sflag:s10] =	ssyncset.done $0x0  }
0x92: {  	[sflag:s10] =	ssyncadd.s32 $0xFFFFC000  }
0x93: {  	[tilespmem:s14], [sflag:$0x2] =	stream.indirect.gather [hbm4b:s4+s12], $0x80, s28, s12, $0xb8;
	[tilespmem:$0x1D880] =	vst v63  }
0x94: {  	_ =	swait.ge [sflag:s15], $0x4000  }
0x95: {  	[sflag:s15] =	ssyncset.done $0x0  }
0x96: {  	[sflag:s15] =	ssyncadd.s32 $0xFFFFC000  }
0x97: {  	[spmem:s2] =	stream.indirect.scatter.add.f32 [tilespmem:s13], [sflag:$0x3], $0x80, s29, s12, $0xb8;
	[tilespmem:$0x1D880] =	vst v63  }
0x98: {  	_ =	swait.ge [sflag:s10], $0x4000  }
0x99: {  	[sflag:s10] =	ssyncset.done $0x0  }
0x9a: {  	[sflag:s10] =	ssyncadd.s32 $0xFFFFC000  }
0x9b: {  	[tilespmem:s13], [sflag:$0x1] =	stream.indirect.gather [hbm4b:s4+s12], $0x80, s30, s12, $0xb8;
	[tilespmem:$0x1D880] =	vst v63  }
0x9c: {  	_ =	swait.ge [sflag:s16], $0x4000  }
0x9d: {  	[sflag:s16] =	ssyncset.done $0x0  }
0x9e: {  	[sflag:s16] =	ssyncadd.s32 $0xFFFFC000  }
0x9f: {  	[spmem:s2] =	stream.indirect.scatter.add.f32 [tilespmem:s14], [sflag:$0x3], $0x80, s31, s12, $0xb8;
	[tilespmem:$0x1D880] =	vst v63  }
0xa0: {  	_ =	swait.ge [sflag:s10], $0x4000  }
0xa1: {  	[sflag:s10] =	ssyncset.done $0x0  }
0xa2: {  	[sflag:s10] =	ssyncadd.s32 $0xFFFFC000  }
0xa3: {  	[tilespmem:s14], [sflag:$0x2] =	stream.indirect.gather [hbm4b:s4+s12], $0x80, s0, s12, $0xb8;
	[tilespmem:$0x1D880] =	vst v63  }
0xa4: {  	_ =	swait.ge [sflag:s15], $0x4000  }
0xa5: {  	[sflag:s15] =	ssyncset.done $0x0  }
0xa6: {  	[sflag:s15] =	ssyncadd.s32 $0xFFFFC000  }
0xa7: {  	[spmem:s2] =	stream.indirect.scatter.add.f32 [tilespmem:s13], [sflag:$0x3], $0x80, s1, s12, $0xb8;
	[tilespmem:$0x1D880] =	vst v63  }
0xa8: {  	_ =	swait.ge [sflag:s10], $0x4000  }
0xa9: {  	[sflag:s10] =	ssyncset.done $0x0  }
0xaa: {  	[sflag:s10] =	ssyncadd.s32 $0xFFFFC000  }
0xab: {  	_ =	swait.ge [sflag:s16], $0x4000  }
0xac: {  	[sflag:s16] =	ssyncset.done $0x0  }
0xad: {  	[sflag:s16] =	ssyncadd.s32 $0xFFFFC000  }
0xae: {  	[spmem:s2] =	stream.indirect.scatter.add.f32 [tilespmem:s14], [sflag:$0x3], $0x80, s5, s12, $0xb8;
	[tilespmem:$0x1D880] =	vst v63  }
0xaf: {  	s6 =	simm.s32 $0x200;
	_ =	swait.ge [sflag:s10], $0x4000  }
0xb0: {  	s8 =	simm.s32 $0x100;
	s9 =	rddreg [dreg:$0x3];
	[sflag:s10] =	ssyncset.done $0x0  }
.LBB2_2:
0xb1: {  	[sflag:s10] =	ssyncadd.s32 $0xFFFFC000;
	s9 =	sadd.s32 s8, s9  }
0xb2: {  	[tilespmem:s3], [sflag:$0x3] =	stream.linear.gather [hbm4b:s9+s3], $0x800, $0x38;
	[tilespmem:$0x1D880] =	vst v63  }
0xb3: {  	_ =	swait.ge [sflag:s10], $0x800  }
0xb4: {  	s9 =	rddreg [dreg:$0x4];
	[sflag:s10] =	ssyncset.done $0x0  }
0xb5: {  	[sflag:s10] =	ssyncadd.s32 $0xFFFFF800;
	s9 =	sadd.s32 s8, s9  }
0xb6: {  	[tilespmem:s11], [sflag:$0x3] =	stream.linear.gather [hbm4b:s9+s3], $0x800, $0x38;
	[tilespmem:$0x1D880] =	vst v63  }
0xb7: {  	_ =	swait.ge [sflag:s10], $0x800  }
0xb8: {  	[sflag:s10] =	ssyncset.done $0x0  }
0xb9: {  	[sflag:s10] =	ssyncadd.s32 $0xFFFFF800  }
0xba: {  	[tilespmem:s13], [sflag:$0x1] =	stream.indirect.gather [hbm4b:s4+s12], $0x80, s3, s12, $0xb8;
	[tilespmem:$0x1D880] =	vst v63  }
0xbb: {  	_ = 	snop  }
0xbc: {  	[tilespmem:s14], [sflag:$0x2] =	stream.indirect.gather [hbm4b:s4+s12], $0x80, s12, s12, $0xb8;
	[tilespmem:$0x1D880] =	vst v63  }
0xbd: {  	_ =	swait.ge [sflag:s15], $0x4000  }
0xbe: {  	[sflag:s15] =	ssyncset.done $0x0  }
0xbf: {  	[sflag:s15] =	ssyncadd.s32 $0xFFFFC000  }
0xc0: {  	[spmem:s2] =	stream.indirect.scatter.add.f32 [tilespmem:s13], [sflag:$0x3], $0x80, s11, s12, $0xb8;
	[tilespmem:$0x1D880] =	vst v63  }
0xc1: {  	_ =	swait.ge [sflag:s10], $0x4000  }
0xc2: {  	[sflag:s10] =	ssyncset.done $0x0  }
0xc3: {  	s9 =	rddreg [dreg:$0x5];
	[sflag:s10] =	ssyncadd.s32 $0xFFFFC000  }
0xc4: {  	[tilespmem:s13], [sflag:$0x1] =	stream.indirect.gather [hbm4b:s4+s12], $0x80, s9, s12, $0xb8;
	[tilespmem:$0x1D880] =	vst v63  }
0xc5: {  	_ =	swait.ge [sflag:s16], $0x4000  }
0xc6: {  	[sflag:s16] =	ssyncset.done $0x0  }
0xc7: {  	s9 =	rddreg [dreg:$0x6];
	[sflag:s16] =	ssyncadd.s32 $0xFFFFC000  }
0xc8: {  	[spmem:s2] =	stream.indirect.scatter.add.f32 [tilespmem:s14], [sflag:$0x3], $0x80, s9, s12, $0xb8;
	[tilespmem:$0x1D880] =	vst v63  }
0xc9: {  	_ =	swait.ge [sflag:s10], $0x4000  }
0xca: {  	[sflag:s10] =	ssyncset.done $0x0  }
0xcb: {  	s9 =	rddreg [dreg:$0x7];
	[sflag:s10] =	ssyncadd.s32 $0xFFFFC000  }
0xcc: {  	[tilespmem:s14], [sflag:$0x2] =	stream.indirect.gather [hbm4b:s4+s12], $0x80, s9, s12, $0xb8;
	[tilespmem:$0x1D880] =	vst v63  }
0xcd: {  	_ =	swait.ge [sflag:s15], $0x4000  }
0xce: {  	[sflag:s15] =	ssyncset.done $0x0  }
0xcf: {  	s9 =	rddreg [dreg:$0x8];
	[sflag:s15] =	ssyncadd.s32 $0xFFFFC000  }
0xd0: {  	[spmem:s2] =	stream.indirect.scatter.add.f32 [tilespmem:s13], [sflag:$0x3], $0x80, s9, s12, $0xb8;
	[tilespmem:$0x1D880] =	vst v63  }
0xd1: {  	_ =	swait.ge [sflag:s10], $0x4000  }
0xd2: {  	[sflag:s10] =	ssyncset.done $0x0  }
0xd3: {  	s9 =	rddreg [dreg:$0x9];
	[sflag:s10] =	ssyncadd.s32 $0xFFFFC000  }
0xd4: {  	[tilespmem:s13], [sflag:$0x1] =	stream.indirect.gather [hbm4b:s4+s12], $0x80, s9, s12, $0xb8;
	[tilespmem:$0x1D880] =	vst v63  }
0xd5: {  	_ =	swait.ge [sflag:s16], $0x4000  }
0xd6: {  	[sflag:s16] =	ssyncset.done $0x0  }
0xd7: {  	s9 =	rddreg [dreg:$0xa];
	[sflag:s16] =	ssyncadd.s32 $0xFFFFC000  }
0xd8: {  	[spmem:s2] =	stream.indirect.scatter.add.f32 [tilespmem:s14], [sflag:$0x3], $0x80, s9, s12, $0xb8;
	[tilespmem:$0x1D880] =	vst v63  }
0xd9: {  	_ =	swait.ge [sflag:s10], $0x4000  }
0xda: {  	[sflag:s10] =	ssyncset.done $0x0  }
0xdb: {  	s9 =	rddreg [dreg:$0xb];
	[sflag:s10] =	ssyncadd.s32 $0xFFFFC000  }
0xdc: {  	[tilespmem:s14], [sflag:$0x2] =	stream.indirect.gather [hbm4b:s4+s12], $0x80, s9, s12, $0xb8;
	[tilespmem:$0x1D880] =	vst v63  }
0xdd: {  	_ =	swait.ge [sflag:s15], $0x4000  }
0xde: {  	[sflag:s15] =	ssyncset.done $0x0  }
0xdf: {  	s9 =	rddreg [dreg:$0xc];
	[sflag:s15] =	ssyncadd.s32 $0xFFFFC000  }
0xe0: {  	[spmem:s2] =	stream.indirect.scatter.add.f32 [tilespmem:s13], [sflag:$0x3], $0x80, s9, s12, $0xb8;
	[tilespmem:$0x1D880] =	vst v63  }
0xe1: {  	_ =	swait.ge [sflag:s10], $0x4000  }
0xe2: {  	[sflag:s10] =	ssyncset.done $0x0  }
0xe3: {  	s9 =	rddreg [dreg:$0xd];
	[sflag:s10] =	ssyncadd.s32 $0xFFFFC000  }
0xe4: {  	[tilespmem:s13], [sflag:$0x1] =	stream.indirect.gather [hbm4b:s4+s12], $0x80, s9, s12, $0xb8;
	[tilespmem:$0x1D880] =	vst v63  }
0xe5: {  	_ =	swait.ge [sflag:s16], $0x4000  }
0xe6: {  	[sflag:s16] =	ssyncset.done $0x0  }
0xe7: {  	s9 =	rddreg [dreg:$0xe];
	[sflag:s16] =	ssyncadd.s32 $0xFFFFC000  }
0xe8: {  	[spmem:s2] =	stream.indirect.scatter.add.f32 [tilespmem:s14], [sflag:$0x3], $0x80, s9, s12, $0xb8;
	[tilespmem:$0x1D880] =	vst v63  }
0xe9: {  	_ =	swait.ge [sflag:s10], $0x4000  }
0xea: {  	[sflag:s10] =	ssyncset.done $0x0  }
0xeb: {  	s9 =	rddreg [dreg:$0xf];
	[sflag:s10] =	ssyncadd.s32 $0xFFFFC000  }
0xec: {  	[tilespmem:s14], [sflag:$0x2] =	stream.indirect.gather [hbm4b:s4+s12], $0x80, s9, s12, $0xb8;
	[tilespmem:$0x1D880] =	vst v63  }
0xed: {  	_ =	swait.ge [sflag:s15], $0x4000  }
0xee: {  	[sflag:s15] =	ssyncset.done $0x0  }
0xef: {  	s9 =	rddreg [dreg:$0x10];
	[sflag:s15] =	ssyncadd.s32 $0xFFFFC000  }
0xf0: {  	[spmem:s2] =	stream.indirect.scatter.add.f32 [tilespmem:s13], [sflag:$0x3], $0x80, s9, s12, $0xb8;
	[tilespmem:$0x1D880] =	vst v63  }
0xf1: {  	_ =	swait.ge [sflag:s10], $0x4000  }
0xf2: {  	[sflag:s10] =	ssyncset.done $0x0  }
0xf3: {  	[sflag:s10] =	ssyncadd.s32 $0xFFFFC000  }
0xf4: {  	[tilespmem:s13], [sflag:$0x1] =	stream.indirect.gather [hbm4b:s4+s12], $0x80, s17, s12, $0xb8;
	[tilespmem:$0x1D880] =	vst v63  }
0xf5: {  	_ =	swait.ge [sflag:s16], $0x4000  }
0xf6: {  	[sflag:s16] =	ssyncset.done $0x0  }
0xf7: {  	[sflag:s16] =	ssyncadd.s32 $0xFFFFC000  }
0xf8: {  	[spmem:s2] =	stream.indirect.scatter.add.f32 [tilespmem:s14], [sflag:$0x3], $0x80, s18, s12, $0xb8;
	[tilespmem:$0x1D880] =	vst v63  }
0xf9: {  	_ =	swait.ge [sflag:s10], $0x4000  }
0xfa: {  	[sflag:s10] =	ssyncset.done $0x0  }
0xfb: {  	[sflag:s10] =	ssyncadd.s32 $0xFFFFC000  }
0xfc: {  	[tilespmem:s14], [sflag:$0x2] =	stream.indirect.gather [hbm4b:s4+s12], $0x80, s19, s12, $0xb8;
	[tilespmem:$0x1D880] =	vst v63  }
0xfd: {  	_ =	swait.ge [sflag:s15], $0x4000  }
0xfe: {  	[sflag:s15] =	ssyncset.done $0x0  }
0xff: {  	[sflag:s15] =	ssyncadd.s32 $0xFFFFC000  }
0x100: {  	[spmem:s2] =	stream.indirect.scatter.add.f32 [tilespmem:s13], [sflag:$0x3], $0x80, s20, s12, $0xb8;
	[tilespmem:$0x1D880] =	vst v63  }
0x101: {  	_ =	swait.ge [sflag:s10], $0x4000  }
0x102: {  	[sflag:s10] =	ssyncset.done $0x0  }
0x103: {  	[sflag:s10] =	ssyncadd.s32 $0xFFFFC000  }
0x104: {  	[tilespmem:s13], [sflag:$0x1] =	stream.indirect.gather [hbm4b:s4+s12], $0x80, s21, s12, $0xb8;
	[tilespmem:$0x1D880] =	vst v63  }
0x105: {  	_ =	swait.ge [sflag:s16], $0x4000  }
0x106: {  	[sflag:s16] =	ssyncset.done $0x0  }
0x107: {  	[sflag:s16] =	ssyncadd.s32 $0xFFFFC000  }
0x108: {  	[spmem:s2] =	stream.indirect.scatter.add.f32 [tilespmem:s14], [sflag:$0x3], $0x80, s22, s12, $0xb8;
	[tilespmem:$0x1D880] =	vst v63  }
0x109: {  	_ =	swait.ge [sflag:s10], $0x4000  }
0x10a: {  	[sflag:s10] =	ssyncset.done $0x0  }
0x10b: {  	[sflag:s10] =	ssyncadd.s32 $0xFFFFC000  }
0x10c: {  	[tilespmem:s14], [sflag:$0x2] =	stream.indirect.gather [hbm4b:s4+s12], $0x80, s23, s12, $0xb8;
	[tilespmem:$0x1D880] =	vst v63  }
0x10d: {  	_ =	swait.ge [sflag:s15], $0x4000  }
0x10e: {  	[sflag:s15] =	ssyncset.done $0x0  }
0x10f: {  	[sflag:s15] =	ssyncadd.s32 $0xFFFFC000  }
0x110: {  	[spmem:s2] =	stream.indirect.scatter.add.f32 [tilespmem:s13], [sflag:$0x3], $0x80, s24, s12, $0xb8;
	[tilespmem:$0x1D880] =	vst v63  }
0x111: {  	_ =	swait.ge [sflag:s10], $0x4000  }
0x112: {  	[sflag:s10] =	ssyncset.done $0x0  }
0x113: {  	[sflag:s10] =	ssyncadd.s32 $0xFFFFC000  }
0x114: {  	[tilespmem:s13], [sflag:$0x1] =	stream.indirect.gather [hbm4b:s4+s12], $0x80, s25, s12, $0xb8;
	[tilespmem:$0x1D880] =	vst v63  }
0x115: {  	_ =	swait.ge [sflag:s16], $0x4000  }
0x116: {  	[sflag:s16] =	ssyncset.done $0x0  }
0x117: {  	[sflag:s16] =	ssyncadd.s32 $0xFFFFC000  }
0x118: {  	[spmem:s2] =	stream.indirect.scatter.add.f32 [tilespmem:s14], [sflag:$0x3], $0x80, s26, s12, $0xb8;
	[tilespmem:$0x1D880] =	vst v63  }
0x119: {  	_ =	swait.ge [sflag:s10], $0x4000  }
0x11a: {  	[sflag:s10] =	ssyncset.done $0x0  }
0x11b: {  	[sflag:s10] =	ssyncadd.s32 $0xFFFFC000  }
0x11c: {  	[tilespmem:s14], [sflag:$0x2] =	stream.indirect.gather [hbm4b:s4+s12], $0x80, s28, s12, $0xb8;
	[tilespmem:$0x1D880] =	vst v63  }
0x11d: {  	_ =	swait.ge [sflag:s15], $0x4000  }
0x11e: {  	[sflag:s15] =	ssyncset.done $0x0  }
0x11f: {  	[sflag:s15] =	ssyncadd.s32 $0xFFFFC000  }
0x120: {  	[spmem:s2] =	stream.indirect.scatter.add.f32 [tilespmem:s13], [sflag:$0x3], $0x80, s29, s12, $0xb8;
	[tilespmem:$0x1D880] =	vst v63  }
0x121: {  	_ =	swait.ge [sflag:s10], $0x4000  }
0x122: {  	[sflag:s10] =	ssyncset.done $0x0  }
0x123: {  	[sflag:s10] =	ssyncadd.s32 $0xFFFFC000  }
0x124: {  	[tilespmem:s13], [sflag:$0x1] =	stream.indirect.gather [hbm4b:s4+s12], $0x80, s30, s12, $0xb8;
	[tilespmem:$0x1D880] =	vst v63  }
0x125: {  	_ =	swait.ge [sflag:s16], $0x4000  }
0x126: {  	[sflag:s16] =	ssyncset.done $0x0  }
0x127: {  	[sflag:s16] =	ssyncadd.s32 $0xFFFFC000  }
0x128: {  	[spmem:s2] =	stream.indirect.scatter.add.f32 [tilespmem:s14], [sflag:$0x3], $0x80, s31, s12, $0xb8;
	[tilespmem:$0x1D880] =	vst v63  }
0x129: {  	_ =	swait.ge [sflag:s10], $0x4000  }
0x12a: {  	[sflag:s10] =	ssyncset.done $0x0  }
0x12b: {  	[sflag:s10] =	ssyncadd.s32 $0xFFFFC000  }
0x12c: {  	[tilespmem:s14], [sflag:$0x2] =	stream.indirect.gather [hbm4b:s4+s12], $0x80, s0, s12, $0xb8;
	[tilespmem:$0x1D880] =	vst v63  }
0x12d: {  	_ =	swait.ge [sflag:s15], $0x4000  }
0x12e: {  	[sflag:s15] =	ssyncset.done $0x0  }
0x12f: {  	[sflag:s15] =	ssyncadd.s32 $0xFFFFC000  }
0x130: {  	[spmem:s2] =	stream.indirect.scatter.add.f32 [tilespmem:s13], [sflag:$0x3], $0x80, s1, s12, $0xb8;
	[tilespmem:$0x1D880] =	vst v63  }
0x131: {  	_ =	swait.ge [sflag:s10], $0x4000  }
0x132: {  	[sflag:s10] =	ssyncset.done $0x0  }
0x133: {  	[sflag:s10] =	ssyncadd.s32 $0xFFFFC000  }
0x134: {  	p0 =	sne.s32 s6, $0x900;
	_ =	swait.ge [sflag:s16], $0x4000  }
.Ltmp0:
0x135: {  	[sflag:s16] =	ssyncset.done $0x0;
	(pc) =	sbr.rel @p0 .LBB2_2-.Ltmp0, $4  }
0x136: {  	[sflag:s16] =	ssyncadd.s32 $0xFFFFC000  }
0x137: {  	[spmem:s2] =	stream.indirect.scatter.add.f32 [tilespmem:s14], [sflag:$0x3], $0x80, s5, s12, $0xb8;
	[tilespmem:$0x1D880] =	vst v63  }
0x138: {  	s7 =	smov.u32 s6;
	s6 =	sadd.s32 $0x100, s6;
	_ =	swait.ge [sflag:s10], $0x4000  }
0x139: {  	s8 =	smov.u32 s7;
	s9 =	rddreg [dreg:$0x3];
	[sflag:s10] =	ssyncset.done $0x0  }
0x13a: {  	[sflag:s10] =	ssyncadd.s32 $0xFFFFC000;
	s6 =	sadd.s32 s8, s9  }
0x13b: {  	[tilespmem:s3], [sflag:$0x3] =	stream.linear.gather [hbm4b:s6+s3], $0x800, $0x38;
	[tilespmem:$0x1D880] =	vst v63  }
0x13c: {  	_ =	swait.ge [sflag:s10], $0x800  }
0x13d: {  	s7 =	rddreg [dreg:$0x4];
	[sflag:s10] =	ssyncset.done $0x0  }
0x13e: {  	s6 =	sadd.s32 s8, s7;
	[sflag:s10] =	ssyncadd.s32 $0xFFFFF800  }
0x13f: {  	[tilespmem:s11], [sflag:$0x3] =	stream.linear.gather [hbm4b:s6+s3], $0x800, $0x38;
	[tilespmem:$0x1D880] =	vst v63  }
0x140: {  	_ =	swait.ge [sflag:s10], $0x800  }
0x141: {  	[sflag:s10] =	ssyncset.done $0x0  }
0x142: {  	[sflag:s10] =	ssyncadd.s32 $0xFFFFF800  }
0x143: {  	[tilespmem:s13], [sflag:$0x1] =	stream.indirect.gather [hbm4b:s4+s12], $0x80, s3, s12, $0xb8;
	[tilespmem:$0x1D880] =	vst v63  }
0x144: {  	_ = 	snop  }
0x145: {  	[tilespmem:s14], [sflag:$0x2] =	stream.indirect.gather [hbm4b:s4+s12], $0x80, s12, s12, $0xb8;
	[tilespmem:$0x1D880] =	vst v63  }
0x146: {  	_ =	swait.ge [sflag:s15], $0x4000  }
0x147: {  	[sflag:s15] =	ssyncset.done $0x0  }
0x148: {  	[sflag:s15] =	ssyncadd.s32 $0xFFFFC000  }
0x149: {  	[spmem:s2] =	stream.indirect.scatter.add.f32 [tilespmem:s13], [sflag:$0x3], $0x80, s11, s12, $0xb8;
	[tilespmem:$0x1D880] =	vst v63  }
0x14a: {  	_ =	swait.ge [sflag:s10], $0x4000  }
0x14b: {  	[sflag:s10] =	ssyncset.done $0x0  }
0x14c: {  	s9 =	rddreg [dreg:$0x5];
	[sflag:s10] =	ssyncadd.s32 $0xFFFFC000  }
0x14d: {  	[tilespmem:s13], [sflag:$0x1] =	stream.indirect.gather [hbm4b:s4+s12], $0x80, s9, s12, $0xb8;
	[tilespmem:$0x1D880] =	vst v63  }
0x14e: {  	_ =	swait.ge [sflag:s16], $0x4000  }
0x14f: {  	[sflag:s16] =	ssyncset.done $0x0  }
0x150: {  	s7 =	rddreg [dreg:$0x6];
	[sflag:s16] =	ssyncadd.s32 $0xFFFFC000  }
0x151: {  	[spmem:s2] =	stream.indirect.scatter.add.f32 [tilespmem:s14], [sflag:$0x3], $0x80, s7, s12, $0xb8;
	[tilespmem:$0x1D880] =	vst v63  }
0x152: {  	_ =	swait.ge [sflag:s10], $0x4000  }
0x153: {  	[sflag:s10] =	ssyncset.done $0x0  }
0x154: {  	s8 =	rddreg [dreg:$0x7];
	[sflag:s10] =	ssyncadd.s32 $0xFFFFC000  }
0x155: {  	[tilespmem:s14], [sflag:$0x2] =	stream.indirect.gather [hbm4b:s4+s12], $0x80, s8, s12, $0xb8;
	[tilespmem:$0x1D880] =	vst v63  }
0x156: {  	_ =	swait.ge [sflag:s15], $0x4000  }
0x157: {  	[sflag:s15] =	ssyncset.done $0x0  }
0x158: {  	s9 =	rddreg [dreg:$0x8];
	[sflag:s15] =	ssyncadd.s32 $0xFFFFC000  }
0x159: {  	[spmem:s2] =	stream.indirect.scatter.add.f32 [tilespmem:s13], [sflag:$0x3], $0x80, s9, s12, $0xb8;
	[tilespmem:$0x1D880] =	vst v63  }
0x15a: {  	_ =	swait.ge [sflag:s10], $0x4000  }
0x15b: {  	[sflag:s10] =	ssyncset.done $0x0  }
0x15c: {  	s7 =	rddreg [dreg:$0x9];
	[sflag:s10] =	ssyncadd.s32 $0xFFFFC000  }
0x15d: {  	[tilespmem:s13], [sflag:$0x1] =	stream.indirect.gather [hbm4b:s4+s12], $0x80, s7, s12, $0xb8;
	[tilespmem:$0x1D880] =	vst v63  }
0x15e: {  	_ =	swait.ge [sflag:s16], $0x4000  }
0x15f: {  	[sflag:s16] =	ssyncset.done $0x0  }
0x160: {  	s8 =	rddreg [dreg:$0xa];
	[sflag:s16] =	ssyncadd.s32 $0xFFFFC000  }
0x161: {  	[spmem:s2] =	stream.indirect.scatter.add.f32 [tilespmem:s14], [sflag:$0x3], $0x80, s8, s12, $0xb8;
	[tilespmem:$0x1D880] =	vst v63  }
0x162: {  	_ =	swait.ge [sflag:s10], $0x4000  }
0x163: {  	[sflag:s10] =	ssyncset.done $0x0  }
0x164: {  	s9 =	rddreg [dreg:$0xb];
	[sflag:s10] =	ssyncadd.s32 $0xFFFFC000  }
0x165: {  	[tilespmem:s14], [sflag:$0x2] =	stream.indirect.gather [hbm4b:s4+s12], $0x80, s9, s12, $0xb8;
	[tilespmem:$0x1D880] =	vst v63  }
0x166: {  	_ =	swait.ge [sflag:s15], $0x4000  }
0x167: {  	[sflag:s15] =	ssyncset.done $0x0  }
0x168: {  	s7 =	rddreg [dreg:$0xc];
	[sflag:s15] =	ssyncadd.s32 $0xFFFFC000  }
0x169: {  	[spmem:s2] =	stream.indirect.scatter.add.f32 [tilespmem:s13], [sflag:$0x3], $0x80, s7, s12, $0xb8;
	[tilespmem:$0x1D880] =	vst v63  }
0x16a: {  	_ =	swait.ge [sflag:s10], $0x4000  }
0x16b: {  	[sflag:s10] =	ssyncset.done $0x0  }
0x16c: {  	s8 =	rddreg [dreg:$0xd];
	[sflag:s10] =	ssyncadd.s32 $0xFFFFC000  }
0x16d: {  	[tilespmem:s13], [sflag:$0x1] =	stream.indirect.gather [hbm4b:s4+s12], $0x80, s8, s12, $0xb8;
	[tilespmem:$0x1D880] =	vst v63  }
0x16e: {  	_ =	swait.ge [sflag:s16], $0x4000  }
0x16f: {  	[sflag:s16] =	ssyncset.done $0x0  }
0x170: {  	s9 =	rddreg [dreg:$0xe];
	[sflag:s16] =	ssyncadd.s32 $0xFFFFC000  }
0x171: {  	[spmem:s2] =	stream.indirect.scatter.add.f32 [tilespmem:s14], [sflag:$0x3], $0x80, s9, s12, $0xb8;
	[tilespmem:$0x1D880] =	vst v63  }
0x172: {  	_ =	swait.ge [sflag:s10], $0x4000  }
0x173: {  	[sflag:s10] =	ssyncset.done $0x0  }
0x174: {  	s7 =	rddreg [dreg:$0xf];
	[sflag:s10] =	ssyncadd.s32 $0xFFFFC000  }
0x175: {  	[tilespmem:s14], [sflag:$0x2] =	stream.indirect.gather [hbm4b:s4+s12], $0x80, s7, s12, $0xb8;
	[tilespmem:$0x1D880] =	vst v63  }
0x176: {  	_ =	swait.ge [sflag:s15], $0x4000  }
0x177: {  	[sflag:s15] =	ssyncset.done $0x0  }
0x178: {  	s8 =	rddreg [dreg:$0x10];
	[sflag:s15] =	ssyncadd.s32 $0xFFFFC000  }
0x179: {  	[spmem:s2] =	stream.indirect.scatter.add.f32 [tilespmem:s13], [sflag:$0x3], $0x80, s8, s12, $0xb8;
	[tilespmem:$0x1D880] =	vst v63  }
0x17a: {  	_ =	swait.ge [sflag:s10], $0x4000  }
0x17b: {  	[sflag:s10] =	ssyncset.done $0x0  }
0x17c: {  	[sflag:s10] =	ssyncadd.s32 $0xFFFFC000  }
0x17d: {  	[tilespmem:s13], [sflag:$0x1] =	stream.indirect.gather [hbm4b:s4+s12], $0x80, s17, s12, $0xb8;
	[tilespmem:$0x1D880] =	vst v63  }
0x17e: {  	_ =	swait.ge [sflag:s16], $0x4000  }
0x17f: {  	[sflag:s16] =	ssyncset.done $0x0  }
0x180: {  	[sflag:s16] =	ssyncadd.s32 $0xFFFFC000  }
0x181: {  	[spmem:s2] =	stream.indirect.scatter.add.f32 [tilespmem:s14], [sflag:$0x3], $0x80, s18, s12, $0xb8;
	[tilespmem:$0x1D880] =	vst v63  }
0x182: {  	_ =	swait.ge [sflag:s10], $0x4000  }
0x183: {  	[sflag:s10] =	ssyncset.done $0x0  }
0x184: {  	[sflag:s10] =	ssyncadd.s32 $0xFFFFC000  }
0x185: {  	[tilespmem:s14], [sflag:$0x2] =	stream.indirect.gather [hbm4b:s4+s12], $0x80, s19, s12, $0xb8;
	[tilespmem:$0x1D880] =	vst v63  }
0x186: {  	_ =	swait.ge [sflag:s15], $0x4000  }
0x187: {  	[sflag:s15] =	ssyncset.done $0x0  }
0x188: {  	[sflag:s15] =	ssyncadd.s32 $0xFFFFC000  }
0x189: {  	[spmem:s2] =	stream.indirect.scatter.add.f32 [tilespmem:s13], [sflag:$0x3], $0x80, s20, s12, $0xb8;
	[tilespmem:$0x1D880] =	vst v63  }
0x18a: {  	_ =	swait.ge [sflag:s10], $0x4000  }
0x18b: {  	[sflag:s10] =	ssyncset.done $0x0  }
0x18c: {  	[sflag:s10] =	ssyncadd.s32 $0xFFFFC000  }
0x18d: {  	[tilespmem:s13], [sflag:$0x1] =	stream.indirect.gather [hbm4b:s4+s12], $0x80, s21, s12, $0xb8;
	[tilespmem:$0x1D880] =	vst v63  }
0x18e: {  	_ =	swait.ge [sflag:s16], $0x4000  }
0x18f: {  	[sflag:s16] =	ssyncset.done $0x0  }
0x190: {  	[sflag:s16] =	ssyncadd.s32 $0xFFFFC000  }
0x191: {  	[spmem:s2] =	stream.indirect.scatter.add.f32 [tilespmem:s14], [sflag:$0x3], $0x80, s22, s12, $0xb8;
	[tilespmem:$0x1D880] =	vst v63  }
0x192: {  	_ =	swait.ge [sflag:s10], $0x4000  }
0x193: {  	[sflag:s10] =	ssyncset.done $0x0  }
0x194: {  	[sflag:s10] =	ssyncadd.s32 $0xFFFFC000  }
0x195: {  	[tilespmem:s14], [sflag:$0x2] =	stream.indirect.gather [hbm4b:s4+s12], $0x80, s23, s12, $0xb8;
	[tilespmem:$0x1D880] =	vst v63  }
0x196: {  	_ =	swait.ge [sflag:s15], $0x4000  }
0x197: {  	[sflag:s15] =	ssyncset.done $0x0  }
0x198: {  	[sflag:s15] =	ssyncadd.s32 $0xFFFFC000  }
0x199: {  	[spmem:s2] =	stream.indirect.scatter.add.f32 [tilespmem:s13], [sflag:$0x3], $0x80, s24, s12, $0xb8;
	[tilespmem:$0x1D880] =	vst v63  }
0x19a: {  	_ =	swait.ge [sflag:s10], $0x4000  }
0x19b: {  	[sflag:s10] =	ssyncset.done $0x0  }
0x19c: {  	[sflag:s10] =	ssyncadd.s32 $0xFFFFC000  }
0x19d: {  	[tilespmem:s13], [sflag:$0x1] =	stream.indirect.gather [hbm4b:s4+s12], $0x80, s25, s12, $0xb8;
	[tilespmem:$0x1D880] =	vst v63  }
0x19e: {  	_ =	swait.ge [sflag:s16], $0x4000  }
0x19f: {  	[sflag:s16] =	ssyncset.done $0x0  }
0x1a0: {  	[sflag:s16] =	ssyncadd.s32 $0xFFFFC000  }
0x1a1: {  	[spmem:s2] =	stream.indirect.scatter.add.f32 [tilespmem:s14], [sflag:$0x3], $0x80, s26, s12, $0xb8;
	[tilespmem:$0x1D880] =	vst v63  }
0x1a2: {  	_ =	swait.ge [sflag:s10], $0x4000  }
0x1a3: {  	[sflag:s10] =	ssyncset.done $0x0  }
0x1a4: {  	[sflag:s10] =	ssyncadd.s32 $0xFFFFC000  }
0x1a5: {  	[tilespmem:s14], [sflag:$0x2] =	stream.indirect.gather [hbm4b:s4+s12], $0x80, s28, s12, $0xb8;
	[tilespmem:$0x1D880] =	vst v63  }
0x1a6: {  	_ =	swait.ge [sflag:s15], $0x4000  }
0x1a7: {  	[sflag:s15] =	ssyncset.done $0x0  }
0x1a8: {  	[sflag:s15] =	ssyncadd.s32 $0xFFFFC000  }
0x1a9: {  	[spmem:s2] =	stream.indirect.scatter.add.f32 [tilespmem:s13], [sflag:$0x3], $0x80, s29, s12, $0xb8;
	[tilespmem:$0x1D880] =	vst v63  }
0x1aa: {  	_ =	swait.ge [sflag:s10], $0x4000  }
0x1ab: {  	[sflag:s10] =	ssyncset.done $0x0  }
0x1ac: {  	[sflag:s10] =	ssyncadd.s32 $0xFFFFC000  }
0x1ad: {  	[tilespmem:s13], [sflag:$0x1] =	stream.indirect.gather [hbm4b:s4+s12], $0x80, s30, s12, $0xb8;
	[tilespmem:$0x1D880] =	vst v63  }
0x1ae: {  	_ =	swait.ge [sflag:s16], $0x4000  }
0x1af: {  	[sflag:s16] =	ssyncset.done $0x0  }
0x1b0: {  	[sflag:s16] =	ssyncadd.s32 $0xFFFFC000  }
0x1b1: {  	[spmem:s2] =	stream.indirect.scatter.add.f32 [tilespmem:s14], [sflag:$0x3], $0x80, s31, s12, $0xb8;
	[tilespmem:$0x1D880] =	vst v63  }
0x1b2: {  	_ =	swait.ge [sflag:s10], $0x4000  }
0x1b3: {  	[sflag:s10] =	ssyncset.done $0x0  }
0x1b4: {  	[sflag:s10] =	ssyncadd.s32 $0xFFFFC000  }
0x1b5: {  	[tilespmem:s14], [sflag:$0x2] =	stream.indirect.gather [hbm4b:s4+s12], $0x80, s0, s12, $0xb8;
	[tilespmem:$0x1D880] =	vst v63  }
0x1b6: {  	_ =	swait.ge [sflag:s15], $0x4000  }
0x1b7: {  	[sflag:s15] =	ssyncset.done $0x0  }
0x1b8: {  	[sflag:s15] =	ssyncadd.s32 $0xFFFFC000  }
0x1b9: {  	[spmem:s2] =	stream.indirect.scatter.add.f32 [tilespmem:s13], [sflag:$0x3], $0x80, s1, s12, $0xb8;
	[tilespmem:$0x1D880] =	vst v63  }
0x1ba: {  	_ =	swait.ge [sflag:s10], $0x4000  }
0x1bb: {  	[sflag:s10] =	ssyncset.done $0x0  }
0x1bc: {  	[sflag:s10] =	ssyncadd.s32 $0xFFFFC000  }
0x1bd: {  	_ =	swait.ge [sflag:s16], $0x4000  }
0x1be: {  	[sflag:s16] =	ssyncset.done $0x0  }
0x1bf: {  	[sflag:s16] =	ssyncadd.s32 $0xFFFFC000  }
0x1c0: {  	[spmem:s2] =	stream.indirect.scatter.add.f32 [tilespmem:s14], [sflag:$0x3], $0x80, s5, s12, $0xb8;
	[tilespmem:$0x1D880] =	vst v63  }
0x1c1: {  	_ =	swait.ge [sflag:s10], $0x4000  }
0x1c2: {  	[sflag:s10] =	ssyncset.done $0x0  }
0x1c3: {  	[sflag:s10] =	ssyncadd.s32 $0xFFFFC000  }
0x1c4: {  	[bflag:$0x0] =	sbarrier.arrive $0xFFFF  }
0x1c5: {  	s7 =	rddreg [dreg:$0x12]  }
0x1c6: {  	s9 =	rddreg [dreg:$0x13]  }
0x1c7: {  	s8 =	rddreg [dreg:$0x15]  }
0x1c8: {  	[hbm:s9], [sflag:s7] =	dma.local [spmem:s8], $0x2710  }
0x1c9: {  	_ =	swait.ge [sflag:s10], $0x2710  }
0x1ca: {  	s6 =	rddreg [dreg:$0x16]  }
0x1cb: {  	s9 =	sadd.s32 $0x1, s6;
	s6 =	rddreg [dreg:$0x14]  }
0x1cc: {  	p0 =	sne.s32 s9, s6  }
.Ltmp1:
0x1cd: {  	_ = 	snop;
	(pc) =	sbr.rel @p0 .LBB2_1-.Ltmp1, $3  }
0x1ce: {  	_ =	sdelay $0x1  }
0x1cf: {  	[sflag:s10] =	ssyncset.done $0x0  }
0x1d0: {  	[sflag:s10] =	ssyncadd.s32 $0xFFFFD8F0  }
0x1d1: {  	_ =	sfence.sel $0x180000  }
0x1d2: {  	[bflag:$0x0] =	sbarrier.arrive $0xFFFF  }
0x1d3: {  	_ =	strace $0x90000050  }
0x1d4: {  	s0 =	stileid.u32;
	[bflag:$0x2] =	sbarrier.arrive $0xFFFF  }
0x1d5: {  	p0 =	sne.s32 s0, $0x0;
	s0 =	rddreg [dreg:$0x2]  }
0x1d6: {  	s0 =	sadd.s32 @!p0 $0x100000, s0  }
0x1d7: {  	[sflag:s0] =	ssyncadd.tile.s32 @!p0 $0x1;
	_ =	shalt  }
.Lfunc_end2:
_tile_overlayer_lowered:
.L_overlay_start_2:
0x1d8: {  	(tag) =	ssettag $0x2  }
0x1d9: {  	s0 =	rddreg [dreg:$0x0];
	s2 =	stileid.u32  }
0x1da: {  	s1 =	rddreg [dreg:$0x1];
	p0 =	sne.s32 s2, $0x0  }
0x1db: {  	s3 =	rddreg [dreg:$0x2];
	[bflag:$0x3] =	sbarrier.arrive $0xFFFF;
	s2 =	simm.s32 @!p0 $0x1C03  }
0x1dc: {  	[timem:s3], [sflag:s2] =	dma.local @!p0 [hbm:s0], s1  }
0x1dd: {  	s0 =	simm.s32 @!p0 $0x3  }
0x1de: {  	_ =	swait.ge @!p0 [sflag:s0], s1  }
0x1df: {  	s1 =	ssub.s32 @!p0 $0x0, s1;
	[sflag:s0] =	ssyncset.done @!p0 $0x0  }
0x1e0: {  	[sflag:s0] =	ssyncadd.s32 @!p0 s1  }
0x1e1: {  	[bflag:$0x3] =	sbarrier.arrive $0xFFFF  }
0x1e2: {  	_ =	shalt  }

// kernel: kernel.29.cloned.1.call-start
scs
__scs_entry_jumppad:
0x0: {  	(pc) =	sbr.rel $0x88, $3  }
0x1: {  	(tag) =	ssettag $0x0;
	lr =	simm.s32 $0x1  }
0x2: {  	[smem:$0x3F90] =	sst lr;
	_ =	strace $0xD0000000  }
0x3: {  	_ = 	snop  }
0x4: {  	_ = 	snop  }
0x5: {  	_ = 	snop  }
0x6: {  	_ = 	snop  }
0x7: {  	_ = 	snop  }
__scs_overlays_trampoline_lowered:
0x8: {  	[smem:$0x3F9F] =	sst s0  }
0x9: {  	[smem:$0x3FA0] =	sst s1  }
0xa: {  	[smem:$0x3FA1] =	sst s2  }
0xb: {  	[smem:$0x3FA2] =	sst s3  }
0xc: {  	[smem:$0x3FA3] =	sst s4  }
0xd: {  	[smem:$0x3FA4] =	sst s5  }
0xe: {  	[smem:$0x3FA5] =	sst s6  }
0xf: {  	[smem:$0x3FA6] =	sst s7  }
0x10: {  	[smem:$0x3FA7] =	sst s8  }
0x11: {  	[smem:$0x3FA8] =	sst s9;
	s0 =	simm.s32 @!p0 $0x0  }
0x12: {  	s1 =	sld [smem:$0x3F8E];
	s0 =	simm.s32 @p0 $0x1  }
0x13: {  	[smem:$0x3FA9] =	sst s0;
	s0 =	simm.s32 @!p1 $0x0  }
0x14: {  	s2 =	sld [smem:$0x3F8D];
	s0 =	simm.s32 @p1 $0x1  }
0x15: {  	[smem:$0x3FAA] =	sst s0;
	s0 =	simm.s32 @!p2 $0x0  }
0x16: {  	s3 =	sld [smem:$0x3FDB];
	s0 =	simm.s32 @p2 $0x1  }
0x17: {  	s4 =	simm.s32 $0x1BF5;
	[smem:$0x3FAC] =	sst s0  }
0x18: {  	s0 =	sld [smem:$0x3F8F];
	_ =	swait.ge [sflag:s4], $0x0  }
0x19: {  	s7 =	sld [smem:$0x3F90]  }
0x1a: {  	s8 =	sadd.s32 $0xFFFFE003, lr  }
0x1b: {  	s9 =	sadd.s32 $0xFFFFFEF7, lr;
	s5 =	simm.s32 $0xFFFFFFFF;
	p2 =	slt.u32 s8, $0xFFFFF086  }
0x1c: {  	p1 =	slt.u32 s9, $0xF7A;
	s5 =	simm.s32 @!p2 $0x0  }
0x1d: {  	s5 =	simm.s32 @p1 $0x1;
	p0 =	seq.s32 s7, s2  }
0x1e: {  	s7 =	smul.u32 @!p0 $0xF7A, s2;
	p2 =	seq.s32 @!p0 s5, $0x0  }
0x1f: {  	s9 =	smul.u32 $0xF7A, s1;
	s8 =	simm.s32 @!p0 $0x1BF5;
	p2 =	por !p2, p0  }
0x20: {  	[sflag:s8] =	ssyncset.s32 @!p0 $0xFFFFF086;
	s6 =	sadd.s32 @!p0 s3, s7;
	s7 =	simm.s32 @!p0 $0x108  }
0x21: {  	s3 =	sadd.s32 s3, s9;
	s6 =	sadd.s32 @!p0 $0x88, s6;
	s7 =	simm.s32 @p2 $0x1082  }
0x22: {  	[simem:s7], [sflag:s8] =	dma.local @!p0 [hbm:s6], $0xF7A  }
0x23: {  	s9 =	sor.u32 $0xD0000000, s2;
	s6 =	simm.s32 $0x108;
	_ =	swait.ge @!p0 [sflag:s8], $0x0  }
0x24: {  	s3 =	sadd.s32 $0x88, s3;
	s6 =	simm.s32 @!p1 $0x1082;
	[sflag:s4] =	ssyncset.s32 $0xFFFFF086  }
0x25: {  	[simem:s6], [sflag:s4] =	dma.local [hbm:s3], $0xF7A  }
0x26: {  	[smem:$0x3F90] =	sst s1;
	(tag) =	ssettag s2;
	_ =	strace s9  }
0x27: {  	s1 =	sld [smem:$0x3FA0]  }
0x28: {  	s2 =	sld [smem:$0x3FA1]  }
0x29: {  	s4 =	sld [smem:$0x3FA3]  }
0x2a: {  	p0 =	seq.s32 s5, $0x0;
	s5 =	sld [smem:$0x3FA4]  }
0x2b: {  	s6 =	sld [smem:$0x3FA5]  }
0x2c: {  	s7 =	sld [smem:$0x3FA6]  }
0x2d: {  	s3 =	simm.s32 $0x108;
	s8 =	sld [smem:$0x3FA7]  }
0x2e: {  	s3 =	simm.s32 @!p0 $0x1082;
	s9 =	sld [smem:$0x3FA8]  }
0x2f: {  	lr =	sadd.s32 s0, s3;
	s0 =	sld [smem:$0x3F9F]  }
0x30: {  	s3 =	sld [smem:$0x3FA2]  }
0x31: {  	[smem:$0x3FAB] =	sst s10  }
0x32: {  	s10 =	sld [smem:$0x3FA9];
	_ =	sdelay $0x3  }
0x33: {  	p0 =	seq.s32 s10, $0x1;
	s10 =	sld [smem:$0x3FAB];
	_ =	sdelay $0x3  }
0x34: {  	[smem:$0x3FAB] =	sst s10  }
0x35: {  	s10 =	sld [smem:$0x3FAA];
	_ =	sdelay $0x3  }
0x36: {  	p1 =	seq.s32 s10, $0x1;
	s10 =	sld [smem:$0x3FAB];
	_ =	sdelay $0x3  }
0x37: {  	[smem:$0x3FAB] =	sst s10  }
0x38: {  	s10 =	sld [smem:$0x3FAC]  }
0x39: {  	_ = 	snop;
	(pc) =	sbr.ind lr, $3  }
0x3a: {  	_ = 	snop  }
0x3b: {  	_ = 	snop  }
0x3c: {  	p2 =	seq.s32 s10, $0x1;
	s10 =	sld [smem:$0x3FAB]  }
0x3d: {  	_ =	shalt  }
0x3e: {  	_ =	shalt  }
0x3f: {  	_ =	shalt  }
0x40: {  	_ =	shalt  }
0x41: {  	_ =	shalt  }
0x42: {  	_ =	shalt  }
0x43: {  	_ =	shalt  }
0x44: {  	_ =	shalt  }
0x45: {  	_ =	shalt  }
0x46: {  	_ =	shalt  }
0x47: {  	_ =	shalt  }
0x48: {  	_ =	shalt  }
0x49: {  	_ =	shalt  }
0x4a: {  	_ =	shalt  }
0x4b: {  	_ =	shalt  }
0x4c: {  	_ =	shalt  }
0x4d: {  	_ =	shalt  }
0x4e: {  	_ =	shalt  }
0x4f: {  	_ =	shalt  }
0x50: {  	_ =	shalt  }
0x51: {  	_ =	shalt  }
0x52: {  	_ =	shalt  }
0x53: {  	_ =	shalt  }
0x54: {  	_ =	shalt  }
0x55: {  	_ =	shalt  }
0x56: {  	_ =	shalt  }
0x57: {  	_ =	shalt  }
0x58: {  	_ =	shalt  }
0x59: {  	_ =	shalt  }
0x5a: {  	_ =	shalt  }
0x5b: {  	_ =	shalt  }
0x5c: {  	_ =	shalt  }
0x5d: {  	_ =	shalt  }
0x5e: {  	_ =	shalt  }
0x5f: {  	_ =	shalt  }
0x60: {  	_ =	shalt  }
0x61: {  	_ =	shalt  }
0x62: {  	_ =	shalt  }
0x63: {  	_ =	shalt  }
0x64: {  	_ =	shalt  }
0x65: {  	_ =	shalt  }
0x66: {  	_ =	shalt  }
0x67: {  	_ =	shalt  }
0x68: {  	_ =	shalt  }
0x69: {  	_ =	shalt  }
0x6a: {  	_ =	shalt  }
0x6b: {  	_ =	shalt  }
0x6c: {  	_ =	shalt  }
0x6d: {  	_ =	shalt  }
0x6e: {  	_ =	shalt  }
0x6f: {  	_ =	shalt  }
0x70: {  	_ =	shalt  }
0x71: {  	_ =	shalt  }
0x72: {  	_ =	shalt  }
0x73: {  	_ =	shalt  }
0x74: {  	_ =	shalt  }
0x75: {  	_ =	shalt  }
0x76: {  	_ =	shalt  }
0x77: {  	_ =	shalt  }
0x78: {  	_ =	shalt  }
0x79: {  	_ =	shalt  }
0x7a: {  	_ =	shalt  }
0x7b: {  	_ =	shalt  }
0x7c: {  	_ =	shalt  }
0x7d: {  	_ =	shalt  }
0x7e: {  	_ =	shalt  }
0x7f: {  	_ =	shalt  }
0x80: {  	_ =	shalt  }
0x81: {  	_ =	shalt  }
0x82: {  	_ =	shalt  }
0x83: {  	_ =	shalt  }
0x84: {  	_ =	shalt  }
0x85: {  	_ =	shalt  }
0x86: {  	_ =	shalt  }
0x87: {  	_ =	shalt  }
.Lfunc_end0:
.L_simem_size_0:
called_computation.4_lowered:
.L_overlay_start_0:
0x88: {  	s2 =	sld [smem:$0x3FD9]  }
0x89: {  	s3 =	sld [smem:$0x3FFE];
	_ =	sdelay $0x1  }
0x8a: {  	s1 =	srdreg.scid  }
0x8b: {  	s0 =	sand.u32 $0x1, s1  }
0x8c: {  	s16 =	sshll.u32 s0, $0xA;
	s2 =	sadd.s32 s3, s2  }
0x8d: {  	s2 =	sadd.s32 s2, s16  }
0x8e: {  	[smem:$0x3FB7] =	sst s2  }
0x8f: {  	_ = 	snop  }
0x90: {  	(tm) =	ssettm $0x1  }
0x91: {  	s17 =	sld [smem:$0x3FFB];
	_ =	sdelay $0x3  }
0x92: {  	_ =	strace s17  }
0x93: {  	s2 =	sld [smem:$0x3FFC];
	_ =	sdelay $0x3  }
0x94: {  	_ =	strace s2  }
0x95: {  	s2 =	sld [smem:$0x3FFD];
	_ =	sdelay $0x3  }
0x96: {  	_ =	strace s2  }
0x97: {  	_ =	strace $0x8FFFFFFF  }
0x98: {  	s18 =	sld [smem:$0x3FDB];
	_ =	sdelay $0x1  }
0x99: {  	s19 =	simm.s32 $_scs_section_size  }
0x9a: {  	s4 =	simm.s32 $_size__tile_overlayer_lowered;
	s5 =	simm.s32 $_tile_overlayer_lowered  }
0x9b: {  	s22 =	simm.s32 $0x1BFF;
	s21 =	sshll.u32 s5, $0x1;
	s2 =	sadd.s32 s19, s18  }
0x9c: {  	s6 =	simm.s32 $0x0;
	s20 =	sshll.u32 s4, $0x1;
	s4 =	sadd.s32 s21, s2  }
0x9d: {  	[timem:s6], [sflag:s22] =	dma.local [hbm:s4], s20  }
0x9e: {  	_ =	swait.ge [sflag:s22], s20  }
0x9f: {  	s3 =	ssub.s32 $0x0, s20;
	[sflag:s22] =	ssyncset.done $0x0  }
0xa0: {  	[sflag:s22] =	ssyncadd.s32 s3;
	_ =	sdelay $0x1  }
0xa1: {  	s23 =	simm.s32 $0x1B8B  }
0xa2: {  	_ =	swait.ge [sflag:s23], $0x1  }
0xa3: {  	[sflag:s23] =	ssyncset.done $0x0  }
0xa4: {  	s25 =	simm.s32 $0x1B8E;
	s24 =	sld [smem:$0x3FFE];
	[sflag:s23] =	ssyncadd.s32 $0xFFFFFFFF  }
0xa5: {  	s26 =	simm.s32 $execute0_lowered;
	[smem:$0x3FD2] =	sst s25  }
0xa6: {  	s4 =	sshll.u32 s26, $0x1;
	_ =	strace $0x80000052;
	[dreg:$0x1] =	wrdreg $0xFFFFFFFF  }
0xa7: {  	s28 =	simm.s32 $_size_execute0_lowered;
	s2 =	sadd.s32 s2, s4;
	[dreg:$0x0] =	wrdreg $0x0  }
0xa8: {  	s4 =	sshll.u32 s28, $0x1;
	[dreg:$0x2] =	wrdreg s2  }
0xa9: {  	[dreg:$0x3] =	wrdreg s4  }
0xaa: {  	[dreg:$0x4] =	wrdreg $0xC0  }
0xab: {  	_ =	task [dreg:s6], $0x5FFFF  }
0xac: {  	[dreg:$0x1] =	wrdreg $0xFFFFFFFF  }
0xad: {  	[dreg:$0x0] =	wrdreg $0x60  }
0xae: {  	[dreg:$0x2] =	wrdreg s24  }
0xaf: {  	[dreg:$0x3] =	wrdreg $0x90000  }
0xb0: {  	[dreg:$0x4] =	wrdreg $0x9  }
0xb1: {  	_ =	task.clear_ibuf [dreg:s6], $0x5FFFF;
	_ =	strace $0x90000052  }
0xb2: {  	s29 =	simm.s32 $0x9;
	_ =	strace $0x80000054  }
0xb3: {  	_ =	swait.ge [sflag:s29], $0x1  }
0xb4: {  	[sflag:s29] =	ssyncadd.s32 $0xFFFFFFFF  }
0xb5: {  	_ =	strace $0x90000054  }
0xb6: {  	_ =	sfence  }
0xb7: {  	s30 =	sld [smem:$0x0];
	_ =	sdelay $0x2  }
0xb8: {  	s31 =	sshll.u32 s1, $0xD;
	s1 =	sshrl.u32 s1, $0x2  }
0xb9: {  	s3 =	sand.u32 $0x4000, s31;
	s1 =	sadd.s32 s1, s30  }
0xba: {  	s0 =	sor.u32 s3, s0;
	s1 =	sshll.u32 s1, $0x11  }
0xbb: {  	s0 =	sor.u32 s1, s0  }
0xbc: {  	s0 =	sadd.s32 $0x8F2B, s0  }
0xbd: {  	[sflag:s0] =	ssyncadd.remote.s32 $0x1  }
0xbe: {  	_ =	sfence.sel $0xFFFF  }
0xbf: {  	[dreg:$0x0] =	wrdreg $0xFFFFFFFF;
	(pc) =	sbr.abs _section_cstart, $3  }
0xc0: {  	[dreg:$0x1] =	wrdreg $0xFFFFFFFF  }
0xc1: {  	_ =	task.clear_ibuf [dreg:s6], $0x2FFFF;
	_ =	strace $0x9FFFFFFF  }
0xc2: {  	(tm) =	ssettm $0x7FFFFFFF  }
0xc3: {  	_ =	shalt  }
tec
execute0_lowered:
.L_overlay_start_1:
0x0: {  	(tag) =	ssettag $0x1  }
0x1: {  	s0 =	rddreg [dreg:$0x0]  }
0x2: {  	s2 =	rddreg [dreg:$0x1];
	s1 =	srdreg.scid  }
0x3: {  	s10 =	stileid.u32;
	s3 =	simm.s32 $0x0;
	s13 =	simm.s32 $0x100  }
0x4: {  	s15 =	simm.s32 $0x880;
	s17 =	simm.s32 $0x180;
	[smem:$0x7FF] =	sst s3  }
0x5: {  	s18 =	simm.s32 $0x900;
	_ =	strace $0x80000053;
	[dreg:$0x5] =	wrdreg s13  }
0x6: {  	s19 =	simm.s32 $0x200;
	s20 =	simm.s32 $0x980;
	[dreg:$0x6] =	wrdreg s15  }
0x7: {  	s21 =	simm.s32 $0x280;
	s22 =	simm.s32 $0xA00;
	[dreg:$0x7] =	wrdreg s17  }
0x8: {  	s23 =	simm.s32 $0x300;
	s24 =	simm.s32 $0xA80;
	[dreg:$0x8] =	wrdreg s18  }
0x9: {  	s25 =	simm.s32 $0x380;
	s26 =	simm.s32 $0xB00;
	[dreg:$0x9] =	wrdreg s19  }
0xa: {  	s28 =	simm.s32 $0x680;
	s29 =	simm.s32 $0xE00;
	[dreg:$0xa] =	wrdreg s20  }
0xb: {  	s30 =	simm.s32 $0x700;
	s31 =	simm.s32 $0xE80;
	[dreg:$0xb] =	wrdreg s21  }
0xc: {  	s1 =	sand.u32 $0x1, s1;
	s5 =	smul.u32 $0x5000, s10;
	[dreg:$0xc] =	wrdreg s22  }
0xd: {  	s4 =	sadd.s32 $0x1600, s0;
	s7 =	smul.u32 $0xA00, s10;
	[dreg:$0xd] =	wrdreg s23  }
0xe: {  	s16 =	sshll.u32 s10, $0x6;
	s6 =	smul.u32 $0x50000, s1;
	[dreg:$0xe] =	wrdreg s24  }
0xf: {  	s9 =	sshll.u32 s1, $0x4;
	s1 =	ssub.s32 $0x2, s1;
	[dreg:$0xf] =	wrdreg s25  }
0x10: {  	s13 =	simm.s32 $0x1000;
	s15 =	simm.s32 $0x1;
	[dreg:$0x10] =	wrdreg s26  }
0x11: {  	s17 =	simm.s32 $0x400;
	s18 =	simm.s32 $0xB80;
	s19 =	simm.s32 $0x480  }
0x12: {  	s20 =	simm.s32 $0xC00;
	s21 =	simm.s32 $0x500;
	s22 =	simm.s32 $0xC80  }
0x13: {  	s23 =	simm.s32 $0x580;
	s24 =	simm.s32 $0xD00;
	s25 =	simm.s32 $0x600  }
0x14: {  	s26 =	simm.s32 $0xD80;
	s7 =	sadd.s32 s7, s0;
	s8 =	sshrl.u32 s1, $0x1  }
0x15: {  	s5 =	sadd.s32 s5, s6;
	s6 =	sor.u32 s10, s9;
	s9 =	smul.u32 $0x4E200, s10  }
0x16: {  	s1 =	ssub.s32 s1, s8;
	s12 =	sadd.s32 $0xC7600, s7;
	s7 =	sor.u32 $0x1C03, s16  }
0x17: {  	s10 =	simm.s32 $0x3;
	s16 =	simm.s32 $0x2;
	s5 =	sshrl.u32 s5, $0x3  }
0x18: {  	s6 =	smul.u32 $0x2780, s6;
	[dreg:$0x4] =	wrdreg s12;
	s1 =	smax.u32 s1, $0x1  }
0x19: {  	s12 =	simm.s32 $0x80;
	[dreg:$0x12] =	wrdreg s7;
	s5 =	sadd.s32 s5, s0  }
0x1a: {  	s11 =	sshrl.u32 s9, $0x2;
	[dreg:$0x14] =	wrdreg s1;
	s1 =	simm.s32 $0xF00  }
0x1b: {  	s9 =	simm.s32 $0x0;
	s0 =	sadd.s32 s6, s0;
	s5 =	sadd.s32 $0xB3600, s5  }
0x1c: {  	s6 =	sadd.s32 s11, s2;
	[dreg:$0x3] =	wrdreg s5;
	s14 =	sadd.s32 $0x4F800, s0  }
0x1d: {  	s11 =	simm.s32 $0x800;
	s0 =	sadd.s32 $0xD1C00, s0;
	[dreg:$0x11] =	wrdreg s14  }
0x1e: {  	s8 =	sshrl.u32 s6, $0x3;
	s5 =	simm.s32 $0xF80;
	[dreg:$0x13] =	wrdreg s0  }
0x1f: {  	s14 =	simm.s32 $0x5000;
	s0 =	simm.s32 $0x780;
	[dreg:$0x15] =	wrdreg s8  }
.LBB2_1:
0x20: {  	[dreg:$0x16] =	wrdreg s9  }
0x21: {  	s6 =	rddreg [dreg:$0x11]  }
0x22: {  	[spmem:s8], [sflag:s7] =	dma.local [hbm:s6], $0x2710  }
0x23: {  	_ =	swait.ge [sflag:s10], $0x2710  }
0x24: {  	[sflag:s10] =	ssyncset.done $0x0  }
0x25: {  	[sflag:s10] =	ssyncadd.s32 $0xFFFFD8F0  }
0x26: {  	[bflag:$0x0] =	sbarrier.arrive $0xFFFF  }
0x27: {  	s8 =	rddreg [dreg:$0x3]  }
0x28: {  	s6 =	sadd.s32 $0x0, s8  }
0x29: {  	[tilespmem:s3], [sflag:$0x3] =	stream.linear.gather [hbm4b:s6+s3], $0x800, $0x38;
	[tilespmem:$0x1D880] =	vst v63  }
0x2a: {  	_ =	swait.ge [sflag:s10], $0x800  }
0x2b: {  	s9 =	rddreg [dreg:$0x4];
	[sflag:s10] =	ssyncset.done $0x0  }
0x2c: {  	[sflag:s10] =	ssyncadd.s32 $0xFFFFF800;
	s6 =	sadd.s32 $0x0, s9  }
0x2d: {  	[tilespmem:s11], [sflag:$0x3] =	stream.linear.gather [hbm4b:s6+s3], $0x800, $0x38;
	[tilespmem:$0x1D880] =	vst v63  }
0x2e: {  	_ =	swait.ge [sflag:s10], $0x800  }
0x2f: {  	[sflag:s10] =	ssyncset.done $0x0  }
0x30: {  	[sflag:s10] =	ssyncadd.s32 $0xFFFFF800  }
0x31: {  	[tilespmem:s13], [sflag:$0x1] =	stream.indirect.gather [hbm4b:s4+s12], $0x80, s3, s12, $0xb8;
	[tilespmem:$0x1D880] =	vst v63  }
0x32: {  	_ = 	snop  }
0x33: {  	[tilespmem:s14], [sflag:$0x2] =	stream.indirect.gather [hbm4b:s4+s12], $0x80, s12, s12, $0xb8;
	[tilespmem:$0x1D880] =	vst v63  }
0x34: {  	_ =	swait.ge [sflag:s15], $0x4000  }
0x35: {  	[sflag:s15] =	ssyncset.done $0x0  }
0x36: {  	[sflag:s15] =	ssyncadd.s32 $0xFFFFC000  }
0x37: {  	[spmem:s2] =	stream.indirect.scatter.add.f32 [tilespmem:s13], [sflag:$0x3], $0x80, s11, s12, $0xb8;
	[tilespmem:$0x1D880] =	vst v63  }
0x38: {  	_ =	swait.ge [sflag:s10], $0x4000  }
0x39: {  	[sflag:s10] =	ssyncset.done $0x0  }
0x3a: {  	s7 =	rddreg [dreg:$0x5];
	[sflag:s10] =	ssyncadd.s32 $0xFFFFC000  }
0x3b: {  	[tilespmem:s13], [sflag:$0x1] =	stream.indirect.gather [hbm4b:s4+s12], $0x80, s7, s12, $0xb8;
	[tilespmem:$0x1D880] =	vst v63  }
0x3c: {  	_ =	swait.ge [sflag:s16], $0x4000  }
0x3d: {  	[sflag:s16] =	ssyncset.done $0x0  }
0x3e: {  	s8 =	rddreg [dreg:$0x6];
	[sflag:s16] =	ssyncadd.s32 $0xFFFFC000  }
0x3f: {  	[spmem:s2] =	stream.indirect.scatter.add.f32 [tilespmem:s14], [sflag:$0x3], $0x80, s8, s12, $0xb8;
	[tilespmem:$0x1D880] =	vst v63  }
0x40: {  	_ =	swait.ge [sflag:s10], $0x4000  }
0x41: {  	[sflag:s10] =	ssyncset.done $0x0  }
0x42: {  	s9 =	rddreg [dreg:$0x7];
	[sflag:s10] =	ssyncadd.s32 $0xFFFFC000  }
0x43: {  	[tilespmem:s14], [sflag:$0x2] =	stream.indirect.gather [hbm4b:s4+s12], $0x80, s9, s12, $0xb8;
	[tilespmem:$0x1D880] =	vst v63  }
0x44: {  	_ =	swait.ge [sflag:s15], $0x4000  }
0x45: {  	[sflag:s15] =	ssyncset.done $0x0  }
0x46: {  	s7 =	rddreg [dreg:$0x8];
	[sflag:s15] =	ssyncadd.s32 $0xFFFFC000  }
0x47: {  	[spmem:s2] =	stream.indirect.scatter.add.f32 [tilespmem:s13], [sflag:$0x3], $0x80, s7, s12, $0xb8;
	[tilespmem:$0x1D880] =	vst v63  }
0x48: {  	_ =	swait.ge [sflag:s10], $0x4000  }
0x49: {  	[sflag:s10] =	ssyncset.done $0x0  }
0x4a: {  	s8 =	rddreg [dreg:$0x9];
	[sflag:s10] =	ssyncadd.s32 $0xFFFFC000  }
0x4b: {  	[tilespmem:s13], [sflag:$0x1] =	stream.indirect.gather [hbm4b:s4+s12], $0x80, s8, s12, $0xb8;
	[tilespmem:$0x1D880] =	vst v63  }
0x4c: {  	_ =	swait.ge [sflag:s16], $0x4000  }
0x4d: {  	[sflag:s16] =	ssyncset.done $0x0  }
0x4e: {  	s9 =	rddreg [dreg:$0xa];
	[sflag:s16] =	ssyncadd.s32 $0xFFFFC000  }
0x4f: {  	[spmem:s2] =	stream.indirect.scatter.add.f32 [tilespmem:s14], [sflag:$0x3], $0x80, s9, s12, $0xb8;
	[tilespmem:$0x1D880] =	vst v63  }
0x50: {  	_ =	swait.ge [sflag:s10], $0x4000  }
0x51: {  	[sflag:s10] =	ssyncset.done $0x0  }
0x52: {  	s7 =	rddreg [dreg:$0xb];
	[sflag:s10] =	ssyncadd.s32 $0xFFFFC000  }
0x53: {  	[tilespmem:s14], [sflag:$0x2] =	stream.indirect.gather [hbm4b:s4+s12], $0x80, s7, s12, $0xb8;
	[tilespmem:$0x1D880] =	vst v63  }
0x54: {  	_ =	swait.ge [sflag:s15], $0x4000  }
0x55: {  	[sflag:s15] =	ssyncset.done $0x0  }
0x56: {  	s8 =	rddreg [dreg:$0xc];
	[sflag:s15] =	ssyncadd.s32 $0xFFFFC000  }
0x57: {  	[spmem:s2] =	stream.indirect.scatter.add.f32 [tilespmem:s13], [sflag:$0x3], $0x80, s8, s12, $0xb8;
	[tilespmem:$0x1D880] =	vst v63  }
0x58: {  	_ =	swait.ge [sflag:s10], $0x4000  }
0x59: {  	[sflag:s10] =	ssyncset.done $0x0  }
0x5a: {  	s9 =	rddreg [dreg:$0xd];
	[sflag:s10] =	ssyncadd.s32 $0xFFFFC000  }
0x5b: {  	[tilespmem:s13], [sflag:$0x1] =	stream.indirect.gather [hbm4b:s4+s12], $0x80, s9, s12, $0xb8;
	[tilespmem:$0x1D880] =	vst v63  }
0x5c: {  	_ =	swait.ge [sflag:s16], $0x4000  }
0x5d: {  	[sflag:s16] =	ssyncset.done $0x0  }
0x5e: {  	s7 =	rddreg [dreg:$0xe];
	[sflag:s16] =	ssyncadd.s32 $0xFFFFC000  }
0x5f: {  	[spmem:s2] =	stream.indirect.scatter.add.f32 [tilespmem:s14], [sflag:$0x3], $0x80, s7, s12, $0xb8;
	[tilespmem:$0x1D880] =	vst v63  }
0x60: {  	_ =	swait.ge [sflag:s10], $0x4000  }
0x61: {  	[sflag:s10] =	ssyncset.done $0x0  }
0x62: {  	s8 =	rddreg [dreg:$0xf];
	[sflag:s10] =	ssyncadd.s32 $0xFFFFC000  }
0x63: {  	[tilespmem:s14], [sflag:$0x2] =	stream.indirect.gather [hbm4b:s4+s12], $0x80, s8, s12, $0xb8;
	[tilespmem:$0x1D880] =	vst v63  }
0x64: {  	_ =	swait.ge [sflag:s15], $0x4000  }
0x65: {  	[sflag:s15] =	ssyncset.done $0x0  }
0x66: {  	s9 =	rddreg [dreg:$0x10];
	[sflag:s15] =	ssyncadd.s32 $0xFFFFC000  }
0x67: {  	[spmem:s2] =	stream.indirect.scatter.add.f32 [tilespmem:s13], [sflag:$0x3], $0x80, s9, s12, $0xb8;
	[tilespmem:$0x1D880] =	vst v63  }
0x68: {  	_ =	swait.ge [sflag:s10], $0x4000  }
0x69: {  	[sflag:s10] =	ssyncset.done $0x0  }
0x6a: {  	[sflag:s10] =	ssyncadd.s32 $0xFFFFC000  }
0x6b: {  	[tilespmem:s13], [sflag:$0x1] =	stream.indirect.gather [hbm4b:s4+s12], $0x80, s17, s12, $0xb8;
	[tilespmem:$0x1D880] =	vst v63  }
0x6c: {  	_ =	swait.ge [sflag:s16], $0x4000  }
0x6d: {  	[sflag:s16] =	ssyncset.done $0x0  }
0x6e: {  	[sflag:s16] =	ssyncadd.s32 $0xFFFFC000  }
0x6f: {  	[spmem:s2] =	stream.indirect.scatter.add.f32 [tilespmem:s14], [sflag:$0x3], $0x80, s18, s12, $0xb8;
	[tilespmem:$0x1D880] =	vst v63  }
0x70: {  	_ =	swait.ge [sflag:s10], $0x4000  }
0x71: {  	[sflag:s10] =	ssyncset.done $0x0  }
0x72: {  	[sflag:s10] =	ssyncadd.s32 $0xFFFFC000  }
0x73: {  	[tilespmem:s14], [sflag:$0x2] =	stream.indirect.gather [hbm4b:s4+s12], $0x80, s19, s12, $0xb8;
	[tilespmem:$0x1D880] =	vst v63  }
0x74: {  	_ =	swait.ge [sflag:s15], $0x4000  }
0x75: {  	[sflag:s15] =	ssyncset.done $0x0  }
0x76: {  	[sflag:s15] =	ssyncadd.s32 $0xFFFFC000  }
0x77: {  	[spmem:s2] =	stream.indirect.scatter.add.f32 [tilespmem:s13], [sflag:$0x3], $0x80, s20, s12, $0xb8;
	[tilespmem:$0x1D880] =	vst v63  }
0x78: {  	_ =	swait.ge [sflag:s10], $0x4000  }
0x79: {  	[sflag:s10] =	ssyncset.done $0x0  }
0x7a: {  	[sflag:s10] =	ssyncadd.s32 $0xFFFFC000  }
0x7b: {  	[tilespmem:s13], [sflag:$0x1] =	stream.indirect.gather [hbm4b:s4+s12], $0x80, s21, s12, $0xb8;
	[tilespmem:$0x1D880] =	vst v63  }
0x7c: {  	_ =	swait.ge [sflag:s16], $0x4000  }
0x7d: {  	[sflag:s16] =	ssyncset.done $0x0  }
0x7e: {  	[sflag:s16] =	ssyncadd.s32 $0xFFFFC000  }
0x7f: {  	[spmem:s2] =	stream.indirect.scatter.add.f32 [tilespmem:s14], [sflag:$0x3], $0x80, s22, s12, $0xb8;
	[tilespmem:$0x1D880] =	vst v63  }
0x80: {  	_ =	swait.ge [sflag:s10], $0x4000  }
0x81: {  	[sflag:s10] =	ssyncset.done $0x0  }
0x82: {  	[sflag:s10] =	ssyncadd.s32 $0xFFFFC000  }
0x83: {  	[tilespmem:s14], [sflag:$0x2] =	stream.indirect.gather [hbm4b:s4+s12], $0x80, s23, s12, $0xb8;
	[tilespmem:$0x1D880] =	vst v63  }
0x84: {  	_ =	swait.ge [sflag:s15], $0x4000  }
0x85: {  	[sflag:s15] =	ssyncset.done $0x0  }
0x86: {  	[sflag:s15] =	ssyncadd.s32 $0xFFFFC000  }
0x87: {  	[spmem:s2] =	stream.indirect.scatter.add.f32 [tilespmem:s13], [sflag:$0x3], $0x80, s24, s12, $0xb8;
	[tilespmem:$0x1D880] =	vst v63  }
0x88: {  	_ =	swait.ge [sflag:s10], $0x4000  }
0x89: {  	[sflag:s10] =	ssyncset.done $0x0  }
0x8a: {  	[sflag:s10] =	ssyncadd.s32 $0xFFFFC000  }
0x8b: {  	[tilespmem:s13], [sflag:$0x1] =	stream.indirect.gather [hbm4b:s4+s12], $0x80, s25, s12, $0xb8;
	[tilespmem:$0x1D880] =	vst v63  }
0x8c: {  	_ =	swait.ge [sflag:s16], $0x4000  }
0x8d: {  	[sflag:s16] =	ssyncset.done $0x0  }
0x8e: {  	[sflag:s16] =	ssyncadd.s32 $0xFFFFC000  }
0x8f: {  	[spmem:s2] =	stream.indirect.scatter.add.f32 [tilespmem:s14], [sflag:$0x3], $0x80, s26, s12, $0xb8;
	[tilespmem:$0x1D880] =	vst v63  }
0x90: {  	_ =	swait.ge [sflag:s10], $0x4000  }
0x91: {  	[sflag:s10] =	ssyncset.done $0x0  }
0x92: {  	[sflag:s10] =	ssyncadd.s32 $0xFFFFC000  }
0x93: {  	[tilespmem:s14], [sflag:$0x2] =	stream.indirect.gather [hbm4b:s4+s12], $0x80, s28, s12, $0xb8;
	[tilespmem:$0x1D880] =	vst v63  }
0x94: {  	_ =	swait.ge [sflag:s15], $0x4000  }
0x95: {  	[sflag:s15] =	ssyncset.done $0x0  }
0x96: {  	[sflag:s15] =	ssyncadd.s32 $0xFFFFC000  }
0x97: {  	[spmem:s2] =	stream.indirect.scatter.add.f32 [tilespmem:s13], [sflag:$0x3], $0x80, s29, s12, $0xb8;
	[tilespmem:$0x1D880] =	vst v63  }
0x98: {  	_ =	swait.ge [sflag:s10], $0x4000  }
0x99: {  	[sflag:s10] =	ssyncset.done $0x0  }
0x9a: {  	[sflag:s10] =	ssyncadd.s32 $0xFFFFC000  }
0x9b: {  	[tilespmem:s13], [sflag:$0x1] =	stream.indirect.gather [hbm4b:s4+s12], $0x80, s30, s12, $0xb8;
	[tilespmem:$0x1D880] =	vst v63  }
0x9c: {  	_ =	swait.ge [sflag:s16], $0x4000  }
0x9d: {  	[sflag:s16] =	ssyncset.done $0x0  }
0x9e: {  	[sflag:s16] =	ssyncadd.s32 $0xFFFFC000  }
0x9f: {  	[spmem:s2] =	stream.indirect.scatter.add.f32 [tilespmem:s14], [sflag:$0x3], $0x80, s31, s12, $0xb8;
	[tilespmem:$0x1D880] =	vst v63  }
0xa0: {  	_ =	swait.ge [sflag:s10], $0x4000  }
0xa1: {  	[sflag:s10] =	ssyncset.done $0x0  }
0xa2: {  	[sflag:s10] =	ssyncadd.s32 $0xFFFFC000  }
0xa3: {  	[tilespmem:s14], [sflag:$0x2] =	stream.indirect.gather [hbm4b:s4+s12], $0x80, s0, s12, $0xb8;
	[tilespmem:$0x1D880] =	vst v63  }
0xa4: {  	_ =	swait.ge [sflag:s15], $0x4000  }
0xa5: {  	[sflag:s15] =	ssyncset.done $0x0  }
0xa6: {  	[sflag:s15] =	ssyncadd.s32 $0xFFFFC000  }
0xa7: {  	[spmem:s2] =	stream.indirect.scatter.add.f32 [tilespmem:s13], [sflag:$0x3], $0x80, s1, s12, $0xb8;
	[tilespmem:$0x1D880] =	vst v63  }
0xa8: {  	_ =	swait.ge [sflag:s10], $0x4000  }
0xa9: {  	[sflag:s10] =	ssyncset.done $0x0  }
0xaa: {  	[sflag:s10] =	ssyncadd.s32 $0xFFFFC000  }
0xab: {  	_ =	swait.ge [sflag:s16], $0x4000  }
0xac: {  	[sflag:s16] =	ssyncset.done $0x0  }
0xad: {  	[sflag:s16] =	ssyncadd.s32 $0xFFFFC000  }
0xae: {  	[spmem:s2] =	stream.indirect.scatter.add.f32 [tilespmem:s14], [sflag:$0x3], $0x80, s5, s12, $0xb8;
	[tilespmem:$0x1D880] =	vst v63  }
0xaf: {  	s6 =	simm.s32 $0x200;
	_ =	swait.ge [sflag:s10], $0x4000  }
0xb0: {  	s8 =	simm.s32 $0x100;
	s9 =	rddreg [dreg:$0x3];
	[sflag:s10] =	ssyncset.done $0x0  }
.LBB2_2:
0xb1: {  	[sflag:s10] =	ssyncadd.s32 $0xFFFFC000;
	s9 =	sadd.s32 s8, s9  }
0xb2: {  	[tilespmem:s3], [sflag:$0x3] =	stream.linear.gather [hbm4b:s9+s3], $0x800, $0x38;
	[tilespmem:$0x1D880] =	vst v63  }
0xb3: {  	_ =	swait.ge [sflag:s10], $0x800  }
0xb4: {  	s9 =	rddreg [dreg:$0x4];
	[sflag:s10] =	ssyncset.done $0x0  }
0xb5: {  	[sflag:s10] =	ssyncadd.s32 $0xFFFFF800;
	s9 =	sadd.s32 s8, s9  }
0xb6: {  	[tilespmem:s11], [sflag:$0x3] =	stream.linear.gather [hbm4b:s9+s3], $0x800, $0x38;
	[tilespmem:$0x1D880] =	vst v63  }
0xb7: {  	_ =	swait.ge [sflag:s10], $0x800  }
0xb8: {  	[sflag:s10] =	ssyncset.done $0x0  }
0xb9: {  	[sflag:s10] =	ssyncadd.s32 $0xFFFFF800  }
0xba: {  	[tilespmem:s13], [sflag:$0x1] =	stream.indirect.gather [hbm4b:s4+s12], $0x80, s3, s12, $0xb8;
	[tilespmem:$0x1D880] =	vst v63  }
0xbb: {  	_ = 	snop  }
0xbc: {  	[tilespmem:s14], [sflag:$0x2] =	stream.indirect.gather [hbm4b:s4+s12], $0x80, s12, s12, $0xb8;
	[tilespmem:$0x1D880] =	vst v63  }
0xbd: {  	_ =	swait.ge [sflag:s15], $0x4000  }
0xbe: {  	[sflag:s15] =	ssyncset.done $0x0  }
0xbf: {  	[sflag:s15] =	ssyncadd.s32 $0xFFFFC000  }
0xc0: {  	[spmem:s2] =	stream.indirect.scatter.add.f32 [tilespmem:s13], [sflag:$0x3], $0x80, s11, s12, $0xb8;
	[tilespmem:$0x1D880] =	vst v63  }
0xc1: {  	_ =	swait.ge [sflag:s10], $0x4000  }
0xc2: {  	[sflag:s10] =	ssyncset.done $0x0  }
0xc3: {  	s9 =	rddreg [dreg:$0x5];
	[sflag:s10] =	ssyncadd.s32 $0xFFFFC000  }
0xc4: {  	[tilespmem:s13], [sflag:$0x1] =	stream.indirect.gather [hbm4b:s4+s12], $0x80, s9, s12, $0xb8;
	[tilespmem:$0x1D880] =	vst v63  }
0xc5: {  	_ =	swait.ge [sflag:s16], $0x4000  }
0xc6: {  	[sflag:s16] =	ssyncset.done $0x0  }
0xc7: {  	s9 =	rddreg [dreg:$0x6];
	[sflag:s16] =	ssyncadd.s32 $0xFFFFC000  }
0xc8: {  	[spmem:s2] =	stream.indirect.scatter.add.f32 [tilespmem:s14], [sflag:$0x3], $0x80, s9, s12, $0xb8;
	[tilespmem:$0x1D880] =	vst v63  }
0xc9: {  	_ =	swait.ge [sflag:s10], $0x4000  }
0xca: {  	[sflag:s10] =	ssyncset.done $0x0  }
0xcb: {  	s9 =	rddreg [dreg:$0x7];
	[sflag:s10] =	ssyncadd.s32 $0xFFFFC000  }
0xcc: {  	[tilespmem:s14], [sflag:$0x2] =	stream.indirect.gather [hbm4b:s4+s12], $0x80, s9, s12, $0xb8;
	[tilespmem:$0x1D880] =	vst v63  }
0xcd: {  	_ =	swait.ge [sflag:s15], $0x4000  }
0xce: {  	[sflag:s15] =	ssyncset.done $0x0  }
0xcf: {  	s9 =	rddreg [dreg:$0x8];
	[sflag:s15] =	ssyncadd.s32 $0xFFFFC000  }
0xd0: {  	[spmem:s2] =	stream.indirect.scatter.add.f32 [tilespmem:s13], [sflag:$0x3], $0x80, s9, s12, $0xb8;
	[tilespmem:$0x1D880] =	vst v63  }
0xd1: {  	_ =	swait.ge [sflag:s10], $0x4000  }
0xd2: {  	[sflag:s10] =	ssyncset.done $0x0  }
0xd3: {  	s9 =	rddreg [dreg:$0x9];
	[sflag:s10] =	ssyncadd.s32 $0xFFFFC000  }
0xd4: {  	[tilespmem:s13], [sflag:$0x1] =	stream.indirect.gather [hbm4b:s4+s12], $0x80, s9, s12, $0xb8;
	[tilespmem:$0x1D880] =	vst v63  }
0xd5: {  	_ =	swait.ge [sflag:s16], $0x4000  }
0xd6: {  	[sflag:s16] =	ssyncset.done $0x0  }
0xd7: {  	s9 =	rddreg [dreg:$0xa];
	[sflag:s16] =	ssyncadd.s32 $0xFFFFC000  }
0xd8: {  	[spmem:s2] =	stream.indirect.scatter.add.f32 [tilespmem:s14], [sflag:$0x3], $0x80, s9, s12, $0xb8;
	[tilespmem:$0x1D880] =	vst v63  }
0xd9: {  	_ =	swait.ge [sflag:s10], $0x4000  }
0xda: {  	[sflag:s10] =	ssyncset.done $0x0  }
0xdb: {  	s9 =	rddreg [dreg:$0xb];
	[sflag:s10] =	ssyncadd.s32 $0xFFFFC000  }
0xdc: {  	[tilespmem:s14], [sflag:$0x2] =	stream.indirect.gather [hbm4b:s4+s12], $0x80, s9, s12, $0xb8;
	[tilespmem:$0x1D880] =	vst v63  }
0xdd: {  	_ =	swait.ge [sflag:s15], $0x4000  }
0xde: {  	[sflag:s15] =	ssyncset.done $0x0  }
0xdf: {  	s9 =	rddreg [dreg:$0xc];
	[sflag:s15] =	ssyncadd.s32 $0xFFFFC000  }
0xe0: {  	[spmem:s2] =	stream.indirect.scatter.add.f32 [tilespmem:s13], [sflag:$0x3], $0x80, s9, s12, $0xb8;
	[tilespmem:$0x1D880] =	vst v63  }
0xe1: {  	_ =	swait.ge [sflag:s10], $0x4000  }
0xe2: {  	[sflag:s10] =	ssyncset.done $0x0  }
0xe3: {  	s9 =	rddreg [dreg:$0xd];
	[sflag:s10] =	ssyncadd.s32 $0xFFFFC000  }
0xe4: {  	[tilespmem:s13], [sflag:$0x1] =	stream.indirect.gather [hbm4b:s4+s12], $0x80, s9, s12, $0xb8;
	[tilespmem:$0x1D880] =	vst v63  }
0xe5: {  	_ =	swait.ge [sflag:s16], $0x4000  }
0xe6: {  	[sflag:s16] =	ssyncset.done $0x0  }
0xe7: {  	s9 =	rddreg [dreg:$0xe];
	[sflag:s16] =	ssyncadd.s32 $0xFFFFC000  }
0xe8: {  	[spmem:s2] =	stream.indirect.scatter.add.f32 [tilespmem:s14], [sflag:$0x3], $0x80, s9, s12, $0xb8;
	[tilespmem:$0x1D880] =	vst v63  }
0xe9: {  	_ =	swait.ge [sflag:s10], $0x4000  }
0xea: {  	[sflag:s10] =	ssyncset.done $0x0  }
0xeb: {  	s9 =	rddreg [dreg:$0xf];
	[sflag:s10] =	ssyncadd.s32 $0xFFFFC000  }
0xec: {  	[tilespmem:s14], [sflag:$0x2] =	stream.indirect.gather [hbm4b:s4+s12], $0x80, s9, s12, $0xb8;
	[tilespmem:$0x1D880] =	vst v63  }
0xed: {  	_ =	swait.ge [sflag:s15], $0x4000  }
0xee: {  	[sflag:s15] =	ssyncset.done $0x0  }
0xef: {  	s9 =	rddreg [dreg:$0x10];
	[sflag:s15] =	ssyncadd.s32 $0xFFFFC000  }
0xf0: {  	[spmem:s2] =	stream.indirect.scatter.add.f32 [tilespmem:s13], [sflag:$0x3], $0x80, s9, s12, $0xb8;
	[tilespmem:$0x1D880] =	vst v63  }
0xf1: {  	_ =	swait.ge [sflag:s10], $0x4000  }
0xf2: {  	[sflag:s10] =	ssyncset.done $0x0  }
0xf3: {  	[sflag:s10] =	ssyncadd.s32 $0xFFFFC000  }
0xf4: {  	[tilespmem:s13], [sflag:$0x1] =	stream.indirect.gather [hbm4b:s4+s12], $0x80, s17, s12, $0xb8;
	[tilespmem:$0x1D880] =	vst v63  }
0xf5: {  	_ =	swait.ge [sflag:s16], $0x4000  }
0xf6: {  	[sflag:s16] =	ssyncset.done $0x0  }
0xf7: {  	[sflag:s16] =	ssyncadd.s32 $0xFFFFC000  }
0xf8: {  	[spmem:s2] =	stream.indirect.scatter.add.f32 [tilespmem:s14], [sflag:$0x3], $0x80, s18, s12, $0xb8;
	[tilespmem:$0x1D880] =	vst v63  }
0xf9: {  	_ =	swait.ge [sflag:s10], $0x4000  }
0xfa: {  	[sflag:s10] =	ssyncset.done $0x0  }
0xfb: {  	[sflag:s10] =	ssyncadd.s32 $0xFFFFC000  }
0xfc: {  	[tilespmem:s14], [sflag:$0x2] =	stream.indirect.gather [hbm4b:s4+s12], $0x80, s19, s12, $0xb8;
	[tilespmem:$0x1D880] =	vst v63  }
0xfd: {  	_ =	swait.ge [sflag:s15], $0x4000  }
0xfe: {  	[sflag:s15] =	ssyncset.done $0x0  }
0xff: {  	[sflag:s15] =	ssyncadd.s32 $0xFFFFC000  }
0x100: {  	[spmem:s2] =	stream.indirect.scatter.add.f32 [tilespmem:s13], [sflag:$0x3], $0x80, s20, s12, $0xb8;
	[tilespmem:$0x1D880] =	vst v63  }
0x101: {  	_ =	swait.ge [sflag:s10], $0x4000  }
0x102: {  	[sflag:s10] =	ssyncset.done $0x0  }
0x103: {  	[sflag:s10] =	ssyncadd.s32 $0xFFFFC000  }
0x104: {  	[tilespmem:s13], [sflag:$0x1] =	stream.indirect.gather [hbm4b:s4+s12], $0x80, s21, s12, $0xb8;
	[tilespmem:$0x1D880] =	vst v63  }
0x105: {  	_ =	swait.ge [sflag:s16], $0x4000  }
0x106: {  	[sflag:s16] =	ssyncset.done $0x0  }
0x107: {  	[sflag:s16] =	ssyncadd.s32 $0xFFFFC000  }
0x108: {  	[spmem:s2] =	stream.indirect.scatter.add.f32 [tilespmem:s14], [sflag:$0x3], $0x80, s22, s12, $0xb8;
	[tilespmem:$0x1D880] =	vst v63  }
0x109: {  	_ =	swait.ge [sflag:s10], $0x4000  }
0x10a: {  	[sflag:s10] =	ssyncset.done $0x0  }
0x10b: {  	[sflag:s10] =	ssyncadd.s32 $0xFFFFC000  }
0x10c: {  	[tilespmem:s14], [sflag:$0x2] =	stream.indirect.gather [hbm4b:s4+s12], $0x80, s23, s12, $0xb8;
	[tilespmem:$0x1D880] =	vst v63  }
0x10d: {  	_ =	swait.ge [sflag:s15], $0x4000  }
0x10e: {  	[sflag:s15] =	ssyncset.done $0x0  }
0x10f: {  	[sflag:s15] =	ssyncadd.s32 $0xFFFFC000  }
0x110: {  	[spmem:s2] =	stream.indirect.scatter.add.f32 [tilespmem:s13], [sflag:$0x3], $0x80, s24, s12, $0xb8;
	[tilespmem:$0x1D880] =	vst v63  }
0x111: {  	_ =	swait.ge [sflag:s10], $0x4000  }
0x112: {  	[sflag:s10] =	ssyncset.done $0x0  }
0x113: {  	[sflag:s10] =	ssyncadd.s32 $0xFFFFC000  }
0x114: {  	[tilespmem:s13], [sflag:$0x1] =	stream.indirect.gather [hbm4b:s4+s12], $0x80, s25, s12, $0xb8;
	[tilespmem:$0x1D880] =	vst v63  }
0x115: {  	_ =	swait.ge [sflag:s16], $0x4000  }
0x116: {  	[sflag:s16] =	ssyncset.done $0x0  }
0x117: {  	[sflag:s16] =	ssyncadd.s32 $0xFFFFC000  }
0x118: {  	[spmem:s2] =	stream.indirect.scatter.add.f32 [tilespmem:s14], [sflag:$0x3], $0x80, s26, s12, $0xb8;
	[tilespmem:$0x1D880] =	vst v63  }
0x119: {  	_ =	swait.ge [sflag:s10], $0x4000  }
0x11a: {  	[sflag:s10] =	ssyncset.done $0x0  }
0x11b: {  	[sflag:s10] =	ssyncadd.s32 $0xFFFFC000  }
0x11c: {  	[tilespmem:s14], [sflag:$0x2] =	stream.indirect.gather [hbm4b:s4+s12], $0x80, s28, s12, $0xb8;
	[tilespmem:$0x1D880] =	vst v63  }
0x11d: {  	_ =	swait.ge [sflag:s15], $0x4000  }
0x11e: {  	[sflag:s15] =	ssyncset.done $0x0  }
0x11f: {  	[sflag:s15] =	ssyncadd.s32 $0xFFFFC000  }
0x120: {  	[spmem:s2] =	stream.indirect.scatter.add.f32 [tilespmem:s13], [sflag:$0x3], $0x80, s29, s12, $0xb8;
	[tilespmem:$0x1D880] =	vst v63  }
0x121: {  	_ =	swait.ge [sflag:s10], $0x4000  }
0x122: {  	[sflag:s10] =	ssyncset.done $0x0  }
0x123: {  	[sflag:s10] =	ssyncadd.s32 $0xFFFFC000  }
0x124: {  	[tilespmem:s13], [sflag:$0x1] =	stream.indirect.gather [hbm4b:s4+s12], $0x80, s30, s12, $0xb8;
	[tilespmem:$0x1D880] =	vst v63  }
0x125: {  	_ =	swait.ge [sflag:s16], $0x4000  }
0x126: {  	[sflag:s16] =	ssyncset.done $0x0  }
0x127: {  	[sflag:s16] =	ssyncadd.s32 $0xFFFFC000  }
0x128: {  	[spmem:s2] =	stream.indirect.scatter.add.f32 [tilespmem:s14], [sflag:$0x3], $0x80, s31, s12, $0xb8;
	[tilespmem:$0x1D880] =	vst v63  }
0x129: {  	_ =	swait.ge [sflag:s10], $0x4000  }
0x12a: {  	[sflag:s10] =	ssyncset.done $0x0  }
0x12b: {  	[sflag:s10] =	ssyncadd.s32 $0xFFFFC000  }
0x12c: {  	[tilespmem:s14], [sflag:$0x2] =	stream.indirect.gather [hbm4b:s4+s12], $0x80, s0, s12, $0xb8;
	[tilespmem:$0x1D880] =	vst v63  }
0x12d: {  	_ =	swait.ge [sflag:s15], $0x4000  }
0x12e: {  	[sflag:s15] =	ssyncset.done $0x0  }
0x12f: {  	[sflag:s15] =	ssyncadd.s32 $0xFFFFC000  }
0x130: {  	[spmem:s2] =	stream.indirect.scatter.add.f32 [tilespmem:s13], [sflag:$0x3], $0x80, s1, s12, $0xb8;
	[tilespmem:$0x1D880] =	vst v63  }
0x131: {  	_ =	swait.ge [sflag:s10], $0x4000  }
0x132: {  	[sflag:s10] =	ssyncset.done $0x0  }
0x133: {  	[sflag:s10] =	ssyncadd.s32 $0xFFFFC000  }
0x134: {  	p0 =	sne.s32 s6, $0x900;
	_ =	swait.ge [sflag:s16], $0x4000  }
.Ltmp0:
0x135: {  	[sflag:s16] =	ssyncset.done $0x0;
	(pc) =	sbr.rel @p0 .LBB2_2-.Ltmp0, $4  }
0x136: {  	[sflag:s16] =	ssyncadd.s32 $0xFFFFC000  }
0x137: {  	[spmem:s2] =	stream.indirect.scatter.add.f32 [tilespmem:s14], [sflag:$0x3], $0x80, s5, s12, $0xb8;
	[tilespmem:$0x1D880] =	vst v63  }
0x138: {  	s7 =	smov.u32 s6;
	s6 =	sadd.s32 $0x100, s6;
	_ =	swait.ge [sflag:s10], $0x4000  }
0x139: {  	s8 =	smov.u32 s7;
	s9 =	rddreg [dreg:$0x3];
	[sflag:s10] =	ssyncset.done $0x0  }
0x13a: {  	[sflag:s10] =	ssyncadd.s32 $0xFFFFC000;
	s6 =	sadd.s32 s8, s9  }
0x13b: {  	[tilespmem:s3], [sflag:$0x3] =	stream.linear.gather [hbm4b:s6+s3], $0x800, $0x38;
	[tilespmem:$0x1D880] =	vst v63  }
0x13c: {  	_ =	swait.ge [sflag:s10], $0x800  }
0x13d: {  	s7 =	rddreg [dreg:$0x4];
	[sflag:s10] =	ssyncset.done $0x0  }
0x13e: {  	s6 =	sadd.s32 s8, s7;
	[sflag:s10] =	ssyncadd.s32 $0xFFFFF800  }
0x13f: {  	[tilespmem:s11], [sflag:$0x3] =	stream.linear.gather [hbm4b:s6+s3], $0x800, $0x38;
	[tilespmem:$0x1D880] =	vst v63  }
0x140: {  	_ =	swait.ge [sflag:s10], $0x800  }
0x141: {  	[sflag:s10] =	ssyncset.done $0x0  }
0x142: {  	[sflag:s10] =	ssyncadd.s32 $0xFFFFF800  }
0x143: {  	[tilespmem:s13], [sflag:$0x1] =	stream.indirect.gather [hbm4b:s4+s12], $0x80, s3, s12, $0xb8;
	[tilespmem:$0x1D880] =	vst v63  }
0x144: {  	_ = 	snop  }
0x145: {  	[tilespmem:s14], [sflag:$0x2] =	stream.indirect.gather [hbm4b:s4+s12], $0x80, s12, s12, $0xb8;
	[tilespmem:$0x1D880] =	vst v63  }
0x146: {  	_ =	swait.ge [sflag:s15], $0x4000  }
0x147: {  	[sflag:s15] =	ssyncset.done $0x0  }
0x148: {  	[sflag:s15] =	ssyncadd.s32 $0xFFFFC000  }
0x149: {  	[spmem:s2] =	stream.indirect.scatter.add.f32 [tilespmem:s13], [sflag:$0x3], $0x80, s11, s12, $0xb8;
	[tilespmem:$0x1D880] =	vst v63  }
0x14a: {  	_ =	swait.ge [sflag:s10], $0x4000  }
0x14b: {  	[sflag:s10] =	ssyncset.done $0x0  }
0x14c: {  	s9 =	rddreg [dreg:$0x5];
	[sflag:s10] =	ssyncadd.s32 $0xFFFFC000  }
0x14d: {  	[tilespmem:s13], [sflag:$0x1] =	stream.indirect.gather [hbm4b:s4+s12], $0x80, s9, s12, $0xb8;
	[tilespmem:$0x1D880] =	vst v63  }
0x14e: {  	_ =	swait.ge [sflag:s16], $0x4000  }
0x14f: {  	[sflag:s16] =	ssyncset.done $0x0  }
0x150: {  	s7 =	rddreg [dreg:$0x6];
	[sflag:s16] =	ssyncadd.s32 $0xFFFFC000  }
0x151: {  	[spmem:s2] =	stream.indirect.scatter.add.f32 [tilespmem:s14], [sflag:$0x3], $0x80, s7, s12, $0xb8;
	[tilespmem:$0x1D880] =	vst v63  }
0x152: {  	_ =	swait.ge [sflag:s10], $0x4000  }
0x153: {  	[sflag:s10] =	ssyncset.done $0x0  }
0x154: {  	s8 =	rddreg [dreg:$0x7];
	[sflag:s10] =	ssyncadd.s32 $0xFFFFC000  }
0x155: {  	[tilespmem:s14], [sflag:$0x2] =	stream.indirect.gather [hbm4b:s4+s12], $0x80, s8, s12, $0xb8;
	[tilespmem:$0x1D880] =	vst v63  }
0x156: {  	_ =	swait.ge [sflag:s15], $0x4000  }
0x157: {  	[sflag:s15] =	ssyncset.done $0x0  }
0x158: {  	s9 =	rddreg [dreg:$0x8];
	[sflag:s15] =	ssyncadd.s32 $0xFFFFC000  }
0x159: {  	[spmem:s2] =	stream.indirect.scatter.add.f32 [tilespmem:s13], [sflag:$0x3], $0x80, s9, s12, $0xb8;
	[tilespmem:$0x1D880] =	vst v63  }
0x15a: {  	_ =	swait.ge [sflag:s10], $0x4000  }
0x15b: {  	[sflag:s10] =	ssyncset.done $0x0  }
0x15c: {  	s7 =	rddreg [dreg:$0x9];
	[sflag:s10] =	ssyncadd.s32 $0xFFFFC000  }
0x15d: {  	[tilespmem:s13], [sflag:$0x1] =	stream.indirect.gather [hbm4b:s4+s12], $0x80, s7, s12, $0xb8;
	[tilespmem:$0x1D880] =	vst v63  }
0x15e: {  	_ =	swait.ge [sflag:s16], $0x4000  }
0x15f: {  	[sflag:s16] =	ssyncset.done $0x0  }
0x160: {  	s8 =	rddreg [dreg:$0xa];
	[sflag:s16] =	ssyncadd.s32 $0xFFFFC000  }
0x161: {  	[spmem:s2] =	stream.indirect.scatter.add.f32 [tilespmem:s14], [sflag:$0x3], $0x80, s8, s12, $0xb8;
	[tilespmem:$0x1D880] =	vst v63  }
0x162: {  	_ =	swait.ge [sflag:s10], $0x4000  }
0x163: {  	[sflag:s10] =	ssyncset.done $0x0  }
0x164: {  	s9 =	rddreg [dreg:$0xb];
	[sflag:s10] =	ssyncadd.s32 $0xFFFFC000  }
0x165: {  	[tilespmem:s14], [sflag:$0x2] =	stream.indirect.gather [hbm4b:s4+s12], $0x80, s9, s12, $0xb8;
	[tilespmem:$0x1D880] =	vst v63  }
0x166: {  	_ =	swait.ge [sflag:s15], $0x4000  }
0x167: {  	[sflag:s15] =	ssyncset.done $0x0  }
0x168: {  	s7 =	rddreg [dreg:$0xc];
	[sflag:s15] =	ssyncadd.s32 $0xFFFFC000  }
0x169: {  	[spmem:s2] =	stream.indirect.scatter.add.f32 [tilespmem:s13], [sflag:$0x3], $0x80, s7, s12, $0xb8;
	[tilespmem:$0x1D880] =	vst v63  }
0x16a: {  	_ =	swait.ge [sflag:s10], $0x4000  }
0x16b: {  	[sflag:s10] =	ssyncset.done $0x0  }
0x16c: {  	s8 =	rddreg [dreg:$0xd];
	[sflag:s10] =	ssyncadd.s32 $0xFFFFC000  }
0x16d: {  	[tilespmem:s13], [sflag:$0x1] =	stream.indirect.gather [hbm4b:s4+s12], $0x80, s8, s12, $0xb8;
	[tilespmem:$0x1D880] =	vst v63  }
0x16e: {  	_ =	swait.ge [sflag:s16], $0x4000  }
0x16f: {  	[sflag:s16] =	ssyncset.done $0x0  }
0x170: {  	s9 =	rddreg [dreg:$0xe];
	[sflag:s16] =	ssyncadd.s32 $0xFFFFC000  }
0x171: {  	[spmem:s2] =	stream.indirect.scatter.add.f32 [tilespmem:s14], [sflag:$0x3], $0x80, s9, s12, $0xb8;
	[tilespmem:$0x1D880] =	vst v63  }
0x172: {  	_ =	swait.ge [sflag:s10], $0x4000  }
0x173: {  	[sflag:s10] =	ssyncset.done $0x0  }
0x174: {  	s7 =	rddreg [dreg:$0xf];
	[sflag:s10] =	ssyncadd.s32 $0xFFFFC000  }
0x175: {  	[tilespmem:s14], [sflag:$0x2] =	stream.indirect.gather [hbm4b:s4+s12], $0x80, s7, s12, $0xb8;
	[tilespmem:$0x1D880] =	vst v63  }
0x176: {  	_ =	swait.ge [sflag:s15], $0x4000  }
0x177: {  	[sflag:s15] =	ssyncset.done $0x0  }
0x178: {  	s8 =	rddreg [dreg:$0x10];
	[sflag:s15] =	ssyncadd.s32 $0xFFFFC000  }
0x179: {  	[spmem:s2] =	stream.indirect.scatter.add.f32 [tilespmem:s13], [sflag:$0x3], $0x80, s8, s12, $0xb8;
	[tilespmem:$0x1D880] =	vst v63  }
0x17a: {  	_ =	swait.ge [sflag:s10], $0x4000  }
0x17b: {  	[sflag:s10] =	ssyncset.done $0x0  }
0x17c: {  	[sflag:s10] =	ssyncadd.s32 $0xFFFFC000  }
0x17d: {  	[tilespmem:s13], [sflag:$0x1] =	stream.indirect.gather [hbm4b:s4+s12], $0x80, s17, s12, $0xb8;
	[tilespmem:$0x1D880] =	vst v63  }
0x17e: {  	_ =	swait.ge [sflag:s16], $0x4000  }
0x17f: {  	[sflag:s16] =	ssyncset.done $0x0  }
0x180: {  	[sflag:s16] =	ssyncadd.s32 $0xFFFFC000  }
0x181: {  	[spmem:s2] =	stream.indirect.scatter.add.f32 [tilespmem:s14], [sflag:$0x3], $0x80, s18, s12, $0xb8;
	[tilespmem:$0x1D880] =	vst v63  }
0x182: {  	_ =	swait.ge [sflag:s10], $0x4000  }
0x183: {  	[sflag:s10] =	ssyncset.done $0x0  }
0x184: {  	[sflag:s10] =	ssyncadd.s32 $0xFFFFC000  }
0x185: {  	[tilespmem:s14], [sflag:$0x2] =	stream.indirect.gather [hbm4b:s4+s12], $0x80, s19, s12, $0xb8;
	[tilespmem:$0x1D880] =	vst v63  }
0x186: {  	_ =	swait.ge [sflag:s15], $0x4000  }
0x187: {  	[sflag:s15] =	ssyncset.done $0x0  }
0x188: {  	[sflag:s15] =	ssyncadd.s32 $0xFFFFC000  }
0x189: {  	[spmem:s2] =	stream.indirect.scatter.add.f32 [tilespmem:s13], [sflag:$0x3], $0x80, s20, s12, $0xb8;
	[tilespmem:$0x1D880] =	vst v63  }
0x18a: {  	_ =	swait.ge [sflag:s10], $0x4000  }
0x18b: {  	[sflag:s10] =	ssyncset.done $0x0  }
0x18c: {  	[sflag:s10] =	ssyncadd.s32 $0xFFFFC000  }
0x18d: {  	[tilespmem:s13], [sflag:$0x1] =	stream.indirect.gather [hbm4b:s4+s12], $0x80, s21, s12, $0xb8;
	[tilespmem:$0x1D880] =	vst v63  }
0x18e: {  	_ =	swait.ge [sflag:s16], $0x4000  }
0x18f: {  	[sflag:s16] =	ssyncset.done $0x0  }
0x190: {  	[sflag:s16] =	ssyncadd.s32 $0xFFFFC000  }
0x191: {  	[spmem:s2] =	stream.indirect.scatter.add.f32 [tilespmem:s14], [sflag:$0x3], $0x80, s22, s12, $0xb8;
	[tilespmem:$0x1D880] =	vst v63  }
0x192: {  	_ =	swait.ge [sflag:s10], $0x4000  }
0x193: {  	[sflag:s10] =	ssyncset.done $0x0  }
0x194: {  	[sflag:s10] =	ssyncadd.s32 $0xFFFFC000  }
0x195: {  	[tilespmem:s14], [sflag:$0x2] =	stream.indirect.gather [hbm4b:s4+s12], $0x80, s23, s12, $0xb8;
	[tilespmem:$0x1D880] =	vst v63  }
0x196: {  	_ =	swait.ge [sflag:s15], $0x4000  }
0x197: {  	[sflag:s15] =	ssyncset.done $0x0  }
0x198: {  	[sflag:s15] =	ssyncadd.s32 $0xFFFFC000  }
0x199: {  	[spmem:s2] =	stream.indirect.scatter.add.f32 [tilespmem:s13], [sflag:$0x3], $0x80, s24, s12, $0xb8;
	[tilespmem:$0x1D880] =	vst v63  }
0x19a: {  	_ =	swait.ge [sflag:s10], $0x4000  }
0x19b: {  	[sflag:s10] =	ssyncset.done $0x0  }
0x19c: {  	[sflag:s10] =	ssyncadd.s32 $0xFFFFC000  }
0x19d: {  	[tilespmem:s13], [sflag:$0x1] =	stream.indirect.gather [hbm4b:s4+s12], $0x80, s25, s12, $0xb8;
	[tilespmem:$0x1D880] =	vst v63  }
0x19e: {  	_ =	swait.ge [sflag:s16], $0x4000  }
0x19f: {  	[sflag:s16] =	ssyncset.done $0x0  }
0x1a0: {  	[sflag:s16] =	ssyncadd.s32 $0xFFFFC000  }
0x1a1: {  	[spmem:s2] =	stream.indirect.scatter.add.f32 [tilespmem:s14], [sflag:$0x3], $0x80, s26, s12, $0xb8;
	[tilespmem:$0x1D880] =	vst v63  }
0x1a2: {  	_ =	swait.ge [sflag:s10], $0x4000  }
0x1a3: {  	[sflag:s10] =	ssyncset.done $0x0  }
0x1a4: {  	[sflag:s10] =	ssyncadd.s32 $0xFFFFC000  }
0x1a5: {  	[tilespmem:s14], [sflag:$0x2] =	stream.indirect.gather [hbm4b:s4+s12], $0x80, s28, s12, $0xb8;
	[tilespmem:$0x1D880] =	vst v63  }
0x1a6: {  	_ =	swait.ge [sflag:s15], $0x4000  }
0x1a7: {  	[sflag:s15] =	ssyncset.done $0x0  }
0x1a8: {  	[sflag:s15] =	ssyncadd.s32 $0xFFFFC000  }
0x1a9: {  	[spmem:s2] =	stream.indirect.scatter.add.f32 [tilespmem:s13], [sflag:$0x3], $0x80, s29, s12, $0xb8;
	[tilespmem:$0x1D880] =	vst v63  }
0x1aa: {  	_ =	swait.ge [sflag:s10], $0x4000  }
0x1ab: {  	[sflag:s10] =	ssyncset.done $0x0  }
0x1ac: {  	[sflag:s10] =	ssyncadd.s32 $0xFFFFC000  }
0x1ad: {  	[tilespmem:s13], [sflag:$0x1] =	stream.indirect.gather [hbm4b:s4+s12], $0x80, s30, s12, $0xb8;
	[tilespmem:$0x1D880] =	vst v63  }
0x1ae: {  	_ =	swait.ge [sflag:s16], $0x4000  }
0x1af: {  	[sflag:s16] =	ssyncset.done $0x0  }
0x1b0: {  	[sflag:s16] =	ssyncadd.s32 $0xFFFFC000  }
0x1b1: {  	[spmem:s2] =	stream.indirect.scatter.add.f32 [tilespmem:s14], [sflag:$0x3], $0x80, s31, s12, $0xb8;
	[tilespmem:$0x1D880] =	vst v63  }
0x1b2: {  	_ =	swait.ge [sflag:s10], $0x4000  }
0x1b3: {  	[sflag:s10] =	ssyncset.done $0x0  }
0x1b4: {  	[sflag:s10] =	ssyncadd.s32 $0xFFFFC000  }
0x1b5: {  	[tilespmem:s14], [sflag:$0x2] =	stream.indirect.gather [hbm4b:s4+s12], $0x80, s0, s12, $0xb8;
	[tilespmem:$0x1D880] =	vst v63  }
0x1b6: {  	_ =	swait.ge [sflag:s15], $0x4000  }
0x1b7: {  	[sflag:s15] =	ssyncset.done $0x0  }
0x1b8: {  	[sflag:s15] =	ssyncadd.s32 $0xFFFFC000  }
0x1b9: {  	[spmem:s2] =	stream.indirect.scatter.add.f32 [tilespmem:s13], [sflag:$0x3], $0x80, s1, s12, $0xb8;
	[tilespmem:$0x1D880] =	vst v63  }
0x1ba: {  	_ =	swait.ge [sflag:s10], $0x4000  }
0x1bb: {  	[sflag:s10] =	ssyncset.done $0x0  }
0x1bc: {  	[sflag:s10] =	ssyncadd.s32 $0xFFFFC000  }
0x1bd: {  	_ =	swait.ge [sflag:s16], $0x4000  }
0x1be: {  	[sflag:s16] =	ssyncset.done $0x0  }
0x1bf: {  	[sflag:s16] =	ssyncadd.s32 $0xFFFFC000  }
0x1c0: {  	[spmem:s2] =	stream.indirect.scatter.add.f32 [tilespmem:s14], [sflag:$0x3], $0x80, s5, s12, $0xb8;
	[tilespmem:$0x1D880] =	vst v63  }
0x1c1: {  	_ =	swait.ge [sflag:s10], $0x4000  }
0x1c2: {  	[sflag:s10] =	ssyncset.done $0x0  }
0x1c3: {  	[sflag:s10] =	ssyncadd.s32 $0xFFFFC000  }
0x1c4: {  	[bflag:$0x0] =	sbarrier.arrive $0xFFFF  }
0x1c5: {  	s7 =	rddreg [dreg:$0x12]  }
0x1c6: {  	s9 =	rddreg [dreg:$0x13]  }
0x1c7: {  	s8 =	rddreg [dreg:$0x15]  }
0x1c8: {  	[hbm:s9], [sflag:s7] =	dma.local [spmem:s8], $0x2710  }
0x1c9: {  	_ =	swait.ge [sflag:s10], $0x2710  }
0x1ca: {  	s6 =	rddreg [dreg:$0x16]  }
0x1cb: {  	s9 =	sadd.s32 $0x1, s6;
	s6 =	rddreg [dreg:$0x14]  }
0x1cc: {  	p0 =	sne.s32 s9, s6  }
.Ltmp1:
0x1cd: {  	_ = 	snop;
	(pc) =	sbr.rel @p0 .LBB2_1-.Ltmp1, $3  }
0x1ce: {  	_ =	sdelay $0x1  }
0x1cf: {  	[sflag:s10] =	ssyncset.done $0x0  }
0x1d0: {  	[sflag:s10] =	ssyncadd.s32 $0xFFFFD8F0  }
0x1d1: {  	_ =	sfence.sel $0x180000  }
0x1d2: {  	[bflag:$0x0] =	sbarrier.arrive $0xFFFF  }
0x1d3: {  	_ =	strace $0x90000053  }
0x1d4: {  	s0 =	stileid.u32;
	[bflag:$0x2] =	sbarrier.arrive $0xFFFF  }
0x1d5: {  	p0 =	sne.s32 s0, $0x0;
	s0 =	rddreg [dreg:$0x2]  }
0x1d6: {  	s0 =	sadd.s32 @!p0 $0x100000, s0  }
0x1d7: {  	[sflag:s0] =	ssyncadd.tile.s32 @!p0 $0x1;
	_ =	shalt  }
.Lfunc_end2:
_tile_overlayer_lowered:
.L_overlay_start_2:
0x1d8: {  	(tag) =	ssettag $0x2  }
0x1d9: {  	s0 =	rddreg [dreg:$0x0];
	s2 =	stileid.u32  }
0x1da: {  	s1 =	rddreg [dreg:$0x1];
	p0 =	sne.s32 s2, $0x0  }
0x1db: {  	s3 =	rddreg [dreg:$0x2];
	[bflag:$0x3] =	sbarrier.arrive $0xFFFF;
	s2 =	simm.s32 @!p0 $0x1C03  }
0x1dc: {  	[timem:s3], [sflag:s2] =	dma.local @!p0 [hbm:s0], s1  }
0x1dd: {  	s0 =	simm.s32 @!p0 $0x3  }
0x1de: {  	_ =	swait.ge @!p0 [sflag:s0], s1  }
0x1df: {  	s1 =	ssub.s32 @!p0 $0x0, s1;
	[sflag:s0] =	ssyncset.done @!p0 $0x0  }
0x1e0: {  	[sflag:s0] =	ssyncadd.s32 @!p0 s1  }
0x1e1: {  	[bflag:$0x3] =	sbarrier.arrive $0xFFFF  }
0x1e2: {  	_ =	shalt  }

</sc_bundles>
